<compile_context>
chip_gen: v7x
topology: tpu7x:2x2x1
jax: 0.10.2.dev20260603
libtpu: 0.0.44.dev20260713+nightly
codegen_flags: <defaults>
</compile_context>

<pallas_src>
import jax
import jax.numpy as jnp
from jax import lax
from jax.experimental import pallas as pl
from jax.experimental.pallas import tpu as pltpu
from jax.experimental.pallas import tpu_sc as plsc

NUM_ENTS = 100000
H_DIM = 128
BATCH = 16384
ALPHA = 0.2

_NC = 2
_NS = 16
_NW = _NC * _NS
_RPW = BATCH // _NW
_CHUNK = 128
_NCHUNK = _RPW // _CHUNK
_NROW = BATCH // _CHUNK

_WIN_CHUNK = 2048
_UNROLL = 8

_DENSE_BLK = 4096
_COPY_BLK = 10000


def _dense_body(scal_ref, h_ref, ctx_ref, slow_ref, fast_ref,
                hout_ref, fastnew_ref, slowupd_ref):
    sqrt_c = jnp.sqrt(scal_ref[0])
    thr = jnp.maximum(scal_ref[1], 1e-6)
    scale = jnp.maximum(scal_ref[2], 0.1)

    h = h_ref[...]
    slow = slow_ref[...]

    n1 = jnp.maximum(jnp.sqrt(jnp.sum(h * h, axis=-1, keepdims=True)), 1e-10)
    x = jnp.clip(sqrt_c * n1, -1.0 + 1e-7, 1.0 - 1e-7)
    artanh = 0.5 * jnp.log((1.0 + x) / (1.0 - x))
    t = artanh * h / (sqrt_c * n1) + slow
    t = jnp.clip(t, -10.0, 10.0)

    n2 = jnp.maximum(jnp.sqrt(jnp.sum(t * t, axis=-1, keepdims=True)), 1e-10)
    arg = jnp.clip(sqrt_c * n2, -15.0, 15.0)
    e = jnp.tanh(arg) * t / (sqrt_c * n2)

    n3 = jnp.maximum(jnp.sqrt(jnp.sum(e * e, axis=-1, keepdims=True)), 1e-10)
    max_norm = (1.0 - 1e-5) / sqrt_c
    hout_ref[...] = e * jnp.minimum(1.0, max_norm / n3)

    fast_new = (1.0 - ALPHA) * fast_ref[...] + ALPHA * ctx_ref[...]
    fastnew_ref[...] = fast_new
    delta = fast_new - slow
    dn = jnp.sqrt(jnp.sum(delta * delta, axis=-1, keepdims=True))
    gate = jax.nn.sigmoid(scale * (dn - thr))
    slowupd_ref[...] = slow + gate * delta


def _dense_compute(scal, h_hyp, context_tangent, slow_rows, fast_rows):
    grid = (BATCH // _DENSE_BLK,)
    row_spec = pl.BlockSpec((_DENSE_BLK, H_DIM), lambda i: (i, 0))
    return pl.pallas_call(
        _dense_body,
        grid=grid,
        in_specs=[
            pl.BlockSpec(memory_space=pltpu.SMEM),
            row_spec, row_spec, row_spec, row_spec,
        ],
        out_specs=[row_spec, row_spec, row_spec],
        out_shape=[
            jax.ShapeDtypeStruct((BATCH, H_DIM), jnp.float32),
            jax.ShapeDtypeStruct((BATCH, H_DIM), jnp.float32),
            jax.ShapeDtypeStruct((BATCH, H_DIM), jnp.float32),
        ],
    )(scal, h_hyp, context_tangent, slow_rows, fast_rows)


def _copy_body(src_ref, dst_ref):
    dst_ref[...] = src_ref[...]


def _copy_buffer(buf):
    blk = pl.BlockSpec((_COPY_BLK, H_DIM), lambda i: (i, 0))
    return pl.pallas_call(
        _copy_body,
        grid=(NUM_ENTS // _COPY_BLK,),
        in_specs=[blk],
        out_specs=blk,
        out_shape=jax.ShapeDtypeStruct((NUM_ENTS, H_DIM), jnp.float32),
    )(buf)


_TAIL = 49152
_HEAD = NUM_ENTS - _TAIL
_TPW = _TAIL // _NW
_HEAD_BLK = 7264


def _head_copy_body(_base_ref, src_ref, dst_ref):
    dst_ref[...] = src_ref[...]


def _copy_head(base, src):
    blk = pl.BlockSpec((_HEAD_BLK, H_DIM), lambda i: (i, 0))
    return pl.pallas_call(
        _head_copy_body,
        grid=(_HEAD // _HEAD_BLK,),
        in_specs=[pl.BlockSpec(memory_space=pl.ANY), blk],
        out_specs=blk,
        out_shape=jax.ShapeDtypeStruct((NUM_ENTS, H_DIM), jnp.float32),
        input_output_aliases={0: 0},
    )(base, src)


def _tail_copy_body(src_hbm, out_hbm, rows_v, sem, sem_w):
    wid = _worker_id()
    base = _HEAD + wid * _TPW
    n = _TPW // _CHUNK

    def issue(k):
        return pltpu.async_copy(
            src_hbm.at[pl.ds(base + k * _CHUNK, _CHUNK)],
            rows_v.at[k % 3], sem)

    gathers = [issue(0), issue(1)]
    writeouts = []
    for k in range(n):
        gathers[k].wait()
        if k >= 1:
            writeouts[k - 1].wait()
        if k + 2 < n:
            gathers.append(issue(k + 2))
        writeouts.append(pltpu.async_copy(
            rows_v.at[k % 3],
            out_hbm.at[pl.ds(base + k * _CHUNK, _CHUNK)], sem_w))
    writeouts[n - 1].wait()


def _sc_tail_copy(src):
    f = pl.kernel(
        _tail_copy_body,
        out_type=jax.ShapeDtypeStruct((NUM_ENTS, H_DIM), jnp.float32),
        mesh=_vmesh(),
        compiler_params=pltpu.CompilerParams(needs_layout_passes=False),
        scratch_types=[
            pltpu.VMEM((3, _CHUNK, H_DIM), jnp.float32),
            pltpu.SemaphoreType.DMA,
            pltpu.SemaphoreType.DMA,
        ],
    )
    return f(src)


_vmesh_cache = []


def _vmesh():
    if not _vmesh_cache:
        _vmesh_cache.append(plsc.VectorSubcoreMesh(
            core_axis_name="c", subcore_axis_name="s",
            num_cores=_NC, num_subcores=_NS))
    return _vmesh_cache[0]


def _worker_id():
    return lax.axis_index("s") * _NC + lax.axis_index("c")


def _gather_winner_body(ids1_hbm, slow_hbm, fast_hbm,
                        slow_rows_hbm, fast_rows_hbm, winner_hbm,
                        ids_v, sem):
    wid = _worker_id()
    base = wid * _RPW

    for j in range(_NCHUNK):
        pltpu.sync_copy(ids1_hbm.at[pl.ds(base + j * _CHUNK, _CHUNK)],
                        ids_v.at[j])

    def gather_scope(rows3, sem_g, sem_w):
        plan = [(src, dst, j)
                for src, dst in ((slow_hbm, slow_rows_hbm),
                                 (fast_hbm, fast_rows_hbm))
                for j in range(_NCHUNK)]
        n = len(plan)

        def issue(k):
            src, _, j = plan[k]
            return pltpu.async_copy(src.at[ids_v.at[j]],
                                    rows3.at[k % 4], sem_g)

        gathers = [issue(0), issue(1), issue(2)]
        writeouts = []
        for k in range(n):
            gathers[k].wait()
            if k >= 1:
                writeouts[k - 1].wait()
            if k + 3 < n:
                gathers.append(issue(k + 3))
            _, dst, j = plan[k]
            writeouts.append(pltpu.async_copy(
                rows3.at[k % 4],
                dst.at[pl.ds(base + j * _CHUNK, _CHUNK)], sem_w))
        writeouts[n - 1].wait()

    pl.run_scoped(
        gather_scope,
        pltpu.VMEM((4, _CHUNK, H_DIM), jnp.float32),
        pltpu.SemaphoreType.DMA,
        pltpu.SemaphoreType.DMA,
    )

    @pl.when(wid == 0)
    def _():
        def scoped(table, idbuf):
            ngrp = BATCH // (16 * _UNROLL)
            iota = lax.iota(jnp.int32, 16)
            pltpu.sync_copy(ids1_hbm, idbuf)

            def pass1(g, c2):
                for u in range(_UNROLL):
                    off = g * (16 * _UNROLL) + u * 16
                    idx = idbuf[pl.ds(off, 16)]
                    plsc.store_scatter(table, [idx], off + iota)
                return c2
            lax.fori_loop(0, ngrp, pass1, 0)

            def pass2(g, c2):
                for u in range(_UNROLL):
                    off = g * (16 * _UNROLL) + u * 16
                    idx = idbuf[pl.ds(off, 16)]
                    win = plsc.load_gather(table, [idx])
                    idbuf[pl.ds(off, 16)] = win
                return c2
            lax.fori_loop(0, ngrp, pass2, 0)
            pltpu.sync_copy(idbuf, winner_hbm)

        pl.run_scoped(
            scoped,
            pltpu.VMEM((NUM_ENTS,), jnp.int32),
            pltpu.VMEM((BATCH,), jnp.int32),
        )


def _sc_gather_winner(ids1, slow, fast):
    f = pl.kernel(
        _gather_winner_body,
        out_type=[
            jax.ShapeDtypeStruct((BATCH, H_DIM), jnp.float32),
            jax.ShapeDtypeStruct((BATCH, H_DIM), jnp.float32),
            jax.ShapeDtypeStruct((BATCH,), jnp.int32),
        ],
        mesh=_vmesh(),
        compiler_params=pltpu.CompilerParams(needs_layout_passes=False),
        scratch_types=[
            pltpu.VMEM((_NCHUNK, _CHUNK), jnp.int32),
            pltpu.SemaphoreType.DMA,
        ],
    )
    return f(ids1, slow, fast)


def _scatter_body(ids1_hbm, win1_hbm, upd_hbm, out_ref,
                  ids_v, win_v, rows_v, sem, sem2):
    wid = _worker_id()
    base = wid * _RPW
    for j in range(_NCHUNK):
        pltpu.sync_copy(ids1_hbm.at[pl.ds(base + j * _CHUNK, _CHUNK)],
                        ids_v.at[j])
        pltpu.sync_copy(win1_hbm.at[pl.ds(base + j * _CHUNK, _CHUNK)],
                        win_v.at[j])
    gathers = [pltpu.async_copy(upd_hbm.at[win_v.at[j]],
                                rows_v.at[j], sem)
               for j in range(_NCHUNK)]
    scatters = []
    for j in range(_NCHUNK):
        gathers[j].wait()
        scatters.append(pltpu.async_copy(
            rows_v.at[j], out_ref.at[ids_v.at[j]], sem2))
    for d in scatters:
        d.wait()


def _sc_scatter(ids1, win1, upd, out_ref):
    f = pl.kernel(
        _scatter_body,
        out_type=(),
        mesh=_vmesh(),
        compiler_params=pltpu.CompilerParams(needs_layout_passes=False),
        scratch_types=[
            pltpu.VMEM((_NCHUNK, _CHUNK), jnp.int32),
            pltpu.VMEM((_NCHUNK, _CHUNK), jnp.int32),
            pltpu.VMEM((_NCHUNK, _CHUNK, H_DIM), jnp.float32),
            pltpu.SemaphoreType.DMA,
            pltpu.SemaphoreType.DMA,
        ],
    )
    f(ids1, win1, upd, out_ref)


def kernel(entity_state_slow, entity_state_fast, slow_threshold, slow_scale,
           h_hyp, context_tangent, c, entity_ids):
    ids = entity_ids.astype(jnp.int32)

    scal = jnp.stack([c, slow_threshold, slow_scale]).astype(jnp.float32)

    slow_rows, fast_rows, winner = _sc_gather_winner(
        ids, entity_state_slow, entity_state_fast)

    slow_tail = _sc_tail_copy(entity_state_slow)

    newfast_base = _copy_buffer(entity_state_fast)

    h_out, fast_new, slow_upd = _dense_compute(
        scal, h_hyp, context_tangent, slow_rows, fast_rows)

    newfast_ref = jax.new_ref(newfast_base)
    _sc_scatter(ids, winner, fast_new, newfast_ref)

    newslow_base = _copy_head(slow_tail, entity_state_slow)
    newslow_ref = jax.new_ref(newslow_base)
    _sc_scatter(ids, winner, slow_upd, newslow_ref)
    return (h_out, jax.freeze(newfast_ref), jax.freeze(newslow_ref))

# --- scband reference (transcript-rebuilt; emitter-appended) ---
"""Pipeline reference for scband-persistent-entity-state-26439818674247 (READ-ONLY COPY).

The authoritative reference and input builder live on the scoring server;
editing this copy changes nothing except your own understanding.
"""

import jax, jax.numpy as jnp
import numpy as np

NUM_ENTS = 100000
H_DIM = 128
BATCH = 16384
ALPHA = 0.2


def _artanh(x):
    x = jnp.clip(x, -1.0 + 1e-7, 1.0 - 1e-7)
    return 0.5 * jnp.log((1.0 + x) / (1.0 - x))


def log_map_zero(x, c):
    sqrt_c = jnp.sqrt(c)
    norm = jnp.clip(jnp.linalg.norm(x, axis=-1, keepdims=True), 1e-10)
    return _artanh(sqrt_c * norm) * x / (sqrt_c * norm)


def exp_map_zero(v, c):
    sqrt_c = jnp.sqrt(c)
    norm = jnp.clip(jnp.linalg.norm(v, axis=-1, keepdims=True), 1e-10)
    arg = jnp.clip(sqrt_c * norm, -15.0, 15.0)
    return jnp.tanh(arg) * v / (sqrt_c * norm)


def project_to_ball(x, c):
    sqrt_c = jnp.sqrt(c)
    max_norm = (1.0 - 1e-5) / sqrt_c
    norm = jnp.clip(jnp.linalg.norm(x, axis=-1, keepdims=True), 1e-10)
    factor = jnp.minimum(jnp.ones_like(norm), max_norm / norm)
    return x * factor


def setup_inputs(seed: int = 0) -> dict:
    key = jax.random.key(seed)
    k1, k2, k3, k4, k5 = jax.random.split(key, 5)
    h_hyp = jax.random.normal(k1, (BATCH, H_DIM), dtype=jnp.float32) * 0.05
    entity_ids = jax.random.randint(k2, (BATCH,), 0, NUM_ENTS, dtype=jnp.int64) if jax.config.jax_enable_x64 else jax.random.randint(k2, (BATCH,), 0, NUM_ENTS, dtype=jnp.int32)
    context_tangent = jax.random.normal(k3, (BATCH, H_DIM), dtype=jnp.float32)
    # buffers (registered buffers in torch; zeros at init, use small values so compute is nontrivial)
    entity_state_slow = jax.random.normal(k4, (NUM_ENTS, H_DIM), dtype=jnp.float32) * 0.01
    entity_state_fast = jax.random.normal(k5, (NUM_ENTS, H_DIM), dtype=jnp.float32) * 0.01
    slow_threshold = jnp.asarray(0.5, dtype=jnp.float32)
    slow_scale = jnp.asarray(2.0, dtype=jnp.float32)
    c = jnp.asarray(1.0, dtype=jnp.float32)
    return {
        "entity_state_slow": entity_state_slow,
        "entity_state_fast": entity_state_fast,
        "slow_threshold": slow_threshold,
        "slow_scale": slow_scale,
        "h_hyp": h_hyp,
        "context_tangent": context_tangent,
        "c": c,
        "entity_ids": entity_ids,
    }


def reference(entity_state_slow, entity_state_fast, slow_threshold, slow_scale, h_hyp, context_tangent, c, entity_ids):
    # ---- inject_slow_state (forward path) ----
    h_tangent = log_map_zero(h_hyp, c)
    slow_gather = jax.lax.stop_gradient(jnp.take(entity_state_slow, entity_ids, axis=0))  # detach in torch
    h_tangent = h_tangent + slow_gather
    h_tangent = jnp.clip(h_tangent, -10.0, 10.0)
    h_out = exp_map_zero(h_tangent, c)
    h_out = project_to_ball(h_out, c)

    # ---- update_states (no_grad write-back) ----
    ctx = jax.lax.stop_gradient(context_tangent)
    fast = jnp.take(entity_state_fast, entity_ids, axis=0)
    fast_new = (1.0 - ALPHA) * fast + ALPHA * ctx
    new_fast = entity_state_fast.at[entity_ids].set(fast_new)
    slow_rows = jnp.take(entity_state_slow, entity_ids, axis=0)
    delta = fast_new - slow_rows
    delta_norm = jnp.linalg.norm(delta, axis=-1, keepdims=True)
    threshold = jnp.clip(slow_threshold, 1e-06)
    scale = jnp.clip(slow_scale, 0.1)
    gate = jax.nn.sigmoid(scale * (delta_norm - threshold))
    new_slow = entity_state_slow.at[entity_ids].set(slow_rows + gate * delta)
    return (h_out, new_fast, new_slow)

if __name__ == "__main__":
    import jax
    _d = setup_inputs()
    print(jax.jit(kernel)(*tuple(_d.values())))

</pallas_src>

<mosaic_0001>
#map = affine_map<(d0, d1) -> (0, 0)>
module attributes {stable_mosaic.version = 14 : i64} {
  func.func @_tail_copy_body(%arg0: i32, %arg1: i32, %arg2: memref<100000x128xf32, #tpu.memory_space<hbm>>, %arg3: memref<100000x128xf32, #tpu.memory_space<hbm>>, %arg4: memref<3x128x128xf32, #tpu.memory_space<vmem>>, %arg5: memref<!tpu.dma_semaphore, #tpu.memory_space<semaphore_mem>>, %arg6: memref<!tpu.dma_semaphore, #tpu.memory_space<semaphore_mem>>) attributes {dimension_semantics = [#tpu.dimension_semantics<core_parallel>, #tpu.dimension_semantics<subcore_parallel>], iteration_bounds = array<i64: 2, 16>, scalar_prefetch = 0 : i64, scratch_operands = 3 : i64, tpu.core_type = #tpu.core_type<sc_vector_subcore>, window_params = [{transform_indices = #map}, {transform_indices = #map}]} {
    %mul3A = arith.constant 2 : i32
    %mul3A_0 = arith.muli %arg1, %mul3A : i32
    %add3A = arith.addi %mul3A_0, %arg0 : i32
    %mul3A_1 = arith.constant 1536 : i32
    %mul3A_2 = arith.muli %add3A, %mul3A_1 : i32
    %add3A_3 = arith.constant 50848 : i32
    %add3A_4 = arith.addi %add3A_3, %mul3A_2 : i32
    %add3A_5 = arith.constant 0 : i32
    %add3A_6 = arith.addi %add3A_4, %add3A_5 : i32
    %dma_start3A = arith.constant 0 : i32
    %dma_start3A_7 = arith.constant 0 : i32
    %dma_start3A_8 = arith.constant 0 : i32
    %dma_start3A_9 = tpu.memref_slice %arg4[%dma_start3A, %dma_start3A_7, %dma_start3A_8] : memref<3x128x128xf32, #tpu.memory_space<vmem>> -> memref<1x128x128xf32, #tpu.memory_space<vmem>>
    %dma_start3A_10 = tpu.memref_squeeze %dma_start3A_9 : memref<1x128x128xf32, #tpu.memory_space<vmem>> -> memref<128x128xf32, #tpu.memory_space<vmem>>
    %dma_start3A_11 = arith.constant 0 : i32
    %dma_start3A_12 = tpu.memref_slice %arg2[%add3A_6, %dma_start3A_11] : memref<100000x128xf32, #tpu.memory_space<hbm>> -> memref<128x128xf32, #tpu.memory_space<hbm>>
    %dma_start3A_13 = arith.constant 0 : i32
    %dma_start3A_14 = arith.constant 0 : i32
    %dma_start3A_15 = tpu.memref_slice %arg4[%dma_start3A, %dma_start3A_13, %dma_start3A_14] : memref<3x128x128xf32, #tpu.memory_space<vmem>> -> memref<1x128x128xf32, #tpu.memory_space<vmem>>
    %dma_start3A_16 = tpu.memref_squeeze %dma_start3A_15 : memref<1x128x128xf32, #tpu.memory_space<vmem>> -> memref<128x128xf32, #tpu.memory_space<vmem>>
    %dma_start3A_17 = arith.constant 0 : i32
    %dma_start3A_18 = tpu.memref_slice %arg2[%add3A_6, %dma_start3A_17] : memref<100000x128xf32, #tpu.memory_space<hbm>> -> memref<128x128xf32, #tpu.memory_space<hbm>>
    tpu.enqueue_dma source(%dma_start3A_18 : memref<128x128xf32, #tpu.memory_space<hbm>>) target(%dma_start3A_16 : memref<128x128xf32, #tpu.memory_space<vmem>>) target_semaphore(%arg5 : memref<!tpu.dma_semaphore, #tpu.memory_space<semaphore_mem>>)
    %add3A_19 = arith.constant 128 : i32
    %add3A_20 = arith.addi %add3A_4, %add3A_19 : i32
    %dma_start3A_21 = arith.constant 1 : i32
    %dma_start3A_22 = arith.constant 0 : i32
    %dma_start3A_23 = arith.constant 0 : i32
    %dma_start3A_24 = tpu.memref_slice %arg4[%dma_start3A_21, %dma_start3A_22, %dma_start3A_23] : memref<3x128x128xf32, #tpu.memory_space<vmem>> -> memref<1x128x128xf32, #tpu.memory_space<vmem>>
    %dma_start3A_25 = tpu.memref_squeeze %dma_start3A_24 : memref<1x128x128xf32, #tpu.memory_space<vmem>> -> memref<128x128xf32, #tpu.memory_space<vmem>>
    %dma_start3A_26 = arith.constant 0 : i32
    %dma_start3A_27 = tpu.memref_slice %arg2[%add3A_20, %dma_start3A_26] : memref<100000x128xf32, #tpu.memory_space<hbm>> -> memref<128x128xf32, #tpu.memory_space<hbm>>
    %dma_start3A_28 = arith.constant 0 : i32
    %dma_start3A_29 = arith.constant 0 : i32
    %dma_start3A_30 = tpu.memref_slice %arg4[%dma_start3A_21, %dma_start3A_28, %dma_start3A_29] : memref<3x128x128xf32, #tpu.memory_space<vmem>> -> memref<1x128x128xf32, #tpu.memory_space<vmem>>
    %dma_start3A_31 = tpu.memref_squeeze %dma_start3A_30 : memref<1x128x128xf32, #tpu.memory_space<vmem>> -> memref<128x128xf32, #tpu.memory_space<vmem>>
    %dma_start3A_32 = arith.constant 0 : i32
    %dma_start3A_33 = tpu.memref_slice %arg2[%add3A_20, %dma_start3A_32] : memref<100000x128xf32, #tpu.memory_space<hbm>> -> memref<128x128xf32, #tpu.memory_space<hbm>>
    tpu.enqueue_dma source(%dma_start3A_33 : memref<128x128xf32, #tpu.memory_space<hbm>>) target(%dma_start3A_31 : memref<128x128xf32, #tpu.memory_space<vmem>>) target_semaphore(%arg5 : memref<!tpu.dma_semaphore, #tpu.memory_space<semaphore_mem>>)
    %dma_wait3A = arith.constant 0 : i32
    %dma_wait3A_34 = arith.constant 0 : i32
    %dma_wait3A_35 = arith.constant 0 : i32
    %dma_wait3A_36 = tpu.memref_slice %arg4[%dma_wait3A, %dma_wait3A_34, %dma_wait3A_35] : memref<3x128x128xf32, #tpu.memory_space<vmem>> -> memref<1x128x128xf32, #tpu.memory_space<vmem>>
    %dma_wait3A_37 = tpu.memref_squeeze %dma_wait3A_36 : memref<1x128x128xf32, #tpu.memory_space<vmem>> -> memref<128x128xf32, #tpu.memory_space<vmem>>
    %dma_wait3A_38 = arith.constant 0 : i32
    %dma_wait3A_39 = tpu.memref_slice %arg2[%add3A_6, %dma_wait3A_38] : memref<100000x128xf32, #tpu.memory_space<hbm>> -> memref<128x128xf32, #tpu.memory_space<hbm>>
    %dma_wait3A_40 = arith.constant 0 : i32
    %dma_wait3A_41 = arith.constant 0 : i32
    %dma_wait3A_42 = tpu.memref_slice %arg4[%dma_wait3A, %dma_wait3A_40, %dma_wait3A_41] : memref<3x128x128xf32, #tpu.memory_space<vmem>> -> memref<1x128x128xf32, #tpu.memory_space<vmem>>
    %dma_wait3A_43 = tpu.memref_squeeze %dma_wait3A_42 : memref<1x128x128xf32, #tpu.memory_space<vmem>> -> memref<128x128xf32, #tpu.memory_space<vmem>>
    %dma_wait3A_44 = arith.constant 0 : i32
    %dma_wait3A_45 = tpu.memref_slice %arg2[%add3A_6, %dma_wait3A_44] : memref<100000x128xf32, #tpu.memory_space<hbm>> -> memref<128x128xf32, #tpu.memory_space<hbm>>
    tpu.wait_dma2 semaphore(%arg5 : memref<!tpu.dma_semaphore, #tpu.memory_space<semaphore_mem>>) src(%dma_wait3A_45 : memref<128x128xf32, #tpu.memory_space<hbm>>) dst(%dma_wait3A_43 : memref<128x128xf32, #tpu.memory_space<vmem>>)
    %add3A_46 = arith.constant 256 : i32
    %add3A_47 = arith.addi %add3A_4, %add3A_46 : i32
    %dma_start3A_48 = arith.constant 2 : i32
    %dma_start3A_49 = arith.constant 0 : i32
    %dma_start3A_50 = arith.constant 0 : i32
    %dma_start3A_51 = tpu.memref_slice %arg4[%dma_start3A_48, %dma_start3A_49, %dma_start3A_50] : memref<3x128x128xf32, #tpu.memory_space<vmem>> -> memref<1x128x128xf32, #tpu.memory_space<vmem>>
    %dma_start3A_52 = tpu.memref_squeeze %dma_start3A_51 : memref<1x128x128xf32, #tpu.memory_space<vmem>> -> memref<128x128xf32, #tpu.memory_space<vmem>>
    %dma_start3A_53 = arith.constant 0 : i32
    %dma_start3A_54 = tpu.memref_slice %arg2[%add3A_47, %dma_start3A_53] : memref<100000x128xf32, #tpu.memory_space<hbm>> -> memref<128x128xf32, #tpu.memory_space<hbm>>
    %dma_start3A_55 = arith.constant 0 : i32
    %dma_start3A_56 = arith.constant 0 : i32
    %dma_start3A_57 = tpu.memref_slice %arg4[%dma_start3A_48, %dma_start3A_55, %dma_start3A_56] : memref<3x128x128xf32, #tpu.memory_space<vmem>> -> memref<1x128x128xf32, #tpu.memory_space<vmem>>
    %dma_start3A_58 = tpu.memref_squeeze %dma_start3A_57 : memref<1x128x128xf32, #tpu.memory_space<vmem>> -> memref<128x128xf32, #tpu.memory_space<vmem>>
    %dma_start3A_59 = arith.constant 0 : i32
    %dma_start3A_60 = tpu.memref_slice %arg2[%add3A_47, %dma_start3A_59] : memref<100000x128xf32, #tpu.memory_space<hbm>> -> memref<128x128xf32, #tpu.memory_space<hbm>>
    tpu.enqueue_dma source(%dma_start3A_60 : memref<128x128xf32, #tpu.memory_space<hbm>>) target(%dma_start3A_58 : memref<128x128xf32, #tpu.memory_space<vmem>>) target_semaphore(%arg5 : memref<!tpu.dma_semaphore, #tpu.memory_space<semaphore_mem>>)
    %add3A_61 = arith.constant 0 : i32
    %add3A_62 = arith.addi %add3A_4, %add3A_61 : i32
    %dma_start3A_63 = arith.constant 0 : i32
    %dma_start3A_64 = arith.constant 0 : i32
    %dma_start3A_65 = arith.constant 0 : i32
    %dma_start3A_66 = tpu.memref_slice %arg4[%dma_start3A_63, %dma_start3A_64, %dma_start3A_65] : memref<3x128x128xf32, #tpu.memory_space<vmem>> -> memref<1x128x128xf32, #tpu.memory_space<vmem>>
    %dma_start3A_67 = tpu.memref_squeeze %dma_start3A_66 : memref<1x128x128xf32, #tpu.memory_space<vmem>> -> memref<128x128xf32, #tpu.memory_space<vmem>>
    %dma_start3A_68 = arith.constant 0 : i32
    %dma_start3A_69 = tpu.memref_slice %arg3[%add3A_62, %dma_start3A_68] : memref<100000x128xf32, #tpu.memory_space<hbm>> -> memref<128x128xf32, #tpu.memory_space<hbm>>
    %dma_start3A_70 = arith.constant 0 : i32
    %dma_start3A_71 = tpu.memref_slice %arg3[%add3A_62, %dma_start3A_70] : memref<100000x128xf32, #tpu.memory_space<hbm>> -> memref<128x128xf32, #tpu.memory_space<hbm>>
    %dma_start3A_72 = arith.constant 0 : i32
    %dma_start3A_73 = arith.constant 0 : i32
    %dma_start3A_74 = tpu.memref_slice %arg4[%dma_start3A_63, %dma_start3A_72, %dma_start3A_73] : memref<3x128x128xf32, #tpu.memory_space<vmem>> -> memref<1x128x128xf32, #tpu.memory_space<vmem>>
    %dma_start3A_75 = tpu.memref_squeeze %dma_start3A_74 : memref<1x128x128xf32, #tpu.memory_space<vmem>> -> memref<128x128xf32, #tpu.memory_space<vmem>>
    tpu.enqueue_dma source(%dma_start3A_75 : memref<128x128xf32, #tpu.memory_space<vmem>>) target(%dma_start3A_71 : memref<128x128xf32, #tpu.memory_space<hbm>>) target_semaphore(%arg6 : memref<!tpu.dma_semaphore, #tpu.memory_space<semaphore_mem>>)
    %dma_wait3A_76 = arith.constant 1 : i32
    %dma_wait3A_77 = arith.constant 0 : i32
    %dma_wait3A_78 = arith.constant 0 : i32
    %dma_wait3A_79 = tpu.memref_slice %arg4[%dma_wait3A_76, %dma_wait3A_77, %dma_wait3A_78] : memref<3x128x128xf32, #tpu.memory_space<vmem>> -> memref<1x128x128xf32, #tpu.memory_space<vmem>>
    %dma_wait3A_80 = tpu.memref_squeeze %dma_wait3A_79 : memref<1x128x128xf32, #tpu.memory_space<vmem>> -> memref<128x128xf32, #tpu.memory_space<vmem>>
    %dma_wait3A_81 = arith.constant 0 : i32
    %dma_wait3A_82 = tpu.memref_slice %arg2[%add3A_20, %dma_wait3A_81] : memref<100000x128xf32, #tpu.memory_space<hbm>> -> memref<128x128xf32, #tpu.memory_space<hbm>>
    %dma_wait3A_83 = arith.constant 0 : i32
    %dma_wait3A_84 = arith.constant 0 : i32
    %dma_wait3A_85 = tpu.memref_slice %arg4[%dma_wait3A_76, %dma_wait3A_83, %dma_wait3A_84] : memref<3x128x128xf32, #tpu.memory_space<vmem>> -> memref<1x128x128xf32, #tpu.memory_space<vmem>>
    %dma_wait3A_86 = tpu.memref_squeeze %dma_wait3A_85 : memref<1x128x128xf32, #tpu.memory_space<vmem>> -> memref<128x128xf32, #tpu.memory_space<vmem>>
    %dma_wait3A_87 = arith.constant 0 : i32
    %dma_wait3A_88 = tpu.memref_slice %arg2[%add3A_20, %dma_wait3A_87] : memref<100000x128xf32, #tpu.memory_space<hbm>> -> memref<128x128xf32, #tpu.memory_space<hbm>>
    tpu.wait_dma2 semaphore(%arg5 : memref<!tpu.dma_semaphore, #tpu.memory_space<semaphore_mem>>) src(%dma_wait3A_88 : memref<128x128xf32, #tpu.memory_space<hbm>>) dst(%dma_wait3A_86 : memref<128x128xf32, #tpu.memory_space<vmem>>)
    %dma_wait3A_89 = arith.constant 0 : i32
    %dma_wait3A_90 = arith.constant 0 : i32
    %dma_wait3A_91 = arith.constant 0 : i32
    %dma_wait3A_92 = tpu.memref_slice %arg4[%dma_wait3A_89, %dma_wait3A_90, %dma_wait3A_91] : memref<3x128x128xf32, #tpu.memory_space<vmem>> -> memref<1x128x128xf32, #tpu.memory_space<vmem>>
    %dma_wait3A_93 = tpu.memref_squeeze %dma_wait3A_92 : memref<1x128x128xf32, #tpu.memory_space<vmem>> -> memref<128x128xf32, #tpu.memory_space<vmem>>
    %dma_wait3A_94 = arith.constant 0 : i32
    %dma_wait3A_95 = tpu.memref_slice %arg3[%add3A_62, %dma_wait3A_94] : memref<100000x128xf32, #tpu.memory_space<hbm>> -> memref<128x128xf32, #tpu.memory_space<hbm>>
    %dma_wait3A_96 = arith.constant 0 : i32
    %dma_wait3A_97 = tpu.memref_slice %arg3[%add3A_62, %dma_wait3A_96] : memref<100000x128xf32, #tpu.memory_space<hbm>> -> memref<128x128xf32, #tpu.memory_space<hbm>>
    %dma_wait3A_98 = arith.constant 0 : i32
    %dma_wait3A_99 = arith.constant 0 : i32
    %dma_wait3A_100 = tpu.memref_slice %arg4[%dma_wait3A_89, %dma_wait3A_98, %dma_wait3A_99] : memref<3x128x128xf32, #tpu.memory_space<vmem>> -> memref<1x128x128xf32, #tpu.memory_space<vmem>>
    %dma_wait3A_101 = tpu.memref_squeeze %dma_wait3A_100 : memref<1x128x128xf32, #tpu.memory_space<vmem>> -> memref<128x128xf32, #tpu.memory_space<vmem>>
    tpu.wait_dma2 semaphore(%arg6 : memref<!tpu.dma_semaphore, #tpu.memory_space<semaphore_mem>>) src(%dma_wait3A_101 : memref<128x128xf32, #tpu.memory_space<vmem>>) dst(%dma_wait3A_97 : memref<128x128xf32, #tpu.memory_space<hbm>>)
    %add3A_102 = arith.constant 384 : i32
    %add3A_103 = arith.addi %add3A_4, %add3A_102 : i32
    %dma_start3A_104 = arith.constant 0 : i32
    %dma_start3A_105 = arith.constant 0 : i32
    %dma_start3A_106 = arith.constant 0 : i32
    %dma_start3A_107 = tpu.memref_slice %arg4[%dma_start3A_104, %dma_start3A_105, %dma_start3A_106] : memref<3x128x128xf32, #tpu.memory_space<vmem>> -> memref<1x128x128xf32, #tpu.memory_space<vmem>>
    %dma_start3A_108 = tpu.memref_squeeze %dma_start3A_107 : memref<1x128x128xf32, #tpu.memory_space<vmem>> -> memref<128x128xf32, #tpu.memory_space<vmem>>
    %dma_start3A_109 = arith.constant 0 : i32
    %dma_start3A_110 = tpu.memref_slice %arg2[%add3A_103, %dma_start3A_109] : memref<100000x128xf32, #tpu.memory_space<hbm>> -> memref<128x128xf32, #tpu.memory_space<hbm>>
    %dma_start3A_111 = arith.constant 0 : i32
    %dma_start3A_112 = arith.constant 0 : i32
    %dma_start3A_113 = tpu.memref_slice %arg4[%dma_start3A_104, %dma_start3A_111, %dma_start3A_112] : memref<3x128x128xf32, #tpu.memory_space<vmem>> -> memref<1x128x128xf32, #tpu.memory_space<vmem>>
    %dma_start3A_114 = tpu.memref_squeeze %dma_start3A_113 : memref<1x128x128xf32, #tpu.memory_space<vmem>> -> memref<128x128xf32, #tpu.memory_space<vmem>>
    %dma_start3A_115 = arith.constant 0 : i32
    %dma_start3A_116 = tpu.memref_slice %arg2[%add3A_103, %dma_start3A_115] : memref<100000x128xf32, #tpu.memory_space<hbm>> -> memref<128x128xf32, #tpu.memory_space<hbm>>
    tpu.enqueue_dma source(%dma_start3A_116 : memref<128x128xf32, #tpu.memory_space<hbm>>) target(%dma_start3A_114 : memref<128x128xf32, #tpu.memory_space<vmem>>) target_semaphore(%arg5 : memref<!tpu.dma_semaphore, #tpu.memory_space<semaphore_mem>>)
    %add3A_117 = arith.constant 128 : i32
    %add3A_118 = arith.addi %add3A_4, %add3A_117 : i32
    %dma_start3A_119 = arith.constant 1 : i32
    %dma_start3A_120 = arith.constant 0 : i32
    %dma_start3A_121 = arith.constant 0 : i32
    %dma_start3A_122 = tpu.memref_slice %arg4[%dma_start3A_119, %dma_start3A_120, %dma_start3A_121] : memref<3x128x128xf32, #tpu.memory_space<vmem>> -> memref<1x128x128xf32, #tpu.memory_space<vmem>>
    %dma_start3A_123 = tpu.memref_squeeze %dma_start3A_122 : memref<1x128x128xf32, #tpu.memory_space<vmem>> -> memref<128x128xf32, #tpu.memory_space<vmem>>
    %dma_start3A_124 = arith.constant 0 : i32
    %dma_start3A_125 = tpu.memref_slice %arg3[%add3A_118, %dma_start3A_124] : memref<100000x128xf32, #tpu.memory_space<hbm>> -> memref<128x128xf32, #tpu.memory_space<hbm>>
    %dma_start3A_126 = arith.constant 0 : i32
    %dma_start3A_127 = tpu.memref_slice %arg3[%add3A_118, %dma_start3A_126] : memref<100000x128xf32, #tpu.memory_space<hbm>> -> memref<128x128xf32, #tpu.memory_space<hbm>>
    %dma_start3A_128 = arith.constant 0 : i32
    %dma_start3A_129 = arith.constant 0 : i32
    %dma_start3A_130 = tpu.memref_slice %arg4[%dma_start3A_119, %dma_start3A_128, %dma_start3A_129] : memref<3x128x128xf32, #tpu.memory_space<vmem>> -> memref<1x128x128xf32, #tpu.memory_space<vmem>>
    %dma_start3A_131 = tpu.memref_squeeze %dma_start3A_130 : memref<1x128x128xf32, #tpu.memory_space<vmem>> -> memref<128x128xf32, #tpu.memory_space<vmem>>
    tpu.enqueue_dma source(%dma_start3A_131 : memref<128x128xf32, #tpu.memory_space<vmem>>) target(%dma_start3A_127 : memref<128x128xf32, #tpu.memory_space<hbm>>) target_semaphore(%arg6 : memref<!tpu.dma_semaphore, #tpu.memory_space<semaphore_mem>>)
    %dma_wait3A_132 = arith.constant 2 : i32
    %dma_wait3A_133 = arith.constant 0 : i32
    %dma_wait3A_134 = arith.constant 0 : i32
    %dma_wait3A_135 = tpu.memref_slice %arg4[%dma_wait3A_132, %dma_wait3A_133, %dma_wait3A_134] : memref<3x128x128xf32, #tpu.memory_space<vmem>> -> memref<1x128x128xf32, #tpu.memory_space<vmem>>
    %dma_wait3A_136 = tpu.memref_squeeze %dma_wait3A_135 : memref<1x128x128xf32, #tpu.memory_space<vmem>> -> memref<128x128xf32, #tpu.memory_space<vmem>>
    %dma_wait3A_137 = arith.constant 0 : i32
    %dma_wait3A_138 = tpu.memref_slice %arg2[%add3A_47, %dma_wait3A_137] : memref<100000x128xf32, #tpu.memory_space<hbm>> -> memref<128x128xf32, #tpu.memory_space<hbm>>
    %dma_wait3A_139 = arith.constant 0 : i32
    %dma_wait3A_140 = arith.constant 0 : i32
    %dma_wait3A_141 = tpu.memref_slice %arg4[%dma_wait3A_132, %dma_wait3A_139, %dma_wait3A_140] : memref<3x128x128xf32, #tpu.memory_space<vmem>> -> memref<1x128x128xf32, #tpu.memory_space<vmem>>
    %dma_wait3A_142 = tpu.memref_squeeze %dma_wait3A_141 : memref<1x128x128xf32, #tpu.memory_space<vmem>> -> memref<128x128xf32, #tpu.memory_space<vmem>>
    %dma_wait3A_143 = arith.constant 0 : i32
    %dma_wait3A_144 = tpu.memref_slice %arg2[%add3A_47, %dma_wait3A_143] : memref<100000x128xf32, #tpu.memory_space<hbm>> -> memref<128x128xf32, #tpu.memory_space<hbm>>
    tpu.wait_dma2 semaphore(%arg5 : memref<!tpu.dma_semaphore, #tpu.memory_space<semaphore_mem>>) src(%dma_wait3A_144 : memref<128x128xf32, #tpu.memory_space<hbm>>) dst(%dma_wait3A_142 : memref<128x128xf32, #tpu.memory_space<vmem>>)
    %dma_wait3A_145 = arith.constant 1 : i32
    %dma_wait3A_146 = arith.constant 0 : i32
    %dma_wait3A_147 = arith.constant 0 : i32
    %dma_wait3A_148 = tpu.memref_slice %arg4[%dma_wait3A_145, %dma_wait3A_146, %dma_wait3A_147] : memref<3x128x128xf32, #tpu.memory_space<vmem>> -> memref<1x128x128xf32, #tpu.memory_space<vmem>>
    %dma_wait3A_149 = tpu.memref_squeeze %dma_wait3A_148 : memref<1x128x128xf32, #tpu.memory_space<vmem>> -> memref<128x128xf32, #tpu.memory_space<vmem>>
    %dma_wait3A_150 = arith.constant 0 : i32
    %dma_wait3A_151 = tpu.memref_slice %arg3[%add3A_118, %dma_wait3A_150] : memref<100000x128xf32, #tpu.memory_space<hbm>> -> memref<128x128xf32, #tpu.memory_space<hbm>>
    %dma_wait3A_152 = arith.constant 0 : i32
    %dma_wait3A_153 = tpu.memref_slice %arg3[%add3A_118, %dma_wait3A_152] : memref<100000x128xf32, #tpu.memory_space<hbm>> -> memref<128x128xf32, #tpu.memory_space<hbm>>
    %dma_wait3A_154 = arith.constant 0 : i32
    %dma_wait3A_155 = arith.constant 0 : i32
    %dma_wait3A_156 = tpu.memref_slice %arg4[%dma_wait3A_145, %dma_wait3A_154, %dma_wait3A_155] : memref<3x128x128xf32, #tpu.memory_space<vmem>> -> memref<1x128x128xf32, #tpu.memory_space<vmem>>
    %dma_wait3A_157 = tpu.memref_squeeze %dma_wait3A_156 : memref<1x128x128xf32, #tpu.memory_space<vmem>> -> memref<128x128xf32, #tpu.memory_space<vmem>>
    tpu.wait_dma2 semaphore(%arg6 : memref<!tpu.dma_semaphore, #tpu.memory_space<semaphore_mem>>) src(%dma_wait3A_157 : memref<128x128xf32, #tpu.memory_space<vmem>>) dst(%dma_wait3A_153 : memref<128x128xf32, #tpu.memory_space<hbm>>)
    %add3A_158 = arith.constant 512 : i32
    %add3A_159 = arith.addi %add3A_4, %add3A_158 : i32
    %dma_start3A_160 = arith.constant 1 : i32
    %dma_start3A_161 = arith.constant 0 : i32
    %dma_start3A_162 = arith.constant 0 : i32
    %dma_start3A_163 = tpu.memref_slice %arg4[%dma_start3A_160, %dma_start3A_161, %dma_start3A_162] : memref<3x128x128xf32, #tpu.memory_space<vmem>> -> memref<1x128x128xf32, #tpu.memory_space<vmem>>
    %dma_start3A_164 = tpu.memref_squeeze %dma_start3A_163 : memref<1x128x128xf32, #tpu.memory_space<vmem>> -> memref<128x128xf32, #tpu.memory_space<vmem>>
    %dma_start3A_165 = arith.constant 0 : i32
    %dma_start3A_166 = tpu.memref_slice %arg2[%add3A_159, %dma_start3A_165] : memref<100000x128xf32, #tpu.memory_space<hbm>> -> memref<128x128xf32, #tpu.memory_space<hbm>>
    %dma_start3A_167 = arith.constant 0 : i32
    %dma_start3A_168 = arith.constant 0 : i32
    %dma_start3A_169 = tpu.memref_slice %arg4[%dma_start3A_160, %dma_start3A_167, %dma_start3A_168] : memref<3x128x128xf32, #tpu.memory_space<vmem>> -> memref<1x128x128xf32, #tpu.memory_space<vmem>>
    %dma_start3A_170 = tpu.memref_squeeze %dma_start3A_169 : memref<1x128x128xf32, #tpu.memory_space<vmem>> -> memref<128x128xf32, #tpu.memory_space<vmem>>
    %dma_start3A_171 = arith.constant 0 : i32
    %dma_start3A_172 = tpu.memref_slice %arg2[%add3A_159, %dma_start3A_171] : memref<100000x128xf32, #tpu.memory_space<hbm>> -> memref<128x128xf32, #tpu.memory_space<hbm>>
    tpu.enqueue_dma source(%dma_start3A_172 : memref<128x128xf32, #tpu.memory_space<hbm>>) target(%dma_start3A_170 : memref<128x128xf32, #tpu.memory_space<vmem>>) target_semaphore(%arg5 : memref<!tpu.dma_semaphore, #tpu.memory_space<semaphore_mem>>)
    %add3A_173 = arith.constant 256 : i32
    %add3A_174 = arith.addi %add3A_4, %add3A_173 : i32
    %dma_start3A_175 = arith.constant 2 : i32
    %dma_start3A_176 = arith.constant 0 : i32
    %dma_start3A_177 = arith.constant 0 : i32
    %dma_start3A_178 = tpu.memref_slice %arg4[%dma_start3A_175, %dma_start3A_176, %dma_start3A_177] : memref<3x128x128xf32, #tpu.memory_space<vmem>> -> memref<1x128x128xf32, #tpu.memory_space<vmem>>
    %dma_start3A_179 = tpu.memref_squeeze %dma_start3A_178 : memref<1x128x128xf32, #tpu.memory_space<vmem>> -> memref<128x128xf32, #tpu.memory_space<vmem>>
    %dma_start3A_180 = arith.constant 0 : i32
    %dma_start3A_181 = tpu.memref_slice %arg3[%add3A_174, %dma_start3A_180] : memref<100000x128xf32, #tpu.memory_space<hbm>> -> memref<128x128xf32, #tpu.memory_space<hbm>>
    %dma_start3A_182 = arith.constant 0 : i32
    %dma_start3A_183 = tpu.memref_slice %arg3[%add3A_174, %dma_start3A_182] : memref<100000x128xf32, #tpu.memory_space<hbm>> -> memref<128x128xf32, #tpu.memory_space<hbm>>
    %dma_start3A_184 = arith.constant 0 : i32
    %dma_start3A_185 = arith.constant 0 : i32
    %dma_start3A_186 = tpu.memref_slice %arg4[%dma_start3A_175, %dma_start3A_184, %dma_start3A_185] : memref<3x128x128xf32, #tpu.memory_space<vmem>> -> memref<1x128x128xf32, #tpu.memory_space<vmem>>
    %dma_start3A_187 = tpu.memref_squeeze %dma_start3A_186 : memref<1x128x128xf32, #tpu.memory_space<vmem>> -> memref<128x128xf32, #tpu.memory_space<vmem>>
    tpu.enqueue_dma source(%dma_start3A_187 : memref<128x128xf32, #tpu.memory_space<vmem>>) target(%dma_start3A_183 : memref<128x128xf32, #tpu.memory_space<hbm>>) target_semaphore(%arg6 : memref<!tpu.dma_semaphore, #tpu.memory_space<semaphore_mem>>)
    %dma_wait3A_188 = arith.constant 0 : i32
    %dma_wait3A_189 = arith.constant 0 : i32
    %dma_wait3A_190 = arith.constant 0 : i32
    %dma_wait3A_191 = tpu.memref_slice %arg4[%dma_wait3A_188, %dma_wait3A_189, %dma_wait3A_190] : memref<3x128x128xf32, #tpu.memory_space<vmem>> -> memref<1x128x128xf32, #tpu.memory_space<vmem>>
    %dma_wait3A_192 = tpu.memref_squeeze %dma_wait3A_191 : memref<1x128x128xf32, #tpu.memory_space<vmem>> -> memref<128x128xf32, #tpu.memory_space<vmem>>
    %dma_wait3A_193 = arith.constant 0 : i32
    %dma_wait3A_194 = tpu.memref_slice %arg2[%add3A_103, %dma_wait3A_193] : memref<100000x128xf32, #tpu.memory_space<hbm>> -> memref<128x128xf32, #tpu.memory_space<hbm>>
    %dma_wait3A_195 = arith.constant 0 : i32
    %dma_wait3A_196 = arith.constant 0 : i32
    %dma_wait3A_197 = tpu.memref_slice %arg4[%dma_wait3A_188, %dma_wait3A_195, %dma_wait3A_196] : memref<3x128x128xf32, #tpu.memory_space<vmem>> -> memref<1x128x128xf32, #tpu.memory_space<vmem>>
    %dma_wait3A_198 = tpu.memref_squeeze %dma_wait3A_197 : memref<1x128x128xf32, #tpu.memory_space<vmem>> -> memref<128x128xf32, #tpu.memory_space<vmem>>
    %dma_wait3A_199 = arith.constant 0 : i32
    %dma_wait3A_200 = tpu.memref_slice %arg2[%add3A_103, %dma_wait3A_199] : memref<100000x128xf32, #tpu.memory_space<hbm>> -> memref<128x128xf32, #tpu.memory_space<hbm>>
    tpu.wait_dma2 semaphore(%arg5 : memref<!tpu.dma_semaphore, #tpu.memory_space<semaphore_mem>>) src(%dma_wait3A_200 : memref<128x128xf32, #tpu.memory_space<hbm>>) dst(%dma_wait3A_198 : memref<128x128xf32, #tpu.memory_space<vmem>>)
    %dma_wait3A_201 = arith.constant 2 : i32
    %dma_wait3A_202 = arith.constant 0 : i32
    %dma_wait3A_203 = arith.constant 0 : i32
    %dma_wait3A_204 = tpu.memref_slice %arg4[%dma_wait3A_201, %dma_wait3A_202, %dma_wait3A_203] : memref<3x128x128xf32, #tpu.memory_space<vmem>> -> memref<1x128x128xf32, #tpu.memory_space<vmem>>
    %dma_wait3A_205 = tpu.memref_squeeze %dma_wait3A_204 : memref<1x128x128xf32, #tpu.memory_space<vmem>> -> memref<128x128xf32, #tpu.memory_space<vmem>>
    %dma_wait3A_206 = arith.constant 0 : i32
    %dma_wait3A_207 = tpu.memref_slice %arg3[%add3A_174, %dma_wait3A_206] : memref<100000x128xf32, #tpu.memory_space<hbm>> -> memref<128x128xf32, #tpu.memory_space<hbm>>
    %dma_wait3A_208 = arith.constant 0 : i32
    %dma_wait3A_209 = tpu.memref_slice %arg3[%add3A_174, %dma_wait3A_208] : memref<100000x128xf32, #tpu.memory_space<hbm>> -> memref<128x128xf32, #tpu.memory_space<hbm>>
    %dma_wait3A_210 = arith.constant 0 : i32
    %dma_wait3A_211 = arith.constant 0 : i32
    %dma_wait3A_212 = tpu.memref_slice %arg4[%dma_wait3A_201, %dma_wait3A_210, %dma_wait3A_211] : memref<3x128x128xf32, #tpu.memory_space<vmem>> -> memref<1x128x128xf32, #tpu.memory_space<vmem>>
    %dma_wait3A_213 = tpu.memref_squeeze %dma_wait3A_212 : memref<1x128x128xf32, #tpu.memory_space<vmem>> -> memref<128x128xf32, #tpu.memory_space<vmem>>
    tpu.wait_dma2 semaphore(%arg6 : memref<!tpu.dma_semaphore, #tpu.memory_space<semaphore_mem>>) src(%dma_wait3A_213 : memref<128x128xf32, #tpu.memory_space<vmem>>) dst(%dma_wait3A_209 : memref<128x128xf32, #tpu.memory_space<hbm>>)
    %add3A_214 = arith.constant 640 : i32
    %add3A_215 = arith.addi %add3A_4, %add3A_214 : i32
    %dma_start3A_216 = arith.constant 2 : i32
    %dma_start3A_217 = arith.constant 0 : i32
    %dma_start3A_218 = arith.constant 0 : i32
    %dma_start3A_219 = tpu.memref_slice %arg4[%dma_start3A_216, %dma_start3A_217, %dma_start3A_218] : memref<3x128x128xf32, #tpu.memory_space<vmem>> -> memref<1x128x128xf32, #tpu.memory_space<vmem>>
    %dma_start3A_220 = tpu.memref_squeeze %dma_start3A_219 : memref<1x128x128xf32, #tpu.memory_space<vmem>> -> memref<128x128xf32, #tpu.memory_space<vmem>>
    %dma_start3A_221 = arith.constant 0 : i32
    %dma_start3A_222 = tpu.memref_slice %arg2[%add3A_215, %dma_start3A_221] : memref<100000x128xf32, #tpu.memory_space<hbm>> -> memref<128x128xf32, #tpu.memory_space<hbm>>
    %dma_start3A_223 = arith.constant 0 : i32
    %dma_start3A_224 = arith.constant 0 : i32
    %dma_start3A_225 = tpu.memref_slice %arg4[%dma_start3A_216, %dma_start3A_223, %dma_start3A_224] : memref<3x128x128xf32, #tpu.memory_space<vmem>> -> memref<1x128x128xf32, #tpu.memory_space<vmem>>
    %dma_start3A_226 = tpu.memref_squeeze %dma_start3A_225 : memref<1x128x128xf32, #tpu.memory_space<vmem>> -> memref<128x128xf32, #tpu.memory_space<vmem>>
    %dma_start3A_227 = arith.constant 0 : i32
    %dma_start3A_228 = tpu.memref_slice %arg2[%add3A_215, %dma_start3A_227] : memref<100000x128xf32, #tpu.memory_space<hbm>> -> memref<128x128xf32, #tpu.memory_space<hbm>>
    tpu.enqueue_dma source(%dma_start3A_228 : memref<128x128xf32, #tpu.memory_space<hbm>>) target(%dma_start3A_226 : memref<128x128xf32, #tpu.memory_space<vmem>>) target_semaphore(%arg5 : memref<!tpu.dma_semaphore, #tpu.memory_space<semaphore_mem>>)
    %add3A_229 = arith.constant 384 : i32
    %add3A_230 = arith.addi %add3A_4, %add3A_229 : i32
    %dma_start3A_231 = arith.constant 0 : i32
    %dma_start3A_232 = arith.constant 0 : i32
    %dma_start3A_233 = arith.constant 0 : i32
    %dma_start3A_234 = tpu.memref_slice %arg4[%dma_start3A_231, %dma_start3A_232, %dma_start3A_233] : memref<3x128x128xf32, #tpu.memory_space<vmem>> -> memref<1x128x128xf32, #tpu.memory_space<vmem>>
    %dma_start3A_235 = tpu.memref_squeeze %dma_start3A_234 : memref<1x128x128xf32, #tpu.memory_space<vmem>> -> memref<128x128xf32, #tpu.memory_space<vmem>>
    %dma_start3A_236 = arith.constant 0 : i32
    %dma_start3A_237 = tpu.memref_slice %arg3[%add3A_230, %dma_start3A_236] : memref<100000x128xf32, #tpu.memory_space<hbm>> -> memref<128x128xf32, #tpu.memory_space<hbm>>
    %dma_start3A_238 = arith.constant 0 : i32
    %dma_start3A_239 = tpu.memref_slice %arg3[%add3A_230, %dma_start3A_238] : memref<100000x128xf32, #tpu.memory_space<hbm>> -> memref<128x128xf32, #tpu.memory_space<hbm>>
    %dma_start3A_240 = arith.constant 0 : i32
    %dma_start3A_241 = arith.constant 0 : i32
    %dma_start3A_242 = tpu.memref_slice %arg4[%dma_start3A_231, %dma_start3A_240, %dma_start3A_241] : memref<3x128x128xf32, #tpu.memory_space<vmem>> -> memref<1x128x128xf32, #tpu.memory_space<vmem>>
    %dma_start3A_243 = tpu.memref_squeeze %dma_start3A_242 : memref<1x128x128xf32, #tpu.memory_space<vmem>> -> memref<128x128xf32, #tpu.memory_space<vmem>>
    tpu.enqueue_dma source(%dma_start3A_243 : memref<128x128xf32, #tpu.memory_space<vmem>>) target(%dma_start3A_239 : memref<128x128xf32, #tpu.memory_space<hbm>>) target_semaphore(%arg6 : memref<!tpu.dma_semaphore, #tpu.memory_space<semaphore_mem>>)
    %dma_wait3A_244 = arith.constant 1 : i32
    %dma_wait3A_245 = arith.constant 0 : i32
    %dma_wait3A_246 = arith.constant 0 : i32
    %dma_wait3A_247 = tpu.memref_slice %arg4[%dma_wait3A_244, %dma_wait3A_245, %dma_wait3A_246] : memref<3x128x128xf32, #tpu.memory_space<vmem>> -> memref<1x128x128xf32, #tpu.memory_space<vmem>>
    %dma_wait3A_248 = tpu.memref_squeeze %dma_wait3A_247 : memref<1x128x128xf32, #tpu.memory_space<vmem>> -> memref<128x128xf32, #tpu.memory_space<vmem>>
    %dma_wait3A_249 = arith.constant 0 : i32
    %dma_wait3A_250 = tpu.memref_slice %arg2[%add3A_159, %dma_wait3A_249] : memref<100000x128xf32, #tpu.memory_space<hbm>> -> memref<128x128xf32, #tpu.memory_space<hbm>>
    %dma_wait3A_251 = arith.constant 0 : i32
    %dma_wait3A_252 = arith.constant 0 : i32
    %dma_wait3A_253 = tpu.memref_slice %arg4[%dma_wait3A_244, %dma_wait3A_251, %dma_wait3A_252] : memref<3x128x128xf32, #tpu.memory_space<vmem>> -> memref<1x128x128xf32, #tpu.memory_space<vmem>>
    %dma_wait3A_254 = tpu.memref_squeeze %dma_wait3A_253 : memref<1x128x128xf32, #tpu.memory_space<vmem>> -> memref<128x128xf32, #tpu.memory_space<vmem>>
    %dma_wait3A_255 = arith.constant 0 : i32
    %dma_wait3A_256 = tpu.memref_slice %arg2[%add3A_159, %dma_wait3A_255] : memref<100000x128xf32, #tpu.memory_space<hbm>> -> memref<128x128xf32, #tpu.memory_space<hbm>>
    tpu.wait_dma2 semaphore(%arg5 : memref<!tpu.dma_semaphore, #tpu.memory_space<semaphore_mem>>) src(%dma_wait3A_256 : memref<128x128xf32, #tpu.memory_space<hbm>>) dst(%dma_wait3A_254 : memref<128x128xf32, #tpu.memory_space<vmem>>)
    %dma_wait3A_257 = arith.constant 0 : i32
    %dma_wait3A_258 = arith.constant 0 : i32
    %dma_wait3A_259 = arith.constant 0 : i32
    %dma_wait3A_260 = tpu.memref_slice %arg4[%dma_wait3A_257, %dma_wait3A_258, %dma_wait3A_259] : memref<3x128x128xf32, #tpu.memory_space<vmem>> -> memref<1x128x128xf32, #tpu.memory_space<vmem>>
    %dma_wait3A_261 = tpu.memref_squeeze %dma_wait3A_260 : memref<1x128x128xf32, #tpu.memory_space<vmem>> -> memref<128x128xf32, #tpu.memory_space<vmem>>
    %dma_wait3A_262 = arith.constant 0 : i32
    %dma_wait3A_263 = tpu.memref_slice %arg3[%add3A_230, %dma_wait3A_262] : memref<100000x128xf32, #tpu.memory_space<hbm>> -> memref<128x128xf32, #tpu.memory_space<hbm>>
    %dma_wait3A_264 = arith.constant 0 : i32
    %dma_wait3A_265 = tpu.memref_slice %arg3[%add3A_230, %dma_wait3A_264] : memref<100000x128xf32, #tpu.memory_space<hbm>> -> memref<128x128xf32, #tpu.memory_space<hbm>>
    %dma_wait3A_266 = arith.constant 0 : i32
    %dma_wait3A_267 = arith.constant 0 : i32
    %dma_wait3A_268 = tpu.memref_slice %arg4[%dma_wait3A_257, %dma_wait3A_266, %dma_wait3A_267] : memref<3x128x128xf32, #tpu.memory_space<vmem>> -> memref<1x128x128xf32, #tpu.memory_space<vmem>>
    %dma_wait3A_269 = tpu.memref_squeeze %dma_wait3A_268 : memref<1x128x128xf32, #tpu.memory_space<vmem>> -> memref<128x128xf32, #tpu.memory_space<vmem>>
    tpu.wait_dma2 semaphore(%arg6 : memref<!tpu.dma_semaphore, #tpu.memory_space<semaphore_mem>>) src(%dma_wait3A_269 : memref<128x128xf32, #tpu.memory_space<vmem>>) dst(%dma_wait3A_265 : memref<128x128xf32, #tpu.memory_space<hbm>>)
    %add3A_270 = arith.constant 768 : i32
    %add3A_271 = arith.addi %add3A_4, %add3A_270 : i32
    %dma_start3A_272 = arith.constant 0 : i32
    %dma_start3A_273 = arith.constant 0 : i32
    %dma_start3A_274 = arith.constant 0 : i32
    %dma_start3A_275 = tpu.memref_slice %arg4[%dma_start3A_272, %dma_start3A_273, %dma_start3A_274] : memref<3x128x128xf32, #tpu.memory_space<vmem>> -> memref<1x128x128xf32, #tpu.memory_space<vmem>>
    %dma_start3A_276 = tpu.memref_squeeze %dma_start3A_275 : memref<1x128x128xf32, #tpu.memory_space<vmem>> -> memref<128x128xf32, #tpu.memory_space<vmem>>
    %dma_start3A_277 = arith.constant 0 : i32
    %dma_start3A_278 = tpu.memref_slice %arg2[%add3A_271, %dma_start3A_277] : memref<100000x128xf32, #tpu.memory_space<hbm>> -> memref<128x128xf32, #tpu.memory_space<hbm>>
    %dma_start3A_279 = arith.constant 0 : i32
    %dma_start3A_280 = arith.constant 0 : i32
    %dma_start3A_281 = tpu.memref_slice %arg4[%dma_start3A_272, %dma_start3A_279, %dma_start3A_280] : memref<3x128x128xf32, #tpu.memory_space<vmem>> -> memref<1x128x128xf32, #tpu.memory_space<vmem>>
    %dma_start3A_282 = tpu.memref_squeeze %dma_start3A_281 : memref<1x128x128xf32, #tpu.memory_space<vmem>> -> memref<128x128xf32, #tpu.memory_space<vmem>>
    %dma_start3A_283 = arith.constant 0 : i32
    %dma_start3A_284 = tpu.memref_slice %arg2[%add3A_271, %dma_start3A_283] : memref<100000x128xf32, #tpu.memory_space<hbm>> -> memref<128x128xf32, #tpu.memory_space<hbm>>
    tpu.enqueue_dma source(%dma_start3A_284 : memref<128x128xf32, #tpu.memory_space<hbm>>) target(%dma_start3A_282 : memref<128x128xf32, #tpu.memory_space<vmem>>) target_semaphore(%arg5 : memref<!tpu.dma_semaphore, #tpu.memory_space<semaphore_mem>>)
    %add3A_285 = arith.constant 512 : i32
    %add3A_286 = arith.addi %add3A_4, %add3A_285 : i32
    %dma_start3A_287 = arith.constant 1 : i32
    %dma_start3A_288 = arith.constant 0 : i32
    %dma_start3A_289 = arith.constant 0 : i32
    %dma_start3A_290 = tpu.memref_slice %arg4[%dma_start3A_287, %dma_start3A_288, %dma_start3A_289] : memref<3x128x128xf32, #tpu.memory_space<vmem>> -> memref<1x128x128xf32, #tpu.memory_space<vmem>>
    %dma_start3A_291 = tpu.memref_squeeze %dma_start3A_290 : memref<1x128x128xf32, #tpu.memory_space<vmem>> -> memref<128x128xf32, #tpu.memory_space<vmem>>
    %dma_start3A_292 = arith.constant 0 : i32
    %dma_start3A_293 = tpu.memref_slice %arg3[%add3A_286, %dma_start3A_292] : memref<100000x128xf32, #tpu.memory_space<hbm>> -> memref<128x128xf32, #tpu.memory_space<hbm>>
    %dma_start3A_294 = arith.constant 0 : i32
    %dma_start3A_295 = tpu.memref_slice %arg3[%add3A_286, %dma_start3A_294] : memref<100000x128xf32, #tpu.memory_space<hbm>> -> memref<128x128xf32, #tpu.memory_space<hbm>>
    %dma_start3A_296 = arith.constant 0 : i32
    %dma_start3A_297 = arith.constant 0 : i32
    %dma_start3A_298 = tpu.memref_slice %arg4[%dma_start3A_287, %dma_start3A_296, %dma_start3A_297] : memref<3x128x128xf32, #tpu.memory_space<vmem>> -> memref<1x128x128xf32, #tpu.memory_space<vmem>>
    %dma_start3A_299 = tpu.memref_squeeze %dma_start3A_298 : memref<1x128x128xf32, #tpu.memory_space<vmem>> -> memref<128x128xf32, #tpu.memory_space<vmem>>
    tpu.enqueue_dma source(%dma_start3A_299 : memref<128x128xf32, #tpu.memory_space<vmem>>) target(%dma_start3A_295 : memref<128x128xf32, #tpu.memory_space<hbm>>) target_semaphore(%arg6 : memref<!tpu.dma_semaphore, #tpu.memory_space<semaphore_mem>>)
    %dma_wait3A_300 = arith.constant 2 : i32
    %dma_wait3A_301 = arith.constant 0 : i32
    %dma_wait3A_302 = arith.constant 0 : i32
    %dma_wait3A_303 = tpu.memref_slice %arg4[%dma_wait3A_300, %dma_wait3A_301, %dma_wait3A_302] : memref<3x128x128xf32, #tpu.memory_space<vmem>> -> memref<1x128x128xf32, #tpu.memory_space<vmem>>
    %dma_wait3A_304 = tpu.memref_squeeze %dma_wait3A_303 : memref<1x128x128xf32, #tpu.memory_space<vmem>> -> memref<128x128xf32, #tpu.memory_space<vmem>>
    %dma_wait3A_305 = arith.constant 0 : i32
    %dma_wait3A_306 = tpu.memref_slice %arg2[%add3A_215, %dma_wait3A_305] : memref<100000x128xf32, #tpu.memory_space<hbm>> -> memref<128x128xf32, #tpu.memory_space<hbm>>
    %dma_wait3A_307 = arith.constant 0 : i32
    %dma_wait3A_308 = arith.constant 0 : i32
    %dma_wait3A_309 = tpu.memref_slice %arg4[%dma_wait3A_300, %dma_wait3A_307, %dma_wait3A_308] : memref<3x128x128xf32, #tpu.memory_space<vmem>> -> memref<1x128x128xf32, #tpu.memory_space<vmem>>
    %dma_wait3A_310 = tpu.memref_squeeze %dma_wait3A_309 : memref<1x128x128xf32, #tpu.memory_space<vmem>> -> memref<128x128xf32, #tpu.memory_space<vmem>>
    %dma_wait3A_311 = arith.constant 0 : i32
    %dma_wait3A_312 = tpu.memref_slice %arg2[%add3A_215, %dma_wait3A_311] : memref<100000x128xf32, #tpu.memory_space<hbm>> -> memref<128x128xf32, #tpu.memory_space<hbm>>
    tpu.wait_dma2 semaphore(%arg5 : memref<!tpu.dma_semaphore, #tpu.memory_space<semaphore_mem>>) src(%dma_wait3A_312 : memref<128x128xf32, #tpu.memory_space<hbm>>) dst(%dma_wait3A_310 : memref<128x128xf32, #tpu.memory_space<vmem>>)
    %dma_wait3A_313 = arith.constant 1 : i32
    %dma_wait3A_314 = arith.constant 0 : i32
    %dma_wait3A_315 = arith.constant 0 : i32
    %dma_wait3A_316 = tpu.memref_slice %arg4[%dma_wait3A_313, %dma_wait3A_314, %dma_wait3A_315] : memref<3x128x128xf32, #tpu.memory_space<vmem>> -> memref<1x128x128xf32, #tpu.memory_space<vmem>>
    %dma_wait3A_317 = tpu.memref_squeeze %dma_wait3A_316 : memref<1x128x128xf32, #tpu.memory_space<vmem>> -> memref<128x128xf32, #tpu.memory_space<vmem>>
    %dma_wait3A_318 = arith.constant 0 : i32
    %dma_wait3A_319 = tpu.memref_slice %arg3[%add3A_286, %dma_wait3A_318] : memref<100000x128xf32, #tpu.memory_space<hbm>> -> memref<128x128xf32, #tpu.memory_space<hbm>>
    %dma_wait3A_320 = arith.constant 0 : i32
    %dma_wait3A_321 = tpu.memref_slice %arg3[%add3A_286, %dma_wait3A_320] : memref<100000x128xf32, #tpu.memory_space<hbm>> -> memref<128x128xf32, #tpu.memory_space<hbm>>
    %dma_wait3A_322 = arith.constant 0 : i32
    %dma_wait3A_323 = arith.constant 0 : i32
    %dma_wait3A_324 = tpu.memref_slice %arg4[%dma_wait3A_313, %dma_wait3A_322, %dma_wait3A_323] : memref<3x128x128xf32, #tpu.memory_space<vmem>> -> memref<1x128x128xf32, #tpu.memory_space<vmem>>
    %dma_wait3A_325 = tpu.memref_squeeze %dma_wait3A_324 : memref<1x128x128xf32, #tpu.memory_space<vmem>> -> memref<128x128xf32, #tpu.memory_space<vmem>>
    tpu.wait_dma2 semaphore(%arg6 : memref<!tpu.dma_semaphore, #tpu.memory_space<semaphore_mem>>) src(%dma_wait3A_325 : memref<128x128xf32, #tpu.memory_space<vmem>>) dst(%dma_wait3A_321 : memref<128x128xf32, #tpu.memory_space<hbm>>)
    %add3A_326 = arith.constant 896 : i32
    %add3A_327 = arith.addi %add3A_4, %add3A_326 : i32
    %dma_start3A_328 = arith.constant 1 : i32
    %dma_start3A_329 = arith.constant 0 : i32
    %dma_start3A_330 = arith.constant 0 : i32
    %dma_start3A_331 = tpu.memref_slice %arg4[%dma_start3A_328, %dma_start3A_329, %dma_start3A_330] : memref<3x128x128xf32, #tpu.memory_space<vmem>> -> memref<1x128x128xf32, #tpu.memory_space<vmem>>
    %dma_start3A_332 = tpu.memref_squeeze %dma_start3A_331 : memref<1x128x128xf32, #tpu.memory_space<vmem>> -> memref<128x128xf32, #tpu.memory_space<vmem>>
    %dma_start3A_333 = arith.constant 0 : i32
    %dma_start3A_334 = tpu.memref_slice %arg2[%add3A_327, %dma_start3A_333] : memref<100000x128xf32, #tpu.memory_space<hbm>> -> memref<128x128xf32, #tpu.memory_space<hbm>>
    %dma_start3A_335 = arith.constant 0 : i32
    %dma_start3A_336 = arith.constant 0 : i32
    %dma_start3A_337 = tpu.memref_slice %arg4[%dma_start3A_328, %dma_start3A_335, %dma_start3A_336] : memref<3x128x128xf32, #tpu.memory_space<vmem>> -> memref<1x128x128xf32, #tpu.memory_space<vmem>>
    %dma_start3A_338 = tpu.memref_squeeze %dma_start3A_337 : memref<1x128x128xf32, #tpu.memory_space<vmem>> -> memref<128x128xf32, #tpu.memory_space<vmem>>
    %dma_start3A_339 = arith.constant 0 : i32
    %dma_start3A_340 = tpu.memref_slice %arg2[%add3A_327, %dma_start3A_339] : memref<100000x128xf32, #tpu.memory_space<hbm>> -> memref<128x128xf32, #tpu.memory_space<hbm>>
    tpu.enqueue_dma source(%dma_start3A_340 : memref<128x128xf32, #tpu.memory_space<hbm>>) target(%dma_start3A_338 : memref<128x128xf32, #tpu.memory_space<vmem>>) target_semaphore(%arg5 : memref<!tpu.dma_semaphore, #tpu.memory_space<semaphore_mem>>)
    %add3A_341 = arith.constant 640 : i32
    %add3A_342 = arith.addi %add3A_4, %add3A_341 : i32
    %dma_start3A_343 = arith.constant 2 : i32
    %dma_start3A_344 = arith.constant 0 : i32
    %dma_start3A_345 = arith.constant 0 : i32
    %dma_start3A_346 = tpu.memref_slice %arg4[%dma_start3A_343, %dma_start3A_344, %dma_start3A_345] : memref<3x128x128xf32, #tpu.memory_space<vmem>> -> memref<1x128x128xf32, #tpu.memory_space<vmem>>
    %dma_start3A_347 = tpu.memref_squeeze %dma_start3A_346 : memref<1x128x128xf32, #tpu.memory_space<vmem>> -> memref<128x128xf32, #tpu.memory_space<vmem>>
    %dma_start3A_348 = arith.constant 0 : i32
    %dma_start3A_349 = tpu.memref_slice %arg3[%add3A_342, %dma_start3A_348] : memref<100000x128xf32, #tpu.memory_space<hbm>> -> memref<128x128xf32, #tpu.memory_space<hbm>>
    %dma_start3A_350 = arith.constant 0 : i32
    %dma_start3A_351 = tpu.memref_slice %arg3[%add3A_342, %dma_start3A_350] : memref<100000x128xf32, #tpu.memory_space<hbm>> -> memref<128x128xf32, #tpu.memory_space<hbm>>
    %dma_start3A_352 = arith.constant 0 : i32
    %dma_start3A_353 = arith.constant 0 : i32
    %dma_start3A_354 = tpu.memref_slice %arg4[%dma_start3A_343, %dma_start3A_352, %dma_start3A_353] : memref<3x128x128xf32, #tpu.memory_space<vmem>> -> memref<1x128x128xf32, #tpu.memory_space<vmem>>
    %dma_start3A_355 = tpu.memref_squeeze %dma_start3A_354 : memref<1x128x128xf32, #tpu.memory_space<vmem>> -> memref<128x128xf32, #tpu.memory_space<vmem>>
    tpu.enqueue_dma source(%dma_start3A_355 : memref<128x128xf32, #tpu.memory_space<vmem>>) target(%dma_start3A_351 : memref<128x128xf32, #tpu.memory_space<hbm>>) target_semaphore(%arg6 : memref<!tpu.dma_semaphore, #tpu.memory_space<semaphore_mem>>)
    %dma_wait3A_356 = arith.constant 0 : i32
    %dma_wait3A_357 = arith.constant 0 : i32
    %dma_wait3A_358 = arith.constant 0 : i32
    %dma_wait3A_359 = tpu.memref_slice %arg4[%dma_wait3A_356, %dma_wait3A_357, %dma_wait3A_358] : memref<3x128x128xf32, #tpu.memory_space<vmem>> -> memref<1x128x128xf32, #tpu.memory_space<vmem>>
    %dma_wait3A_360 = tpu.memref_squeeze %dma_wait3A_359 : memref<1x128x128xf32, #tpu.memory_space<vmem>> -> memref<128x128xf32, #tpu.memory_space<vmem>>
    %dma_wait3A_361 = arith.constant 0 : i32
    %dma_wait3A_362 = tpu.memref_slice %arg2[%add3A_271, %dma_wait3A_361] : memref<100000x128xf32, #tpu.memory_space<hbm>> -> memref<128x128xf32, #tpu.memory_space<hbm>>
    %dma_wait3A_363 = arith.constant 0 : i32
    %dma_wait3A_364 = arith.constant 0 : i32
    %dma_wait3A_365 = tpu.memref_slice %arg4[%dma_wait3A_356, %dma_wait3A_363, %dma_wait3A_364] : memref<3x128x128xf32, #tpu.memory_space<vmem>> -> memref<1x128x128xf32, #tpu.memory_space<vmem>>
    %dma_wait3A_366 = tpu.memref_squeeze %dma_wait3A_365 : memref<1x128x128xf32, #tpu.memory_space<vmem>> -> memref<128x128xf32, #tpu.memory_space<vmem>>
    %dma_wait3A_367 = arith.constant 0 : i32
    %dma_wait3A_368 = tpu.memref_slice %arg2[%add3A_271, %dma_wait3A_367] : memref<100000x128xf32, #tpu.memory_space<hbm>> -> memref<128x128xf32, #tpu.memory_space<hbm>>
    tpu.wait_dma2 semaphore(%arg5 : memref<!tpu.dma_semaphore, #tpu.memory_space<semaphore_mem>>) src(%dma_wait3A_368 : memref<128x128xf32, #tpu.memory_space<hbm>>) dst(%dma_wait3A_366 : memref<128x128xf32, #tpu.memory_space<vmem>>)
    %dma_wait3A_369 = arith.constant 2 : i32
    %dma_wait3A_370 = arith.constant 0 : i32
    %dma_wait3A_371 = arith.constant 0 : i32
    %dma_wait3A_372 = tpu.memref_slice %arg4[%dma_wait3A_369, %dma_wait3A_370, %dma_wait3A_371] : memref<3x128x128xf32, #tpu.memory_space<vmem>> -> memref<1x128x128xf32, #tpu.memory_space<vmem>>
    %dma_wait3A_373 = tpu.memref_squeeze %dma_wait3A_372 : memref<1x128x128xf32, #tpu.memory_space<vmem>> -> memref<128x128xf32, #tpu.memory_space<vmem>>
    %dma_wait3A_374 = arith.constant 0 : i32
    %dma_wait3A_375 = tpu.memref_slice %arg3[%add3A_342, %dma_wait3A_374] : memref<100000x128xf32, #tpu.memory_space<hbm>> -> memref<128x128xf32, #tpu.memory_space<hbm>>
    %dma_wait3A_376 = arith.constant 0 : i32
    %dma_wait3A_377 = tpu.memref_slice %arg3[%add3A_342, %dma_wait3A_376] : memref<100000x128xf32, #tpu.memory_space<hbm>> -> memref<128x128xf32, #tpu.memory_space<hbm>>
    %dma_wait3A_378 = arith.constant 0 : i32
    %dma_wait3A_379 = arith.constant 0 : i32
    %dma_wait3A_380 = tpu.memref_slice %arg4[%dma_wait3A_369, %dma_wait3A_378, %dma_wait3A_379] : memref<3x128x128xf32, #tpu.memory_space<vmem>> -> memref<1x128x128xf32, #tpu.memory_space<vmem>>
    %dma_wait3A_381 = tpu.memref_squeeze %dma_wait3A_380 : memref<1x128x128xf32, #tpu.memory_space<vmem>> -> memref<128x128xf32, #tpu.memory_space<vmem>>
    tpu.wait_dma2 semaphore(%arg6 : memref<!tpu.dma_semaphore, #tpu.memory_space<semaphore_mem>>) src(%dma_wait3A_381 : memref<128x128xf32, #tpu.memory_space<vmem>>) dst(%dma_wait3A_377 : memref<128x128xf32, #tpu.memory_space<hbm>>)
    %add3A_382 = arith.constant 1024 : i32
    %add3A_383 = arith.addi %add3A_4, %add3A_382 : i32
    %dma_start3A_384 = arith.constant 2 : i32
    %dma_start3A_385 = arith.constant 0 : i32
    %dma_start3A_386 = arith.constant 0 : i32
    %dma_start3A_387 = tpu.memref_slice %arg4[%dma_start3A_384, %dma_start3A_385, %dma_start3A_386] : memref<3x128x128xf32, #tpu.memory_space<vmem>> -> memref<1x128x128xf32, #tpu.memory_space<vmem>>
    %dma_start3A_388 = tpu.memref_squeeze %dma_start3A_387 : memref<1x128x128xf32, #tpu.memory_space<vmem>> -> memref<128x128xf32, #tpu.memory_space<vmem>>
    %dma_start3A_389 = arith.constant 0 : i32
    %dma_start3A_390 = tpu.memref_slice %arg2[%add3A_383, %dma_start3A_389] : memref<100000x128xf32, #tpu.memory_space<hbm>> -> memref<128x128xf32, #tpu.memory_space<hbm>>
    %dma_start3A_391 = arith.constant 0 : i32
    %dma_start3A_392 = arith.constant 0 : i32
    %dma_start3A_393 = tpu.memref_slice %arg4[%dma_start3A_384, %dma_start3A_391, %dma_start3A_392] : memref<3x128x128xf32, #tpu.memory_space<vmem>> -> memref<1x128x128xf32, #tpu.memory_space<vmem>>
    %dma_start3A_394 = tpu.memref_squeeze %dma_start3A_393 : memref<1x128x128xf32, #tpu.memory_space<vmem>> -> memref<128x128xf32, #tpu.memory_space<vmem>>
    %dma_start3A_395 = arith.constant 0 : i32
    %dma_start3A_396 = tpu.memref_slice %arg2[%add3A_383, %dma_start3A_395] : memref<100000x128xf32, #tpu.memory_space<hbm>> -> memref<128x128xf32, #tpu.memory_space<hbm>>
    tpu.enqueue_dma source(%dma_start3A_396 : memref<128x128xf32, #tpu.memory_space<hbm>>) target(%dma_start3A_394 : memref<128x128xf32, #tpu.memory_space<vmem>>) target_semaphore(%arg5 : memref<!tpu.dma_semaphore, #tpu.memory_space<semaphore_mem>>)
    %add3A_397 = arith.constant 768 : i32
    %add3A_398 = arith.addi %add3A_4, %add3A_397 : i32
    %dma_start3A_399 = arith.constant 0 : i32
    %dma_start3A_400 = arith.constant 0 : i32
    %dma_start3A_401 = arith.constant 0 : i32
    %dma_start3A_402 = tpu.memref_slice %arg4[%dma_start3A_399, %dma_start3A_400, %dma_start3A_401] : memref<3x128x128xf32, #tpu.memory_space<vmem>> -> memref<1x128x128xf32, #tpu.memory_space<vmem>>
    %dma_start3A_403 = tpu.memref_squeeze %dma_start3A_402 : memref<1x128x128xf32, #tpu.memory_space<vmem>> -> memref<128x128xf32, #tpu.memory_space<vmem>>
    %dma_start3A_404 = arith.constant 0 : i32
    %dma_start3A_405 = tpu.memref_slice %arg3[%add3A_398, %dma_start3A_404] : memref<100000x128xf32, #tpu.memory_space<hbm>> -> memref<128x128xf32, #tpu.memory_space<hbm>>
    %dma_start3A_406 = arith.constant 0 : i32
    %dma_start3A_407 = tpu.memref_slice %arg3[%add3A_398, %dma_start3A_406] : memref<100000x128xf32, #tpu.memory_space<hbm>> -> memref<128x128xf32, #tpu.memory_space<hbm>>
    %dma_start3A_408 = arith.constant 0 : i32
    %dma_start3A_409 = arith.constant 0 : i32
    %dma_start3A_410 = tpu.memref_slice %arg4[%dma_start3A_399, %dma_start3A_408, %dma_start3A_409] : memref<3x128x128xf32, #tpu.memory_space<vmem>> -> memref<1x128x128xf32, #tpu.memory_space<vmem>>
    %dma_start3A_411 = tpu.memref_squeeze %dma_start3A_410 : memref<1x128x128xf32, #tpu.memory_space<vmem>> -> memref<128x128xf32, #tpu.memory_space<vmem>>
    tpu.enqueue_dma source(%dma_start3A_411 : memref<128x128xf32, #tpu.memory_space<vmem>>) target(%dma_start3A_407 : memref<128x128xf32, #tpu.memory_space<hbm>>) target_semaphore(%arg6 : memref<!tpu.dma_semaphore, #tpu.memory_space<semaphore_mem>>)
    %dma_wait3A_412 = arith.constant 1 : i32
    %dma_wait3A_413 = arith.constant 0 : i32
    %dma_wait3A_414 = arith.constant 0 : i32
    %dma_wait3A_415 = tpu.memref_slice %arg4[%dma_wait3A_412, %dma_wait3A_413, %dma_wait3A_414] : memref<3x128x128xf32, #tpu.memory_space<vmem>> -> memref<1x128x128xf32, #tpu.memory_space<vmem>>
    %dma_wait3A_416 = tpu.memref_squeeze %dma_wait3A_415 : memref<1x128x128xf32, #tpu.memory_space<vmem>> -> memref<128x128xf32, #tpu.memory_space<vmem>>
    %dma_wait3A_417 = arith.constant 0 : i32
    %dma_wait3A_418 = tpu.memref_slice %arg2[%add3A_327, %dma_wait3A_417] : memref<100000x128xf32, #tpu.memory_space<hbm>> -> memref<128x128xf32, #tpu.memory_space<hbm>>
    %dma_wait3A_419 = arith.constant 0 : i32
    %dma_wait3A_420 = arith.constant 0 : i32
    %dma_wait3A_421 = tpu.memref_slice %arg4[%dma_wait3A_412, %dma_wait3A_419, %dma_wait3A_420] : memref<3x128x128xf32, #tpu.memory_space<vmem>> -> memref<1x128x128xf32, #tpu.memory_space<vmem>>
    %dma_wait3A_422 = tpu.memref_squeeze %dma_wait3A_421 : memref<1x128x128xf32, #tpu.memory_space<vmem>> -> memref<128x128xf32, #tpu.memory_space<vmem>>
    %dma_wait3A_423 = arith.constant 0 : i32
    %dma_wait3A_424 = tpu.memref_slice %arg2[%add3A_327, %dma_wait3A_423] : memref<100000x128xf32, #tpu.memory_space<hbm>> -> memref<128x128xf32, #tpu.memory_space<hbm>>
    tpu.wait_dma2 semaphore(%arg5 : memref<!tpu.dma_semaphore, #tpu.memory_space<semaphore_mem>>) src(%dma_wait3A_424 : memref<128x128xf32, #tpu.memory_space<hbm>>) dst(%dma_wait3A_422 : memref<128x128xf32, #tpu.memory_space<vmem>>)
    %dma_wait3A_425 = arith.constant 0 : i32
    %dma_wait3A_426 = arith.constant 0 : i32
    %dma_wait3A_427 = arith.constant 0 : i32
    %dma_wait3A_428 = tpu.memref_slice %arg4[%dma_wait3A_425, %dma_wait3A_426, %dma_wait3A_427] : memref<3x128x128xf32, #tpu.memory_space<vmem>> -> memref<1x128x128xf32, #tpu.memory_space<vmem>>
    %dma_wait3A_429 = tpu.memref_squeeze %dma_wait3A_428 : memref<1x128x128xf32, #tpu.memory_space<vmem>> -> memref<128x128xf32, #tpu.memory_space<vmem>>
    %dma_wait3A_430 = arith.constant 0 : i32
    %dma_wait3A_431 = tpu.memref_slice %arg3[%add3A_398, %dma_wait3A_430] : memref<100000x128xf32, #tpu.memory_space<hbm>> -> memref<128x128xf32, #tpu.memory_space<hbm>>
    %dma_wait3A_432 = arith.constant 0 : i32
    %dma_wait3A_433 = tpu.memref_slice %arg3[%add3A_398, %dma_wait3A_432] : memref<100000x128xf32, #tpu.memory_space<hbm>> -> memref<128x128xf32, #tpu.memory_space<hbm>>
    %dma_wait3A_434 = arith.constant 0 : i32
    %dma_wait3A_435 = arith.constant 0 : i32
    %dma_wait3A_436 = tpu.memref_slice %arg4[%dma_wait3A_425, %dma_wait3A_434, %dma_wait3A_435] : memref<3x128x128xf32, #tpu.memory_space<vmem>> -> memref<1x128x128xf32, #tpu.memory_space<vmem>>
    %dma_wait3A_437 = tpu.memref_squeeze %dma_wait3A_436 : memref<1x128x128xf32, #tpu.memory_space<vmem>> -> memref<128x128xf32, #tpu.memory_space<vmem>>
    tpu.wait_dma2 semaphore(%arg6 : memref<!tpu.dma_semaphore, #tpu.memory_space<semaphore_mem>>) src(%dma_wait3A_437 : memref<128x128xf32, #tpu.memory_space<vmem>>) dst(%dma_wait3A_433 : memref<128x128xf32, #tpu.memory_space<hbm>>)
    %add3A_438 = arith.constant 1152 : i32
    %add3A_439 = arith.addi %add3A_4, %add3A_438 : i32
    %dma_start3A_440 = arith.constant 0 : i32
    %dma_start3A_441 = arith.constant 0 : i32
    %dma_start3A_442 = arith.constant 0 : i32
    %dma_start3A_443 = tpu.memref_slice %arg4[%dma_start3A_440, %dma_start3A_441, %dma_start3A_442] : memref<3x128x128xf32, #tpu.memory_space<vmem>> -> memref<1x128x128xf32, #tpu.memory_space<vmem>>
    %dma_start3A_444 = tpu.memref_squeeze %dma_start3A_443 : memref<1x128x128xf32, #tpu.memory_space<vmem>> -> memref<128x128xf32, #tpu.memory_space<vmem>>
    %dma_start3A_445 = arith.constant 0 : i32
    %dma_start3A_446 = tpu.memref_slice %arg2[%add3A_439, %dma_start3A_445] : memref<100000x128xf32, #tpu.memory_space<hbm>> -> memref<128x128xf32, #tpu.memory_space<hbm>>
    %dma_start3A_447 = arith.constant 0 : i32
    %dma_start3A_448 = arith.constant 0 : i32
    %dma_start3A_449 = tpu.memref_slice %arg4[%dma_start3A_440, %dma_start3A_447, %dma_start3A_448] : memref<3x128x128xf32, #tpu.memory_space<vmem>> -> memref<1x128x128xf32, #tpu.memory_space<vmem>>
    %dma_start3A_450 = tpu.memref_squeeze %dma_start3A_449 : memref<1x128x128xf32, #tpu.memory_space<vmem>> -> memref<128x128xf32, #tpu.memory_space<vmem>>
    %dma_start3A_451 = arith.constant 0 : i32
    %dma_start3A_452 = tpu.memref_slice %arg2[%add3A_439, %dma_start3A_451] : memref<100000x128xf32, #tpu.memory_space<hbm>> -> memref<128x128xf32, #tpu.memory_space<hbm>>
    tpu.enqueue_dma source(%dma_start3A_452 : memref<128x128xf32, #tpu.memory_space<hbm>>) target(%dma_start3A_450 : memref<128x128xf32, #tpu.memory_space<vmem>>) target_semaphore(%arg5 : memref<!tpu.dma_semaphore, #tpu.memory_space<semaphore_mem>>)
    %add3A_453 = arith.constant 896 : i32
    %add3A_454 = arith.addi %add3A_4, %add3A_453 : i32
    %dma_start3A_455 = arith.constant 1 : i32
    %dma_start3A_456 = arith.constant 0 : i32
    %dma_start3A_457 = arith.constant 0 : i32
    %dma_start3A_458 = tpu.memref_slice %arg4[%dma_start3A_455, %dma_start3A_456, %dma_start3A_457] : memref<3x128x128xf32, #tpu.memory_space<vmem>> -> memref<1x128x128xf32, #tpu.memory_space<vmem>>
    %dma_start3A_459 = tpu.memref_squeeze %dma_start3A_458 : memref<1x128x128xf32, #tpu.memory_space<vmem>> -> memref<128x128xf32, #tpu.memory_space<vmem>>
    %dma_start3A_460 = arith.constant 0 : i32
    %dma_start3A_461 = tpu.memref_slice %arg3[%add3A_454, %dma_start3A_460] : memref<100000x128xf32, #tpu.memory_space<hbm>> -> memref<128x128xf32, #tpu.memory_space<hbm>>
    %dma_start3A_462 = arith.constant 0 : i32
    %dma_start3A_463 = tpu.memref_slice %arg3[%add3A_454, %dma_start3A_462] : memref<100000x128xf32, #tpu.memory_space<hbm>> -> memref<128x128xf32, #tpu.memory_space<hbm>>
    %dma_start3A_464 = arith.constant 0 : i32
    %dma_start3A_465 = arith.constant 0 : i32
    %dma_start3A_466 = tpu.memref_slice %arg4[%dma_start3A_455, %dma_start3A_464, %dma_start3A_465] : memref<3x128x128xf32, #tpu.memory_space<vmem>> -> memref<1x128x128xf32, #tpu.memory_space<vmem>>
    %dma_start3A_467 = tpu.memref_squeeze %dma_start3A_466 : memref<1x128x128xf32, #tpu.memory_space<vmem>> -> memref<128x128xf32, #tpu.memory_space<vmem>>
    tpu.enqueue_dma source(%dma_start3A_467 : memref<128x128xf32, #tpu.memory_space<vmem>>) target(%dma_start3A_463 : memref<128x128xf32, #tpu.memory_space<hbm>>) target_semaphore(%arg6 : memref<!tpu.dma_semaphore, #tpu.memory_space<semaphore_mem>>)
    %dma_wait3A_468 = arith.constant 2 : i32
    %dma_wait3A_469 = arith.constant 0 : i32
    %dma_wait3A_470 = arith.constant 0 : i32
    %dma_wait3A_471 = tpu.memref_slice %arg4[%dma_wait3A_468, %dma_wait3A_469, %dma_wait3A_470] : memref<3x128x128xf32, #tpu.memory_space<vmem>> -> memref<1x128x128xf32, #tpu.memory_space<vmem>>
    %dma_wait3A_472 = tpu.memref_squeeze %dma_wait3A_471 : memref<1x128x128xf32, #tpu.memory_space<vmem>> -> memref<128x128xf32, #tpu.memory_space<vmem>>
    %dma_wait3A_473 = arith.constant 0 : i32
    %dma_wait3A_474 = tpu.memref_slice %arg2[%add3A_383, %dma_wait3A_473] : memref<100000x128xf32, #tpu.memory_space<hbm>> -> memref<128x128xf32, #tpu.memory_space<hbm>>
    %dma_wait3A_475 = arith.constant 0 : i32
    %dma_wait3A_476 = arith.constant 0 : i32
    %dma_wait3A_477 = tpu.memref_slice %arg4[%dma_wait3A_468, %dma_wait3A_475, %dma_wait3A_476] : memref<3x128x128xf32, #tpu.memory_space<vmem>> -> memref<1x128x128xf32, #tpu.memory_space<vmem>>
    %dma_wait3A_478 = tpu.memref_squeeze %dma_wait3A_477 : memref<1x128x128xf32, #tpu.memory_space<vmem>> -> memref<128x128xf32, #tpu.memory_space<vmem>>
    %dma_wait3A_479 = arith.constant 0 : i32
    %dma_wait3A_480 = tpu.memref_slice %arg2[%add3A_383, %dma_wait3A_479] : memref<100000x128xf32, #tpu.memory_space<hbm>> -> memref<128x128xf32, #tpu.memory_space<hbm>>
    tpu.wait_dma2 semaphore(%arg5 : memref<!tpu.dma_semaphore, #tpu.memory_space<semaphore_mem>>) src(%dma_wait3A_480 : memref<128x128xf32, #tpu.memory_space<hbm>>) dst(%dma_wait3A_478 : memref<128x128xf32, #tpu.memory_space<vmem>>)
    %dma_wait3A_481 = arith.constant 1 : i32
    %dma_wait3A_482 = arith.constant 0 : i32
    %dma_wait3A_483 = arith.constant 0 : i32
    %dma_wait3A_484 = tpu.memref_slice %arg4[%dma_wait3A_481, %dma_wait3A_482, %dma_wait3A_483] : memref<3x128x128xf32, #tpu.memory_space<vmem>> -> memref<1x128x128xf32, #tpu.memory_space<vmem>>
    %dma_wait3A_485 = tpu.memref_squeeze %dma_wait3A_484 : memref<1x128x128xf32, #tpu.memory_space<vmem>> -> memref<128x128xf32, #tpu.memory_space<vmem>>
    %dma_wait3A_486 = arith.constant 0 : i32
    %dma_wait3A_487 = tpu.memref_slice %arg3[%add3A_454, %dma_wait3A_486] : memref<100000x128xf32, #tpu.memory_space<hbm>> -> memref<128x128xf32, #tpu.memory_space<hbm>>
    %dma_wait3A_488 = arith.constant 0 : i32
    %dma_wait3A_489 = tpu.memref_slice %arg3[%add3A_454, %dma_wait3A_488] : memref<100000x128xf32, #tpu.memory_space<hbm>> -> memref<128x128xf32, #tpu.memory_space<hbm>>
    %dma_wait3A_490 = arith.constant 0 : i32
    %dma_wait3A_491 = arith.constant 0 : i32
    %dma_wait3A_492 = tpu.memref_slice %arg4[%dma_wait3A_481, %dma_wait3A_490, %dma_wait3A_491] : memref<3x128x128xf32, #tpu.memory_space<vmem>> -> memref<1x128x128xf32, #tpu.memory_space<vmem>>
    %dma_wait3A_493 = tpu.memref_squeeze %dma_wait3A_492 : memref<1x128x128xf32, #tpu.memory_space<vmem>> -> memref<128x128xf32, #tpu.memory_space<vmem>>
    tpu.wait_dma2 semaphore(%arg6 : memref<!tpu.dma_semaphore, #tpu.memory_space<semaphore_mem>>) src(%dma_wait3A_493 : memref<128x128xf32, #tpu.memory_space<vmem>>) dst(%dma_wait3A_489 : memref<128x128xf32, #tpu.memory_space<hbm>>)
    %add3A_494 = arith.constant 1280 : i32
    %add3A_495 = arith.addi %add3A_4, %add3A_494 : i32
    %dma_start3A_496 = arith.constant 1 : i32
    %dma_start3A_497 = arith.constant 0 : i32
    %dma_start3A_498 = arith.constant 0 : i32
    %dma_start3A_499 = tpu.memref_slice %arg4[%dma_start3A_496, %dma_start3A_497, %dma_start3A_498] : memref<3x128x128xf32, #tpu.memory_space<vmem>> -> memref<1x128x128xf32, #tpu.memory_space<vmem>>
    %dma_start3A_500 = tpu.memref_squeeze %dma_start3A_499 : memref<1x128x128xf32, #tpu.memory_space<vmem>> -> memref<128x128xf32, #tpu.memory_space<vmem>>
    %dma_start3A_501 = arith.constant 0 : i32
    %dma_start3A_502 = tpu.memref_slice %arg2[%add3A_495, %dma_start3A_501] : memref<100000x128xf32, #tpu.memory_space<hbm>> -> memref<128x128xf32, #tpu.memory_space<hbm>>
    %dma_start3A_503 = arith.constant 0 : i32
    %dma_start3A_504 = arith.constant 0 : i32
    %dma_start3A_505 = tpu.memref_slice %arg4[%dma_start3A_496, %dma_start3A_503, %dma_start3A_504] : memref<3x128x128xf32, #tpu.memory_space<vmem>> -> memref<1x128x128xf32, #tpu.memory_space<vmem>>
    %dma_start3A_506 = tpu.memref_squeeze %dma_start3A_505 : memref<1x128x128xf32, #tpu.memory_space<vmem>> -> memref<128x128xf32, #tpu.memory_space<vmem>>
    %dma_start3A_507 = arith.constant 0 : i32
    %dma_start3A_508 = tpu.memref_slice %arg2[%add3A_495, %dma_start3A_507] : memref<100000x128xf32, #tpu.memory_space<hbm>> -> memref<128x128xf32, #tpu.memory_space<hbm>>
    tpu.enqueue_dma source(%dma_start3A_508 : memref<128x128xf32, #tpu.memory_space<hbm>>) target(%dma_start3A_506 : memref<128x128xf32, #tpu.memory_space<vmem>>) target_semaphore(%arg5 : memref<!tpu.dma_semaphore, #tpu.memory_space<semaphore_mem>>)
    %add3A_509 = arith.constant 1024 : i32
    %add3A_510 = arith.addi %add3A_4, %add3A_509 : i32
    %dma_start3A_511 = arith.constant 2 : i32
    %dma_start3A_512 = arith.constant 0 : i32
    %dma_start3A_513 = arith.constant 0 : i32
    %dma_start3A_514 = tpu.memref_slice %arg4[%dma_start3A_511, %dma_start3A_512, %dma_start3A_513] : memref<3x128x128xf32, #tpu.memory_space<vmem>> -> memref<1x128x128xf32, #tpu.memory_space<vmem>>
    %dma_start3A_515 = tpu.memref_squeeze %dma_start3A_514 : memref<1x128x128xf32, #tpu.memory_space<vmem>> -> memref<128x128xf32, #tpu.memory_space<vmem>>
    %dma_start3A_516 = arith.constant 0 : i32
    %dma_start3A_517 = tpu.memref_slice %arg3[%add3A_510, %dma_start3A_516] : memref<100000x128xf32, #tpu.memory_space<hbm>> -> memref<128x128xf32, #tpu.memory_space<hbm>>
    %dma_start3A_518 = arith.constant 0 : i32
    %dma_start3A_519 = tpu.memref_slice %arg3[%add3A_510, %dma_start3A_518] : memref<100000x128xf32, #tpu.memory_space<hbm>> -> memref<128x128xf32, #tpu.memory_space<hbm>>
    %dma_start3A_520 = arith.constant 0 : i32
    %dma_start3A_521 = arith.constant 0 : i32
    %dma_start3A_522 = tpu.memref_slice %arg4[%dma_start3A_511, %dma_start3A_520, %dma_start3A_521] : memref<3x128x128xf32, #tpu.memory_space<vmem>> -> memref<1x128x128xf32, #tpu.memory_space<vmem>>
    %dma_start3A_523 = tpu.memref_squeeze %dma_start3A_522 : memref<1x128x128xf32, #tpu.memory_space<vmem>> -> memref<128x128xf32, #tpu.memory_space<vmem>>
    tpu.enqueue_dma source(%dma_start3A_523 : memref<128x128xf32, #tpu.memory_space<vmem>>) target(%dma_start3A_519 : memref<128x128xf32, #tpu.memory_space<hbm>>) target_semaphore(%arg6 : memref<!tpu.dma_semaphore, #tpu.memory_space<semaphore_mem>>)
    %dma_wait3A_524 = arith.constant 0 : i32
    %dma_wait3A_525 = arith.constant 0 : i32
    %dma_wait3A_526 = arith.constant 0 : i32
    %dma_wait3A_527 = tpu.memref_slice %arg4[%dma_wait3A_524, %dma_wait3A_525, %dma_wait3A_526] : memref<3x128x128xf32, #tpu.memory_space<vmem>> -> memref<1x128x128xf32, #tpu.memory_space<vmem>>
    %dma_wait3A_528 = tpu.memref_squeeze %dma_wait3A_527 : memref<1x128x128xf32, #tpu.memory_space<vmem>> -> memref<128x128xf32, #tpu.memory_space<vmem>>
    %dma_wait3A_529 = arith.constant 0 : i32
    %dma_wait3A_530 = tpu.memref_slice %arg2[%add3A_439, %dma_wait3A_529] : memref<100000x128xf32, #tpu.memory_space<hbm>> -> memref<128x128xf32, #tpu.memory_space<hbm>>
    %dma_wait3A_531 = arith.constant 0 : i32
    %dma_wait3A_532 = arith.constant 0 : i32
    %dma_wait3A_533 = tpu.memref_slice %arg4[%dma_wait3A_524, %dma_wait3A_531, %dma_wait3A_532] : memref<3x128x128xf32, #tpu.memory_space<vmem>> -> memref<1x128x128xf32, #tpu.memory_space<vmem>>
    %dma_wait3A_534 = tpu.memref_squeeze %dma_wait3A_533 : memref<1x128x128xf32, #tpu.memory_space<vmem>> -> memref<128x128xf32, #tpu.memory_space<vmem>>
    %dma_wait3A_535 = arith.constant 0 : i32
    %dma_wait3A_536 = tpu.memref_slice %arg2[%add3A_439, %dma_wait3A_535] : memref<100000x128xf32, #tpu.memory_space<hbm>> -> memref<128x128xf32, #tpu.memory_space<hbm>>
    tpu.wait_dma2 semaphore(%arg5 : memref<!tpu.dma_semaphore, #tpu.memory_space<semaphore_mem>>) src(%dma_wait3A_536 : memref<128x128xf32, #tpu.memory_space<hbm>>) dst(%dma_wait3A_534 : memref<128x128xf32, #tpu.memory_space<vmem>>)
    %dma_wait3A_537 = arith.constant 2 : i32
    %dma_wait3A_538 = arith.constant 0 : i32
    %dma_wait3A_539 = arith.constant 0 : i32
    %dma_wait3A_540 = tpu.memref_slice %arg4[%dma_wait3A_537, %dma_wait3A_538, %dma_wait3A_539] : memref<3x128x128xf32, #tpu.memory_space<vmem>> -> memref<1x128x128xf32, #tpu.memory_space<vmem>>
    %dma_wait3A_541 = tpu.memref_squeeze %dma_wait3A_540 : memref<1x128x128xf32, #tpu.memory_space<vmem>> -> memref<128x128xf32, #tpu.memory_space<vmem>>
    %dma_wait3A_542 = arith.constant 0 : i32
    %dma_wait3A_543 = tpu.memref_slice %arg3[%add3A_510, %dma_wait3A_542] : memref<100000x128xf32, #tpu.memory_space<hbm>> -> memref<128x128xf32, #tpu.memory_space<hbm>>
    %dma_wait3A_544 = arith.constant 0 : i32
    %dma_wait3A_545 = tpu.memref_slice %arg3[%add3A_510, %dma_wait3A_544] : memref<100000x128xf32, #tpu.memory_space<hbm>> -> memref<128x128xf32, #tpu.memory_space<hbm>>
    %dma_wait3A_546 = arith.constant 0 : i32
    %dma_wait3A_547 = arith.constant 0 : i32
    %dma_wait3A_548 = tpu.memref_slice %arg4[%dma_wait3A_537, %dma_wait3A_546, %dma_wait3A_547] : memref<3x128x128xf32, #tpu.memory_space<vmem>> -> memref<1x128x128xf32, #tpu.memory_space<vmem>>
    %dma_wait3A_549 = tpu.memref_squeeze %dma_wait3A_548 : memref<1x128x128xf32, #tpu.memory_space<vmem>> -> memref<128x128xf32, #tpu.memory_space<vmem>>
    tpu.wait_dma2 semaphore(%arg6 : memref<!tpu.dma_semaphore, #tpu.memory_space<semaphore_mem>>) src(%dma_wait3A_549 : memref<128x128xf32, #tpu.memory_space<vmem>>) dst(%dma_wait3A_545 : memref<128x128xf32, #tpu.memory_space<hbm>>)
    %add3A_550 = arith.constant 1408 : i32
    %add3A_551 = arith.addi %add3A_4, %add3A_550 : i32
    %dma_start3A_552 = arith.constant 2 : i32
    %dma_start3A_553 = arith.constant 0 : i32
    %dma_start3A_554 = arith.constant 0 : i32
    %dma_start3A_555 = tpu.memref_slice %arg4[%dma_start3A_552, %dma_start3A_553, %dma_start3A_554] : memref<3x128x128xf32, #tpu.memory_space<vmem>> -> memref<1x128x128xf32, #tpu.memory_space<vmem>>
    %dma_start3A_556 = tpu.memref_squeeze %dma_start3A_555 : memref<1x128x128xf32, #tpu.memory_space<vmem>> -> memref<128x128xf32, #tpu.memory_space<vmem>>
    %dma_start3A_557 = arith.constant 0 : i32
    %dma_start3A_558 = tpu.memref_slice %arg2[%add3A_551, %dma_start3A_557] : memref<100000x128xf32, #tpu.memory_space<hbm>> -> memref<128x128xf32, #tpu.memory_space<hbm>>
    %dma_start3A_559 = arith.constant 0 : i32
    %dma_start3A_560 = arith.constant 0 : i32
    %dma_start3A_561 = tpu.memref_slice %arg4[%dma_start3A_552, %dma_start3A_559, %dma_start3A_560] : memref<3x128x128xf32, #tpu.memory_space<vmem>> -> memref<1x128x128xf32, #tpu.memory_space<vmem>>
    %dma_start3A_562 = tpu.memref_squeeze %dma_start3A_561 : memref<1x128x128xf32, #tpu.memory_space<vmem>> -> memref<128x128xf32, #tpu.memory_space<vmem>>
    %dma_start3A_563 = arith.constant 0 : i32
    %dma_start3A_564 = tpu.memref_slice %arg2[%add3A_551, %dma_start3A_563] : memref<100000x128xf32, #tpu.memory_space<hbm>> -> memref<128x128xf32, #tpu.memory_space<hbm>>
    tpu.enqueue_dma source(%dma_start3A_564 : memref<128x128xf32, #tpu.memory_space<hbm>>) target(%dma_start3A_562 : memref<128x128xf32, #tpu.memory_space<vmem>>) target_semaphore(%arg5 : memref<!tpu.dma_semaphore, #tpu.memory_space<semaphore_mem>>)
    %add3A_565 = arith.constant 1152 : i32
    %add3A_566 = arith.addi %add3A_4, %add3A_565 : i32
    %dma_start3A_567 = arith.constant 0 : i32
    %dma_start3A_568 = arith.constant 0 : i32
    %dma_start3A_569 = arith.constant 0 : i32
    %dma_start3A_570 = tpu.memref_slice %arg4[%dma_start3A_567, %dma_start3A_568, %dma_start3A_569] : memref<3x128x128xf32, #tpu.memory_space<vmem>> -> memref<1x128x128xf32, #tpu.memory_space<vmem>>
    %dma_start3A_571 = tpu.memref_squeeze %dma_start3A_570 : memref<1x128x128xf32, #tpu.memory_space<vmem>> -> memref<128x128xf32, #tpu.memory_space<vmem>>
    %dma_start3A_572 = arith.constant 0 : i32
    %dma_start3A_573 = tpu.memref_slice %arg3[%add3A_566, %dma_start3A_572] : memref<100000x128xf32, #tpu.memory_space<hbm>> -> memref<128x128xf32, #tpu.memory_space<hbm>>
    %dma_start3A_574 = arith.constant 0 : i32
    %dma_start3A_575 = tpu.memref_slice %arg3[%add3A_566, %dma_start3A_574] : memref<100000x128xf32, #tpu.memory_space<hbm>> -> memref<128x128xf32, #tpu.memory_space<hbm>>
    %dma_start3A_576 = arith.constant 0 : i32
    %dma_start3A_577 = arith.constant 0 : i32
    %dma_start3A_578 = tpu.memref_slice %arg4[%dma_start3A_567, %dma_start3A_576, %dma_start3A_577] : memref<3x128x128xf32, #tpu.memory_space<vmem>> -> memref<1x128x128xf32, #tpu.memory_space<vmem>>
    %dma_start3A_579 = tpu.memref_squeeze %dma_start3A_578 : memref<1x128x128xf32, #tpu.memory_space<vmem>> -> memref<128x128xf32, #tpu.memory_space<vmem>>
    tpu.enqueue_dma source(%dma_start3A_579 : memref<128x128xf32, #tpu.memory_space<vmem>>) target(%dma_start3A_575 : memref<128x128xf32, #tpu.memory_space<hbm>>) target_semaphore(%arg6 : memref<!tpu.dma_semaphore, #tpu.memory_space<semaphore_mem>>)
    %dma_wait3A_580 = arith.constant 1 : i32
    %dma_wait3A_581 = arith.constant 0 : i32
    %dma_wait3A_582 = arith.constant 0 : i32
    %dma_wait3A_583 = tpu.memref_slice %arg4[%dma_wait3A_580, %dma_wait3A_581, %dma_wait3A_582] : memref<3x128x128xf32, #tpu.memory_space<vmem>> -> memref<1x128x128xf32, #tpu.memory_space<vmem>>
    %dma_wait3A_584 = tpu.memref_squeeze %dma_wait3A_583 : memref<1x128x128xf32, #tpu.memory_space<vmem>> -> memref<128x128xf32, #tpu.memory_space<vmem>>
    %dma_wait3A_585 = arith.constant 0 : i32
    %dma_wait3A_586 = tpu.memref_slice %arg2[%add3A_495, %dma_wait3A_585] : memref<100000x128xf32, #tpu.memory_space<hbm>> -> memref<128x128xf32, #tpu.memory_space<hbm>>
    %dma_wait3A_587 = arith.constant 0 : i32
    %dma_wait3A_588 = arith.constant 0 : i32
    %dma_wait3A_589 = tpu.memref_slice %arg4[%dma_wait3A_580, %dma_wait3A_587, %dma_wait3A_588] : memref<3x128x128xf32, #tpu.memory_space<vmem>> -> memref<1x128x128xf32, #tpu.memory_space<vmem>>
    %dma_wait3A_590 = tpu.memref_squeeze %dma_wait3A_589 : memref<1x128x128xf32, #tpu.memory_space<vmem>> -> memref<128x128xf32, #tpu.memory_space<vmem>>
    %dma_wait3A_591 = arith.constant 0 : i32
    %dma_wait3A_592 = tpu.memref_slice %arg2[%add3A_495, %dma_wait3A_591] : memref<100000x128xf32, #tpu.memory_space<hbm>> -> memref<128x128xf32, #tpu.memory_space<hbm>>
    tpu.wait_dma2 semaphore(%arg5 : memref<!tpu.dma_semaphore, #tpu.memory_space<semaphore_mem>>) src(%dma_wait3A_592 : memref<128x128xf32, #tpu.memory_space<hbm>>) dst(%dma_wait3A_590 : memref<128x128xf32, #tpu.memory_space<vmem>>)
    %dma_wait3A_593 = arith.constant 0 : i32
    %dma_wait3A_594 = arith.constant 0 : i32
    %dma_wait3A_595 = arith.constant 0 : i32
    %dma_wait3A_596 = tpu.memref_slice %arg4[%dma_wait3A_593, %dma_wait3A_594, %dma_wait3A_595] : memref<3x128x128xf32, #tpu.memory_space<vmem>> -> memref<1x128x128xf32, #tpu.memory_space<vmem>>
    %dma_wait3A_597 = tpu.memref_squeeze %dma_wait3A_596 : memref<1x128x128xf32, #tpu.memory_space<vmem>> -> memref<128x128xf32, #tpu.memory_space<vmem>>
    %dma_wait3A_598 = arith.constant 0 : i32
    %dma_wait3A_599 = tpu.memref_slice %arg3[%add3A_566, %dma_wait3A_598] : memref<100000x128xf32, #tpu.memory_space<hbm>> -> memref<128x128xf32, #tpu.memory_space<hbm>>
    %dma_wait3A_600 = arith.constant 0 : i32
    %dma_wait3A_601 = tpu.memref_slice %arg3[%add3A_566, %dma_wait3A_600] : memref<100000x128xf32, #tpu.memory_space<hbm>> -> memref<128x128xf32, #tpu.memory_space<hbm>>
    %dma_wait3A_602 = arith.constant 0 : i32
    %dma_wait3A_603 = arith.constant 0 : i32
    %dma_wait3A_604 = tpu.memref_slice %arg4[%dma_wait3A_593, %dma_wait3A_602, %dma_wait3A_603] : memref<3x128x128xf32, #tpu.memory_space<vmem>> -> memref<1x128x128xf32, #tpu.memory_space<vmem>>
    %dma_wait3A_605 = tpu.memref_squeeze %dma_wait3A_604 : memref<1x128x128xf32, #tpu.memory_space<vmem>> -> memref<128x128xf32, #tpu.memory_space<vmem>>
    tpu.wait_dma2 semaphore(%arg6 : memref<!tpu.dma_semaphore, #tpu.memory_space<semaphore_mem>>) src(%dma_wait3A_605 : memref<128x128xf32, #tpu.memory_space<vmem>>) dst(%dma_wait3A_601 : memref<128x128xf32, #tpu.memory_space<hbm>>)
    %add3A_606 = arith.constant 1280 : i32
    %add3A_607 = arith.addi %add3A_4, %add3A_606 : i32
    %dma_start3A_608 = arith.constant 1 : i32
    %dma_start3A_609 = arith.constant 0 : i32
    %dma_start3A_610 = arith.constant 0 : i32
    %dma_start3A_611 = tpu.memref_slice %arg4[%dma_start3A_608, %dma_start3A_609, %dma_start3A_610] : memref<3x128x128xf32, #tpu.memory_space<vmem>> -> memref<1x128x128xf32, #tpu.memory_space<vmem>>
    %dma_start3A_612 = tpu.memref_squeeze %dma_start3A_611 : memref<1x128x128xf32, #tpu.memory_space<vmem>> -> memref<128x128xf32, #tpu.memory_space<vmem>>
    %dma_start3A_613 = arith.constant 0 : i32
    %dma_start3A_614 = tpu.memref_slice %arg3[%add3A_607, %dma_start3A_613] : memref<100000x128xf32, #tpu.memory_space<hbm>> -> memref<128x128xf32, #tpu.memory_space<hbm>>
    %dma_start3A_615 = arith.constant 0 : i32
    %dma_start3A_616 = tpu.memref_slice %arg3[%add3A_607, %dma_start3A_615] : memref<100000x128xf32, #tpu.memory_space<hbm>> -> memref<128x128xf32, #tpu.memory_space<hbm>>
    %dma_start3A_617 = arith.constant 0 : i32
    %dma_start3A_618 = arith.constant 0 : i32
    %dma_start3A_619 = tpu.memref_slice %arg4[%dma_start3A_608, %dma_start3A_617, %dma_start3A_618] : memref<3x128x128xf32, #tpu.memory_space<vmem>> -> memref<1x128x128xf32, #tpu.memory_space<vmem>>
    %dma_start3A_620 = tpu.memref_squeeze %dma_start3A_619 : memref<1x128x128xf32, #tpu.memory_space<vmem>> -> memref<128x128xf32, #tpu.memory_space<vmem>>
    tpu.enqueue_dma source(%dma_start3A_620 : memref<128x128xf32, #tpu.memory_space<vmem>>) target(%dma_start3A_616 : memref<128x128xf32, #tpu.memory_space<hbm>>) target_semaphore(%arg6 : memref<!tpu.dma_semaphore, #tpu.memory_space<semaphore_mem>>)
    %dma_wait3A_621 = arith.constant 2 : i32
    %dma_wait3A_622 = arith.constant 0 : i32
    %dma_wait3A_623 = arith.constant 0 : i32
    %dma_wait3A_624 = tpu.memref_slice %arg4[%dma_wait3A_621, %dma_wait3A_622, %dma_wait3A_623] : memref<3x128x128xf32, #tpu.memory_space<vmem>> -> memref<1x128x128xf32, #tpu.memory_space<vmem>>
    %dma_wait3A_625 = tpu.memref_squeeze %dma_wait3A_624 : memref<1x128x128xf32, #tpu.memory_space<vmem>> -> memref<128x128xf32, #tpu.memory_space<vmem>>
    %dma_wait3A_626 = arith.constant 0 : i32
    %dma_wait3A_627 = tpu.memref_slice %arg2[%add3A_551, %dma_wait3A_626] : memref<100000x128xf32, #tpu.memory_space<hbm>> -> memref<128x128xf32, #tpu.memory_space<hbm>>
    %dma_wait3A_628 = arith.constant 0 : i32
    %dma_wait3A_629 = arith.constant 0 : i32
    %dma_wait3A_630 = tpu.memref_slice %arg4[%dma_wait3A_621, %dma_wait3A_628, %dma_wait3A_629] : memref<3x128x128xf32, #tpu.memory_space<vmem>> -> memref<1x128x128xf32, #tpu.memory_space<vmem>>
    %dma_wait3A_631 = tpu.memref_squeeze %dma_wait3A_630 : memref<1x128x128xf32, #tpu.memory_space<vmem>> -> memref<128x128xf32, #tpu.memory_space<vmem>>
    %dma_wait3A_632 = arith.constant 0 : i32
    %dma_wait3A_633 = tpu.memref_slice %arg2[%add3A_551, %dma_wait3A_632] : memref<100000x128xf32, #tpu.memory_space<hbm>> -> memref<128x128xf32, #tpu.memory_space<hbm>>
    tpu.wait_dma2 semaphore(%arg5 : memref<!tpu.dma_semaphore, #tpu.memory_space<semaphore_mem>>) src(%dma_wait3A_633 : memref<128x128xf32, #tpu.memory_space<hbm>>) dst(%dma_wait3A_631 : memref<128x128xf32, #tpu.memory_space<vmem>>)
    %dma_wait3A_634 = arith.constant 1 : i32
    %dma_wait3A_635 = arith.constant 0 : i32
    %dma_wait3A_636 = arith.constant 0 : i32
    %dma_wait3A_637 = tpu.memref_slice %arg4[%dma_wait3A_634, %dma_wait3A_635, %dma_wait3A_636] : memref<3x128x128xf32, #tpu.memory_space<vmem>> -> memref<1x128x128xf32, #tpu.memory_space<vmem>>
    %dma_wait3A_638 = tpu.memref_squeeze %dma_wait3A_637 : memref<1x128x128xf32, #tpu.memory_space<vmem>> -> memref<128x128xf32, #tpu.memory_space<vmem>>
    %dma_wait3A_639 = arith.constant 0 : i32
    %dma_wait3A_640 = tpu.memref_slice %arg3[%add3A_607, %dma_wait3A_639] : memref<100000x128xf32, #tpu.memory_space<hbm>> -> memref<128x128xf32, #tpu.memory_space<hbm>>
    %dma_wait3A_641 = arith.constant 0 : i32
    %dma_wait3A_642 = tpu.memref_slice %arg3[%add3A_607, %dma_wait3A_641] : memref<100000x128xf32, #tpu.memory_space<hbm>> -> memref<128x128xf32, #tpu.memory_space<hbm>>
    %dma_wait3A_643 = arith.constant 0 : i32
    %dma_wait3A_644 = arith.constant 0 : i32
    %dma_wait3A_645 = tpu.memref_slice %arg4[%dma_wait3A_634, %dma_wait3A_643, %dma_wait3A_644] : memref<3x128x128xf32, #tpu.memory_space<vmem>> -> memref<1x128x128xf32, #tpu.memory_space<vmem>>
    %dma_wait3A_646 = tpu.memref_squeeze %dma_wait3A_645 : memref<1x128x128xf32, #tpu.memory_space<vmem>> -> memref<128x128xf32, #tpu.memory_space<vmem>>
    tpu.wait_dma2 semaphore(%arg6 : memref<!tpu.dma_semaphore, #tpu.memory_space<semaphore_mem>>) src(%dma_wait3A_646 : memref<128x128xf32, #tpu.memory_space<vmem>>) dst(%dma_wait3A_642 : memref<128x128xf32, #tpu.memory_space<hbm>>)
    %add3A_647 = arith.constant 1408 : i32
    %add3A_648 = arith.addi %add3A_4, %add3A_647 : i32
    %dma_start3A_649 = arith.constant 2 : i32
    %dma_start3A_650 = arith.constant 0 : i32
    %dma_start3A_651 = arith.constant 0 : i32
    %dma_start3A_652 = tpu.memref_slice %arg4[%dma_start3A_649, %dma_start3A_650, %dma_start3A_651] : memref<3x128x128xf32, #tpu.memory_space<vmem>> -> memref<1x128x128xf32, #tpu.memory_space<vmem>>
    %dma_start3A_653 = tpu.memref_squeeze %dma_start3A_652 : memref<1x128x128xf32, #tpu.memory_space<vmem>> -> memref<128x128xf32, #tpu.memory_space<vmem>>
    %dma_start3A_654 = arith.constant 0 : i32
    %dma_start3A_655 = tpu.memref_slice %arg3[%add3A_648, %dma_start3A_654] : memref<100000x128xf32, #tpu.memory_space<hbm>> -> memref<128x128xf32, #tpu.memory_space<hbm>>
    %dma_start3A_656 = arith.constant 0 : i32
    %dma_start3A_657 = tpu.memref_slice %arg3[%add3A_648, %dma_start3A_656] : memref<100000x128xf32, #tpu.memory_space<hbm>> -> memref<128x128xf32, #tpu.memory_space<hbm>>
    %dma_start3A_658 = arith.constant 0 : i32
    %dma_start3A_659 = arith.constant 0 : i32
    %dma_start3A_660 = tpu.memref_slice %arg4[%dma_start3A_649, %dma_start3A_658, %dma_start3A_659] : memref<3x128x128xf32, #tpu.memory_space<vmem>> -> memref<1x128x128xf32, #tpu.memory_space<vmem>>
    %dma_start3A_661 = tpu.memref_squeeze %dma_start3A_660 : memref<1x128x128xf32, #tpu.memory_space<vmem>> -> memref<128x128xf32, #tpu.memory_space<vmem>>
    tpu.enqueue_dma source(%dma_start3A_661 : memref<128x128xf32, #tpu.memory_space<vmem>>) target(%dma_start3A_657 : memref<128x128xf32, #tpu.memory_space<hbm>>) target_semaphore(%arg6 : memref<!tpu.dma_semaphore, #tpu.memory_space<semaphore_mem>>)
    %dma_wait3A_662 = arith.constant 2 : i32
    %dma_wait3A_663 = arith.constant 0 : i32
    %dma_wait3A_664 = arith.constant 0 : i32
    %dma_wait3A_665 = tpu.memref_slice %arg4[%dma_wait3A_662, %dma_wait3A_663, %dma_wait3A_664] : memref<3x128x128xf32, #tpu.memory_space<vmem>> -> memref<1x128x128xf32, #tpu.memory_space<vmem>>
    %dma_wait3A_666 = tpu.memref_squeeze %dma_wait3A_665 : memref<1x128x128xf32, #tpu.memory_space<vmem>> -> memref<128x128xf32, #tpu.memory_space<vmem>>
    %dma_wait3A_667 = arith.constant 0 : i32
    %dma_wait3A_668 = tpu.memref_slice %arg3[%add3A_648, %dma_wait3A_667] : memref<100000x128xf32, #tpu.memory_space<hbm>> -> memref<128x128xf32, #tpu.memory_space<hbm>>
    %dma_wait3A_669 = arith.constant 0 : i32
    %dma_wait3A_670 = tpu.memref_slice %arg3[%add3A_648, %dma_wait3A_669] : memref<100000x128xf32, #tpu.memory_space<hbm>> -> memref<128x128xf32, #tpu.memory_space<hbm>>
    %dma_wait3A_671 = arith.constant 0 : i32
    %dma_wait3A_672 = arith.constant 0 : i32
    %dma_wait3A_673 = tpu.memref_slice %arg4[%dma_wait3A_662, %dma_wait3A_671, %dma_wait3A_672] : memref<3x128x128xf32, #tpu.memory_space<vmem>> -> memref<1x128x128xf32, #tpu.memory_space<vmem>>
    %dma_wait3A_674 = tpu.memref_squeeze %dma_wait3A_673 : memref<1x128x128xf32, #tpu.memory_space<vmem>> -> memref<128x128xf32, #tpu.memory_space<vmem>>
    tpu.wait_dma2 semaphore(%arg6 : memref<!tpu.dma_semaphore, #tpu.memory_space<semaphore_mem>>) src(%dma_wait3A_674 : memref<128x128xf32, #tpu.memory_space<vmem>>) dst(%dma_wait3A_670 : memref<128x128xf32, #tpu.memory_space<hbm>>)
    return
  }
}

#map = affine_map<(d0, d1) -> (0)>
#map1 = affine_map<(d0, d1) -> (0, 0)>
module attributes {stable_mosaic.version = 14 : i64} {
  func.func @new_body(%arg0: i32, %arg1: i32, %arg2: memref<16384xi32, #tpu.memory_space<hbm>>, %arg3: memref<16384xi32, #tpu.memory_space<hbm>>, %arg4: memref<16384x128xf32, #tpu.memory_space<hbm>>, %arg5: memref<100000x128xf32, #tpu.memory_space<hbm>>, %arg6: memref<100000x128xf32, #tpu.memory_space<hbm>>, %arg7: memref<4x128xi32, #tpu.memory_space<vmem>>, %arg8: memref<4x128xi32, #tpu.memory_space<vmem>>, %arg9: memref<4x128x128xf32, #tpu.memory_space<vmem>>, %arg10: memref<!tpu.dma_semaphore, #tpu.memory_space<semaphore_mem>>, %arg11: memref<!tpu.dma_semaphore, #tpu.memory_space<semaphore_mem>>) attributes {dimension_semantics = [#tpu.dimension_semantics<core_parallel>, #tpu.dimension_semantics<subcore_parallel>], iteration_bounds = array<i64: 2, 16>, scalar_prefetch = 0 : i64, scratch_operands = 5 : i64, tpu.core_type = #tpu.core_type<sc_vector_subcore>, window_params = [{transform_indices = #map}, {transform_indices = #map}, {transform_indices = #map1}, {transform_indices = #map1}, {transform_indices = #map1}]} {
    %mul3A = arith.constant 2 : i32
    %mul3A_0 = arith.muli %arg1, %mul3A : i32
    %add3A = arith.addi %mul3A_0, %arg0 : i32
    %mul3A_1 = arith.constant 512 : i32
    %mul3A_2 = arith.muli %add3A, %mul3A_1 : i32
    %add3A_3 = arith.constant 0 : i32
    %add3A_4 = arith.addi %mul3A_2, %add3A_3 : i32
    %run_scoped3A = arith.constant 0 : i32
    "tpu.region"() ({
      %run_scoped3A_216 = tpu.sem_alloc : memref<!tpu.dma_semaphore, #tpu.memory_space<semaphore_mem>>
      %dma_start3A_217 = arith.constant 0 : i32
      %dma_start3A_218 = tpu.memref_slice %arg7[%run_scoped3A, %dma_start3A_217] : memref<4x128xi32, #tpu.memory_space<vmem>> -> memref<1x128xi32, #tpu.memory_space<vmem>>
      %dma_start3A_219 = tpu.memref_squeeze %dma_start3A_218 : memref<1x128xi32, #tpu.memory_space<vmem>> -> memref<128xi32, #tpu.memory_space<vmem>>
      %dma_start3A_220 = tpu.memref_slice %arg2[%add3A_4] : memref<16384xi32, #tpu.memory_space<hbm>> -> memref<128xi32, #tpu.memory_space<hbm>>
      %dma_start3A_221 = arith.constant 0 : i32
      %dma_start3A_222 = tpu.memref_slice %arg7[%run_scoped3A, %dma_start3A_221] : memref<4x128xi32, #tpu.memory_space<vmem>> -> memref<1x128xi32, #tpu.memory_space<vmem>>
      %dma_start3A_223 = tpu.memref_squeeze %dma_start3A_222 : memref<1x128xi32, #tpu.memory_space<vmem>> -> memref<128xi32, #tpu.memory_space<vmem>>
      %dma_start3A_224 = tpu.memref_slice %arg2[%add3A_4] : memref<16384xi32, #tpu.memory_space<hbm>> -> memref<128xi32, #tpu.memory_space<hbm>>
      tpu.enqueue_dma source(%dma_start3A_224 : memref<128xi32, #tpu.memory_space<hbm>>) target(%dma_start3A_223 : memref<128xi32, #tpu.memory_space<vmem>>) target_semaphore(%run_scoped3A_216 : memref<!tpu.dma_semaphore, #tpu.memory_space<semaphore_mem>>)
      %dma_wait3A_225 = arith.constant 0 : i32
      %dma_wait3A_226 = tpu.memref_slice %arg7[%run_scoped3A, %dma_wait3A_225] : memref<4x128xi32, #tpu.memory_space<vmem>> -> memref<1x128xi32, #tpu.memory_space<vmem>>
      %dma_wait3A_227 = tpu.memref_squeeze %dma_wait3A_226 : memref<1x128xi32, #tpu.memory_space<vmem>> -> memref<128xi32, #tpu.memory_space<vmem>>
      %dma_wait3A_228 = tpu.memref_slice %arg2[%add3A_4] : memref<16384xi32, #tpu.memory_space<hbm>> -> memref<128xi32, #tpu.memory_space<hbm>>
      %dma_wait3A_229 = arith.constant 0 : i32
      %dma_wait3A_230 = tpu.memref_slice %arg7[%run_scoped3A, %dma_wait3A_229] : memref<4x128xi32, #tpu.memory_space<vmem>> -> memref<1x128xi32, #tpu.memory_space<vmem>>
      %dma_wait3A_231 = tpu.memref_squeeze %dma_wait3A_230 : memref<1x128xi32, #tpu.memory_space<vmem>> -> memref<128xi32, #tpu.memory_space<vmem>>
      %dma_wait3A_232 = tpu.memref_slice %arg2[%add3A_4] : memref<16384xi32, #tpu.memory_space<hbm>> -> memref<128xi32, #tpu.memory_space<hbm>>
      tpu.wait_dma2 semaphore(%run_scoped3A_216 : memref<!tpu.dma_semaphore, #tpu.memory_space<semaphore_mem>>) src(%dma_wait3A_232 : memref<128xi32, #tpu.memory_space<hbm>>) dst(%dma_wait3A_231 : memref<128xi32, #tpu.memory_space<vmem>>)
      tpu.yield
    }) : () -> ()
    %add3A_5 = arith.constant 0 : i32
    %add3A_6 = arith.addi %mul3A_2, %add3A_5 : i32
    %run_scoped3A_7 = arith.constant 0 : i32
    "tpu.region"() ({
      %run_scoped3A_216 = tpu.sem_alloc : memref<!tpu.dma_semaphore, #tpu.memory_space<semaphore_mem>>
      %dma_start3A_217 = arith.constant 0 : i32
      %dma_start3A_218 = tpu.memref_slice %arg8[%run_scoped3A_7, %dma_start3A_217] : memref<4x128xi32, #tpu.memory_space<vmem>> -> memref<1x128xi32, #tpu.memory_space<vmem>>
      %dma_start3A_219 = tpu.memref_squeeze %dma_start3A_218 : memref<1x128xi32, #tpu.memory_space<vmem>> -> memref<128xi32, #tpu.memory_space<vmem>>
      %dma_start3A_220 = tpu.memref_slice %arg3[%add3A_6] : memref<16384xi32, #tpu.memory_space<hbm>> -> memref<128xi32, #tpu.memory_space<hbm>>
      %dma_start3A_221 = arith.constant 0 : i32
      %dma_start3A_222 = tpu.memref_slice %arg8[%run_scoped3A_7, %dma_start3A_221] : memref<4x128xi32, #tpu.memory_space<vmem>> -> memref<1x128xi32, #tpu.memory_space<vmem>>
      %dma_start3A_223 = tpu.memref_squeeze %dma_start3A_222 : memref<1x128xi32, #tpu.memory_space<vmem>> -> memref<128xi32, #tpu.memory_space<vmem>>
      %dma_start3A_224 = tpu.memref_slice %arg3[%add3A_6] : memref<16384xi32, #tpu.memory_space<hbm>> -> memref<128xi32, #tpu.memory_space<hbm>>
      tpu.enqueue_dma source(%dma_start3A_224 : memref<128xi32, #tpu.memory_space<hbm>>) target(%dma_start3A_223 : memref<128xi32, #tpu.memory_space<vmem>>) target_semaphore(%run_scoped3A_216 : memref<!tpu.dma_semaphore, #tpu.memory_space<semaphore_mem>>)
      %dma_wait3A_225 = arith.constant 0 : i32
      %dma_wait3A_226 = tpu.memref_slice %arg8[%run_scoped3A_7, %dma_wait3A_225] : memref<4x128xi32, #tpu.memory_space<vmem>> -> memref<1x128xi32, #tpu.memory_space<vmem>>
      %dma_wait3A_227 = tpu.memref_squeeze %dma_wait3A_226 : memref<1x128xi32, #tpu.memory_space<vmem>> -> memref<128xi32, #tpu.memory_space<vmem>>
      %dma_wait3A_228 = tpu.memref_slice %arg3[%add3A_6] : memref<16384xi32, #tpu.memory_space<hbm>> -> memref<128xi32, #tpu.memory_space<hbm>>
      %dma_wait3A_229 = arith.constant 0 : i32
      %dma_wait3A_230 = tpu.memref_slice %arg8[%run_scoped3A_7, %dma_wait3A_229] : memref<4x128xi32, #tpu.memory_space<vmem>> -> memref<1x128xi32, #tpu.memory_space<vmem>>
      %dma_wait3A_231 = tpu.memref_squeeze %dma_wait3A_230 : memref<1x128xi32, #tpu.memory_space<vmem>> -> memref<128xi32, #tpu.memory_space<vmem>>
      %dma_wait3A_232 = tpu.memref_slice %arg3[%add3A_6] : memref<16384xi32, #tpu.memory_space<hbm>> -> memref<128xi32, #tpu.memory_space<hbm>>
      tpu.wait_dma2 semaphore(%run_scoped3A_216 : memref<!tpu.dma_semaphore, #tpu.memory_space<semaphore_mem>>) src(%dma_wait3A_232 : memref<128xi32, #tpu.memory_space<hbm>>) dst(%dma_wait3A_231 : memref<128xi32, #tpu.memory_space<vmem>>)
      tpu.yield
    }) : () -> ()
    %add3A_8 = arith.constant 128 : i32
    %add3A_9 = arith.addi %mul3A_2, %add3A_8 : i32
    %run_scoped3A_10 = arith.constant 1 : i32
    "tpu.region"() ({
      %run_scoped3A_216 = tpu.sem_alloc : memref<!tpu.dma_semaphore, #tpu.memory_space<semaphore_mem>>
      %dma_start3A_217 = arith.constant 0 : i32
      %dma_start3A_218 = tpu.memref_slice %arg7[%run_scoped3A_10, %dma_start3A_217] : memref<4x128xi32, #tpu.memory_space<vmem>> -> memref<1x128xi32, #tpu.memory_space<vmem>>
      %dma_start3A_219 = tpu.memref_squeeze %dma_start3A_218 : memref<1x128xi32, #tpu.memory_space<vmem>> -> memref<128xi32, #tpu.memory_space<vmem>>
      %dma_start3A_220 = tpu.memref_slice %arg2[%add3A_9] : memref<16384xi32, #tpu.memory_space<hbm>> -> memref<128xi32, #tpu.memory_space<hbm>>
      %dma_start3A_221 = arith.constant 0 : i32
      %dma_start3A_222 = tpu.memref_slice %arg7[%run_scoped3A_10, %dma_start3A_221] : memref<4x128xi32, #tpu.memory_space<vmem>> -> memref<1x128xi32, #tpu.memory_space<vmem>>
      %dma_start3A_223 = tpu.memref_squeeze %dma_start3A_222 : memref<1x128xi32, #tpu.memory_space<vmem>> -> memref<128xi32, #tpu.memory_space<vmem>>
      %dma_start3A_224 = tpu.memref_slice %arg2[%add3A_9] : memref<16384xi32, #tpu.memory_space<hbm>> -> memref<128xi32, #tpu.memory_space<hbm>>
      tpu.enqueue_dma source(%dma_start3A_224 : memref<128xi32, #tpu.memory_space<hbm>>) target(%dma_start3A_223 : memref<128xi32, #tpu.memory_space<vmem>>) target_semaphore(%run_scoped3A_216 : memref<!tpu.dma_semaphore, #tpu.memory_space<semaphore_mem>>)
      %dma_wait3A_225 = arith.constant 0 : i32
      %dma_wait3A_226 = tpu.memref_slice %arg7[%run_scoped3A_10, %dma_wait3A_225] : memref<4x128xi32, #tpu.memory_space<vmem>> -> memref<1x128xi32, #tpu.memory_space<vmem>>
      %dma_wait3A_227 = tpu.memref_squeeze %dma_wait3A_226 : memref<1x128xi32, #tpu.memory_space<vmem>> -> memref<128xi32, #tpu.memory_space<vmem>>
      %dma_wait3A_228 = tpu.memref_slice %arg2[%add3A_9] : memref<16384xi32, #tpu.memory_space<hbm>> -> memref<128xi32, #tpu.memory_space<hbm>>
      %dma_wait3A_229 = arith.constant 0 : i32
      %dma_wait3A_230 = tpu.memref_slice %arg7[%run_scoped3A_10, %dma_wait3A_229] : memref<4x128xi32, #tpu.memory_space<vmem>> -> memref<1x128xi32, #tpu.memory_space<vmem>>
      %dma_wait3A_231 = tpu.memref_squeeze %dma_wait3A_230 : memref<1x128xi32, #tpu.memory_space<vmem>> -> memref<128xi32, #tpu.memory_space<vmem>>
      %dma_wait3A_232 = tpu.memref_slice %arg2[%add3A_9] : memref<16384xi32, #tpu.memory_space<hbm>> -> memref<128xi32, #tpu.memory_space<hbm>>
      tpu.wait_dma2 semaphore(%run_scoped3A_216 : memref<!tpu.dma_semaphore, #tpu.memory_space<semaphore_mem>>) src(%dma_wait3A_232 : memref<128xi32, #tpu.memory_space<hbm>>) dst(%dma_wait3A_231 : memref<128xi32, #tpu.memory_space<vmem>>)
      tpu.yield
    }) : () -> ()
    %add3A_11 = arith.constant 128 : i32
    %add3A_12 = arith.addi %mul3A_2, %add3A_11 : i32
    %run_scoped3A_13 = arith.constant 1 : i32
    "tpu.region"() ({
      %run_scoped3A_216 = tpu.sem_alloc : memref<!tpu.dma_semaphore, #tpu.memory_space<semaphore_mem>>
      %dma_start3A_217 = arith.constant 0 : i32
      %dma_start3A_218 = tpu.memref_slice %arg8[%run_scoped3A_13, %dma_start3A_217] : memref<4x128xi32, #tpu.memory_space<vmem>> -> memref<1x128xi32, #tpu.memory_space<vmem>>
      %dma_start3A_219 = tpu.memref_squeeze %dma_start3A_218 : memref<1x128xi32, #tpu.memory_space<vmem>> -> memref<128xi32, #tpu.memory_space<vmem>>
      %dma_start3A_220 = tpu.memref_slice %arg3[%add3A_12] : memref<16384xi32, #tpu.memory_space<hbm>> -> memref<128xi32, #tpu.memory_space<hbm>>
      %dma_start3A_221 = arith.constant 0 : i32
      %dma_start3A_222 = tpu.memref_slice %arg8[%run_scoped3A_13, %dma_start3A_221] : memref<4x128xi32, #tpu.memory_space<vmem>> -> memref<1x128xi32, #tpu.memory_space<vmem>>
      %dma_start3A_223 = tpu.memref_squeeze %dma_start3A_222 : memref<1x128xi32, #tpu.memory_space<vmem>> -> memref<128xi32, #tpu.memory_space<vmem>>
      %dma_start3A_224 = tpu.memref_slice %arg3[%add3A_12] : memref<16384xi32, #tpu.memory_space<hbm>> -> memref<128xi32, #tpu.memory_space<hbm>>
      tpu.enqueue_dma source(%dma_start3A_224 : memref<128xi32, #tpu.memory_space<hbm>>) target(%dma_start3A_223 : memref<128xi32, #tpu.memory_space<vmem>>) target_semaphore(%run_scoped3A_216 : memref<!tpu.dma_semaphore, #tpu.memory_space<semaphore_mem>>)
      %dma_wait3A_225 = arith.constant 0 : i32
      %dma_wait3A_226 = tpu.memref_slice %arg8[%run_scoped3A_13, %dma_wait3A_225] : memref<4x128xi32, #tpu.memory_space<vmem>> -> memref<1x128xi32, #tpu.memory_space<vmem>>
      %dma_wait3A_227 = tpu.memref_squeeze %dma_wait3A_226 : memref<1x128xi32, #tpu.memory_space<vmem>> -> memref<128xi32, #tpu.memory_space<vmem>>
      %dma_wait3A_228 = tpu.memref_slice %arg3[%add3A_12] : memref<16384xi32, #tpu.memory_space<hbm>> -> memref<128xi32, #tpu.memory_space<hbm>>
      %dma_wait3A_229 = arith.constant 0 : i32
      %dma_wait3A_230 = tpu.memref_slice %arg8[%run_scoped3A_13, %dma_wait3A_229] : memref<4x128xi32, #tpu.memory_space<vmem>> -> memref<1x128xi32, #tpu.memory_space<vmem>>
      %dma_wait3A_231 = tpu.memref_squeeze %dma_wait3A_230 : memref<1x128xi32, #tpu.memory_space<vmem>> -> memref<128xi32, #tpu.memory_space<vmem>>
      %dma_wait3A_232 = tpu.memref_slice %arg3[%add3A_12] : memref<16384xi32, #tpu.memory_space<hbm>> -> memref<128xi32, #tpu.memory_space<hbm>>
      tpu.wait_dma2 semaphore(%run_scoped3A_216 : memref<!tpu.dma_semaphore, #tpu.memory_space<semaphore_mem>>) src(%dma_wait3A_232 : memref<128xi32, #tpu.memory_space<hbm>>) dst(%dma_wait3A_231 : memref<128xi32, #tpu.memory_space<vmem>>)
      tpu.yield
    }) : () -> ()
    %add3A_14 = arith.constant 256 : i32
    %add3A_15 = arith.addi %mul3A_2, %add3A_14 : i32
    %run_scoped3A_16 = arith.constant 2 : i32
    "tpu.region"() ({
      %run_scoped3A_216 = tpu.sem_alloc : memref<!tpu.dma_semaphore, #tpu.memory_space<semaphore_mem>>
      %dma_start3A_217 = arith.constant 0 : i32
      %dma_start3A_218 = tpu.memref_slice %arg7[%run_scoped3A_16, %dma_start3A_217] : memref<4x128xi32, #tpu.memory_space<vmem>> -> memref<1x128xi32, #tpu.memory_space<vmem>>
      %dma_start3A_219 = tpu.memref_squeeze %dma_start3A_218 : memref<1x128xi32, #tpu.memory_space<vmem>> -> memref<128xi32, #tpu.memory_space<vmem>>
      %dma_start3A_220 = tpu.memref_slice %arg2[%add3A_15] : memref<16384xi32, #tpu.memory_space<hbm>> -> memref<128xi32, #tpu.memory_space<hbm>>
      %dma_start3A_221 = arith.constant 0 : i32
      %dma_start3A_222 = tpu.memref_slice %arg7[%run_scoped3A_16, %dma_start3A_221] : memref<4x128xi32, #tpu.memory_space<vmem>> -> memref<1x128xi32, #tpu.memory_space<vmem>>
      %dma_start3A_223 = tpu.memref_squeeze %dma_start3A_222 : memref<1x128xi32, #tpu.memory_space<vmem>> -> memref<128xi32, #tpu.memory_space<vmem>>
      %dma_start3A_224 = tpu.memref_slice %arg2[%add3A_15] : memref<16384xi32, #tpu.memory_space<hbm>> -> memref<128xi32, #tpu.memory_space<hbm>>
      tpu.enqueue_dma source(%dma_start3A_224 : memref<128xi32, #tpu.memory_space<hbm>>) target(%dma_start3A_223 : memref<128xi32, #tpu.memory_space<vmem>>) target_semaphore(%run_scoped3A_216 : memref<!tpu.dma_semaphore, #tpu.memory_space<semaphore_mem>>)
      %dma_wait3A_225 = arith.constant 0 : i32
      %dma_wait3A_226 = tpu.memref_slice %arg7[%run_scoped3A_16, %dma_wait3A_225] : memref<4x128xi32, #tpu.memory_space<vmem>> -> memref<1x128xi32, #tpu.memory_space<vmem>>
      %dma_wait3A_227 = tpu.memref_squeeze %dma_wait3A_226 : memref<1x128xi32, #tpu.memory_space<vmem>> -> memref<128xi32, #tpu.memory_space<vmem>>
      %dma_wait3A_228 = tpu.memref_slice %arg2[%add3A_15] : memref<16384xi32, #tpu.memory_space<hbm>> -> memref<128xi32, #tpu.memory_space<hbm>>
      %dma_wait3A_229 = arith.constant 0 : i32
      %dma_wait3A_230 = tpu.memref_slice %arg7[%run_scoped3A_16, %dma_wait3A_229] : memref<4x128xi32, #tpu.memory_space<vmem>> -> memref<1x128xi32, #tpu.memory_space<vmem>>
      %dma_wait3A_231 = tpu.memref_squeeze %dma_wait3A_230 : memref<1x128xi32, #tpu.memory_space<vmem>> -> memref<128xi32, #tpu.memory_space<vmem>>
      %dma_wait3A_232 = tpu.memref_slice %arg2[%add3A_15] : memref<16384xi32, #tpu.memory_space<hbm>> -> memref<128xi32, #tpu.memory_space<hbm>>
      tpu.wait_dma2 semaphore(%run_scoped3A_216 : memref<!tpu.dma_semaphore, #tpu.memory_space<semaphore_mem>>) src(%dma_wait3A_232 : memref<128xi32, #tpu.memory_space<hbm>>) dst(%dma_wait3A_231 : memref<128xi32, #tpu.memory_space<vmem>>)
      tpu.yield
    }) : () -> ()
    %add3A_17 = arith.constant 256 : i32
    %add3A_18 = arith.addi %mul3A_2, %add3A_17 : i32
    %run_scoped3A_19 = arith.constant 2 : i32
    "tpu.region"() ({
      %run_scoped3A_216 = tpu.sem_alloc : memref<!tpu.dma_semaphore, #tpu.memory_space<semaphore_mem>>
      %dma_start3A_217 = arith.constant 0 : i32
      %dma_start3A_218 = tpu.memref_slice %arg8[%run_scoped3A_19, %dma_start3A_217] : memref<4x128xi32, #tpu.memory_space<vmem>> -> memref<1x128xi32, #tpu.memory_space<vmem>>
      %dma_start3A_219 = tpu.memref_squeeze %dma_start3A_218 : memref<1x128xi32, #tpu.memory_space<vmem>> -> memref<128xi32, #tpu.memory_space<vmem>>
      %dma_start3A_220 = tpu.memref_slice %arg3[%add3A_18] : memref<16384xi32, #tpu.memory_space<hbm>> -> memref<128xi32, #tpu.memory_space<hbm>>
      %dma_start3A_221 = arith.constant 0 : i32
      %dma_start3A_222 = tpu.memref_slice %arg8[%run_scoped3A_19, %dma_start3A_221] : memref<4x128xi32, #tpu.memory_space<vmem>> -> memref<1x128xi32, #tpu.memory_space<vmem>>
      %dma_start3A_223 = tpu.memref_squeeze %dma_start3A_222 : memref<1x128xi32, #tpu.memory_space<vmem>> -> memref<128xi32, #tpu.memory_space<vmem>>
      %dma_start3A_224 = tpu.memref_slice %arg3[%add3A_18] : memref<16384xi32, #tpu.memory_space<hbm>> -> memref<128xi32, #tpu.memory_space<hbm>>
      tpu.enqueue_dma source(%dma_start3A_224 : memref<128xi32, #tpu.memory_space<hbm>>) target(%dma_start3A_223 : memref<128xi32, #tpu.memory_space<vmem>>) target_semaphore(%run_scoped3A_216 : memref<!tpu.dma_semaphore, #tpu.memory_space<semaphore_mem>>)
      %dma_wait3A_225 = arith.constant 0 : i32
      %dma_wait3A_226 = tpu.memref_slice %arg8[%run_scoped3A_19, %dma_wait3A_225] : memref<4x128xi32, #tpu.memory_space<vmem>> -> memref<1x128xi32, #tpu.memory_space<vmem>>
      %dma_wait3A_227 = tpu.memref_squeeze %dma_wait3A_226 : memref<1x128xi32, #tpu.memory_space<vmem>> -> memref<128xi32, #tpu.memory_space<vmem>>
      %dma_wait3A_228 = tpu.memref_slice %arg3[%add3A_18] : memref<16384xi32, #tpu.memory_space<hbm>> -> memref<128xi32, #tpu.memory_space<hbm>>
      %dma_wait3A_229 = arith.constant 0 : i32
      %dma_wait3A_230 = tpu.memref_slice %arg8[%run_scoped3A_19, %dma_wait3A_229] : memref<4x128xi32, #tpu.memory_space<vmem>> -> memref<1x128xi32, #tpu.memory_space<vmem>>
      %dma_wait3A_231 = tpu.memref_squeeze %dma_wait3A_230 : memref<1x128xi32, #tpu.memory_space<vmem>> -> memref<128xi32, #tpu.memory_space<vmem>>
      %dma_wait3A_232 = tpu.memref_slice %arg3[%add3A_18] : memref<16384xi32, #tpu.memory_space<hbm>> -> memref<128xi32, #tpu.memory_space<hbm>>
      tpu.wait_dma2 semaphore(%run_scoped3A_216 : memref<!tpu.dma_semaphore, #tpu.memory_space<semaphore_mem>>) src(%dma_wait3A_232 : memref<128xi32, #tpu.memory_space<hbm>>) dst(%dma_wait3A_231 : memref<128xi32, #tpu.memory_space<vmem>>)
      tpu.yield
    }) : () -> ()
    %add3A_20 = arith.constant 384 : i32
    %add3A_21 = arith.addi %mul3A_2, %add3A_20 : i32
    %run_scoped3A_22 = arith.constant 3 : i32
    "tpu.region"() ({
      %run_scoped3A_216 = tpu.sem_alloc : memref<!tpu.dma_semaphore, #tpu.memory_space<semaphore_mem>>
      %dma_start3A_217 = arith.constant 0 : i32
      %dma_start3A_218 = tpu.memref_slice %arg7[%run_scoped3A_22, %dma_start3A_217] : memref<4x128xi32, #tpu.memory_space<vmem>> -> memref<1x128xi32, #tpu.memory_space<vmem>>
      %dma_start3A_219 = tpu.memref_squeeze %dma_start3A_218 : memref<1x128xi32, #tpu.memory_space<vmem>> -> memref<128xi32, #tpu.memory_space<vmem>>
      %dma_start3A_220 = tpu.memref_slice %arg2[%add3A_21] : memref<16384xi32, #tpu.memory_space<hbm>> -> memref<128xi32, #tpu.memory_space<hbm>>
      %dma_start3A_221 = arith.constant 0 : i32
      %dma_start3A_222 = tpu.memref_slice %arg7[%run_scoped3A_22, %dma_start3A_221] : memref<4x128xi32, #tpu.memory_space<vmem>> -> memref<1x128xi32, #tpu.memory_space<vmem>>
      %dma_start3A_223 = tpu.memref_squeeze %dma_start3A_222 : memref<1x128xi32, #tpu.memory_space<vmem>> -> memref<128xi32, #tpu.memory_space<vmem>>
      %dma_start3A_224 = tpu.memref_slice %arg2[%add3A_21] : memref<16384xi32, #tpu.memory_space<hbm>> -> memref<128xi32, #tpu.memory_space<hbm>>
      tpu.enqueue_dma source(%dma_start3A_224 : memref<128xi32, #tpu.memory_space<hbm>>) target(%dma_start3A_223 : memref<128xi32, #tpu.memory_space<vmem>>) target_semaphore(%run_scoped3A_216 : memref<!tpu.dma_semaphore, #tpu.memory_space<semaphore_mem>>)
      %dma_wait3A_225 = arith.constant 0 : i32
      %dma_wait3A_226 = tpu.memref_slice %arg7[%run_scoped3A_22, %dma_wait3A_225] : memref<4x128xi32, #tpu.memory_space<vmem>> -> memref<1x128xi32, #tpu.memory_space<vmem>>
      %dma_wait3A_227 = tpu.memref_squeeze %dma_wait3A_226 : memref<1x128xi32, #tpu.memory_space<vmem>> -> memref<128xi32, #tpu.memory_space<vmem>>
      %dma_wait3A_228 = tpu.memref_slice %arg2[%add3A_21] : memref<16384xi32, #tpu.memory_space<hbm>> -> memref<128xi32, #tpu.memory_space<hbm>>
      %dma_wait3A_229 = arith.constant 0 : i32
      %dma_wait3A_230 = tpu.memref_slice %arg7[%run_scoped3A_22, %dma_wait3A_229] : memref<4x128xi32, #tpu.memory_space<vmem>> -> memref<1x128xi32, #tpu.memory_space<vmem>>
      %dma_wait3A_231 = tpu.memref_squeeze %dma_wait3A_230 : memref<1x128xi32, #tpu.memory_space<vmem>> -> memref<128xi32, #tpu.memory_space<vmem>>
      %dma_wait3A_232 = tpu.memref_slice %arg2[%add3A_21] : memref<16384xi32, #tpu.memory_space<hbm>> -> memref<128xi32, #tpu.memory_space<hbm>>
      tpu.wait_dma2 semaphore(%run_scoped3A_216 : memref<!tpu.dma_semaphore, #tpu.memory_space<semaphore_mem>>) src(%dma_wait3A_232 : memref<128xi32, #tpu.memory_space<hbm>>) dst(%dma_wait3A_231 : memref<128xi32, #tpu.memory_space<vmem>>)
      tpu.yield
    }) : () -> ()
    %add3A_23 = arith.constant 384 : i32
    %add3A_24 = arith.addi %mul3A_2, %add3A_23 : i32
    %run_scoped3A_25 = arith.constant 3 : i32
    "tpu.region"() ({
      %run_scoped3A_216 = tpu.sem_alloc : memref<!tpu.dma_semaphore, #tpu.memory_space<semaphore_mem>>
      %dma_start3A_217 = arith.constant 0 : i32
      %dma_start3A_218 = tpu.memref_slice %arg8[%run_scoped3A_25, %dma_start3A_217] : memref<4x128xi32, #tpu.memory_space<vmem>> -> memref<1x128xi32, #tpu.memory_space<vmem>>
      %dma_start3A_219 = tpu.memref_squeeze %dma_start3A_218 : memref<1x128xi32, #tpu.memory_space<vmem>> -> memref<128xi32, #tpu.memory_space<vmem>>
      %dma_start3A_220 = tpu.memref_slice %arg3[%add3A_24] : memref<16384xi32, #tpu.memory_space<hbm>> -> memref<128xi32, #tpu.memory_space<hbm>>
      %dma_start3A_221 = arith.constant 0 : i32
      %dma_start3A_222 = tpu.memref_slice %arg8[%run_scoped3A_25, %dma_start3A_221] : memref<4x128xi32, #tpu.memory_space<vmem>> -> memref<1x128xi32, #tpu.memory_space<vmem>>
      %dma_start3A_223 = tpu.memref_squeeze %dma_start3A_222 : memref<1x128xi32, #tpu.memory_space<vmem>> -> memref<128xi32, #tpu.memory_space<vmem>>
      %dma_start3A_224 = tpu.memref_slice %arg3[%add3A_24] : memref<16384xi32, #tpu.memory_space<hbm>> -> memref<128xi32, #tpu.memory_space<hbm>>
      tpu.enqueue_dma source(%dma_start3A_224 : memref<128xi32, #tpu.memory_space<hbm>>) target(%dma_start3A_223 : memref<128xi32, #tpu.memory_space<vmem>>) target_semaphore(%run_scoped3A_216 : memref<!tpu.dma_semaphore, #tpu.memory_space<semaphore_mem>>)
      %dma_wait3A_225 = arith.constant 0 : i32
      %dma_wait3A_226 = tpu.memref_slice %arg8[%run_scoped3A_25, %dma_wait3A_225] : memref<4x128xi32, #tpu.memory_space<vmem>> -> memref<1x128xi32, #tpu.memory_space<vmem>>
      %dma_wait3A_227 = tpu.memref_squeeze %dma_wait3A_226 : memref<1x128xi32, #tpu.memory_space<vmem>> -> memref<128xi32, #tpu.memory_space<vmem>>
      %dma_wait3A_228 = tpu.memref_slice %arg3[%add3A_24] : memref<16384xi32, #tpu.memory_space<hbm>> -> memref<128xi32, #tpu.memory_space<hbm>>
      %dma_wait3A_229 = arith.constant 0 : i32
      %dma_wait3A_230 = tpu.memref_slice %arg8[%run_scoped3A_25, %dma_wait3A_229] : memref<4x128xi32, #tpu.memory_space<vmem>> -> memref<1x128xi32, #tpu.memory_space<vmem>>
      %dma_wait3A_231 = tpu.memref_squeeze %dma_wait3A_230 : memref<1x128xi32, #tpu.memory_space<vmem>> -> memref<128xi32, #tpu.memory_space<vmem>>
      %dma_wait3A_232 = tpu.memref_slice %arg3[%add3A_24] : memref<16384xi32, #tpu.memory_space<hbm>> -> memref<128xi32, #tpu.memory_space<hbm>>
      tpu.wait_dma2 semaphore(%run_scoped3A_216 : memref<!tpu.dma_semaphore, #tpu.memory_space<semaphore_mem>>) src(%dma_wait3A_232 : memref<128xi32, #tpu.memory_space<hbm>>) dst(%dma_wait3A_231 : memref<128xi32, #tpu.memory_space<vmem>>)
      tpu.yield
    }) : () -> ()
    %dma_start3A = arith.constant 0 : i32
    %dma_start3A_26 = arith.constant 0 : i32
    %dma_start3A_27 = arith.constant 0 : i32
    %dma_start3A_28 = arith.constant 0 : i32
    %dma_start3A_29 = tpu.memref_slice %arg9[%dma_start3A_26, %dma_start3A_27, %dma_start3A_28] : memref<4x128x128xf32, #tpu.memory_space<vmem>> -> memref<1x128x128xf32, #tpu.memory_space<vmem>>
    %dma_start3A_30 = tpu.memref_squeeze %dma_start3A_29 : memref<1x128x128xf32, #tpu.memory_space<vmem>> -> memref<128x128xf32, #tpu.memory_space<vmem>>
    %dma_start3A_31 = arith.constant 0 : i32
    %dma_start3A_32 = tpu.memref_slice %arg8[%dma_start3A, %dma_start3A_31] : memref<4x128xi32, #tpu.memory_space<vmem>> -> memref<1x128xi32, #tpu.memory_space<vmem>>
    %dma_start3A_33 = tpu.memref_squeeze %dma_start3A_32 : memref<1x128xi32, #tpu.memory_space<vmem>> -> memref<128xi32, #tpu.memory_space<vmem>>
    %dma_start3A_34 = arith.constant 0 : i32
    %dma_start3A_35 = arith.constant 0 : i32
    %dma_start3A_36 = tpu.memref_slice %arg4[%dma_start3A_34, %dma_start3A_35] : memref<16384x128xf32, #tpu.memory_space<hbm>> -> memref<16384x128xf32, #tpu.memory_space<hbm>>
    tpu.enqueue_indirect_dma source(%dma_start3A_36 : memref<16384x128xf32, #tpu.memory_space<hbm>>) target(%dma_start3A_30 : memref<128x128xf32, #tpu.memory_space<vmem>>) offsets(%dma_start3A_33 : memref<128xi32, #tpu.memory_space<vmem>>) semaphore(%arg10 : memref<!tpu.dma_semaphore, #tpu.memory_space<semaphore_mem>>)
    %dma_start3A_37 = arith.constant 1 : i32
    %dma_start3A_38 = arith.constant 1 : i32
    %dma_start3A_39 = arith.constant 0 : i32
    %dma_start3A_40 = arith.constant 0 : i32
    %dma_start3A_41 = tpu.memref_slice %arg9[%dma_start3A_38, %dma_start3A_39, %dma_start3A_40] : memref<4x128x128xf32, #tpu.memory_space<vmem>> -> memref<1x128x128xf32, #tpu.memory_space<vmem>>
    %dma_start3A_42 = tpu.memref_squeeze %dma_start3A_41 : memref<1x128x128xf32, #tpu.memory_space<vmem>> -> memref<128x128xf32, #tpu.memory_space<vmem>>
    %dma_start3A_43 = arith.constant 0 : i32
    %dma_start3A_44 = tpu.memref_slice %arg8[%dma_start3A_37, %dma_start3A_43] : memref<4x128xi32, #tpu.memory_space<vmem>> -> memref<1x128xi32, #tpu.memory_space<vmem>>
    %dma_start3A_45 = tpu.memref_squeeze %dma_start3A_44 : memref<1x128xi32, #tpu.memory_space<vmem>> -> memref<128xi32, #tpu.memory_space<vmem>>
    %dma_start3A_46 = arith.constant 0 : i32
    %dma_start3A_47 = arith.constant 0 : i32
    %dma_start3A_48 = tpu.memref_slice %arg4[%dma_start3A_46, %dma_start3A_47] : memref<16384x128xf32, #tpu.memory_space<hbm>> -> memref<16384x128xf32, #tpu.memory_space<hbm>>
    tpu.enqueue_indirect_dma source(%dma_start3A_48 : memref<16384x128xf32, #tpu.memory_space<hbm>>) target(%dma_start3A_42 : memref<128x128xf32, #tpu.memory_space<vmem>>) offsets(%dma_start3A_45 : memref<128xi32, #tpu.memory_space<vmem>>) semaphore(%arg10 : memref<!tpu.dma_semaphore, #tpu.memory_space<semaphore_mem>>)
    %dma_start3A_49 = arith.constant 2 : i32
    %dma_start3A_50 = arith.constant 2 : i32
    %dma_start3A_51 = arith.constant 0 : i32
    %dma_start3A_52 = arith.constant 0 : i32
    %dma_start3A_53 = tpu.memref_slice %arg9[%dma_start3A_50, %dma_start3A_51, %dma_start3A_52] : memref<4x128x128xf32, #tpu.memory_space<vmem>> -> memref<1x128x128xf32, #tpu.memory_space<vmem>>
    %dma_start3A_54 = tpu.memref_squeeze %dma_start3A_53 : memref<1x128x128xf32, #tpu.memory_space<vmem>> -> memref<128x128xf32, #tpu.memory_space<vmem>>
    %dma_start3A_55 = arith.constant 0 : i32
    %dma_start3A_56 = tpu.memref_slice %arg8[%dma_start3A_49, %dma_start3A_55] : memref<4x128xi32, #tpu.memory_space<vmem>> -> memref<1x128xi32, #tpu.memory_space<vmem>>
    %dma_start3A_57 = tpu.memref_squeeze %dma_start3A_56 : memref<1x128xi32, #tpu.memory_space<vmem>> -> memref<128xi32, #tpu.memory_space<vmem>>
    %dma_start3A_58 = arith.constant 0 : i32
    %dma_start3A_59 = arith.constant 0 : i32
    %dma_start3A_60 = tpu.memref_slice %arg4[%dma_start3A_58, %dma_start3A_59] : memref<16384x128xf32, #tpu.memory_space<hbm>> -> memref<16384x128xf32, #tpu.memory_space<hbm>>
    tpu.enqueue_indirect_dma source(%dma_start3A_60 : memref<16384x128xf32, #tpu.memory_space<hbm>>) target(%dma_start3A_54 : memref<128x128xf32, #tpu.memory_space<vmem>>) offsets(%dma_start3A_57 : memref<128xi32, #tpu.memory_space<vmem>>) semaphore(%arg10 : memref<!tpu.dma_semaphore, #tpu.memory_space<semaphore_mem>>)
    %dma_start3A_61 = arith.constant 3 : i32
    %dma_start3A_62 = arith.constant 3 : i32
    %dma_start3A_63 = arith.constant 0 : i32
    %dma_start3A_64 = arith.constant 0 : i32
    %dma_start3A_65 = tpu.memref_slice %arg9[%dma_start3A_62, %dma_start3A_63, %dma_start3A_64] : memref<4x128x128xf32, #tpu.memory_space<vmem>> -> memref<1x128x128xf32, #tpu.memory_space<vmem>>
    %dma_start3A_66 = tpu.memref_squeeze %dma_start3A_65 : memref<1x128x128xf32, #tpu.memory_space<vmem>> -> memref<128x128xf32, #tpu.memory_space<vmem>>
    %dma_start3A_67 = arith.constant 0 : i32
    %dma_start3A_68 = tpu.memref_slice %arg8[%dma_start3A_61, %dma_start3A_67] : memref<4x128xi32, #tpu.memory_space<vmem>> -> memref<1x128xi32, #tpu.memory_space<vmem>>
    %dma_start3A_69 = tpu.memref_squeeze %dma_start3A_68 : memref<1x128xi32, #tpu.memory_space<vmem>> -> memref<128xi32, #tpu.memory_space<vmem>>
    %dma_start3A_70 = arith.constant 0 : i32
    %dma_start3A_71 = arith.constant 0 : i32
    %dma_start3A_72 = tpu.memref_slice %arg4[%dma_start3A_70, %dma_start3A_71] : memref<16384x128xf32, #tpu.memory_space<hbm>> -> memref<16384x128xf32, #tpu.memory_space<hbm>>
    tpu.enqueue_indirect_dma source(%dma_start3A_72 : memref<16384x128xf32, #tpu.memory_space<hbm>>) target(%dma_start3A_66 : memref<128x128xf32, #tpu.memory_space<vmem>>) offsets(%dma_start3A_69 : memref<128xi32, #tpu.memory_space<vmem>>) semaphore(%arg10 : memref<!tpu.dma_semaphore, #tpu.memory_space<semaphore_mem>>)
    %dma_wait3A = arith.constant 0 : i32
    %dma_wait3A_73 = arith.constant 0 : i32
    %dma_wait3A_74 = arith.constant 0 : i32
    %dma_wait3A_75 = arith.constant 0 : i32
    %dma_wait3A_76 = tpu.memref_slice %arg9[%dma_wait3A_73, %dma_wait3A_74, %dma_wait3A_75] : memref<4x128x128xf32, #tpu.memory_space<vmem>> -> memref<1x128x128xf32, #tpu.memory_space<vmem>>
    %dma_wait3A_77 = tpu.memref_squeeze %dma_wait3A_76 : memref<1x128x128xf32, #tpu.memory_space<vmem>> -> memref<128x128xf32, #tpu.memory_space<vmem>>
    %dma_wait3A_78 = arith.constant 0 : i32
    %dma_wait3A_79 = tpu.memref_slice %arg8[%dma_wait3A, %dma_wait3A_78] : memref<4x128xi32, #tpu.memory_space<vmem>> -> memref<1x128xi32, #tpu.memory_space<vmem>>
    %dma_wait3A_80 = tpu.memref_squeeze %dma_wait3A_79 : memref<1x128xi32, #tpu.memory_space<vmem>> -> memref<128xi32, #tpu.memory_space<vmem>>
    %dma_wait3A_81 = arith.constant 0 : i32
    %dma_wait3A_82 = arith.constant 0 : i32
    %dma_wait3A_83 = tpu.memref_slice %arg4[%dma_wait3A_81, %dma_wait3A_82] : memref<16384x128xf32, #tpu.memory_space<hbm>> -> memref<16384x128xf32, #tpu.memory_space<hbm>>
    tpu.wait_indirect_dma semaphore(%arg10 : memref<!tpu.dma_semaphore, #tpu.memory_space<semaphore_mem>>) src(%dma_wait3A_83 : memref<16384x128xf32, #tpu.memory_space<hbm>>) dst(%dma_wait3A_77 : memref<128x128xf32, #tpu.memory_space<vmem>>)
    %dma_start3A_84 = arith.constant 0 : i32
    %dma_start3A_85 = arith.constant 0 : i32
    %dma_start3A_86 = arith.constant 0 : i32
    %dma_start3A_87 = arith.constant 0 : i32
    %dma_start3A_88 = tpu.memref_slice %arg9[%dma_start3A_84, %dma_start3A_86, %dma_start3A_87] : memref<4x128x128xf32, #tpu.memory_space<vmem>> -> memref<1x128x128xf32, #tpu.memory_space<vmem>>
    %dma_start3A_89 = tpu.memref_squeeze %dma_start3A_88 : memref<1x128x128xf32, #tpu.memory_space<vmem>> -> memref<128x128xf32, #tpu.memory_space<vmem>>
    %dma_start3A_90 = arith.constant 0 : i32
    %dma_start3A_91 = tpu.memref_slice %arg7[%dma_start3A_85, %dma_start3A_90] : memref<4x128xi32, #tpu.memory_space<vmem>> -> memref<1x128xi32, #tpu.memory_space<vmem>>
    %dma_start3A_92 = tpu.memref_squeeze %dma_start3A_91 : memref<1x128xi32, #tpu.memory_space<vmem>> -> memref<128xi32, #tpu.memory_space<vmem>>
    %dma_start3A_93 = arith.constant 0 : i32
    %dma_start3A_94 = arith.constant 0 : i32
    %dma_start3A_95 = tpu.memref_slice %arg5[%dma_start3A_93, %dma_start3A_94] : memref<100000x128xf32, #tpu.memory_space<hbm>> -> memref<100000x128xf32, #tpu.memory_space<hbm>>
    tpu.enqueue_indirect_dma source(%dma_start3A_89 : memref<128x128xf32, #tpu.memory_space<vmem>>) target(%dma_start3A_95 : memref<100000x128xf32, #tpu.memory_space<hbm>>) offsets(%dma_start3A_92 : memref<128xi32, #tpu.memory_space<vmem>>) semaphore(%arg11 : memref<!tpu.dma_semaphore, #tpu.memory_space<semaphore_mem>>)
    %dma_wait3A_96 = arith.constant 1 : i32
    %dma_wait3A_97 = arith.constant 1 : i32
    %dma_wait3A_98 = arith.constant 0 : i32
    %dma_wait3A_99 = arith.constant 0 : i32
    %dma_wait3A_100 = tpu.memref_slice %arg9[%dma_wait3A_97, %dma_wait3A_98, %dma_wait3A_99] : memref<4x128x128xf32, #tpu.memory_space<vmem>> -> memref<1x128x128xf32, #tpu.memory_space<vmem>>
    %dma_wait3A_101 = tpu.memref_squeeze %dma_wait3A_100 : memref<1x128x128xf32, #tpu.memory_space<vmem>> -> memref<128x128xf32, #tpu.memory_space<vmem>>
    %dma_wait3A_102 = arith.constant 0 : i32
    %dma_wait3A_103 = tpu.memref_slice %arg8[%dma_wait3A_96, %dma_wait3A_102] : memref<4x128xi32, #tpu.memory_space<vmem>> -> memref<1x128xi32, #tpu.memory_space<vmem>>
    %dma_wait3A_104 = tpu.memref_squeeze %dma_wait3A_103 : memref<1x128xi32, #tpu.memory_space<vmem>> -> memref<128xi32, #tpu.memory_space<vmem>>
    %dma_wait3A_105 = arith.constant 0 : i32
    %dma_wait3A_106 = arith.constant 0 : i32
    %dma_wait3A_107 = tpu.memref_slice %arg4[%dma_wait3A_105, %dma_wait3A_106] : memref<16384x128xf32, #tpu.memory_space<hbm>> -> memref<16384x128xf32, #tpu.memory_space<hbm>>
    tpu.wait_indirect_dma semaphore(%arg10 : memref<!tpu.dma_semaphore, #tpu.memory_space<semaphore_mem>>) src(%dma_wait3A_107 : memref<16384x128xf32, #tpu.memory_space<hbm>>) dst(%dma_wait3A_101 : memref<128x128xf32, #tpu.memory_space<vmem>>)
    %dma_start3A_108 = arith.constant 1 : i32
    %dma_start3A_109 = arith.constant 1 : i32
    %dma_start3A_110 = arith.constant 0 : i32
    %dma_start3A_111 = arith.constant 0 : i32
    %dma_start3A_112 = tpu.memref_slice %arg9[%dma_start3A_108, %dma_start3A_110, %dma_start3A_111] : memref<4x128x128xf32, #tpu.memory_space<vmem>> -> memref<1x128x128xf32, #tpu.memory_space<vmem>>
    %dma_start3A_113 = tpu.memref_squeeze %dma_start3A_112 : memref<1x128x128xf32, #tpu.memory_space<vmem>> -> memref<128x128xf32, #tpu.memory_space<vmem>>
    %dma_start3A_114 = arith.constant 0 : i32
    %dma_start3A_115 = tpu.memref_slice %arg7[%dma_start3A_109, %dma_start3A_114] : memref<4x128xi32, #tpu.memory_space<vmem>> -> memref<1x128xi32, #tpu.memory_space<vmem>>
    %dma_start3A_116 = tpu.memref_squeeze %dma_start3A_115 : memref<1x128xi32, #tpu.memory_space<vmem>> -> memref<128xi32, #tpu.memory_space<vmem>>
    %dma_start3A_117 = arith.constant 0 : i32
    %dma_start3A_118 = arith.constant 0 : i32
    %dma_start3A_119 = tpu.memref_slice %arg5[%dma_start3A_117, %dma_start3A_118] : memref<100000x128xf32, #tpu.memory_space<hbm>> -> memref<100000x128xf32, #tpu.memory_space<hbm>>
    tpu.enqueue_indirect_dma source(%dma_start3A_113 : memref<128x128xf32, #tpu.memory_space<vmem>>) target(%dma_start3A_119 : memref<100000x128xf32, #tpu.memory_space<hbm>>) offsets(%dma_start3A_116 : memref<128xi32, #tpu.memory_space<vmem>>) semaphore(%arg11 : memref<!tpu.dma_semaphore, #tpu.memory_space<semaphore_mem>>)
    %dma_wait3A_120 = arith.constant 2 : i32
    %dma_wait3A_121 = arith.constant 2 : i32
    %dma_wait3A_122 = arith.constant 0 : i32
    %dma_wait3A_123 = arith.constant 0 : i32
    %dma_wait3A_124 = tpu.memref_slice %arg9[%dma_wait3A_121, %dma_wait3A_122, %dma_wait3A_123] : memref<4x128x128xf32, #tpu.memory_space<vmem>> -> memref<1x128x128xf32, #tpu.memory_space<vmem>>
    %dma_wait3A_125 = tpu.memref_squeeze %dma_wait3A_124 : memref<1x128x128xf32, #tpu.memory_space<vmem>> -> memref<128x128xf32, #tpu.memory_space<vmem>>
    %dma_wait3A_126 = arith.constant 0 : i32
    %dma_wait3A_127 = tpu.memref_slice %arg8[%dma_wait3A_120, %dma_wait3A_126] : memref<4x128xi32, #tpu.memory_space<vmem>> -> memref<1x128xi32, #tpu.memory_space<vmem>>
    %dma_wait3A_128 = tpu.memref_squeeze %dma_wait3A_127 : memref<1x128xi32, #tpu.memory_space<vmem>> -> memref<128xi32, #tpu.memory_space<vmem>>
    %dma_wait3A_129 = arith.constant 0 : i32
    %dma_wait3A_130 = arith.constant 0 : i32
    %dma_wait3A_131 = tpu.memref_slice %arg4[%dma_wait3A_129, %dma_wait3A_130] : memref<16384x128xf32, #tpu.memory_space<hbm>> -> memref<16384x128xf32, #tpu.memory_space<hbm>>
    tpu.wait_indirect_dma semaphore(%arg10 : memref<!tpu.dma_semaphore, #tpu.memory_space<semaphore_mem>>) src(%dma_wait3A_131 : memref<16384x128xf32, #tpu.memory_space<hbm>>) dst(%dma_wait3A_125 : memref<128x128xf32, #tpu.memory_space<vmem>>)
    %dma_start3A_132 = arith.constant 2 : i32
    %dma_start3A_133 = arith.constant 2 : i32
    %dma_start3A_134 = arith.constant 0 : i32
    %dma_start3A_135 = arith.constant 0 : i32
    %dma_start3A_136 = tpu.memref_slice %arg9[%dma_start3A_132, %dma_start3A_134, %dma_start3A_135] : memref<4x128x128xf32, #tpu.memory_space<vmem>> -> memref<1x128x128xf32, #tpu.memory_space<vmem>>
    %dma_start3A_137 = tpu.memref_squeeze %dma_start3A_136 : memref<1x128x128xf32, #tpu.memory_space<vmem>> -> memref<128x128xf32, #tpu.memory_space<vmem>>
    %dma_start3A_138 = arith.constant 0 : i32
    %dma_start3A_139 = tpu.memref_slice %arg7[%dma_start3A_133, %dma_start3A_138] : memref<4x128xi32, #tpu.memory_space<vmem>> -> memref<1x128xi32, #tpu.memory_space<vmem>>
    %dma_start3A_140 = tpu.memref_squeeze %dma_start3A_139 : memref<1x128xi32, #tpu.memory_space<vmem>> -> memref<128xi32, #tpu.memory_space<vmem>>
    %dma_start3A_141 = arith.constant 0 : i32
    %dma_start3A_142 = arith.constant 0 : i32
    %dma_start3A_143 = tpu.memref_slice %arg5[%dma_start3A_141, %dma_start3A_142] : memref<100000x128xf32, #tpu.memory_space<hbm>> -> memref<100000x128xf32, #tpu.memory_space<hbm>>
    tpu.enqueue_indirect_dma source(%dma_start3A_137 : memref<128x128xf32, #tpu.memory_space<vmem>>) target(%dma_start3A_143 : memref<100000x128xf32, #tpu.memory_space<hbm>>) offsets(%dma_start3A_140 : memref<128xi32, #tpu.memory_space<vmem>>) semaphore(%arg11 : memref<!tpu.dma_semaphore, #tpu.memory_space<semaphore_mem>>)
    %dma_wait3A_144 = arith.constant 3 : i32
    %dma_wait3A_145 = arith.constant 3 : i32
    %dma_wait3A_146 = arith.constant 0 : i32
    %dma_wait3A_147 = arith.constant 0 : i32
    %dma_wait3A_148 = tpu.memref_slice %arg9[%dma_wait3A_145, %dma_wait3A_146, %dma_wait3A_147] : memref<4x128x128xf32, #tpu.memory_space<vmem>> -> memref<1x128x128xf32, #tpu.memory_space<vmem>>
    %dma_wait3A_149 = tpu.memref_squeeze %dma_wait3A_148 : memref<1x128x128xf32, #tpu.memory_space<vmem>> -> memref<128x128xf32, #tpu.memory_space<vmem>>
    %dma_wait3A_150 = arith.constant 0 : i32
    %dma_wait3A_151 = tpu.memref_slice %arg8[%dma_wait3A_144, %dma_wait3A_150] : memref<4x128xi32, #tpu.memory_space<vmem>> -> memref<1x128xi32, #tpu.memory_space<vmem>>
    %dma_wait3A_152 = tpu.memref_squeeze %dma_wait3A_151 : memref<1x128xi32, #tpu.memory_space<vmem>> -> memref<128xi32, #tpu.memory_space<vmem>>
    %dma_wait3A_153 = arith.constant 0 : i32
    %dma_wait3A_154 = arith.constant 0 : i32
    %dma_wait3A_155 = tpu.memref_slice %arg4[%dma_wait3A_153, %dma_wait3A_154] : memref<16384x128xf32, #tpu.memory_space<hbm>> -> memref<16384x128xf32, #tpu.memory_space<hbm>>
    tpu.wait_indirect_dma semaphore(%arg10 : memref<!tpu.dma_semaphore, #tpu.memory_space<semaphore_mem>>) src(%dma_wait3A_155 : memref<16384x128xf32, #tpu.memory_space<hbm>>) dst(%dma_wait3A_149 : memref<128x128xf32, #tpu.memory_space<vmem>>)
    %dma_start3A_156 = arith.constant 3 : i32
    %dma_start3A_157 = arith.constant 3 : i32
    %dma_start3A_158 = arith.constant 0 : i32
    %dma_start3A_159 = arith.constant 0 : i32
    %dma_start3A_160 = tpu.memref_slice %arg9[%dma_start3A_156, %dma_start3A_158, %dma_start3A_159] : memref<4x128x128xf32, #tpu.memory_space<vmem>> -> memref<1x128x128xf32, #tpu.memory_space<vmem>>
    %dma_start3A_161 = tpu.memref_squeeze %dma_start3A_160 : memref<1x128x128xf32, #tpu.memory_space<vmem>> -> memref<128x128xf32, #tpu.memory_space<vmem>>
    %dma_start3A_162 = arith.constant 0 : i32
    %dma_start3A_163 = tpu.memref_slice %arg7[%dma_start3A_157, %dma_start3A_162] : memref<4x128xi32, #tpu.memory_space<vmem>> -> memref<1x128xi32, #tpu.memory_space<vmem>>
    %dma_start3A_164 = tpu.memref_squeeze %dma_start3A_163 : memref<1x128xi32, #tpu.memory_space<vmem>> -> memref<128xi32, #tpu.memory_space<vmem>>
    %dma_start3A_165 = arith.constant 0 : i32
    %dma_start3A_166 = arith.constant 0 : i32
    %dma_start3A_167 = tpu.memref_slice %arg5[%dma_start3A_165, %dma_start3A_166] : memref<100000x128xf32, #tpu.memory_space<hbm>> -> memref<100000x128xf32, #tpu.memory_space<hbm>>
    tpu.enqueue_indirect_dma source(%dma_start3A_161 : memref<128x128xf32, #tpu.memory_space<vmem>>) target(%dma_start3A_167 : memref<100000x128xf32, #tpu.memory_space<hbm>>) offsets(%dma_start3A_164 : memref<128xi32, #tpu.memory_space<vmem>>) semaphore(%arg11 : memref<!tpu.dma_semaphore, #tpu.memory_space<semaphore_mem>>)
    %dma_wait3A_168 = arith.constant 0 : i32
    %dma_wait3A_169 = arith.constant 0 : i32
    %dma_wait3A_170 = arith.constant 0 : i32
    %dma_wait3A_171 = arith.constant 0 : i32
    %dma_wait3A_172 = tpu.memref_slice %arg9[%dma_wait3A_168, %dma_wait3A_170, %dma_wait3A_171] : memref<4x128x128xf32, #tpu.memory_space<vmem>> -> memref<1x128x128xf32, #tpu.memory_space<vmem>>
    %dma_wait3A_173 = tpu.memref_squeeze %dma_wait3A_172 : memref<1x128x128xf32, #tpu.memory_space<vmem>> -> memref<128x128xf32, #tpu.memory_space<vmem>>
    %dma_wait3A_174 = arith.constant 0 : i32
    %dma_wait3A_175 = tpu.memref_slice %arg7[%dma_wait3A_169, %dma_wait3A_174] : memref<4x128xi32, #tpu.memory_space<vmem>> -> memref<1x128xi32, #tpu.memory_space<vmem>>
    %dma_wait3A_176 = tpu.memref_squeeze %dma_wait3A_175 : memref<1x128xi32, #tpu.memory_space<vmem>> -> memref<128xi32, #tpu.memory_space<vmem>>
    %dma_wait3A_177 = arith.constant 0 : i32
    %dma_wait3A_178 = arith.constant 0 : i32
    %dma_wait3A_179 = tpu.memref_slice %arg5[%dma_wait3A_177, %dma_wait3A_178] : memref<100000x128xf32, #tpu.memory_space<hbm>> -> memref<100000x128xf32, #tpu.memory_space<hbm>>
    tpu.wait_indirect_dma semaphore(%arg11 : memref<!tpu.dma_semaphore, #tpu.memory_space<semaphore_mem>>) src(%dma_wait3A_173 : memref<128x128xf32, #tpu.memory_space<vmem>>) dst(%dma_wait3A_179 : memref<100000x128xf32, #tpu.memory_space<hbm>>)
    %dma_wait3A_180 = arith.constant 1 : i32
    %dma_wait3A_181 = arith.constant 1 : i32
    %dma_wait3A_182 = arith.constant 0 : i32
    %dma_wait3A_183 = arith.constant 0 : i32
    %dma_wait3A_184 = tpu.memref_slice %arg9[%dma_wait3A_180, %dma_wait3A_182, %dma_wait3A_183] : memref<4x128x128xf32, #tpu.memory_space<vmem>> -> memref<1x128x128xf32, #tpu.memory_space<vmem>>
    %dma_wait3A_185 = tpu.memref_squeeze %dma_wait3A_184 : memref<1x128x128xf32, #tpu.memory_space<vmem>> -> memref<128x128xf32, #tpu.memory_space<vmem>>
    %dma_wait3A_186 = arith.constant 0 : i32
    %dma_wait3A_187 = tpu.memref_slice %arg7[%dma_wait3A_181, %dma_wait3A_186] : memref<4x128xi32, #tpu.memory_space<vmem>> -> memref<1x128xi32, #tpu.memory_space<vmem>>
    %dma_wait3A_188 = tpu.memref_squeeze %dma_wait3A_187 : memref<1x128xi32, #tpu.memory_space<vmem>> -> memref<128xi32, #tpu.memory_space<vmem>>
    %dma_wait3A_189 = arith.constant 0 : i32
    %dma_wait3A_190 = arith.constant 0 : i32
    %dma_wait3A_191 = tpu.memref_slice %arg5[%dma_wait3A_189, %dma_wait3A_190] : memref<100000x128xf32, #tpu.memory_space<hbm>> -> memref<100000x128xf32, #tpu.memory_space<hbm>>
    tpu.wait_indirect_dma semaphore(%arg11 : memref<!tpu.dma_semaphore, #tpu.memory_space<semaphore_mem>>) src(%dma_wait3A_185 : memref<128x128xf32, #tpu.memory_space<vmem>>) dst(%dma_wait3A_191 : memref<100000x128xf32, #tpu.memory_space<hbm>>)
    %dma_wait3A_192 = arith.constant 2 : i32
    %dma_wait3A_193 = arith.constant 2 : i32
    %dma_wait3A_194 = arith.constant 0 : i32
    %dma_wait3A_195 = arith.constant 0 : i32
    %dma_wait3A_196 = tpu.memref_slice %arg9[%dma_wait3A_192, %dma_wait3A_194, %dma_wait3A_195] : memref<4x128x128xf32, #tpu.memory_space<vmem>> -> memref<1x128x128xf32, #tpu.memory_space<vmem>>
    %dma_wait3A_197 = tpu.memref_squeeze %dma_wait3A_196 : memref<1x128x128xf32, #tpu.memory_space<vmem>> -> memref<128x128xf32, #tpu.memory_space<vmem>>
    %dma_wait3A_198 = arith.constant 0 : i32
    %dma_wait3A_199 = tpu.memref_slice %arg7[%dma_wait3A_193, %dma_wait3A_198] : memref<4x128xi32, #tpu.memory_space<vmem>> -> memref<1x128xi32, #tpu.memory_space<vmem>>
    %dma_wait3A_200 = tpu.memref_squeeze %dma_wait3A_199 : memref<1x128xi32, #tpu.memory_space<vmem>> -> memref<128xi32, #tpu.memory_space<vmem>>
    %dma_wait3A_201 = arith.constant 0 : i32
    %dma_wait3A_202 = arith.constant 0 : i32
    %dma_wait3A_203 = tpu.memref_slice %arg5[%dma_wait3A_201, %dma_wait3A_202] : memref<100000x128xf32, #tpu.memory_space<hbm>> -> memref<100000x128xf32, #tpu.memory_space<hbm>>
    tpu.wait_indirect_dma semaphore(%arg11 : memref<!tpu.dma_semaphore, #tpu.memory_space<semaphore_mem>>) src(%dma_wait3A_197 : memref<128x128xf32, #tpu.memory_space<vmem>>) dst(%dma_wait3A_203 : memref<100000x128xf32, #tpu.memory_space<hbm>>)
    %dma_wait3A_204 = arith.constant 3 : i32
    %dma_wait3A_205 = arith.constant 3 : i32
    %dma_wait3A_206 = arith.constant 0 : i32
    %dma_wait3A_207 = arith.constant 0 : i32
    %dma_wait3A_208 = tpu.memref_slice %arg9[%dma_wait3A_204, %dma_wait3A_206, %dma_wait3A_207] : memref<4x128x128xf32, #tpu.memory_space<vmem>> -> memref<1x128x128xf32, #tpu.memory_space<vmem>>
    %dma_wait3A_209 = tpu.memref_squeeze %dma_wait3A_208 : memref<1x128x128xf32, #tpu.memory_space<vmem>> -> memref<128x128xf32, #tpu.memory_space<vmem>>
    %dma_wait3A_210 = arith.constant 0 : i32
    %dma_wait3A_211 = tpu.memref_slice %arg7[%dma_wait3A_205, %dma_wait3A_210] : memref<4x128xi32, #tpu.memory_space<vmem>> -> memref<1x128xi32, #tpu.memory_space<vmem>>
    %dma_wait3A_212 = tpu.memref_squeeze %dma_wait3A_211 : memref<1x128xi32, #tpu.memory_space<vmem>> -> memref<128xi32, #tpu.memory_space<vmem>>
    %dma_wait3A_213 = arith.constant 0 : i32
    %dma_wait3A_214 = arith.constant 0 : i32
    %dma_wait3A_215 = tpu.memref_slice %arg5[%dma_wait3A_213, %dma_wait3A_214] : memref<100000x128xf32, #tpu.memory_space<hbm>> -> memref<100000x128xf32, #tpu.memory_space<hbm>>
    tpu.wait_indirect_dma semaphore(%arg11 : memref<!tpu.dma_semaphore, #tpu.memory_space<semaphore_mem>>) src(%dma_wait3A_209 : memref<128x128xf32, #tpu.memory_space<vmem>>) dst(%dma_wait3A_215 : memref<100000x128xf32, #tpu.memory_space<hbm>>)
    return
  }
}

#map = affine_map<(d0, d1) -> (0)>
#map1 = affine_map<(d0, d1) -> (0, 0)>
module attributes {stable_mosaic.version = 14 : i64} {
  func.func @new_body(%arg0: i32, %arg1: i32, %arg2: memref<16384xi32, #tpu.memory_space<hbm>>, %arg3: memref<16384xi32, #tpu.memory_space<hbm>>, %arg4: memref<16384x128xf32, #tpu.memory_space<hbm>>, %arg5: memref<100000x128xf32, #tpu.memory_space<hbm>>, %arg6: memref<100000x128xf32, #tpu.memory_space<hbm>>, %arg7: memref<4x128xi32, #tpu.memory_space<vmem>>, %arg8: memref<4x128xi32, #tpu.memory_space<vmem>>, %arg9: memref<4x128x128xf32, #tpu.memory_space<vmem>>, %arg10: memref<!tpu.dma_semaphore, #tpu.memory_space<semaphore_mem>>, %arg11: memref<!tpu.dma_semaphore, #tpu.memory_space<semaphore_mem>>) attributes {dimension_semantics = [#tpu.dimension_semantics<core_parallel>, #tpu.dimension_semantics<subcore_parallel>], iteration_bounds = array<i64: 2, 16>, scalar_prefetch = 0 : i64, scratch_operands = 5 : i64, tpu.core_type = #tpu.core_type<sc_vector_subcore>, window_params = [{transform_indices = #map}, {transform_indices = #map}, {transform_indices = #map1}, {transform_indices = #map1}, {transform_indices = #map1}]} {
    %mul3A = arith.constant 2 : i32
    %mul3A_0 = arith.muli %arg1, %mul3A : i32
    %add3A = arith.addi %mul3A_0, %arg0 : i32
    %mul3A_1 = arith.constant 512 : i32
    %mul3A_2 = arith.muli %add3A, %mul3A_1 : i32
    %add3A_3 = arith.constant 0 : i32
    %add3A_4 = arith.addi %mul3A_2, %add3A_3 : i32
    %run_scoped3A = arith.constant 0 : i32
    "tpu.region"() ({
      %run_scoped3A_216 = tpu.sem_alloc : memref<!tpu.dma_semaphore, #tpu.memory_space<semaphore_mem>>
      %dma_start3A_217 = arith.constant 0 : i32
      %dma_start3A_218 = tpu.memref_slice %arg7[%run_scoped3A, %dma_start3A_217] : memref<4x128xi32, #tpu.memory_space<vmem>> -> memref<1x128xi32, #tpu.memory_space<vmem>>
      %dma_start3A_219 = tpu.memref_squeeze %dma_start3A_218 : memref<1x128xi32, #tpu.memory_space<vmem>> -> memref<128xi32, #tpu.memory_space<vmem>>
      %dma_start3A_220 = tpu.memref_slice %arg2[%add3A_4] : memref<16384xi32, #tpu.memory_space<hbm>> -> memref<128xi32, #tpu.memory_space<hbm>>
      %dma_start3A_221 = arith.constant 0 : i32
      %dma_start3A_222 = tpu.memref_slice %arg7[%run_scoped3A, %dma_start3A_221] : memref<4x128xi32, #tpu.memory_space<vmem>> -> memref<1x128xi32, #tpu.memory_space<vmem>>
      %dma_start3A_223 = tpu.memref_squeeze %dma_start3A_222 : memref<1x128xi32, #tpu.memory_space<vmem>> -> memref<128xi32, #tpu.memory_space<vmem>>
      %dma_start3A_224 = tpu.memref_slice %arg2[%add3A_4] : memref<16384xi32, #tpu.memory_space<hbm>> -> memref<128xi32, #tpu.memory_space<hbm>>
      tpu.enqueue_dma source(%dma_start3A_224 : memref<128xi32, #tpu.memory_space<hbm>>) target(%dma_start3A_223 : memref<128xi32, #tpu.memory_space<vmem>>) target_semaphore(%run_scoped3A_216 : memref<!tpu.dma_semaphore, #tpu.memory_space<semaphore_mem>>)
      %dma_wait3A_225 = arith.constant 0 : i32
      %dma_wait3A_226 = tpu.memref_slice %arg7[%run_scoped3A, %dma_wait3A_225] : memref<4x128xi32, #tpu.memory_space<vmem>> -> memref<1x128xi32, #tpu.memory_space<vmem>>
      %dma_wait3A_227 = tpu.memref_squeeze %dma_wait3A_226 : memref<1x128xi32, #tpu.memory_space<vmem>> -> memref<128xi32, #tpu.memory_space<vmem>>
      %dma_wait3A_228 = tpu.memref_slice %arg2[%add3A_4] : memref<16384xi32, #tpu.memory_space<hbm>> -> memref<128xi32, #tpu.memory_space<hbm>>
      %dma_wait3A_229 = arith.constant 0 : i32
      %dma_wait3A_230 = tpu.memref_slice %arg7[%run_scoped3A, %dma_wait3A_229] : memref<4x128xi32, #tpu.memory_space<vmem>> -> memref<1x128xi32, #tpu.memory_space<vmem>>
      %dma_wait3A_231 = tpu.memref_squeeze %dma_wait3A_230 : memref<1x128xi32, #tpu.memory_space<vmem>> -> memref<128xi32, #tpu.memory_space<vmem>>
      %dma_wait3A_232 = tpu.memref_slice %arg2[%add3A_4] : memref<16384xi32, #tpu.memory_space<hbm>> -> memref<128xi32, #tpu.memory_space<hbm>>
      tpu.wait_dma2 semaphore(%run_scoped3A_216 : memref<!tpu.dma_semaphore, #tpu.memory_space<semaphore_mem>>) src(%dma_wait3A_232 : memref<128xi32, #tpu.memory_space<hbm>>) dst(%dma_wait3A_231 : memref<128xi32, #tpu.memory_space<vmem>>)
      tpu.yield
    }) : () -> ()
    %add3A_5 = arith.constant 0 : i32
    %add3A_6 = arith.addi %mul3A_2, %add3A_5 : i32
    %run_scoped3A_7 = arith.constant 0 : i32
    "tpu.region"() ({
      %run_scoped3A_216 = tpu.sem_alloc : memref<!tpu.dma_semaphore, #tpu.memory_space<semaphore_mem>>
      %dma_start3A_217 = arith.constant 0 : i32
      %dma_start3A_218 = tpu.memref_slice %arg8[%run_scoped3A_7, %dma_start3A_217] : memref<4x128xi32, #tpu.memory_space<vmem>> -> memref<1x128xi32, #tpu.memory_space<vmem>>
      %dma_start3A_219 = tpu.memref_squeeze %dma_start3A_218 : memref<1x128xi32, #tpu.memory_space<vmem>> -> memref<128xi32, #tpu.memory_space<vmem>>
      %dma_start3A_220 = tpu.memref_slice %arg3[%add3A_6] : memref<16384xi32, #tpu.memory_space<hbm>> -> memref<128xi32, #tpu.memory_space<hbm>>
      %dma_start3A_221 = arith.constant 0 : i32
      %dma_start3A_222 = tpu.memref_slice %arg8[%run_scoped3A_7, %dma_start3A_221] : memref<4x128xi32, #tpu.memory_space<vmem>> -> memref<1x128xi32, #tpu.memory_space<vmem>>
      %dma_start3A_223 = tpu.memref_squeeze %dma_start3A_222 : memref<1x128xi32, #tpu.memory_space<vmem>> -> memref<128xi32, #tpu.memory_space<vmem>>
      %dma_start3A_224 = tpu.memref_slice %arg3[%add3A_6] : memref<16384xi32, #tpu.memory_space<hbm>> -> memref<128xi32, #tpu.memory_space<hbm>>
      tpu.enqueue_dma source(%dma_start3A_224 : memref<128xi32, #tpu.memory_space<hbm>>) target(%dma_start3A_223 : memref<128xi32, #tpu.memory_space<vmem>>) target_semaphore(%run_scoped3A_216 : memref<!tpu.dma_semaphore, #tpu.memory_space<semaphore_mem>>)
      %dma_wait3A_225 = arith.constant 0 : i32
      %dma_wait3A_226 = tpu.memref_slice %arg8[%run_scoped3A_7, %dma_wait3A_225] : memref<4x128xi32, #tpu.memory_space<vmem>> -> memref<1x128xi32, #tpu.memory_space<vmem>>
      %dma_wait3A_227 = tpu.memref_squeeze %dma_wait3A_226 : memref<1x128xi32, #tpu.memory_space<vmem>> -> memref<128xi32, #tpu.memory_space<vmem>>
      %dma_wait3A_228 = tpu.memref_slice %arg3[%add3A_6] : memref<16384xi32, #tpu.memory_space<hbm>> -> memref<128xi32, #tpu.memory_space<hbm>>
      %dma_wait3A_229 = arith.constant 0 : i32
      %dma_wait3A_230 = tpu.memref_slice %arg8[%run_scoped3A_7, %dma_wait3A_229] : memref<4x128xi32, #tpu.memory_space<vmem>> -> memref<1x128xi32, #tpu.memory_space<vmem>>
      %dma_wait3A_231 = tpu.memref_squeeze %dma_wait3A_230 : memref<1x128xi32, #tpu.memory_space<vmem>> -> memref<128xi32, #tpu.memory_space<vmem>>
      %dma_wait3A_232 = tpu.memref_slice %arg3[%add3A_6] : memref<16384xi32, #tpu.memory_space<hbm>> -> memref<128xi32, #tpu.memory_space<hbm>>
      tpu.wait_dma2 semaphore(%run_scoped3A_216 : memref<!tpu.dma_semaphore, #tpu.memory_space<semaphore_mem>>) src(%dma_wait3A_232 : memref<128xi32, #tpu.memory_space<hbm>>) dst(%dma_wait3A_231 : memref<128xi32, #tpu.memory_space<vmem>>)
      tpu.yield
    }) : () -> ()
    %add3A_8 = arith.constant 128 : i32
    %add3A_9 = arith.addi %mul3A_2, %add3A_8 : i32
    %run_scoped3A_10 = arith.constant 1 : i32
    "tpu.region"() ({
      %run_scoped3A_216 = tpu.sem_alloc : memref<!tpu.dma_semaphore, #tpu.memory_space<semaphore_mem>>
      %dma_start3A_217 = arith.constant 0 : i32
      %dma_start3A_218 = tpu.memref_slice %arg7[%run_scoped3A_10, %dma_start3A_217] : memref<4x128xi32, #tpu.memory_space<vmem>> -> memref<1x128xi32, #tpu.memory_space<vmem>>
      %dma_start3A_219 = tpu.memref_squeeze %dma_start3A_218 : memref<1x128xi32, #tpu.memory_space<vmem>> -> memref<128xi32, #tpu.memory_space<vmem>>
      %dma_start3A_220 = tpu.memref_slice %arg2[%add3A_9] : memref<16384xi32, #tpu.memory_space<hbm>> -> memref<128xi32, #tpu.memory_space<hbm>>
      %dma_start3A_221 = arith.constant 0 : i32
      %dma_start3A_222 = tpu.memref_slice %arg7[%run_scoped3A_10, %dma_start3A_221] : memref<4x128xi32, #tpu.memory_space<vmem>> -> memref<1x128xi32, #tpu.memory_space<vmem>>
      %dma_start3A_223 = tpu.memref_squeeze %dma_start3A_222 : memref<1x128xi32, #tpu.memory_space<vmem>> -> memref<128xi32, #tpu.memory_space<vmem>>
      %dma_start3A_224 = tpu.memref_slice %arg2[%add3A_9] : memref<16384xi32, #tpu.memory_space<hbm>> -> memref<128xi32, #tpu.memory_space<hbm>>
      tpu.enqueue_dma source(%dma_start3A_224 : memref<128xi32, #tpu.memory_space<hbm>>) target(%dma_start3A_223 : memref<128xi32, #tpu.memory_space<vmem>>) target_semaphore(%run_scoped3A_216 : memref<!tpu.dma_semaphore, #tpu.memory_space<semaphore_mem>>)
      %dma_wait3A_225 = arith.constant 0 : i32
      %dma_wait3A_226 = tpu.memref_slice %arg7[%run_scoped3A_10, %dma_wait3A_225] : memref<4x128xi32, #tpu.memory_space<vmem>> -> memref<1x128xi32, #tpu.memory_space<vmem>>
      %dma_wait3A_227 = tpu.memref_squeeze %dma_wait3A_226 : memref<1x128xi32, #tpu.memory_space<vmem>> -> memref<128xi32, #tpu.memory_space<vmem>>
      %dma_wait3A_228 = tpu.memref_slice %arg2[%add3A_9] : memref<16384xi32, #tpu.memory_space<hbm>> -> memref<128xi32, #tpu.memory_space<hbm>>
      %dma_wait3A_229 = arith.constant 0 : i32
      %dma_wait3A_230 = tpu.memref_slice %arg7[%run_scoped3A_10, %dma_wait3A_229] : memref<4x128xi32, #tpu.memory_space<vmem>> -> memref<1x128xi32, #tpu.memory_space<vmem>>
      %dma_wait3A_231 = tpu.memref_squeeze %dma_wait3A_230 : memref<1x128xi32, #tpu.memory_space<vmem>> -> memref<128xi32, #tpu.memory_space<vmem>>
      %dma_wait3A_232 = tpu.memref_slice %arg2[%add3A_9] : memref<16384xi32, #tpu.memory_space<hbm>> -> memref<128xi32, #tpu.memory_space<hbm>>
      tpu.wait_dma2 semaphore(%run_scoped3A_216 : memref<!tpu.dma_semaphore, #tpu.memory_space<semaphore_mem>>) src(%dma_wait3A_232 : memref<128xi32, #tpu.memory_space<hbm>>) dst(%dma_wait3A_231 : memref<128xi32, #tpu.memory_space<vmem>>)
      tpu.yield
    }) : () -> ()
    %add3A_11 = arith.constant 128 : i32
    %add3A_12 = arith.addi %mul3A_2, %add3A_11 : i32
    %run_scoped3A_13 = arith.constant 1 : i32
    "tpu.region"() ({
      %run_scoped3A_216 = tpu.sem_alloc : memref<!tpu.dma_semaphore, #tpu.memory_space<semaphore_mem>>
      %dma_start3A_217 = arith.constant 0 : i32
      %dma_start3A_218 = tpu.memref_slice %arg8[%run_scoped3A_13, %dma_start3A_217] : memref<4x128xi32, #tpu.memory_space<vmem>> -> memref<1x128xi32, #tpu.memory_space<vmem>>
      %dma_start3A_219 = tpu.memref_squeeze %dma_start3A_218 : memref<1x128xi32, #tpu.memory_space<vmem>> -> memref<128xi32, #tpu.memory_space<vmem>>
      %dma_start3A_220 = tpu.memref_slice %arg3[%add3A_12] : memref<16384xi32, #tpu.memory_space<hbm>> -> memref<128xi32, #tpu.memory_space<hbm>>
      %dma_start3A_221 = arith.constant 0 : i32
      %dma_start3A_222 = tpu.memref_slice %arg8[%run_scoped3A_13, %dma_start3A_221] : memref<4x128xi32, #tpu.memory_space<vmem>> -> memref<1x128xi32, #tpu.memory_space<vmem>>
      %dma_start3A_223 = tpu.memref_squeeze %dma_start3A_222 : memref<1x128xi32, #tpu.memory_space<vmem>> -> memref<128xi32, #tpu.memory_space<vmem>>
      %dma_start3A_224 = tpu.memref_slice %arg3[%add3A_12] : memref<16384xi32, #tpu.memory_space<hbm>> -> memref<128xi32, #tpu.memory_space<hbm>>
      tpu.enqueue_dma source(%dma_start3A_224 : memref<128xi32, #tpu.memory_space<hbm>>) target(%dma_start3A_223 : memref<128xi32, #tpu.memory_space<vmem>>) target_semaphore(%run_scoped3A_216 : memref<!tpu.dma_semaphore, #tpu.memory_space<semaphore_mem>>)
      %dma_wait3A_225 = arith.constant 0 : i32
      %dma_wait3A_226 = tpu.memref_slice %arg8[%run_scoped3A_13, %dma_wait3A_225] : memref<4x128xi32, #tpu.memory_space<vmem>> -> memref<1x128xi32, #tpu.memory_space<vmem>>
      %dma_wait3A_227 = tpu.memref_squeeze %dma_wait3A_226 : memref<1x128xi32, #tpu.memory_space<vmem>> -> memref<128xi32, #tpu.memory_space<vmem>>
      %dma_wait3A_228 = tpu.memref_slice %arg3[%add3A_12] : memref<16384xi32, #tpu.memory_space<hbm>> -> memref<128xi32, #tpu.memory_space<hbm>>
      %dma_wait3A_229 = arith.constant 0 : i32
      %dma_wait3A_230 = tpu.memref_slice %arg8[%run_scoped3A_13, %dma_wait3A_229] : memref<4x128xi32, #tpu.memory_space<vmem>> -> memref<1x128xi32, #tpu.memory_space<vmem>>
      %dma_wait3A_231 = tpu.memref_squeeze %dma_wait3A_230 : memref<1x128xi32, #tpu.memory_space<vmem>> -> memref<128xi32, #tpu.memory_space<vmem>>
      %dma_wait3A_232 = tpu.memref_slice %arg3[%add3A_12] : memref<16384xi32, #tpu.memory_space<hbm>> -> memref<128xi32, #tpu.memory_space<hbm>>
      tpu.wait_dma2 semaphore(%run_scoped3A_216 : memref<!tpu.dma_semaphore, #tpu.memory_space<semaphore_mem>>) src(%dma_wait3A_232 : memref<128xi32, #tpu.memory_space<hbm>>) dst(%dma_wait3A_231 : memref<128xi32, #tpu.memory_space<vmem>>)
      tpu.yield
    }) : () -> ()
    %add3A_14 = arith.constant 256 : i32
    %add3A_15 = arith.addi %mul3A_2, %add3A_14 : i32
    %run_scoped3A_16 = arith.constant 2 : i32
    "tpu.region"() ({
      %run_scoped3A_216 = tpu.sem_alloc : memref<!tpu.dma_semaphore, #tpu.memory_space<semaphore_mem>>
      %dma_start3A_217 = arith.constant 0 : i32
      %dma_start3A_218 = tpu.memref_slice %arg7[%run_scoped3A_16, %dma_start3A_217] : memref<4x128xi32, #tpu.memory_space<vmem>> -> memref<1x128xi32, #tpu.memory_space<vmem>>
      %dma_start3A_219 = tpu.memref_squeeze %dma_start3A_218 : memref<1x128xi32, #tpu.memory_space<vmem>> -> memref<128xi32, #tpu.memory_space<vmem>>
      %dma_start3A_220 = tpu.memref_slice %arg2[%add3A_15] : memref<16384xi32, #tpu.memory_space<hbm>> -> memref<128xi32, #tpu.memory_space<hbm>>
      %dma_start3A_221 = arith.constant 0 : i32
      %dma_start3A_222 = tpu.memref_slice %arg7[%run_scoped3A_16, %dma_start3A_221] : memref<4x128xi32, #tpu.memory_space<vmem>> -> memref<1x128xi32, #tpu.memory_space<vmem>>
      %dma_start3A_223 = tpu.memref_squeeze %dma_start3A_222 : memref<1x128xi32, #tpu.memory_space<vmem>> -> memref<128xi32, #tpu.memory_space<vmem>>
      %dma_start3A_224 = tpu.memref_slice %arg2[%add3A_15] : memref<16384xi32, #tpu.memory_space<hbm>> -> memref<128xi32, #tpu.memory_space<hbm>>
      tpu.enqueue_dma source(%dma_start3A_224 : memref<128xi32, #tpu.memory_space<hbm>>) target(%dma_start3A_223 : memref<128xi32, #tpu.memory_space<vmem>>) target_semaphore(%run_scoped3A_216 : memref<!tpu.dma_semaphore, #tpu.memory_space<semaphore_mem>>)
      %dma_wait3A_225 = arith.constant 0 : i32
      %dma_wait3A_226 = tpu.memref_slice %arg7[%run_scoped3A_16, %dma_wait3A_225] : memref<4x128xi32, #tpu.memory_space<vmem>> -> memref<1x128xi32, #tpu.memory_space<vmem>>
      %dma_wait3A_227 = tpu.memref_squeeze %dma_wait3A_226 : memref<1x128xi32, #tpu.memory_space<vmem>> -> memref<128xi32, #tpu.memory_space<vmem>>
      %dma_wait3A_228 = tpu.memref_slice %arg2[%add3A_15] : memref<16384xi32, #tpu.memory_space<hbm>> -> memref<128xi32, #tpu.memory_space<hbm>>
      %dma_wait3A_229 = arith.constant 0 : i32
      %dma_wait3A_230 = tpu.memref_slice %arg7[%run_scoped3A_16, %dma_wait3A_229] : memref<4x128xi32, #tpu.memory_space<vmem>> -> memref<1x128xi32, #tpu.memory_space<vmem>>
      %dma_wait3A_231 = tpu.memref_squeeze %dma_wait3A_230 : memref<1x128xi32, #tpu.memory_space<vmem>> -> memref<128xi32, #tpu.memory_space<vmem>>
      %dma_wait3A_232 = tpu.memref_slice %arg2[%add3A_15] : memref<16384xi32, #tpu.memory_space<hbm>> -> memref<128xi32, #tpu.memory_space<hbm>>
      tpu.wait_dma2 semaphore(%run_scoped3A_216 : memref<!tpu.dma_semaphore, #tpu.memory_space<semaphore_mem>>) src(%dma_wait3A_232 : memref<128xi32, #tpu.memory_space<hbm>>) dst(%dma_wait3A_231 : memref<128xi32, #tpu.memory_space<vmem>>)
      tpu.yield
    }) : () -> ()
    %add3A_17 = arith.constant 256 : i32
    %add3A_18 = arith.addi %mul3A_2, %add3A_17 : i32
    %run_scoped3A_19 = arith.constant 2 : i32
    "tpu.region"() ({
      %run_scoped3A_216 = tpu.sem_alloc : memref<!tpu.dma_semaphore, #tpu.memory_space<semaphore_mem>>
      %dma_start3A_217 = arith.constant 0 : i32
      %dma_start3A_218 = tpu.memref_slice %arg8[%run_scoped3A_19, %dma_start3A_217] : memref<4x128xi32, #tpu.memory_space<vmem>> -> memref<1x128xi32, #tpu.memory_space<vmem>>
      %dma_start3A_219 = tpu.memref_squeeze %dma_start3A_218 : memref<1x128xi32, #tpu.memory_space<vmem>> -> memref<128xi32, #tpu.memory_space<vmem>>
      %dma_start3A_220 = tpu.memref_slice %arg3[%add3A_18] : memref<16384xi32, #tpu.memory_space<hbm>> -> memref<128xi32, #tpu.memory_space<hbm>>
      %dma_start3A_221 = arith.constant 0 : i32
      %dma_start3A_222 = tpu.memref_slice %arg8[%run_scoped3A_19, %dma_start3A_221] : memref<4x128xi32, #tpu.memory_space<vmem>> -> memref<1x128xi32, #tpu.memory_space<vmem>>
      %dma_start3A_223 = tpu.memref_squeeze %dma_start3A_222 : memref<1x128xi32, #tpu.memory_space<vmem>> -> memref<128xi32, #tpu.memory_space<vmem>>
      %dma_start3A_224 = tpu.memref_slice %arg3[%add3A_18] : memref<16384xi32, #tpu.memory_space<hbm>> -> memref<128xi32, #tpu.memory_space<hbm>>
      tpu.enqueue_dma source(%dma_start3A_224 : memref<128xi32, #tpu.memory_space<hbm>>) target(%dma_start3A_223 : memref<128xi32, #tpu.memory_space<vmem>>) target_semaphore(%run_scoped3A_216 : memref<!tpu.dma_semaphore, #tpu.memory_space<semaphore_mem>>)
      %dma_wait3A_225 = arith.constant 0 : i32
      %dma_wait3A_226 = tpu.memref_slice %arg8[%run_scoped3A_19, %dma_wait3A_225] : memref<4x128xi32, #tpu.memory_space<vmem>> -> memref<1x128xi32, #tpu.memory_space<vmem>>
      %dma_wait3A_227 = tpu.memref_squeeze %dma_wait3A_226 : memref<1x128xi32, #tpu.memory_space<vmem>> -> memref<128xi32, #tpu.memory_space<vmem>>
      %dma_wait3A_228 = tpu.memref_slice %arg3[%add3A_18] : memref<16384xi32, #tpu.memory_space<hbm>> -> memref<128xi32, #tpu.memory_space<hbm>>
      %dma_wait3A_229 = arith.constant 0 : i32
      %dma_wait3A_230 = tpu.memref_slice %arg8[%run_scoped3A_19, %dma_wait3A_229] : memref<4x128xi32, #tpu.memory_space<vmem>> -> memref<1x128xi32, #tpu.memory_space<vmem>>
      %dma_wait3A_231 = tpu.memref_squeeze %dma_wait3A_230 : memref<1x128xi32, #tpu.memory_space<vmem>> -> memref<128xi32, #tpu.memory_space<vmem>>
      %dma_wait3A_232 = tpu.memref_slice %arg3[%add3A_18] : memref<16384xi32, #tpu.memory_space<hbm>> -> memref<128xi32, #tpu.memory_space<hbm>>
      tpu.wait_dma2 semaphore(%run_scoped3A_216 : memref<!tpu.dma_semaphore, #tpu.memory_space<semaphore_mem>>) src(%dma_wait3A_232 : memref<128xi32, #tpu.memory_space<hbm>>) dst(%dma_wait3A_231 : memref<128xi32, #tpu.memory_space<vmem>>)
      tpu.yield
    }) : () -> ()
    %add3A_20 = arith.constant 384 : i32
    %add3A_21 = arith.addi %mul3A_2, %add3A_20 : i32
    %run_scoped3A_22 = arith.constant 3 : i32
    "tpu.region"() ({
      %run_scoped3A_216 = tpu.sem_alloc : memref<!tpu.dma_semaphore, #tpu.memory_space<semaphore_mem>>
      %dma_start3A_217 = arith.constant 0 : i32
      %dma_start3A_218 = tpu.memref_slice %arg7[%run_scoped3A_22, %dma_start3A_217] : memref<4x128xi32, #tpu.memory_space<vmem>> -> memref<1x128xi32, #tpu.memory_space<vmem>>
      %dma_start3A_219 = tpu.memref_squeeze %dma_start3A_218 : memref<1x128xi32, #tpu.memory_space<vmem>> -> memref<128xi32, #tpu.memory_space<vmem>>
      %dma_start3A_220 = tpu.memref_slice %arg2[%add3A_21] : memref<16384xi32, #tpu.memory_space<hbm>> -> memref<128xi32, #tpu.memory_space<hbm>>
      %dma_start3A_221 = arith.constant 0 : i32
      %dma_start3A_222 = tpu.memref_slice %arg7[%run_scoped3A_22, %dma_start3A_221] : memref<4x128xi32, #tpu.memory_space<vmem>> -> memref<1x128xi32, #tpu.memory_space<vmem>>
      %dma_start3A_223 = tpu.memref_squeeze %dma_start3A_222 : memref<1x128xi32, #tpu.memory_space<vmem>> -> memref<128xi32, #tpu.memory_space<vmem>>
      %dma_start3A_224 = tpu.memref_slice %arg2[%add3A_21] : memref<16384xi32, #tpu.memory_space<hbm>> -> memref<128xi32, #tpu.memory_space<hbm>>
      tpu.enqueue_dma source(%dma_start3A_224 : memref<128xi32, #tpu.memory_space<hbm>>) target(%dma_start3A_223 : memref<128xi32, #tpu.memory_space<vmem>>) target_semaphore(%run_scoped3A_216 : memref<!tpu.dma_semaphore, #tpu.memory_space<semaphore_mem>>)
      %dma_wait3A_225 = arith.constant 0 : i32
      %dma_wait3A_226 = tpu.memref_slice %arg7[%run_scoped3A_22, %dma_wait3A_225] : memref<4x128xi32, #tpu.memory_space<vmem>> -> memref<1x128xi32, #tpu.memory_space<vmem>>
      %dma_wait3A_227 = tpu.memref_squeeze %dma_wait3A_226 : memref<1x128xi32, #tpu.memory_space<vmem>> -> memref<128xi32, #tpu.memory_space<vmem>>
      %dma_wait3A_228 = tpu.memref_slice %arg2[%add3A_21] : memref<16384xi32, #tpu.memory_space<hbm>> -> memref<128xi32, #tpu.memory_space<hbm>>
      %dma_wait3A_229 = arith.constant 0 : i32
      %dma_wait3A_230 = tpu.memref_slice %arg7[%run_scoped3A_22, %dma_wait3A_229] : memref<4x128xi32, #tpu.memory_space<vmem>> -> memref<1x128xi32, #tpu.memory_space<vmem>>
      %dma_wait3A_231 = tpu.memref_squeeze %dma_wait3A_230 : memref<1x128xi32, #tpu.memory_space<vmem>> -> memref<128xi32, #tpu.memory_space<vmem>>
      %dma_wait3A_232 = tpu.memref_slice %arg2[%add3A_21] : memref<16384xi32, #tpu.memory_space<hbm>> -> memref<128xi32, #tpu.memory_space<hbm>>
      tpu.wait_dma2 semaphore(%run_scoped3A_216 : memref<!tpu.dma_semaphore, #tpu.memory_space<semaphore_mem>>) src(%dma_wait3A_232 : memref<128xi32, #tpu.memory_space<hbm>>) dst(%dma_wait3A_231 : memref<128xi32, #tpu.memory_space<vmem>>)
      tpu.yield
    }) : () -> ()
    %add3A_23 = arith.constant 384 : i32
    %add3A_24 = arith.addi %mul3A_2, %add3A_23 : i32
    %run_scoped3A_25 = arith.constant 3 : i32
    "tpu.region"() ({
      %run_scoped3A_216 = tpu.sem_alloc : memref<!tpu.dma_semaphore, #tpu.memory_space<semaphore_mem>>
      %dma_start3A_217 = arith.constant 0 : i32
      %dma_start3A_218 = tpu.memref_slice %arg8[%run_scoped3A_25, %dma_start3A_217] : memref<4x128xi32, #tpu.memory_space<vmem>> -> memref<1x128xi32, #tpu.memory_space<vmem>>
      %dma_start3A_219 = tpu.memref_squeeze %dma_start3A_218 : memref<1x128xi32, #tpu.memory_space<vmem>> -> memref<128xi32, #tpu.memory_space<vmem>>
      %dma_start3A_220 = tpu.memref_slice %arg3[%add3A_24] : memref<16384xi32, #tpu.memory_space<hbm>> -> memref<128xi32, #tpu.memory_space<hbm>>
      %dma_start3A_221 = arith.constant 0 : i32
      %dma_start3A_222 = tpu.memref_slice %arg8[%run_scoped3A_25, %dma_start3A_221] : memref<4x128xi32, #tpu.memory_space<vmem>> -> memref<1x128xi32, #tpu.memory_space<vmem>>
      %dma_start3A_223 = tpu.memref_squeeze %dma_start3A_222 : memref<1x128xi32, #tpu.memory_space<vmem>> -> memref<128xi32, #tpu.memory_space<vmem>>
      %dma_start3A_224 = tpu.memref_slice %arg3[%add3A_24] : memref<16384xi32, #tpu.memory_space<hbm>> -> memref<128xi32, #tpu.memory_space<hbm>>
      tpu.enqueue_dma source(%dma_start3A_224 : memref<128xi32, #tpu.memory_space<hbm>>) target(%dma_start3A_223 : memref<128xi32, #tpu.memory_space<vmem>>) target_semaphore(%run_scoped3A_216 : memref<!tpu.dma_semaphore, #tpu.memory_space<semaphore_mem>>)
      %dma_wait3A_225 = arith.constant 0 : i32
      %dma_wait3A_226 = tpu.memref_slice %arg8[%run_scoped3A_25, %dma_wait3A_225] : memref<4x128xi32, #tpu.memory_space<vmem>> -> memref<1x128xi32, #tpu.memory_space<vmem>>
      %dma_wait3A_227 = tpu.memref_squeeze %dma_wait3A_226 : memref<1x128xi32, #tpu.memory_space<vmem>> -> memref<128xi32, #tpu.memory_space<vmem>>
      %dma_wait3A_228 = tpu.memref_slice %arg3[%add3A_24] : memref<16384xi32, #tpu.memory_space<hbm>> -> memref<128xi32, #tpu.memory_space<hbm>>
      %dma_wait3A_229 = arith.constant 0 : i32
      %dma_wait3A_230 = tpu.memref_slice %arg8[%run_scoped3A_25, %dma_wait3A_229] : memref<4x128xi32, #tpu.memory_space<vmem>> -> memref<1x128xi32, #tpu.memory_space<vmem>>
      %dma_wait3A_231 = tpu.memref_squeeze %dma_wait3A_230 : memref<1x128xi32, #tpu.memory_space<vmem>> -> memref<128xi32, #tpu.memory_space<vmem>>
      %dma_wait3A_232 = tpu.memref_slice %arg3[%add3A_24] : memref<16384xi32, #tpu.memory_space<hbm>> -> memref<128xi32, #tpu.memory_space<hbm>>
      tpu.wait_dma2 semaphore(%run_scoped3A_216 : memref<!tpu.dma_semaphore, #tpu.memory_space<semaphore_mem>>) src(%dma_wait3A_232 : memref<128xi32, #tpu.memory_space<hbm>>) dst(%dma_wait3A_231 : memref<128xi32, #tpu.memory_space<vmem>>)
      tpu.yield
    }) : () -> ()
    %dma_start3A = arith.constant 0 : i32
    %dma_start3A_26 = arith.constant 0 : i32
    %dma_start3A_27 = arith.constant 0 : i32
    %dma_start3A_28 = arith.constant 0 : i32
    %dma_start3A_29 = tpu.memref_slice %arg9[%dma_start3A_26, %dma_start3A_27, %dma_start3A_28] : memref<4x128x128xf32, #tpu.memory_space<vmem>> -> memref<1x128x128xf32, #tpu.memory_space<vmem>>
    %dma_start3A_30 = tpu.memref_squeeze %dma_start3A_29 : memref<1x128x128xf32, #tpu.memory_space<vmem>> -> memref<128x128xf32, #tpu.memory_space<vmem>>
    %dma_start3A_31 = arith.constant 0 : i32
    %dma_start3A_32 = tpu.memref_slice %arg8[%dma_start3A, %dma_start3A_31] : memref<4x128xi32, #tpu.memory_space<vmem>> -> memref<1x128xi32, #tpu.memory_space<vmem>>
    %dma_start3A_33 = tpu.memref_squeeze %dma_start3A_32 : memref<1x128xi32, #tpu.memory_space<vmem>> -> memref<128xi32, #tpu.memory_space<vmem>>
    %dma_start3A_34 = arith.constant 0 : i32
    %dma_start3A_35 = arith.constant 0 : i32
    %dma_start3A_36 = tpu.memref_slice %arg4[%dma_start3A_34, %dma_start3A_35] : memref<16384x128xf32, #tpu.memory_space<hbm>> -> memref<16384x128xf32, #tpu.memory_space<hbm>>
    tpu.enqueue_indirect_dma source(%dma_start3A_36 : memref<16384x128xf32, #tpu.memory_space<hbm>>) target(%dma_start3A_30 : memref<128x128xf32, #tpu.memory_space<vmem>>) offsets(%dma_start3A_33 : memref<128xi32, #tpu.memory_space<vmem>>) semaphore(%arg10 : memref<!tpu.dma_semaphore, #tpu.memory_space<semaphore_mem>>)
    %dma_start3A_37 = arith.constant 1 : i32
    %dma_start3A_38 = arith.constant 1 : i32
    %dma_start3A_39 = arith.constant 0 : i32
    %dma_start3A_40 = arith.constant 0 : i32
    %dma_start3A_41 = tpu.memref_slice %arg9[%dma_start3A_38, %dma_start3A_39, %dma_start3A_40] : memref<4x128x128xf32, #tpu.memory_space<vmem>> -> memref<1x128x128xf32, #tpu.memory_space<vmem>>
    %dma_start3A_42 = tpu.memref_squeeze %dma_start3A_41 : memref<1x128x128xf32, #tpu.memory_space<vmem>> -> memref<128x128xf32, #tpu.memory_space<vmem>>
    %dma_start3A_43 = arith.constant 0 : i32
    %dma_start3A_44 = tpu.memref_slice %arg8[%dma_start3A_37, %dma_start3A_43] : memref<4x128xi32, #tpu.memory_space<vmem>> -> memref<1x128xi32, #tpu.memory_space<vmem>>
    %dma_start3A_45 = tpu.memref_squeeze %dma_start3A_44 : memref<1x128xi32, #tpu.memory_space<vmem>> -> memref<128xi32, #tpu.memory_space<vmem>>
    %dma_start3A_46 = arith.constant 0 : i32
    %dma_start3A_47 = arith.constant 0 : i32
    %dma_start3A_48 = tpu.memref_slice %arg4[%dma_start3A_46, %dma_start3A_47] : memref<16384x128xf32, #tpu.memory_space<hbm>> -> memref<16384x128xf32, #tpu.memory_space<hbm>>
    tpu.enqueue_indirect_dma source(%dma_start3A_48 : memref<16384x128xf32, #tpu.memory_space<hbm>>) target(%dma_start3A_42 : memref<128x128xf32, #tpu.memory_space<vmem>>) offsets(%dma_start3A_45 : memref<128xi32, #tpu.memory_space<vmem>>) semaphore(%arg10 : memref<!tpu.dma_semaphore, #tpu.memory_space<semaphore_mem>>)
    %dma_start3A_49 = arith.constant 2 : i32
    %dma_start3A_50 = arith.constant 2 : i32
    %dma_start3A_51 = arith.constant 0 : i32
    %dma_start3A_52 = arith.constant 0 : i32
    %dma_start3A_53 = tpu.memref_slice %arg9[%dma_start3A_50, %dma_start3A_51, %dma_start3A_52] : memref<4x128x128xf32, #tpu.memory_space<vmem>> -> memref<1x128x128xf32, #tpu.memory_space<vmem>>
    %dma_start3A_54 = tpu.memref_squeeze %dma_start3A_53 : memref<1x128x128xf32, #tpu.memory_space<vmem>> -> memref<128x128xf32, #tpu.memory_space<vmem>>
    %dma_start3A_55 = arith.constant 0 : i32
    %dma_start3A_56 = tpu.memref_slice %arg8[%dma_start3A_49, %dma_start3A_55] : memref<4x128xi32, #tpu.memory_space<vmem>> -> memref<1x128xi32, #tpu.memory_space<vmem>>
    %dma_start3A_57 = tpu.memref_squeeze %dma_start3A_56 : memref<1x128xi32, #tpu.memory_space<vmem>> -> memref<128xi32, #tpu.memory_space<vmem>>
    %dma_start3A_58 = arith.constant 0 : i32
    %dma_start3A_59 = arith.constant 0 : i32
    %dma_start3A_60 = tpu.memref_slice %arg4[%dma_start3A_58, %dma_start3A_59] : memref<16384x128xf32, #tpu.memory_space<hbm>> -> memref<16384x128xf32, #tpu.memory_space<hbm>>
    tpu.enqueue_indirect_dma source(%dma_start3A_60 : memref<16384x128xf32, #tpu.memory_space<hbm>>) target(%dma_start3A_54 : memref<128x128xf32, #tpu.memory_space<vmem>>) offsets(%dma_start3A_57 : memref<128xi32, #tpu.memory_space<vmem>>) semaphore(%arg10 : memref<!tpu.dma_semaphore, #tpu.memory_space<semaphore_mem>>)
    %dma_start3A_61 = arith.constant 3 : i32
    %dma_start3A_62 = arith.constant 3 : i32
    %dma_start3A_63 = arith.constant 0 : i32
    %dma_start3A_64 = arith.constant 0 : i32
    %dma_start3A_65 = tpu.memref_slice %arg9[%dma_start3A_62, %dma_start3A_63, %dma_start3A_64] : memref<4x128x128xf32, #tpu.memory_space<vmem>> -> memref<1x128x128xf32, #tpu.memory_space<vmem>>
    %dma_start3A_66 = tpu.memref_squeeze %dma_start3A_65 : memref<1x128x128xf32, #tpu.memory_space<vmem>> -> memref<128x128xf32, #tpu.memory_space<vmem>>
    %dma_start3A_67 = arith.constant 0 : i32
    %dma_start3A_68 = tpu.memref_slice %arg8[%dma_start3A_61, %dma_start3A_67] : memref<4x128xi32, #tpu.memory_space<vmem>> -> memref<1x128xi32, #tpu.memory_space<vmem>>
    %dma_start3A_69 = tpu.memref_squeeze %dma_start3A_68 : memref<1x128xi32, #tpu.memory_space<vmem>> -> memref<128xi32, #tpu.memory_space<vmem>>
    %dma_start3A_70 = arith.constant 0 : i32
    %dma_start3A_71 = arith.constant 0 : i32
    %dma_start3A_72 = tpu.memref_slice %arg4[%dma_start3A_70, %dma_start3A_71] : memref<16384x128xf32, #tpu.memory_space<hbm>> -> memref<16384x128xf32, #tpu.memory_space<hbm>>
    tpu.enqueue_indirect_dma source(%dma_start3A_72 : memref<16384x128xf32, #tpu.memory_space<hbm>>) target(%dma_start3A_66 : memref<128x128xf32, #tpu.memory_space<vmem>>) offsets(%dma_start3A_69 : memref<128xi32, #tpu.memory_space<vmem>>) semaphore(%arg10 : memref<!tpu.dma_semaphore, #tpu.memory_space<semaphore_mem>>)
    %dma_wait3A = arith.constant 0 : i32
    %dma_wait3A_73 = arith.constant 0 : i32
    %dma_wait3A_74 = arith.constant 0 : i32
    %dma_wait3A_75 = arith.constant 0 : i32
    %dma_wait3A_76 = tpu.memref_slice %arg9[%dma_wait3A_73, %dma_wait3A_74, %dma_wait3A_75] : memref<4x128x128xf32, #tpu.memory_space<vmem>> -> memref<1x128x128xf32, #tpu.memory_space<vmem>>
    %dma_wait3A_77 = tpu.memref_squeeze %dma_wait3A_76 : memref<1x128x128xf32, #tpu.memory_space<vmem>> -> memref<128x128xf32, #tpu.memory_space<vmem>>
    %dma_wait3A_78 = arith.constant 0 : i32
    %dma_wait3A_79 = tpu.memref_slice %arg8[%dma_wait3A, %dma_wait3A_78] : memref<4x128xi32, #tpu.memory_space<vmem>> -> memref<1x128xi32, #tpu.memory_space<vmem>>
    %dma_wait3A_80 = tpu.memref_squeeze %dma_wait3A_79 : memref<1x128xi32, #tpu.memory_space<vmem>> -> memref<128xi32, #tpu.memory_space<vmem>>
    %dma_wait3A_81 = arith.constant 0 : i32
    %dma_wait3A_82 = arith.constant 0 : i32
    %dma_wait3A_83 = tpu.memref_slice %arg4[%dma_wait3A_81, %dma_wait3A_82] : memref<16384x128xf32, #tpu.memory_space<hbm>> -> memref<16384x128xf32, #tpu.memory_space<hbm>>
    tpu.wait_indirect_dma semaphore(%arg10 : memref<!tpu.dma_semaphore, #tpu.memory_space<semaphore_mem>>) src(%dma_wait3A_83 : memref<16384x128xf32, #tpu.memory_space<hbm>>) dst(%dma_wait3A_77 : memref<128x128xf32, #tpu.memory_space<vmem>>)
    %dma_start3A_84 = arith.constant 0 : i32
    %dma_start3A_85 = arith.constant 0 : i32
    %dma_start3A_86 = arith.constant 0 : i32
    %dma_start3A_87 = arith.constant 0 : i32
    %dma_start3A_88 = tpu.memref_slice %arg9[%dma_start3A_84, %dma_start3A_86, %dma_start3A_87] : memref<4x128x128xf32, #tpu.memory_space<vmem>> -> memref<1x128x128xf32, #tpu.memory_space<vmem>>
    %dma_start3A_89 = tpu.memref_squeeze %dma_start3A_88 : memref<1x128x128xf32, #tpu.memory_space<vmem>> -> memref<128x128xf32, #tpu.memory_space<vmem>>
    %dma_start3A_90 = arith.constant 0 : i32
    %dma_start3A_91 = tpu.memref_slice %arg7[%dma_start3A_85, %dma_start3A_90] : memref<4x128xi32, #tpu.memory_space<vmem>> -> memref<1x128xi32, #tpu.memory_space<vmem>>
    %dma_start3A_92 = tpu.memref_squeeze %dma_start3A_91 : memref<1x128xi32, #tpu.memory_space<vmem>> -> memref<128xi32, #tpu.memory_space<vmem>>
    %dma_start3A_93 = arith.constant 0 : i32
    %dma_start3A_94 = arith.constant 0 : i32
    %dma_start3A_95 = tpu.memref_slice %arg5[%dma_start3A_93, %dma_start3A_94] : memref<100000x128xf32, #tpu.memory_space<hbm>> -> memref<100000x128xf32, #tpu.memory_space<hbm>>
    tpu.enqueue_indirect_dma source(%dma_start3A_89 : memref<128x128xf32, #tpu.memory_space<vmem>>) target(%dma_start3A_95 : memref<100000x128xf32, #tpu.memory_space<hbm>>) offsets(%dma_start3A_92 : memref<128xi32, #tpu.memory_space<vmem>>) semaphore(%arg11 : memref<!tpu.dma_semaphore, #tpu.memory_space<semaphore_mem>>)
    %dma_wait3A_96 = arith.constant 1 : i32
    %dma_wait3A_97 = arith.constant 1 : i32
    %dma_wait3A_98 = arith.constant 0 : i32
    %dma_wait3A_99 = arith.constant 0 : i32
    %dma_wait3A_100 = tpu.memref_slice %arg9[%dma_wait3A_97, %dma_wait3A_98, %dma_wait3A_99] : memref<4x128x128xf32, #tpu.memory_space<vmem>> -> memref<1x128x128xf32, #tpu.memory_space<vmem>>
    %dma_wait3A_101 = tpu.memref_squeeze %dma_wait3A_100 : memref<1x128x128xf32, #tpu.memory_space<vmem>> -> memref<128x128xf32, #tpu.memory_space<vmem>>
    %dma_wait3A_102 = arith.constant 0 : i32
    %dma_wait3A_103 = tpu.memref_slice %arg8[%dma_wait3A_96, %dma_wait3A_102] : memref<4x128xi32, #tpu.memory_space<vmem>> -> memref<1x128xi32, #tpu.memory_space<vmem>>
    %dma_wait3A_104 = tpu.memref_squeeze %dma_wait3A_103 : memref<1x128xi32, #tpu.memory_space<vmem>> -> memref<128xi32, #tpu.memory_space<vmem>>
    %dma_wait3A_105 = arith.constant 0 : i32
    %dma_wait3A_106 = arith.constant 0 : i32
    %dma_wait3A_107 = tpu.memref_slice %arg4[%dma_wait3A_105, %dma_wait3A_106] : memref<16384x128xf32, #tpu.memory_space<hbm>> -> memref<16384x128xf32, #tpu.memory_space<hbm>>
    tpu.wait_indirect_dma semaphore(%arg10 : memref<!tpu.dma_semaphore, #tpu.memory_space<semaphore_mem>>) src(%dma_wait3A_107 : memref<16384x128xf32, #tpu.memory_space<hbm>>) dst(%dma_wait3A_101 : memref<128x128xf32, #tpu.memory_space<vmem>>)
    %dma_start3A_108 = arith.constant 1 : i32
    %dma_start3A_109 = arith.constant 1 : i32
    %dma_start3A_110 = arith.constant 0 : i32
    %dma_start3A_111 = arith.constant 0 : i32
    %dma_start3A_112 = tpu.memref_slice %arg9[%dma_start3A_108, %dma_start3A_110, %dma_start3A_111] : memref<4x128x128xf32, #tpu.memory_space<vmem>> -> memref<1x128x128xf32, #tpu.memory_space<vmem>>
    %dma_start3A_113 = tpu.memref_squeeze %dma_start3A_112 : memref<1x128x128xf32, #tpu.memory_space<vmem>> -> memref<128x128xf32, #tpu.memory_space<vmem>>
    %dma_start3A_114 = arith.constant 0 : i32
    %dma_start3A_115 = tpu.memref_slice %arg7[%dma_start3A_109, %dma_start3A_114] : memref<4x128xi32, #tpu.memory_space<vmem>> -> memref<1x128xi32, #tpu.memory_space<vmem>>
    %dma_start3A_116 = tpu.memref_squeeze %dma_start3A_115 : memref<1x128xi32, #tpu.memory_space<vmem>> -> memref<128xi32, #tpu.memory_space<vmem>>
    %dma_start3A_117 = arith.constant 0 : i32
    %dma_start3A_118 = arith.constant 0 : i32
    %dma_start3A_119 = tpu.memref_slice %arg5[%dma_start3A_117, %dma_start3A_118] : memref<100000x128xf32, #tpu.memory_space<hbm>> -> memref<100000x128xf32, #tpu.memory_space<hbm>>
    tpu.enqueue_indirect_dma source(%dma_start3A_113 : memref<128x128xf32, #tpu.memory_space<vmem>>) target(%dma_start3A_119 : memref<100000x128xf32, #tpu.memory_space<hbm>>) offsets(%dma_start3A_116 : memref<128xi32, #tpu.memory_space<vmem>>) semaphore(%arg11 : memref<!tpu.dma_semaphore, #tpu.memory_space<semaphore_mem>>)
    %dma_wait3A_120 = arith.constant 2 : i32
    %dma_wait3A_121 = arith.constant 2 : i32
    %dma_wait3A_122 = arith.constant 0 : i32
    %dma_wait3A_123 = arith.constant 0 : i32
    %dma_wait3A_124 = tpu.memref_slice %arg9[%dma_wait3A_121, %dma_wait3A_122, %dma_wait3A_123] : memref<4x128x128xf32, #tpu.memory_space<vmem>> -> memref<1x128x128xf32, #tpu.memory_space<vmem>>
    %dma_wait3A_125 = tpu.memref_squeeze %dma_wait3A_124 : memref<1x128x128xf32, #tpu.memory_space<vmem>> -> memref<128x128xf32, #tpu.memory_space<vmem>>
    %dma_wait3A_126 = arith.constant 0 : i32
    %dma_wait3A_127 = tpu.memref_slice %arg8[%dma_wait3A_120, %dma_wait3A_126] : memref<4x128xi32, #tpu.memory_space<vmem>> -> memref<1x128xi32, #tpu.memory_space<vmem>>
    %dma_wait3A_128 = tpu.memref_squeeze %dma_wait3A_127 : memref<1x128xi32, #tpu.memory_space<vmem>> -> memref<128xi32, #tpu.memory_space<vmem>>
    %dma_wait3A_129 = arith.constant 0 : i32
    %dma_wait3A_130 = arith.constant 0 : i32
    %dma_wait3A_131 = tpu.memref_slice %arg4[%dma_wait3A_129, %dma_wait3A_130] : memref<16384x128xf32, #tpu.memory_space<hbm>> -> memref<16384x128xf32, #tpu.memory_space<hbm>>
    tpu.wait_indirect_dma semaphore(%arg10 : memref<!tpu.dma_semaphore, #tpu.memory_space<semaphore_mem>>) src(%dma_wait3A_131 : memref<16384x128xf32, #tpu.memory_space<hbm>>) dst(%dma_wait3A_125 : memref<128x128xf32, #tpu.memory_space<vmem>>)
    %dma_start3A_132 = arith.constant 2 : i32
    %dma_start3A_133 = arith.constant 2 : i32
    %dma_start3A_134 = arith.constant 0 : i32
    %dma_start3A_135 = arith.constant 0 : i32
    %dma_start3A_136 = tpu.memref_slice %arg9[%dma_start3A_132, %dma_start3A_134, %dma_start3A_135] : memref<4x128x128xf32, #tpu.memory_space<vmem>> -> memref<1x128x128xf32, #tpu.memory_space<vmem>>
    %dma_start3A_137 = tpu.memref_squeeze %dma_start3A_136 : memref<1x128x128xf32, #tpu.memory_space<vmem>> -> memref<128x128xf32, #tpu.memory_space<vmem>>
    %dma_start3A_138 = arith.constant 0 : i32
    %dma_start3A_139 = tpu.memref_slice %arg7[%dma_start3A_133, %dma_start3A_138] : memref<4x128xi32, #tpu.memory_space<vmem>> -> memref<1x128xi32, #tpu.memory_space<vmem>>
    %dma_start3A_140 = tpu.memref_squeeze %dma_start3A_139 : memref<1x128xi32, #tpu.memory_space<vmem>> -> memref<128xi32, #tpu.memory_space<vmem>>
    %dma_start3A_141 = arith.constant 0 : i32
    %dma_start3A_142 = arith.constant 0 : i32
    %dma_start3A_143 = tpu.memref_slice %arg5[%dma_start3A_141, %dma_start3A_142] : memref<100000x128xf32, #tpu.memory_space<hbm>> -> memref<100000x128xf32, #tpu.memory_space<hbm>>
    tpu.enqueue_indirect_dma source(%dma_start3A_137 : memref<128x128xf32, #tpu.memory_space<vmem>>) target(%dma_start3A_143 : memref<100000x128xf32, #tpu.memory_space<hbm>>) offsets(%dma_start3A_140 : memref<128xi32, #tpu.memory_space<vmem>>) semaphore(%arg11 : memref<!tpu.dma_semaphore, #tpu.memory_space<semaphore_mem>>)
    %dma_wait3A_144 = arith.constant 3 : i32
    %dma_wait3A_145 = arith.constant 3 : i32
    %dma_wait3A_146 = arith.constant 0 : i32
    %dma_wait3A_147 = arith.constant 0 : i32
    %dma_wait3A_148 = tpu.memref_slice %arg9[%dma_wait3A_145, %dma_wait3A_146, %dma_wait3A_147] : memref<4x128x128xf32, #tpu.memory_space<vmem>> -> memref<1x128x128xf32, #tpu.memory_space<vmem>>
    %dma_wait3A_149 = tpu.memref_squeeze %dma_wait3A_148 : memref<1x128x128xf32, #tpu.memory_space<vmem>> -> memref<128x128xf32, #tpu.memory_space<vmem>>
    %dma_wait3A_150 = arith.constant 0 : i32
    %dma_wait3A_151 = tpu.memref_slice %arg8[%dma_wait3A_144, %dma_wait3A_150] : memref<4x128xi32, #tpu.memory_space<vmem>> -> memref<1x128xi32, #tpu.memory_space<vmem>>
    %dma_wait3A_152 = tpu.memref_squeeze %dma_wait3A_151 : memref<1x128xi32, #tpu.memory_space<vmem>> -> memref<128xi32, #tpu.memory_space<vmem>>
    %dma_wait3A_153 = arith.constant 0 : i32
    %dma_wait3A_154 = arith.constant 0 : i32
    %dma_wait3A_155 = tpu.memref_slice %arg4[%dma_wait3A_153, %dma_wait3A_154] : memref<16384x128xf32, #tpu.memory_space<hbm>> -> memref<16384x128xf32, #tpu.memory_space<hbm>>
    tpu.wait_indirect_dma semaphore(%arg10 : memref<!tpu.dma_semaphore, #tpu.memory_space<semaphore_mem>>) src(%dma_wait3A_155 : memref<16384x128xf32, #tpu.memory_space<hbm>>) dst(%dma_wait3A_149 : memref<128x128xf32, #tpu.memory_space<vmem>>)
    %dma_start3A_156 = arith.constant 3 : i32
    %dma_start3A_157 = arith.constant 3 : i32
    %dma_start3A_158 = arith.constant 0 : i32
    %dma_start3A_159 = arith.constant 0 : i32
    %dma_start3A_160 = tpu.memref_slice %arg9[%dma_start3A_156, %dma_start3A_158, %dma_start3A_159] : memref<4x128x128xf32, #tpu.memory_space<vmem>> -> memref<1x128x128xf32, #tpu.memory_space<vmem>>
    %dma_start3A_161 = tpu.memref_squeeze %dma_start3A_160 : memref<1x128x128xf32, #tpu.memory_space<vmem>> -> memref<128x128xf32, #tpu.memory_space<vmem>>
    %dma_start3A_162 = arith.constant 0 : i32
    %dma_start3A_163 = tpu.memref_slice %arg7[%dma_start3A_157, %dma_start3A_162] : memref<4x128xi32, #tpu.memory_space<vmem>> -> memref<1x128xi32, #tpu.memory_space<vmem>>
    %dma_start3A_164 = tpu.memref_squeeze %dma_start3A_163 : memref<1x128xi32, #tpu.memory_space<vmem>> -> memref<128xi32, #tpu.memory_space<vmem>>
    %dma_start3A_165 = arith.constant 0 : i32
    %dma_start3A_166 = arith.constant 0 : i32
    %dma_start3A_167 = tpu.memref_slice %arg5[%dma_start3A_165, %dma_start3A_166] : memref<100000x128xf32, #tpu.memory_space<hbm>> -> memref<100000x128xf32, #tpu.memory_space<hbm>>
    tpu.enqueue_indirect_dma source(%dma_start3A_161 : memref<128x128xf32, #tpu.memory_space<vmem>>) target(%dma_start3A_167 : memref<100000x128xf32, #tpu.memory_space<hbm>>) offsets(%dma_start3A_164 : memref<128xi32, #tpu.memory_space<vmem>>) semaphore(%arg11 : memref<!tpu.dma_semaphore, #tpu.memory_space<semaphore_mem>>)
    %dma_wait3A_168 = arith.constant 0 : i32
    %dma_wait3A_169 = arith.constant 0 : i32
    %dma_wait3A_170 = arith.constant 0 : i32
    %dma_wait3A_171 = arith.constant 0 : i32
    %dma_wait3A_172 = tpu.memref_slice %arg9[%dma_wait3A_168, %dma_wait3A_170, %dma_wait3A_171] : memref<4x128x128xf32, #tpu.memory_space<vmem>> -> memref<1x128x128xf32, #tpu.memory_space<vmem>>
    %dma_wait3A_173 = tpu.memref_squeeze %dma_wait3A_172 : memref<1x128x128xf32, #tpu.memory_space<vmem>> -> memref<128x128xf32, #tpu.memory_space<vmem>>
    %dma_wait3A_174 = arith.constant 0 : i32
    %dma_wait3A_175 = tpu.memref_slice %arg7[%dma_wait3A_169, %dma_wait3A_174] : memref<4x128xi32, #tpu.memory_space<vmem>> -> memref<1x128xi32, #tpu.memory_space<vmem>>
    %dma_wait3A_176 = tpu.memref_squeeze %dma_wait3A_175 : memref<1x128xi32, #tpu.memory_space<vmem>> -> memref<128xi32, #tpu.memory_space<vmem>>
    %dma_wait3A_177 = arith.constant 0 : i32
    %dma_wait3A_178 = arith.constant 0 : i32
    %dma_wait3A_179 = tpu.memref_slice %arg5[%dma_wait3A_177, %dma_wait3A_178] : memref<100000x128xf32, #tpu.memory_space<hbm>> -> memref<100000x128xf32, #tpu.memory_space<hbm>>
    tpu.wait_indirect_dma semaphore(%arg11 : memref<!tpu.dma_semaphore, #tpu.memory_space<semaphore_mem>>) src(%dma_wait3A_173 : memref<128x128xf32, #tpu.memory_space<vmem>>) dst(%dma_wait3A_179 : memref<100000x128xf32, #tpu.memory_space<hbm>>)
    %dma_wait3A_180 = arith.constant 1 : i32
    %dma_wait3A_181 = arith.constant 1 : i32
    %dma_wait3A_182 = arith.constant 0 : i32
    %dma_wait3A_183 = arith.constant 0 : i32
    %dma_wait3A_184 = tpu.memref_slice %arg9[%dma_wait3A_180, %dma_wait3A_182, %dma_wait3A_183] : memref<4x128x128xf32, #tpu.memory_space<vmem>> -> memref<1x128x128xf32, #tpu.memory_space<vmem>>
    %dma_wait3A_185 = tpu.memref_squeeze %dma_wait3A_184 : memref<1x128x128xf32, #tpu.memory_space<vmem>> -> memref<128x128xf32, #tpu.memory_space<vmem>>
    %dma_wait3A_186 = arith.constant 0 : i32
    %dma_wait3A_187 = tpu.memref_slice %arg7[%dma_wait3A_181, %dma_wait3A_186] : memref<4x128xi32, #tpu.memory_space<vmem>> -> memref<1x128xi32, #tpu.memory_space<vmem>>
    %dma_wait3A_188 = tpu.memref_squeeze %dma_wait3A_187 : memref<1x128xi32, #tpu.memory_space<vmem>> -> memref<128xi32, #tpu.memory_space<vmem>>
    %dma_wait3A_189 = arith.constant 0 : i32
    %dma_wait3A_190 = arith.constant 0 : i32
    %dma_wait3A_191 = tpu.memref_slice %arg5[%dma_wait3A_189, %dma_wait3A_190] : memref<100000x128xf32, #tpu.memory_space<hbm>> -> memref<100000x128xf32, #tpu.memory_space<hbm>>
    tpu.wait_indirect_dma semaphore(%arg11 : memref<!tpu.dma_semaphore, #tpu.memory_space<semaphore_mem>>) src(%dma_wait3A_185 : memref<128x128xf32, #tpu.memory_space<vmem>>) dst(%dma_wait3A_191 : memref<100000x128xf32, #tpu.memory_space<hbm>>)
    %dma_wait3A_192 = arith.constant 2 : i32
    %dma_wait3A_193 = arith.constant 2 : i32
    %dma_wait3A_194 = arith.constant 0 : i32
    %dma_wait3A_195 = arith.constant 0 : i32
    %dma_wait3A_196 = tpu.memref_slice %arg9[%dma_wait3A_192, %dma_wait3A_194, %dma_wait3A_195] : memref<4x128x128xf32, #tpu.memory_space<vmem>> -> memref<1x128x128xf32, #tpu.memory_space<vmem>>
    %dma_wait3A_197 = tpu.memref_squeeze %dma_wait3A_196 : memref<1x128x128xf32, #tpu.memory_space<vmem>> -> memref<128x128xf32, #tpu.memory_space<vmem>>
    %dma_wait3A_198 = arith.constant 0 : i32
    %dma_wait3A_199 = tpu.memref_slice %arg7[%dma_wait3A_193, %dma_wait3A_198] : memref<4x128xi32, #tpu.memory_space<vmem>> -> memref<1x128xi32, #tpu.memory_space<vmem>>
    %dma_wait3A_200 = tpu.memref_squeeze %dma_wait3A_199 : memref<1x128xi32, #tpu.memory_space<vmem>> -> memref<128xi32, #tpu.memory_space<vmem>>
    %dma_wait3A_201 = arith.constant 0 : i32
    %dma_wait3A_202 = arith.constant 0 : i32
    %dma_wait3A_203 = tpu.memref_slice %arg5[%dma_wait3A_201, %dma_wait3A_202] : memref<100000x128xf32, #tpu.memory_space<hbm>> -> memref<100000x128xf32, #tpu.memory_space<hbm>>
    tpu.wait_indirect_dma semaphore(%arg11 : memref<!tpu.dma_semaphore, #tpu.memory_space<semaphore_mem>>) src(%dma_wait3A_197 : memref<128x128xf32, #tpu.memory_space<vmem>>) dst(%dma_wait3A_203 : memref<100000x128xf32, #tpu.memory_space<hbm>>)
    %dma_wait3A_204 = arith.constant 3 : i32
    %dma_wait3A_205 = arith.constant 3 : i32
    %dma_wait3A_206 = arith.constant 0 : i32
    %dma_wait3A_207 = arith.constant 0 : i32
    %dma_wait3A_208 = tpu.memref_slice %arg9[%dma_wait3A_204, %dma_wait3A_206, %dma_wait3A_207] : memref<4x128x128xf32, #tpu.memory_space<vmem>> -> memref<1x128x128xf32, #tpu.memory_space<vmem>>
    %dma_wait3A_209 = tpu.memref_squeeze %dma_wait3A_208 : memref<1x128x128xf32, #tpu.memory_space<vmem>> -> memref<128x128xf32, #tpu.memory_space<vmem>>
    %dma_wait3A_210 = arith.constant 0 : i32
    %dma_wait3A_211 = tpu.memref_slice %arg7[%dma_wait3A_205, %dma_wait3A_210] : memref<4x128xi32, #tpu.memory_space<vmem>> -> memref<1x128xi32, #tpu.memory_space<vmem>>
    %dma_wait3A_212 = tpu.memref_squeeze %dma_wait3A_211 : memref<1x128xi32, #tpu.memory_space<vmem>> -> memref<128xi32, #tpu.memory_space<vmem>>
    %dma_wait3A_213 = arith.constant 0 : i32
    %dma_wait3A_214 = arith.constant 0 : i32
    %dma_wait3A_215 = tpu.memref_slice %arg5[%dma_wait3A_213, %dma_wait3A_214] : memref<100000x128xf32, #tpu.memory_space<hbm>> -> memref<100000x128xf32, #tpu.memory_space<hbm>>
    tpu.wait_indirect_dma semaphore(%arg11 : memref<!tpu.dma_semaphore, #tpu.memory_space<semaphore_mem>>) src(%dma_wait3A_209 : memref<128x128xf32, #tpu.memory_space<vmem>>) dst(%dma_wait3A_215 : memref<100000x128xf32, #tpu.memory_space<hbm>>)
    return
  }
}

#map = affine_map<(d0, d1) -> (0)>
#map1 = affine_map<(d0, d1) -> (0, 0)>
module attributes {stable_mosaic.version = 14 : i64} {
  func.func @_gather_winner_body(%arg0: i32, %arg1: i32, %arg2: memref<16384xi32, #tpu.memory_space<hbm>>, %arg3: memref<100000x128xf32, #tpu.memory_space<hbm>>, %arg4: memref<100000x128xf32, #tpu.memory_space<hbm>>, %arg5: memref<16384x128xf32, #tpu.memory_space<hbm>>, %arg6: memref<16384x128xf32, #tpu.memory_space<hbm>>, %arg7: memref<16384xi32, #tpu.memory_space<hbm>>, %arg8: memref<4x128xi32, #tpu.memory_space<vmem>>, %arg9: memref<!tpu.dma_semaphore, #tpu.memory_space<semaphore_mem>>) attributes {dimension_semantics = [#tpu.dimension_semantics<core_parallel>, #tpu.dimension_semantics<subcore_parallel>], iteration_bounds = array<i64: 2, 16>, scalar_prefetch = 0 : i64, scratch_operands = 2 : i64, tpu.core_type = #tpu.core_type<sc_vector_subcore>, window_params = [{transform_indices = #map}, {transform_indices = #map1}, {transform_indices = #map1}, {transform_indices = #map1}, {transform_indices = #map1}, {transform_indices = #map}]} {
    %mul3A = arith.constant 2 : i32
    %mul3A_0 = arith.muli %arg1, %mul3A : i32
    %add3A = arith.addi %mul3A_0, %arg0 : i32
    %mul3A_1 = arith.constant 512 : i32
    %mul3A_2 = arith.muli %add3A, %mul3A_1 : i32
    %add3A_3 = arith.constant 0 : i32
    %add3A_4 = arith.addi %mul3A_2, %add3A_3 : i32
    %run_scoped3A = arith.constant 0 : i32
    "tpu.region"() ({
      %run_scoped3A_16 = tpu.sem_alloc : memref<!tpu.dma_semaphore, #tpu.memory_space<semaphore_mem>>
      %dma_start3A = arith.constant 0 : i32
      %dma_start3A_17 = tpu.memref_slice %arg8[%run_scoped3A, %dma_start3A] : memref<4x128xi32, #tpu.memory_space<vmem>> -> memref<1x128xi32, #tpu.memory_space<vmem>>
      %dma_start3A_18 = tpu.memref_squeeze %dma_start3A_17 : memref<1x128xi32, #tpu.memory_space<vmem>> -> memref<128xi32, #tpu.memory_space<vmem>>
      %dma_start3A_19 = tpu.memref_slice %arg2[%add3A_4] : memref<16384xi32, #tpu.memory_space<hbm>> -> memref<128xi32, #tpu.memory_space<hbm>>
      %dma_start3A_20 = arith.constant 0 : i32
      %dma_start3A_21 = tpu.memref_slice %arg8[%run_scoped3A, %dma_start3A_20] : memref<4x128xi32, #tpu.memory_space<vmem>> -> memref<1x128xi32, #tpu.memory_space<vmem>>
      %dma_start3A_22 = tpu.memref_squeeze %dma_start3A_21 : memref<1x128xi32, #tpu.memory_space<vmem>> -> memref<128xi32, #tpu.memory_space<vmem>>
      %dma_start3A_23 = tpu.memref_slice %arg2[%add3A_4] : memref<16384xi32, #tpu.memory_space<hbm>> -> memref<128xi32, #tpu.memory_space<hbm>>
      tpu.enqueue_dma source(%dma_start3A_23 : memref<128xi32, #tpu.memory_space<hbm>>) target(%dma_start3A_22 : memref<128xi32, #tpu.memory_space<vmem>>) target_semaphore(%run_scoped3A_16 : memref<!tpu.dma_semaphore, #tpu.memory_space<semaphore_mem>>)
      %dma_wait3A = arith.constant 0 : i32
      %dma_wait3A_24 = tpu.memref_slice %arg8[%run_scoped3A, %dma_wait3A] : memref<4x128xi32, #tpu.memory_space<vmem>> -> memref<1x128xi32, #tpu.memory_space<vmem>>
      %dma_wait3A_25 = tpu.memref_squeeze %dma_wait3A_24 : memref<1x128xi32, #tpu.memory_space<vmem>> -> memref<128xi32, #tpu.memory_space<vmem>>
      %dma_wait3A_26 = tpu.memref_slice %arg2[%add3A_4] : memref<16384xi32, #tpu.memory_space<hbm>> -> memref<128xi32, #tpu.memory_space<hbm>>
      %dma_wait3A_27 = arith.constant 0 : i32
      %dma_wait3A_28 = tpu.memref_slice %arg8[%run_scoped3A, %dma_wait3A_27] : memref<4x128xi32, #tpu.memory_space<vmem>> -> memref<1x128xi32, #tpu.memory_space<vmem>>
      %dma_wait3A_29 = tpu.memref_squeeze %dma_wait3A_28 : memref<1x128xi32, #tpu.memory_space<vmem>> -> memref<128xi32, #tpu.memory_space<vmem>>
      %dma_wait3A_30 = tpu.memref_slice %arg2[%add3A_4] : memref<16384xi32, #tpu.memory_space<hbm>> -> memref<128xi32, #tpu.memory_space<hbm>>
      tpu.wait_dma2 semaphore(%run_scoped3A_16 : memref<!tpu.dma_semaphore, #tpu.memory_space<semaphore_mem>>) src(%dma_wait3A_30 : memref<128xi32, #tpu.memory_space<hbm>>) dst(%dma_wait3A_29 : memref<128xi32, #tpu.memory_space<vmem>>)
      tpu.yield
    }) : () -> ()
    %add3A_5 = arith.constant 128 : i32
    %add3A_6 = arith.addi %mul3A_2, %add3A_5 : i32
    %run_scoped3A_7 = arith.constant 1 : i32
    "tpu.region"() ({
      %run_scoped3A_16 = tpu.sem_alloc : memref<!tpu.dma_semaphore, #tpu.memory_space<semaphore_mem>>
      %dma_start3A = arith.constant 0 : i32
      %dma_start3A_17 = tpu.memref_slice %arg8[%run_scoped3A_7, %dma_start3A] : memref<4x128xi32, #tpu.memory_space<vmem>> -> memref<1x128xi32, #tpu.memory_space<vmem>>
      %dma_start3A_18 = tpu.memref_squeeze %dma_start3A_17 : memref<1x128xi32, #tpu.memory_space<vmem>> -> memref<128xi32, #tpu.memory_space<vmem>>
      %dma_start3A_19 = tpu.memref_slice %arg2[%add3A_6] : memref<16384xi32, #tpu.memory_space<hbm>> -> memref<128xi32, #tpu.memory_space<hbm>>
      %dma_start3A_20 = arith.constant 0 : i32
      %dma_start3A_21 = tpu.memref_slice %arg8[%run_scoped3A_7, %dma_start3A_20] : memref<4x128xi32, #tpu.memory_space<vmem>> -> memref<1x128xi32, #tpu.memory_space<vmem>>
      %dma_start3A_22 = tpu.memref_squeeze %dma_start3A_21 : memref<1x128xi32, #tpu.memory_space<vmem>> -> memref<128xi32, #tpu.memory_space<vmem>>
      %dma_start3A_23 = tpu.memref_slice %arg2[%add3A_6] : memref<16384xi32, #tpu.memory_space<hbm>> -> memref<128xi32, #tpu.memory_space<hbm>>
      tpu.enqueue_dma source(%dma_start3A_23 : memref<128xi32, #tpu.memory_space<hbm>>) target(%dma_start3A_22 : memref<128xi32, #tpu.memory_space<vmem>>) target_semaphore(%run_scoped3A_16 : memref<!tpu.dma_semaphore, #tpu.memory_space<semaphore_mem>>)
      %dma_wait3A = arith.constant 0 : i32
      %dma_wait3A_24 = tpu.memref_slice %arg8[%run_scoped3A_7, %dma_wait3A] : memref<4x128xi32, #tpu.memory_space<vmem>> -> memref<1x128xi32, #tpu.memory_space<vmem>>
      %dma_wait3A_25 = tpu.memref_squeeze %dma_wait3A_24 : memref<1x128xi32, #tpu.memory_space<vmem>> -> memref<128xi32, #tpu.memory_space<vmem>>
      %dma_wait3A_26 = tpu.memref_slice %arg2[%add3A_6] : memref<16384xi32, #tpu.memory_space<hbm>> -> memref<128xi32, #tpu.memory_space<hbm>>
      %dma_wait3A_27 = arith.constant 0 : i32
      %dma_wait3A_28 = tpu.memref_slice %arg8[%run_scoped3A_7, %dma_wait3A_27] : memref<4x128xi32, #tpu.memory_space<vmem>> -> memref<1x128xi32, #tpu.memory_space<vmem>>
      %dma_wait3A_29 = tpu.memref_squeeze %dma_wait3A_28 : memref<1x128xi32, #tpu.memory_space<vmem>> -> memref<128xi32, #tpu.memory_space<vmem>>
      %dma_wait3A_30 = tpu.memref_slice %arg2[%add3A_6] : memref<16384xi32, #tpu.memory_space<hbm>> -> memref<128xi32, #tpu.memory_space<hbm>>
      tpu.wait_dma2 semaphore(%run_scoped3A_16 : memref<!tpu.dma_semaphore, #tpu.memory_space<semaphore_mem>>) src(%dma_wait3A_30 : memref<128xi32, #tpu.memory_space<hbm>>) dst(%dma_wait3A_29 : memref<128xi32, #tpu.memory_space<vmem>>)
      tpu.yield
    }) : () -> ()
    %add3A_8 = arith.constant 256 : i32
    %add3A_9 = arith.addi %mul3A_2, %add3A_8 : i32
    %run_scoped3A_10 = arith.constant 2 : i32
    "tpu.region"() ({
      %run_scoped3A_16 = tpu.sem_alloc : memref<!tpu.dma_semaphore, #tpu.memory_space<semaphore_mem>>
      %dma_start3A = arith.constant 0 : i32
      %dma_start3A_17 = tpu.memref_slice %arg8[%run_scoped3A_10, %dma_start3A] : memref<4x128xi32, #tpu.memory_space<vmem>> -> memref<1x128xi32, #tpu.memory_space<vmem>>
      %dma_start3A_18 = tpu.memref_squeeze %dma_start3A_17 : memref<1x128xi32, #tpu.memory_space<vmem>> -> memref<128xi32, #tpu.memory_space<vmem>>
      %dma_start3A_19 = tpu.memref_slice %arg2[%add3A_9] : memref<16384xi32, #tpu.memory_space<hbm>> -> memref<128xi32, #tpu.memory_space<hbm>>
      %dma_start3A_20 = arith.constant 0 : i32
      %dma_start3A_21 = tpu.memref_slice %arg8[%run_scoped3A_10, %dma_start3A_20] : memref<4x128xi32, #tpu.memory_space<vmem>> -> memref<1x128xi32, #tpu.memory_space<vmem>>
      %dma_start3A_22 = tpu.memref_squeeze %dma_start3A_21 : memref<1x128xi32, #tpu.memory_space<vmem>> -> memref<128xi32, #tpu.memory_space<vmem>>
      %dma_start3A_23 = tpu.memref_slice %arg2[%add3A_9] : memref<16384xi32, #tpu.memory_space<hbm>> -> memref<128xi32, #tpu.memory_space<hbm>>
      tpu.enqueue_dma source(%dma_start3A_23 : memref<128xi32, #tpu.memory_space<hbm>>) target(%dma_start3A_22 : memref<128xi32, #tpu.memory_space<vmem>>) target_semaphore(%run_scoped3A_16 : memref<!tpu.dma_semaphore, #tpu.memory_space<semaphore_mem>>)
      %dma_wait3A = arith.constant 0 : i32
      %dma_wait3A_24 = tpu.memref_slice %arg8[%run_scoped3A_10, %dma_wait3A] : memref<4x128xi32, #tpu.memory_space<vmem>> -> memref<1x128xi32, #tpu.memory_space<vmem>>
      %dma_wait3A_25 = tpu.memref_squeeze %dma_wait3A_24 : memref<1x128xi32, #tpu.memory_space<vmem>> -> memref<128xi32, #tpu.memory_space<vmem>>
      %dma_wait3A_26 = tpu.memref_slice %arg2[%add3A_9] : memref<16384xi32, #tpu.memory_space<hbm>> -> memref<128xi32, #tpu.memory_space<hbm>>
      %dma_wait3A_27 = arith.constant 0 : i32
      %dma_wait3A_28 = tpu.memref_slice %arg8[%run_scoped3A_10, %dma_wait3A_27] : memref<4x128xi32, #tpu.memory_space<vmem>> -> memref<1x128xi32, #tpu.memory_space<vmem>>
      %dma_wait3A_29 = tpu.memref_squeeze %dma_wait3A_28 : memref<1x128xi32, #tpu.memory_space<vmem>> -> memref<128xi32, #tpu.memory_space<vmem>>
      %dma_wait3A_30 = tpu.memref_slice %arg2[%add3A_9] : memref<16384xi32, #tpu.memory_space<hbm>> -> memref<128xi32, #tpu.memory_space<hbm>>
      tpu.wait_dma2 semaphore(%run_scoped3A_16 : memref<!tpu.dma_semaphore, #tpu.memory_space<semaphore_mem>>) src(%dma_wait3A_30 : memref<128xi32, #tpu.memory_space<hbm>>) dst(%dma_wait3A_29 : memref<128xi32, #tpu.memory_space<vmem>>)
      tpu.yield
    }) : () -> ()
    %add3A_11 = arith.constant 384 : i32
    %add3A_12 = arith.addi %mul3A_2, %add3A_11 : i32
    %run_scoped3A_13 = arith.constant 3 : i32
    "tpu.region"() ({
      %run_scoped3A_16 = tpu.sem_alloc : memref<!tpu.dma_semaphore, #tpu.memory_space<semaphore_mem>>
      %dma_start3A = arith.constant 0 : i32
      %dma_start3A_17 = tpu.memref_slice %arg8[%run_scoped3A_13, %dma_start3A] : memref<4x128xi32, #tpu.memory_space<vmem>> -> memref<1x128xi32, #tpu.memory_space<vmem>>
      %dma_start3A_18 = tpu.memref_squeeze %dma_start3A_17 : memref<1x128xi32, #tpu.memory_space<vmem>> -> memref<128xi32, #tpu.memory_space<vmem>>
      %dma_start3A_19 = tpu.memref_slice %arg2[%add3A_12] : memref<16384xi32, #tpu.memory_space<hbm>> -> memref<128xi32, #tpu.memory_space<hbm>>
      %dma_start3A_20 = arith.constant 0 : i32
      %dma_start3A_21 = tpu.memref_slice %arg8[%run_scoped3A_13, %dma_start3A_20] : memref<4x128xi32, #tpu.memory_space<vmem>> -> memref<1x128xi32, #tpu.memory_space<vmem>>
      %dma_start3A_22 = tpu.memref_squeeze %dma_start3A_21 : memref<1x128xi32, #tpu.memory_space<vmem>> -> memref<128xi32, #tpu.memory_space<vmem>>
      %dma_start3A_23 = tpu.memref_slice %arg2[%add3A_12] : memref<16384xi32, #tpu.memory_space<hbm>> -> memref<128xi32, #tpu.memory_space<hbm>>
      tpu.enqueue_dma source(%dma_start3A_23 : memref<128xi32, #tpu.memory_space<hbm>>) target(%dma_start3A_22 : memref<128xi32, #tpu.memory_space<vmem>>) target_semaphore(%run_scoped3A_16 : memref<!tpu.dma_semaphore, #tpu.memory_space<semaphore_mem>>)
      %dma_wait3A = arith.constant 0 : i32
      %dma_wait3A_24 = tpu.memref_slice %arg8[%run_scoped3A_13, %dma_wait3A] : memref<4x128xi32, #tpu.memory_space<vmem>> -> memref<1x128xi32, #tpu.memory_space<vmem>>
      %dma_wait3A_25 = tpu.memref_squeeze %dma_wait3A_24 : memref<1x128xi32, #tpu.memory_space<vmem>> -> memref<128xi32, #tpu.memory_space<vmem>>
      %dma_wait3A_26 = tpu.memref_slice %arg2[%add3A_12] : memref<16384xi32, #tpu.memory_space<hbm>> -> memref<128xi32, #tpu.memory_space<hbm>>
      %dma_wait3A_27 = arith.constant 0 : i32
      %dma_wait3A_28 = tpu.memref_slice %arg8[%run_scoped3A_13, %dma_wait3A_27] : memref<4x128xi32, #tpu.memory_space<vmem>> -> memref<1x128xi32, #tpu.memory_space<vmem>>
      %dma_wait3A_29 = tpu.memref_squeeze %dma_wait3A_28 : memref<1x128xi32, #tpu.memory_space<vmem>> -> memref<128xi32, #tpu.memory_space<vmem>>
      %dma_wait3A_30 = tpu.memref_slice %arg2[%add3A_12] : memref<16384xi32, #tpu.memory_space<hbm>> -> memref<128xi32, #tpu.memory_space<hbm>>
      tpu.wait_dma2 semaphore(%run_scoped3A_16 : memref<!tpu.dma_semaphore, #tpu.memory_space<semaphore_mem>>) src(%dma_wait3A_30 : memref<128xi32, #tpu.memory_space<hbm>>) dst(%dma_wait3A_29 : memref<128xi32, #tpu.memory_space<vmem>>)
      tpu.yield
    }) : () -> ()
    "tpu.region"() ({
      %run_scoped3A_16 = memref.alloca() : memref<4x128x128xf32, #tpu.memory_space<vmem>>
      %run_scoped3A_17 = tpu.sem_alloc : memref<!tpu.dma_semaphore, #tpu.memory_space<semaphore_mem>>
      %run_scoped3A_18 = tpu.sem_alloc : memref<!tpu.dma_semaphore, #tpu.memory_space<semaphore_mem>>
      %dma_start3A = arith.constant 0 : i32
      %dma_start3A_19 = arith.constant 0 : i32
      %dma_start3A_20 = arith.constant 0 : i32
      %dma_start3A_21 = arith.constant 0 : i32
      %dma_start3A_22 = tpu.memref_slice %run_scoped3A_16[%dma_start3A_19, %dma_start3A_20, %dma_start3A_21] : memref<4x128x128xf32, #tpu.memory_space<vmem>> -> memref<1x128x128xf32, #tpu.memory_space<vmem>>
      %dma_start3A_23 = tpu.memref_squeeze %dma_start3A_22 : memref<1x128x128xf32, #tpu.memory_space<vmem>> -> memref<128x128xf32, #tpu.memory_space<vmem>>
      %dma_start3A_24 = arith.constant 0 : i32
      %dma_start3A_25 = tpu.memref_slice %arg8[%dma_start3A, %dma_start3A_24] : memref<4x128xi32, #tpu.memory_space<vmem>> -> memref<1x128xi32, #tpu.memory_space<vmem>>
      %dma_start3A_26 = tpu.memref_squeeze %dma_start3A_25 : memref<1x128xi32, #tpu.memory_space<vmem>> -> memref<128xi32, #tpu.memory_space<vmem>>
      %dma_start3A_27 = arith.constant 0 : i32
      %dma_start3A_28 = arith.constant 0 : i32
      %dma_start3A_29 = tpu.memref_slice %arg3[%dma_start3A_27, %dma_start3A_28] : memref<100000x128xf32, #tpu.memory_space<hbm>> -> memref<100000x128xf32, #tpu.memory_space<hbm>>
      tpu.enqueue_indirect_dma source(%dma_start3A_29 : memref<100000x128xf32, #tpu.memory_space<hbm>>) target(%dma_start3A_23 : memref<128x128xf32, #tpu.memory_space<vmem>>) offsets(%dma_start3A_26 : memref<128xi32, #tpu.memory_space<vmem>>) semaphore(%run_scoped3A_17 : memref<!tpu.dma_semaphore, #tpu.memory_space<semaphore_mem>>)
      %dma_start3A_30 = arith.constant 1 : i32
      %dma_start3A_31 = arith.constant 1 : i32
      %dma_start3A_32 = arith.constant 0 : i32
      %dma_start3A_33 = arith.constant 0 : i32
      %dma_start3A_34 = tpu.memref_slice %run_scoped3A_16[%dma_start3A_31, %dma_start3A_32, %dma_start3A_33] : memref<4x128x128xf32, #tpu.memory_space<vmem>> -> memref<1x128x128xf32, #tpu.memory_space<vmem>>
      %dma_start3A_35 = tpu.memref_squeeze %dma_start3A_34 : memref<1x128x128xf32, #tpu.memory_space<vmem>> -> memref<128x128xf32, #tpu.memory_space<vmem>>
      %dma_start3A_36 = arith.constant 0 : i32
      %dma_start3A_37 = tpu.memref_slice %arg8[%dma_start3A_30, %dma_start3A_36] : memref<4x128xi32, #tpu.memory_space<vmem>> -> memref<1x128xi32, #tpu.memory_space<vmem>>
      %dma_start3A_38 = tpu.memref_squeeze %dma_start3A_37 : memref<1x128xi32, #tpu.memory_space<vmem>> -> memref<128xi32, #tpu.memory_space<vmem>>
      %dma_start3A_39 = arith.constant 0 : i32
      %dma_start3A_40 = arith.constant 0 : i32
      %dma_start3A_41 = tpu.memref_slice %arg3[%dma_start3A_39, %dma_start3A_40] : memref<100000x128xf32, #tpu.memory_space<hbm>> -> memref<100000x128xf32, #tpu.memory_space<hbm>>
      tpu.enqueue_indirect_dma source(%dma_start3A_41 : memref<100000x128xf32, #tpu.memory_space<hbm>>) target(%dma_start3A_35 : memref<128x128xf32, #tpu.memory_space<vmem>>) offsets(%dma_start3A_38 : memref<128xi32, #tpu.memory_space<vmem>>) semaphore(%run_scoped3A_17 : memref<!tpu.dma_semaphore, #tpu.memory_space<semaphore_mem>>)
      %dma_start3A_42 = arith.constant 2 : i32
      %dma_start3A_43 = arith.constant 2 : i32
      %dma_start3A_44 = arith.constant 0 : i32
      %dma_start3A_45 = arith.constant 0 : i32
      %dma_start3A_46 = tpu.memref_slice %run_scoped3A_16[%dma_start3A_43, %dma_start3A_44, %dma_start3A_45] : memref<4x128x128xf32, #tpu.memory_space<vmem>> -> memref<1x128x128xf32, #tpu.memory_space<vmem>>
      %dma_start3A_47 = tpu.memref_squeeze %dma_start3A_46 : memref<1x128x128xf32, #tpu.memory_space<vmem>> -> memref<128x128xf32, #tpu.memory_space<vmem>>
      %dma_start3A_48 = arith.constant 0 : i32
      %dma_start3A_49 = tpu.memref_slice %arg8[%dma_start3A_42, %dma_start3A_48] : memref<4x128xi32, #tpu.memory_space<vmem>> -> memref<1x128xi32, #tpu.memory_space<vmem>>
      %dma_start3A_50 = tpu.memref_squeeze %dma_start3A_49 : memref<1x128xi32, #tpu.memory_space<vmem>> -> memref<128xi32, #tpu.memory_space<vmem>>
      %dma_start3A_51 = arith.constant 0 : i32
      %dma_start3A_52 = arith.constant 0 : i32
      %dma_start3A_53 = tpu.memref_slice %arg3[%dma_start3A_51, %dma_start3A_52] : memref<100000x128xf32, #tpu.memory_space<hbm>> -> memref<100000x128xf32, #tpu.memory_space<hbm>>
      tpu.enqueue_indirect_dma source(%dma_start3A_53 : memref<100000x128xf32, #tpu.memory_space<hbm>>) target(%dma_start3A_47 : memref<128x128xf32, #tpu.memory_space<vmem>>) offsets(%dma_start3A_50 : memref<128xi32, #tpu.memory_space<vmem>>) semaphore(%run_scoped3A_17 : memref<!tpu.dma_semaphore, #tpu.memory_space<semaphore_mem>>)
      %dma_wait3A = arith.constant 0 : i32
      %dma_wait3A_54 = arith.constant 0 : i32
      %dma_wait3A_55 = arith.constant 0 : i32
      %dma_wait3A_56 = arith.constant 0 : i32
      %dma_wait3A_57 = tpu.memref_slice %run_scoped3A_16[%dma_wait3A_54, %dma_wait3A_55, %dma_wait3A_56] : memref<4x128x128xf32, #tpu.memory_space<vmem>> -> memref<1x128x128xf32, #tpu.memory_space<vmem>>
      %dma_wait3A_58 = tpu.memref_squeeze %dma_wait3A_57 : memref<1x128x128xf32, #tpu.memory_space<vmem>> -> memref<128x128xf32, #tpu.memory_space<vmem>>
      %dma_wait3A_59 = arith.constant 0 : i32
      %dma_wait3A_60 = tpu.memref_slice %arg8[%dma_wait3A, %dma_wait3A_59] : memref<4x128xi32, #tpu.memory_space<vmem>> -> memref<1x128xi32, #tpu.memory_space<vmem>>
      %dma_wait3A_61 = tpu.memref_squeeze %dma_wait3A_60 : memref<1x128xi32, #tpu.memory_space<vmem>> -> memref<128xi32, #tpu.memory_space<vmem>>
      %dma_wait3A_62 = arith.constant 0 : i32
      %dma_wait3A_63 = arith.constant 0 : i32
      %dma_wait3A_64 = tpu.memref_slice %arg3[%dma_wait3A_62, %dma_wait3A_63] : memref<100000x128xf32, #tpu.memory_space<hbm>> -> memref<100000x128xf32, #tpu.memory_space<hbm>>
      tpu.wait_indirect_dma semaphore(%run_scoped3A_17 : memref<!tpu.dma_semaphore, #tpu.memory_space<semaphore_mem>>) src(%dma_wait3A_64 : memref<100000x128xf32, #tpu.memory_space<hbm>>) dst(%dma_wait3A_58 : memref<128x128xf32, #tpu.memory_space<vmem>>)
      %dma_start3A_65 = arith.constant 3 : i32
      %dma_start3A_66 = arith.constant 3 : i32
      %dma_start3A_67 = arith.constant 0 : i32
      %dma_start3A_68 = arith.constant 0 : i32
      %dma_start3A_69 = tpu.memref_slice %run_scoped3A_16[%dma_start3A_66, %dma_start3A_67, %dma_start3A_68] : memref<4x128x128xf32, #tpu.memory_space<vmem>> -> memref<1x128x128xf32, #tpu.memory_space<vmem>>
      %dma_start3A_70 = tpu.memref_squeeze %dma_start3A_69 : memref<1x128x128xf32, #tpu.memory_space<vmem>> -> memref<128x128xf32, #tpu.memory_space<vmem>>
      %dma_start3A_71 = arith.constant 0 : i32
      %dma_start3A_72 = tpu.memref_slice %arg8[%dma_start3A_65, %dma_start3A_71] : memref<4x128xi32, #tpu.memory_space<vmem>> -> memref<1x128xi32, #tpu.memory_space<vmem>>
      %dma_start3A_73 = tpu.memref_squeeze %dma_start3A_72 : memref<1x128xi32, #tpu.memory_space<vmem>> -> memref<128xi32, #tpu.memory_space<vmem>>
      %dma_start3A_74 = arith.constant 0 : i32
      %dma_start3A_75 = arith.constant 0 : i32
      %dma_start3A_76 = tpu.memref_slice %arg3[%dma_start3A_74, %dma_start3A_75] : memref<100000x128xf32, #tpu.memory_space<hbm>> -> memref<100000x128xf32, #tpu.memory_space<hbm>>
      tpu.enqueue_indirect_dma source(%dma_start3A_76 : memref<100000x128xf32, #tpu.memory_space<hbm>>) target(%dma_start3A_70 : memref<128x128xf32, #tpu.memory_space<vmem>>) offsets(%dma_start3A_73 : memref<128xi32, #tpu.memory_space<vmem>>) semaphore(%run_scoped3A_17 : memref<!tpu.dma_semaphore, #tpu.memory_space<semaphore_mem>>)
      %add3A_77 = arith.constant 0 : i32
      %add3A_78 = arith.addi %mul3A_2, %add3A_77 : i32
      %dma_start3A_79 = arith.constant 0 : i32
      %dma_start3A_80 = arith.constant 0 : i32
      %dma_start3A_81 = arith.constant 0 : i32
      %dma_start3A_82 = tpu.memref_slice %run_scoped3A_16[%dma_start3A_79, %dma_start3A_80, %dma_start3A_81] : memref<4x128x128xf32, #tpu.memory_space<vmem>> -> memref<1x128x128xf32, #tpu.memory_space<vmem>>
      %dma_start3A_83 = tpu.memref_squeeze %dma_start3A_82 : memref<1x128x128xf32, #tpu.memory_space<vmem>> -> memref<128x128xf32, #tpu.memory_space<vmem>>
      %dma_start3A_84 = arith.constant 0 : i32
      %dma_start3A_85 = tpu.memref_slice %arg5[%add3A_78, %dma_start3A_84] : memref<16384x128xf32, #tpu.memory_space<hbm>> -> memref<128x128xf32, #tpu.memory_space<hbm>>
      %dma_start3A_86 = arith.constant 0 : i32
      %dma_start3A_87 = tpu.memref_slice %arg5[%add3A_78, %dma_start3A_86] : memref<16384x128xf32, #tpu.memory_space<hbm>> -> memref<128x128xf32, #tpu.memory_space<hbm>>
      %dma_start3A_88 = arith.constant 0 : i32
      %dma_start3A_89 = arith.constant 0 : i32
      %dma_start3A_90 = tpu.memref_slice %run_scoped3A_16[%dma_start3A_79, %dma_start3A_88, %dma_start3A_89] : memref<4x128x128xf32, #tpu.memory_space<vmem>> -> memref<1x128x128xf32, #tpu.memory_space<vmem>>
      %dma_start3A_91 = tpu.memref_squeeze %dma_start3A_90 : memref<1x128x128xf32, #tpu.memory_space<vmem>> -> memref<128x128xf32, #tpu.memory_space<vmem>>
      tpu.enqueue_dma source(%dma_start3A_91 : memref<128x128xf32, #tpu.memory_space<vmem>>) target(%dma_start3A_87 : memref<128x128xf32, #tpu.memory_space<hbm>>) target_semaphore(%run_scoped3A_18 : memref<!tpu.dma_semaphore, #tpu.memory_space<semaphore_mem>>)
      %dma_wait3A_92 = arith.constant 1 : i32
      %dma_wait3A_93 = arith.constant 1 : i32
      %dma_wait3A_94 = arith.constant 0 : i32
      %dma_wait3A_95 = arith.constant 0 : i32
      %dma_wait3A_96 = tpu.memref_slice %run_scoped3A_16[%dma_wait3A_93, %dma_wait3A_94, %dma_wait3A_95] : memref<4x128x128xf32, #tpu.memory_space<vmem>> -> memref<1x128x128xf32, #tpu.memory_space<vmem>>
      %dma_wait3A_97 = tpu.memref_squeeze %dma_wait3A_96 : memref<1x128x128xf32, #tpu.memory_space<vmem>> -> memref<128x128xf32, #tpu.memory_space<vmem>>
      %dma_wait3A_98 = arith.constant 0 : i32
      %dma_wait3A_99 = tpu.memref_slice %arg8[%dma_wait3A_92, %dma_wait3A_98] : memref<4x128xi32, #tpu.memory_space<vmem>> -> memref<1x128xi32, #tpu.memory_space<vmem>>
      %dma_wait3A_100 = tpu.memref_squeeze %dma_wait3A_99 : memref<1x128xi32, #tpu.memory_space<vmem>> -> memref<128xi32, #tpu.memory_space<vmem>>
      %dma_wait3A_101 = arith.constant 0 : i32
      %dma_wait3A_102 = arith.constant 0 : i32
      %dma_wait3A_103 = tpu.memref_slice %arg3[%dma_wait3A_101, %dma_wait3A_102] : memref<100000x128xf32, #tpu.memory_space<hbm>> -> memref<100000x128xf32, #tpu.memory_space<hbm>>
      tpu.wait_indirect_dma semaphore(%run_scoped3A_17 : memref<!tpu.dma_semaphore, #tpu.memory_space<semaphore_mem>>) src(%dma_wait3A_103 : memref<100000x128xf32, #tpu.memory_space<hbm>>) dst(%dma_wait3A_97 : memref<128x128xf32, #tpu.memory_space<vmem>>)
      %dma_wait3A_104 = arith.constant 0 : i32
      %dma_wait3A_105 = arith.constant 0 : i32
      %dma_wait3A_106 = arith.constant 0 : i32
      %dma_wait3A_107 = tpu.memref_slice %run_scoped3A_16[%dma_wait3A_104, %dma_wait3A_105, %dma_wait3A_106] : memref<4x128x128xf32, #tpu.memory_space<vmem>> -> memref<1x128x128xf32, #tpu.memory_space<vmem>>
      %dma_wait3A_108 = tpu.memref_squeeze %dma_wait3A_107 : memref<1x128x128xf32, #tpu.memory_space<vmem>> -> memref<128x128xf32, #tpu.memory_space<vmem>>
      %dma_wait3A_109 = arith.constant 0 : i32
      %dma_wait3A_110 = tpu.memref_slice %arg5[%add3A_78, %dma_wait3A_109] : memref<16384x128xf32, #tpu.memory_space<hbm>> -> memref<128x128xf32, #tpu.memory_space<hbm>>
      %dma_wait3A_111 = arith.constant 0 : i32
      %dma_wait3A_112 = tpu.memref_slice %arg5[%add3A_78, %dma_wait3A_111] : memref<16384x128xf32, #tpu.memory_space<hbm>> -> memref<128x128xf32, #tpu.memory_space<hbm>>
      %dma_wait3A_113 = arith.constant 0 : i32
      %dma_wait3A_114 = arith.constant 0 : i32
      %dma_wait3A_115 = tpu.memref_slice %run_scoped3A_16[%dma_wait3A_104, %dma_wait3A_113, %dma_wait3A_114] : memref<4x128x128xf32, #tpu.memory_space<vmem>> -> memref<1x128x128xf32, #tpu.memory_space<vmem>>
      %dma_wait3A_116 = tpu.memref_squeeze %dma_wait3A_115 : memref<1x128x128xf32, #tpu.memory_space<vmem>> -> memref<128x128xf32, #tpu.memory_space<vmem>>
      tpu.wait_dma2 semaphore(%run_scoped3A_18 : memref<!tpu.dma_semaphore, #tpu.memory_space<semaphore_mem>>) src(%dma_wait3A_116 : memref<128x128xf32, #tpu.memory_space<vmem>>) dst(%dma_wait3A_112 : memref<128x128xf32, #tpu.memory_space<hbm>>)
      %dma_start3A_117 = arith.constant 0 : i32
      %dma_start3A_118 = arith.constant 0 : i32
      %dma_start3A_119 = arith.constant 0 : i32
      %dma_start3A_120 = arith.constant 0 : i32
      %dma_start3A_121 = tpu.memref_slice %run_scoped3A_16[%dma_start3A_118, %dma_start3A_119, %dma_start3A_120] : memref<4x128x128xf32, #tpu.memory_space<vmem>> -> memref<1x128x128xf32, #tpu.memory_space<vmem>>
      %dma_start3A_122 = tpu.memref_squeeze %dma_start3A_121 : memref<1x128x128xf32, #tpu.memory_space<vmem>> -> memref<128x128xf32, #tpu.memory_space<vmem>>
      %dma_start3A_123 = arith.constant 0 : i32
      %dma_start3A_124 = tpu.memref_slice %arg8[%dma_start3A_117, %dma_start3A_123] : memref<4x128xi32, #tpu.memory_space<vmem>> -> memref<1x128xi32, #tpu.memory_space<vmem>>
      %dma_start3A_125 = tpu.memref_squeeze %dma_start3A_124 : memref<1x128xi32, #tpu.memory_space<vmem>> -> memref<128xi32, #tpu.memory_space<vmem>>
      %dma_start3A_126 = arith.constant 0 : i32
      %dma_start3A_127 = arith.constant 0 : i32
      %dma_start3A_128 = tpu.memref_slice %arg4[%dma_start3A_126, %dma_start3A_127] : memref<100000x128xf32, #tpu.memory_space<hbm>> -> memref<100000x128xf32, #tpu.memory_space<hbm>>
      tpu.enqueue_indirect_dma source(%dma_start3A_128 : memref<100000x128xf32, #tpu.memory_space<hbm>>) target(%dma_start3A_122 : memref<128x128xf32, #tpu.memory_space<vmem>>) offsets(%dma_start3A_125 : memref<128xi32, #tpu.memory_space<vmem>>) semaphore(%run_scoped3A_17 : memref<!tpu.dma_semaphore, #tpu.memory_space<semaphore_mem>>)
      %add3A_129 = arith.constant 128 : i32
      %add3A_130 = arith.addi %mul3A_2, %add3A_129 : i32
      %dma_start3A_131 = arith.constant 1 : i32
      %dma_start3A_132 = arith.constant 0 : i32
      %dma_start3A_133 = arith.constant 0 : i32
      %dma_start3A_134 = tpu.memref_slice %run_scoped3A_16[%dma_start3A_131, %dma_start3A_132, %dma_start3A_133] : memref<4x128x128xf32, #tpu.memory_space<vmem>> -> memref<1x128x128xf32, #tpu.memory_space<vmem>>
      %dma_start3A_135 = tpu.memref_squeeze %dma_start3A_134 : memref<1x128x128xf32, #tpu.memory_space<vmem>> -> memref<128x128xf32, #tpu.memory_space<vmem>>
      %dma_start3A_136 = arith.constant 0 : i32
      %dma_start3A_137 = tpu.memref_slice %arg5[%add3A_130, %dma_start3A_136] : memref<16384x128xf32, #tpu.memory_space<hbm>> -> memref<128x128xf32, #tpu.memory_space<hbm>>
      %dma_start3A_138 = arith.constant 0 : i32
      %dma_start3A_139 = tpu.memref_slice %arg5[%add3A_130, %dma_start3A_138] : memref<16384x128xf32, #tpu.memory_space<hbm>> -> memref<128x128xf32, #tpu.memory_space<hbm>>
      %dma_start3A_140 = arith.constant 0 : i32
      %dma_start3A_141 = arith.constant 0 : i32
      %dma_start3A_142 = tpu.memref_slice %run_scoped3A_16[%dma_start3A_131, %dma_start3A_140, %dma_start3A_141] : memref<4x128x128xf32, #tpu.memory_space<vmem>> -> memref<1x128x128xf32, #tpu.memory_space<vmem>>
      %dma_start3A_143 = tpu.memref_squeeze %dma_start3A_142 : memref<1x128x128xf32, #tpu.memory_space<vmem>> -> memref<128x128xf32, #tpu.memory_space<vmem>>
      tpu.enqueue_dma source(%dma_start3A_143 : memref<128x128xf32, #tpu.memory_space<vmem>>) target(%dma_start3A_139 : memref<128x128xf32, #tpu.memory_space<hbm>>) target_semaphore(%run_scoped3A_18 : memref<!tpu.dma_semaphore, #tpu.memory_space<semaphore_mem>>)
      %dma_wait3A_144 = arith.constant 2 : i32
      %dma_wait3A_145 = arith.constant 2 : i32
      %dma_wait3A_146 = arith.constant 0 : i32
      %dma_wait3A_147 = arith.constant 0 : i32
      %dma_wait3A_148 = tpu.memref_slice %run_scoped3A_16[%dma_wait3A_145, %dma_wait3A_146, %dma_wait3A_147] : memref<4x128x128xf32, #tpu.memory_space<vmem>> -> memref<1x128x128xf32, #tpu.memory_space<vmem>>
      %dma_wait3A_149 = tpu.memref_squeeze %dma_wait3A_148 : memref<1x128x128xf32, #tpu.memory_space<vmem>> -> memref<128x128xf32, #tpu.memory_space<vmem>>
      %dma_wait3A_150 = arith.constant 0 : i32
      %dma_wait3A_151 = tpu.memref_slice %arg8[%dma_wait3A_144, %dma_wait3A_150] : memref<4x128xi32, #tpu.memory_space<vmem>> -> memref<1x128xi32, #tpu.memory_space<vmem>>
      %dma_wait3A_152 = tpu.memref_squeeze %dma_wait3A_151 : memref<1x128xi32, #tpu.memory_space<vmem>> -> memref<128xi32, #tpu.memory_space<vmem>>
      %dma_wait3A_153 = arith.constant 0 : i32
      %dma_wait3A_154 = arith.constant 0 : i32
      %dma_wait3A_155 = tpu.memref_slice %arg3[%dma_wait3A_153, %dma_wait3A_154] : memref<100000x128xf32, #tpu.memory_space<hbm>> -> memref<100000x128xf32, #tpu.memory_space<hbm>>
      tpu.wait_indirect_dma semaphore(%run_scoped3A_17 : memref<!tpu.dma_semaphore, #tpu.memory_space<semaphore_mem>>) src(%dma_wait3A_155 : memref<100000x128xf32, #tpu.memory_space<hbm>>) dst(%dma_wait3A_149 : memref<128x128xf32, #tpu.memory_space<vmem>>)
      %dma_wait3A_156 = arith.constant 1 : i32
      %dma_wait3A_157 = arith.constant 0 : i32
      %dma_wait3A_158 = arith.constant 0 : i32
      %dma_wait3A_159 = tpu.memref_slice %run_scoped3A_16[%dma_wait3A_156, %dma_wait3A_157, %dma_wait3A_158] : memref<4x128x128xf32, #tpu.memory_space<vmem>> -> memref<1x128x128xf32, #tpu.memory_space<vmem>>
      %dma_wait3A_160 = tpu.memref_squeeze %dma_wait3A_159 : memref<1x128x128xf32, #tpu.memory_space<vmem>> -> memref<128x128xf32, #tpu.memory_space<vmem>>
      %dma_wait3A_161 = arith.constant 0 : i32
      %dma_wait3A_162 = tpu.memref_slice %arg5[%add3A_130, %dma_wait3A_161] : memref<16384x128xf32, #tpu.memory_space<hbm>> -> memref<128x128xf32, #tpu.memory_space<hbm>>
      %dma_wait3A_163 = arith.constant 0 : i32
      %dma_wait3A_164 = tpu.memref_slice %arg5[%add3A_130, %dma_wait3A_163] : memref<16384x128xf32, #tpu.memory_space<hbm>> -> memref<128x128xf32, #tpu.memory_space<hbm>>
      %dma_wait3A_165 = arith.constant 0 : i32
      %dma_wait3A_166 = arith.constant 0 : i32
      %dma_wait3A_167 = tpu.memref_slice %run_scoped3A_16[%dma_wait3A_156, %dma_wait3A_165, %dma_wait3A_166] : memref<4x128x128xf32, #tpu.memory_space<vmem>> -> memref<1x128x128xf32, #tpu.memory_space<vmem>>
      %dma_wait3A_168 = tpu.memref_squeeze %dma_wait3A_167 : memref<1x128x128xf32, #tpu.memory_space<vmem>> -> memref<128x128xf32, #tpu.memory_space<vmem>>
      tpu.wait_dma2 semaphore(%run_scoped3A_18 : memref<!tpu.dma_semaphore, #tpu.memory_space<semaphore_mem>>) src(%dma_wait3A_168 : memref<128x128xf32, #tpu.memory_space<vmem>>) dst(%dma_wait3A_164 : memref<128x128xf32, #tpu.memory_space<hbm>>)
      %dma_start3A_169 = arith.constant 1 : i32
      %dma_start3A_170 = arith.constant 1 : i32
      %dma_start3A_171 = arith.constant 0 : i32
      %dma_start3A_172 = arith.constant 0 : i32
      %dma_start3A_173 = tpu.memref_slice %run_scoped3A_16[%dma_start3A_170, %dma_start3A_171, %dma_start3A_172] : memref<4x128x128xf32, #tpu.memory_space<vmem>> -> memref<1x128x128xf32, #tpu.memory_space<vmem>>
      %dma_start3A_174 = tpu.memref_squeeze %dma_start3A_173 : memref<1x128x128xf32, #tpu.memory_space<vmem>> -> memref<128x128xf32, #tpu.memory_space<vmem>>
      %dma_start3A_175 = arith.constant 0 : i32
      %dma_start3A_176 = tpu.memref_slice %arg8[%dma_start3A_169, %dma_start3A_175] : memref<4x128xi32, #tpu.memory_space<vmem>> -> memref<1x128xi32, #tpu.memory_space<vmem>>
      %dma_start3A_177 = tpu.memref_squeeze %dma_start3A_176 : memref<1x128xi32, #tpu.memory_space<vmem>> -> memref<128xi32, #tpu.memory_space<vmem>>
      %dma_start3A_178 = arith.constant 0 : i32
      %dma_start3A_179 = arith.constant 0 : i32
      %dma_start3A_180 = tpu.memref_slice %arg4[%dma_start3A_178, %dma_start3A_179] : memref<100000x128xf32, #tpu.memory_space<hbm>> -> memref<100000x128xf32, #tpu.memory_space<hbm>>
      tpu.enqueue_indirect_dma source(%dma_start3A_180 : memref<100000x128xf32, #tpu.memory_space<hbm>>) target(%dma_start3A_174 : memref<128x128xf32, #tpu.memory_space<vmem>>) offsets(%dma_start3A_177 : memref<128xi32, #tpu.memory_space<vmem>>) semaphore(%run_scoped3A_17 : memref<!tpu.dma_semaphore, #tpu.memory_space<semaphore_mem>>)
      %add3A_181 = arith.constant 256 : i32
      %add3A_182 = arith.addi %mul3A_2, %add3A_181 : i32
      %dma_start3A_183 = arith.constant 2 : i32
      %dma_start3A_184 = arith.constant 0 : i32
      %dma_start3A_185 = arith.constant 0 : i32
      %dma_start3A_186 = tpu.memref_slice %run_scoped3A_16[%dma_start3A_183, %dma_start3A_184, %dma_start3A_185] : memref<4x128x128xf32, #tpu.memory_space<vmem>> -> memref<1x128x128xf32, #tpu.memory_space<vmem>>
      %dma_start3A_187 = tpu.memref_squeeze %dma_start3A_186 : memref<1x128x128xf32, #tpu.memory_space<vmem>> -> memref<128x128xf32, #tpu.memory_space<vmem>>
      %dma_start3A_188 = arith.constant 0 : i32
      %dma_start3A_189 = tpu.memref_slice %arg5[%add3A_182, %dma_start3A_188] : memref<16384x128xf32, #tpu.memory_space<hbm>> -> memref<128x128xf32, #tpu.memory_space<hbm>>
      %dma_start3A_190 = arith.constant 0 : i32
      %dma_start3A_191 = tpu.memref_slice %arg5[%add3A_182, %dma_start3A_190] : memref<16384x128xf32, #tpu.memory_space<hbm>> -> memref<128x128xf32, #tpu.memory_space<hbm>>
      %dma_start3A_192 = arith.constant 0 : i32
      %dma_start3A_193 = arith.constant 0 : i32
      %dma_start3A_194 = tpu.memref_slice %run_scoped3A_16[%dma_start3A_183, %dma_start3A_192, %dma_start3A_193] : memref<4x128x128xf32, #tpu.memory_space<vmem>> -> memref<1x128x128xf32, #tpu.memory_space<vmem>>
      %dma_start3A_195 = tpu.memref_squeeze %dma_start3A_194 : memref<1x128x128xf32, #tpu.memory_space<vmem>> -> memref<128x128xf32, #tpu.memory_space<vmem>>
      tpu.enqueue_dma source(%dma_start3A_195 : memref<128x128xf32, #tpu.memory_space<vmem>>) target(%dma_start3A_191 : memref<128x128xf32, #tpu.memory_space<hbm>>) target_semaphore(%run_scoped3A_18 : memref<!tpu.dma_semaphore, #tpu.memory_space<semaphore_mem>>)
      %dma_wait3A_196 = arith.constant 3 : i32
      %dma_wait3A_197 = arith.constant 3 : i32
      %dma_wait3A_198 = arith.constant 0 : i32
      %dma_wait3A_199 = arith.constant 0 : i32
      %dma_wait3A_200 = tpu.memref_slice %run_scoped3A_16[%dma_wait3A_197, %dma_wait3A_198, %dma_wait3A_199] : memref<4x128x128xf32, #tpu.memory_space<vmem>> -> memref<1x128x128xf32, #tpu.memory_space<vmem>>
      %dma_wait3A_201 = tpu.memref_squeeze %dma_wait3A_200 : memref<1x128x128xf32, #tpu.memory_space<vmem>> -> memref<128x128xf32, #tpu.memory_space<vmem>>
      %dma_wait3A_202 = arith.constant 0 : i32
      %dma_wait3A_203 = tpu.memref_slice %arg8[%dma_wait3A_196, %dma_wait3A_202] : memref<4x128xi32, #tpu.memory_space<vmem>> -> memref<1x128xi32, #tpu.memory_space<vmem>>
      %dma_wait3A_204 = tpu.memref_squeeze %dma_wait3A_203 : memref<1x128xi32, #tpu.memory_space<vmem>> -> memref<128xi32, #tpu.memory_space<vmem>>
      %dma_wait3A_205 = arith.constant 0 : i32
      %dma_wait3A_206 = arith.constant 0 : i32
      %dma_wait3A_207 = tpu.memref_slice %arg3[%dma_wait3A_205, %dma_wait3A_206] : memref<100000x128xf32, #tpu.memory_space<hbm>> -> memref<100000x128xf32, #tpu.memory_space<hbm>>
      tpu.wait_indirect_dma semaphore(%run_scoped3A_17 : memref<!tpu.dma_semaphore, #tpu.memory_space<semaphore_mem>>) src(%dma_wait3A_207 : memref<100000x128xf32, #tpu.memory_space<hbm>>) dst(%dma_wait3A_201 : memref<128x128xf32, #tpu.memory_space<vmem>>)
      %dma_wait3A_208 = arith.constant 2 : i32
      %dma_wait3A_209 = arith.constant 0 : i32
      %dma_wait3A_210 = arith.constant 0 : i32
      %dma_wait3A_211 = tpu.memref_slice %run_scoped3A_16[%dma_wait3A_208, %dma_wait3A_209, %dma_wait3A_210] : memref<4x128x128xf32, #tpu.memory_space<vmem>> -> memref<1x128x128xf32, #tpu.memory_space<vmem>>
      %dma_wait3A_212 = tpu.memref_squeeze %dma_wait3A_211 : memref<1x128x128xf32, #tpu.memory_space<vmem>> -> memref<128x128xf32, #tpu.memory_space<vmem>>
      %dma_wait3A_213 = arith.constant 0 : i32
      %dma_wait3A_214 = tpu.memref_slice %arg5[%add3A_182, %dma_wait3A_213] : memref<16384x128xf32, #tpu.memory_space<hbm>> -> memref<128x128xf32, #tpu.memory_space<hbm>>
      %dma_wait3A_215 = arith.constant 0 : i32
      %dma_wait3A_216 = tpu.memref_slice %arg5[%add3A_182, %dma_wait3A_215] : memref<16384x128xf32, #tpu.memory_space<hbm>> -> memref<128x128xf32, #tpu.memory_space<hbm>>
      %dma_wait3A_217 = arith.constant 0 : i32
      %dma_wait3A_218 = arith.constant 0 : i32
      %dma_wait3A_219 = tpu.memref_slice %run_scoped3A_16[%dma_wait3A_208, %dma_wait3A_217, %dma_wait3A_218] : memref<4x128x128xf32, #tpu.memory_space<vmem>> -> memref<1x128x128xf32, #tpu.memory_space<vmem>>
      %dma_wait3A_220 = tpu.memref_squeeze %dma_wait3A_219 : memref<1x128x128xf32, #tpu.memory_space<vmem>> -> memref<128x128xf32, #tpu.memory_space<vmem>>
      tpu.wait_dma2 semaphore(%run_scoped3A_18 : memref<!tpu.dma_semaphore, #tpu.memory_space<semaphore_mem>>) src(%dma_wait3A_220 : memref<128x128xf32, #tpu.memory_space<vmem>>) dst(%dma_wait3A_216 : memref<128x128xf32, #tpu.memory_space<hbm>>)
      %dma_start3A_221 = arith.constant 2 : i32
      %dma_start3A_222 = arith.constant 2 : i32
      %dma_start3A_223 = arith.constant 0 : i32
      %dma_start3A_224 = arith.constant 0 : i32
      %dma_start3A_225 = tpu.memref_slice %run_scoped3A_16[%dma_start3A_222, %dma_start3A_223, %dma_start3A_224] : memref<4x128x128xf32, #tpu.memory_space<vmem>> -> memref<1x128x128xf32, #tpu.memory_space<vmem>>
      %dma_start3A_226 = tpu.memref_squeeze %dma_start3A_225 : memref<1x128x128xf32, #tpu.memory_space<vmem>> -> memref<128x128xf32, #tpu.memory_space<vmem>>
      %dma_start3A_227 = arith.constant 0 : i32
      %dma_start3A_228 = tpu.memref_slice %arg8[%dma_start3A_221, %dma_start3A_227] : memref<4x128xi32, #tpu.memory_space<vmem>> -> memref<1x128xi32, #tpu.memory_space<vmem>>
      %dma_start3A_229 = tpu.memref_squeeze %dma_start3A_228 : memref<1x128xi32, #tpu.memory_space<vmem>> -> memref<128xi32, #tpu.memory_space<vmem>>
      %dma_start3A_230 = arith.constant 0 : i32
      %dma_start3A_231 = arith.constant 0 : i32
      %dma_start3A_232 = tpu.memref_slice %arg4[%dma_start3A_230, %dma_start3A_231] : memref<100000x128xf32, #tpu.memory_space<hbm>> -> memref<100000x128xf32, #tpu.memory_space<hbm>>
      tpu.enqueue_indirect_dma source(%dma_start3A_232 : memref<100000x128xf32, #tpu.memory_space<hbm>>) target(%dma_start3A_226 : memref<128x128xf32, #tpu.memory_space<vmem>>) offsets(%dma_start3A_229 : memref<128xi32, #tpu.memory_space<vmem>>) semaphore(%run_scoped3A_17 : memref<!tpu.dma_semaphore, #tpu.memory_space<semaphore_mem>>)
      %add3A_233 = arith.constant 384 : i32
      %add3A_234 = arith.addi %mul3A_2, %add3A_233 : i32
      %dma_start3A_235 = arith.constant 3 : i32
      %dma_start3A_236 = arith.constant 0 : i32
      %dma_start3A_237 = arith.constant 0 : i32
      %dma_start3A_238 = tpu.memref_slice %run_scoped3A_16[%dma_start3A_235, %dma_start3A_236, %dma_start3A_237] : memref<4x128x128xf32, #tpu.memory_space<vmem>> -> memref<1x128x128xf32, #tpu.memory_space<vmem>>
      %dma_start3A_239 = tpu.memref_squeeze %dma_start3A_238 : memref<1x128x128xf32, #tpu.memory_space<vmem>> -> memref<128x128xf32, #tpu.memory_space<vmem>>
      %dma_start3A_240 = arith.constant 0 : i32
      %dma_start3A_241 = tpu.memref_slice %arg5[%add3A_234, %dma_start3A_240] : memref<16384x128xf32, #tpu.memory_space<hbm>> -> memref<128x128xf32, #tpu.memory_space<hbm>>
      %dma_start3A_242 = arith.constant 0 : i32
      %dma_start3A_243 = tpu.memref_slice %arg5[%add3A_234, %dma_start3A_242] : memref<16384x128xf32, #tpu.memory_space<hbm>> -> memref<128x128xf32, #tpu.memory_space<hbm>>
      %dma_start3A_244 = arith.constant 0 : i32
      %dma_start3A_245 = arith.constant 0 : i32
      %dma_start3A_246 = tpu.memref_slice %run_scoped3A_16[%dma_start3A_235, %dma_start3A_244, %dma_start3A_245] : memref<4x128x128xf32, #tpu.memory_space<vmem>> -> memref<1x128x128xf32, #tpu.memory_space<vmem>>
      %dma_start3A_247 = tpu.memref_squeeze %dma_start3A_246 : memref<1x128x128xf32, #tpu.memory_space<vmem>> -> memref<128x128xf32, #tpu.memory_space<vmem>>
      tpu.enqueue_dma source(%dma_start3A_247 : memref<128x128xf32, #tpu.memory_space<vmem>>) target(%dma_start3A_243 : memref<128x128xf32, #tpu.memory_space<hbm>>) target_semaphore(%run_scoped3A_18 : memref<!tpu.dma_semaphore, #tpu.memory_space<semaphore_mem>>)
      %dma_wait3A_248 = arith.constant 0 : i32
      %dma_wait3A_249 = arith.constant 0 : i32
      %dma_wait3A_250 = arith.constant 0 : i32
      %dma_wait3A_251 = arith.constant 0 : i32
      %dma_wait3A_252 = tpu.memref_slice %run_scoped3A_16[%dma_wait3A_249, %dma_wait3A_250, %dma_wait3A_251] : memref<4x128x128xf32, #tpu.memory_space<vmem>> -> memref<1x128x128xf32, #tpu.memory_space<vmem>>
      %dma_wait3A_253 = tpu.memref_squeeze %dma_wait3A_252 : memref<1x128x128xf32, #tpu.memory_space<vmem>> -> memref<128x128xf32, #tpu.memory_space<vmem>>
      %dma_wait3A_254 = arith.constant 0 : i32
      %dma_wait3A_255 = tpu.memref_slice %arg8[%dma_wait3A_248, %dma_wait3A_254] : memref<4x128xi32, #tpu.memory_space<vmem>> -> memref<1x128xi32, #tpu.memory_space<vmem>>
      %dma_wait3A_256 = tpu.memref_squeeze %dma_wait3A_255 : memref<1x128xi32, #tpu.memory_space<vmem>> -> memref<128xi32, #tpu.memory_space<vmem>>
      %dma_wait3A_257 = arith.constant 0 : i32
      %dma_wait3A_258 = arith.constant 0 : i32
      %dma_wait3A_259 = tpu.memref_slice %arg4[%dma_wait3A_257, %dma_wait3A_258] : memref<100000x128xf32, #tpu.memory_space<hbm>> -> memref<100000x128xf32, #tpu.memory_space<hbm>>
      tpu.wait_indirect_dma semaphore(%run_scoped3A_17 : memref<!tpu.dma_semaphore, #tpu.memory_space<semaphore_mem>>) src(%dma_wait3A_259 : memref<100000x128xf32, #tpu.memory_space<hbm>>) dst(%dma_wait3A_253 : memref<128x128xf32, #tpu.memory_space<vmem>>)
      %dma_wait3A_260 = arith.constant 3 : i32
      %dma_wait3A_261 = arith.constant 0 : i32
      %dma_wait3A_262 = arith.constant 0 : i32
      %dma_wait3A_263 = tpu.memref_slice %run_scoped3A_16[%dma_wait3A_260, %dma_wait3A_261, %dma_wait3A_262] : memref<4x128x128xf32, #tpu.memory_space<vmem>> -> memref<1x128x128xf32, #tpu.memory_space<vmem>>
      %dma_wait3A_264 = tpu.memref_squeeze %dma_wait3A_263 : memref<1x128x128xf32, #tpu.memory_space<vmem>> -> memref<128x128xf32, #tpu.memory_space<vmem>>
      %dma_wait3A_265 = arith.constant 0 : i32
      %dma_wait3A_266 = tpu.memref_slice %arg5[%add3A_234, %dma_wait3A_265] : memref<16384x128xf32, #tpu.memory_space<hbm>> -> memref<128x128xf32, #tpu.memory_space<hbm>>
      %dma_wait3A_267 = arith.constant 0 : i32
      %dma_wait3A_268 = tpu.memref_slice %arg5[%add3A_234, %dma_wait3A_267] : memref<16384x128xf32, #tpu.memory_space<hbm>> -> memref<128x128xf32, #tpu.memory_space<hbm>>
      %dma_wait3A_269 = arith.constant 0 : i32
      %dma_wait3A_270 = arith.constant 0 : i32
      %dma_wait3A_271 = tpu.memref_slice %run_scoped3A_16[%dma_wait3A_260, %dma_wait3A_269, %dma_wait3A_270] : memref<4x128x128xf32, #tpu.memory_space<vmem>> -> memref<1x128x128xf32, #tpu.memory_space<vmem>>
      %dma_wait3A_272 = tpu.memref_squeeze %dma_wait3A_271 : memref<1x128x128xf32, #tpu.memory_space<vmem>> -> memref<128x128xf32, #tpu.memory_space<vmem>>
      tpu.wait_dma2 semaphore(%run_scoped3A_18 : memref<!tpu.dma_semaphore, #tpu.memory_space<semaphore_mem>>) src(%dma_wait3A_272 : memref<128x128xf32, #tpu.memory_space<vmem>>) dst(%dma_wait3A_268 : memref<128x128xf32, #tpu.memory_space<hbm>>)
      %dma_start3A_273 = arith.constant 3 : i32
      %dma_start3A_274 = arith.constant 3 : i32
      %dma_start3A_275 = arith.constant 0 : i32
      %dma_start3A_276 = arith.constant 0 : i32
      %dma_start3A_277 = tpu.memref_slice %run_scoped3A_16[%dma_start3A_274, %dma_start3A_275, %dma_start3A_276] : memref<4x128x128xf32, #tpu.memory_space<vmem>> -> memref<1x128x128xf32, #tpu.memory_space<vmem>>
      %dma_start3A_278 = tpu.memref_squeeze %dma_start3A_277 : memref<1x128x128xf32, #tpu.memory_space<vmem>> -> memref<128x128xf32, #tpu.memory_space<vmem>>
      %dma_start3A_279 = arith.constant 0 : i32
      %dma_start3A_280 = tpu.memref_slice %arg8[%dma_start3A_273, %dma_start3A_279] : memref<4x128xi32, #tpu.memory_space<vmem>> -> memref<1x128xi32, #tpu.memory_space<vmem>>
      %dma_start3A_281 = tpu.memref_squeeze %dma_start3A_280 : memref<1x128xi32, #tpu.memory_space<vmem>> -> memref<128xi32, #tpu.memory_space<vmem>>
      %dma_start3A_282 = arith.constant 0 : i32
      %dma_start3A_283 = arith.constant 0 : i32
      %dma_start3A_284 = tpu.memref_slice %arg4[%dma_start3A_282, %dma_start3A_283] : memref<100000x128xf32, #tpu.memory_space<hbm>> -> memref<100000x128xf32, #tpu.memory_space<hbm>>
      tpu.enqueue_indirect_dma source(%dma_start3A_284 : memref<100000x128xf32, #tpu.memory_space<hbm>>) target(%dma_start3A_278 : memref<128x128xf32, #tpu.memory_space<vmem>>) offsets(%dma_start3A_281 : memref<128xi32, #tpu.memory_space<vmem>>) semaphore(%run_scoped3A_17 : memref<!tpu.dma_semaphore, #tpu.memory_space<semaphore_mem>>)
      %add3A_285 = arith.constant 0 : i32
      %add3A_286 = arith.addi %mul3A_2, %add3A_285 : i32
      %dma_start3A_287 = arith.constant 0 : i32
      %dma_start3A_288 = arith.constant 0 : i32
      %dma_start3A_289 = arith.constant 0 : i32
      %dma_start3A_290 = tpu.memref_slice %run_scoped3A_16[%dma_start3A_287, %dma_start3A_288, %dma_start3A_289] : memref<4x128x128xf32, #tpu.memory_space<vmem>> -> memref<1x128x128xf32, #tpu.memory_space<vmem>>
      %dma_start3A_291 = tpu.memref_squeeze %dma_start3A_290 : memref<1x128x128xf32, #tpu.memory_space<vmem>> -> memref<128x128xf32, #tpu.memory_space<vmem>>
      %dma_start3A_292 = arith.constant 0 : i32
      %dma_start3A_293 = tpu.memref_slice %arg6[%add3A_286, %dma_start3A_292] : memref<16384x128xf32, #tpu.memory_space<hbm>> -> memref<128x128xf32, #tpu.memory_space<hbm>>
      %dma_start3A_294 = arith.constant 0 : i32
      %dma_start3A_295 = tpu.memref_slice %arg6[%add3A_286, %dma_start3A_294] : memref<16384x128xf32, #tpu.memory_space<hbm>> -> memref<128x128xf32, #tpu.memory_space<hbm>>
      %dma_start3A_296 = arith.constant 0 : i32
      %dma_start3A_297 = arith.constant 0 : i32
      %dma_start3A_298 = tpu.memref_slice %run_scoped3A_16[%dma_start3A_287, %dma_start3A_296, %dma_start3A_297] : memref<4x128x128xf32, #tpu.memory_space<vmem>> -> memref<1x128x128xf32, #tpu.memory_space<vmem>>
      %dma_start3A_299 = tpu.memref_squeeze %dma_start3A_298 : memref<1x128x128xf32, #tpu.memory_space<vmem>> -> memref<128x128xf32, #tpu.memory_space<vmem>>
      tpu.enqueue_dma source(%dma_start3A_299 : memref<128x128xf32, #tpu.memory_space<vmem>>) target(%dma_start3A_295 : memref<128x128xf32, #tpu.memory_space<hbm>>) target_semaphore(%run_scoped3A_18 : memref<!tpu.dma_semaphore, #tpu.memory_space<semaphore_mem>>)
      %dma_wait3A_300 = arith.constant 1 : i32
      %dma_wait3A_301 = arith.constant 1 : i32
      %dma_wait3A_302 = arith.constant 0 : i32
      %dma_wait3A_303 = arith.constant 0 : i32
      %dma_wait3A_304 = tpu.memref_slice %run_scoped3A_16[%dma_wait3A_301, %dma_wait3A_302, %dma_wait3A_303] : memref<4x128x128xf32, #tpu.memory_space<vmem>> -> memref<1x128x128xf32, #tpu.memory_space<vmem>>
      %dma_wait3A_305 = tpu.memref_squeeze %dma_wait3A_304 : memref<1x128x128xf32, #tpu.memory_space<vmem>> -> memref<128x128xf32, #tpu.memory_space<vmem>>
      %dma_wait3A_306 = arith.constant 0 : i32
      %dma_wait3A_307 = tpu.memref_slice %arg8[%dma_wait3A_300, %dma_wait3A_306] : memref<4x128xi32, #tpu.memory_space<vmem>> -> memref<1x128xi32, #tpu.memory_space<vmem>>
      %dma_wait3A_308 = tpu.memref_squeeze %dma_wait3A_307 : memref<1x128xi32, #tpu.memory_space<vmem>> -> memref<128xi32, #tpu.memory_space<vmem>>
      %dma_wait3A_309 = arith.constant 0 : i32
      %dma_wait3A_310 = arith.constant 0 : i32
      %dma_wait3A_311 = tpu.memref_slice %arg4[%dma_wait3A_309, %dma_wait3A_310] : memref<100000x128xf32, #tpu.memory_space<hbm>> -> memref<100000x128xf32, #tpu.memory_space<hbm>>
      tpu.wait_indirect_dma semaphore(%run_scoped3A_17 : memref<!tpu.dma_semaphore, #tpu.memory_space<semaphore_mem>>) src(%dma_wait3A_311 : memref<100000x128xf32, #tpu.memory_space<hbm>>) dst(%dma_wait3A_305 : memref<128x128xf32, #tpu.memory_space<vmem>>)
      %dma_wait3A_312 = arith.constant 0 : i32
      %dma_wait3A_313 = arith.constant 0 : i32
      %dma_wait3A_314 = arith.constant 0 : i32
      %dma_wait3A_315 = tpu.memref_slice %run_scoped3A_16[%dma_wait3A_312, %dma_wait3A_313, %dma_wait3A_314] : memref<4x128x128xf32, #tpu.memory_space<vmem>> -> memref<1x128x128xf32, #tpu.memory_space<vmem>>
      %dma_wait3A_316 = tpu.memref_squeeze %dma_wait3A_315 : memref<1x128x128xf32, #tpu.memory_space<vmem>> -> memref<128x128xf32, #tpu.memory_space<vmem>>
      %dma_wait3A_317 = arith.constant 0 : i32
      %dma_wait3A_318 = tpu.memref_slice %arg6[%add3A_286, %dma_wait3A_317] : memref<16384x128xf32, #tpu.memory_space<hbm>> -> memref<128x128xf32, #tpu.memory_space<hbm>>
      %dma_wait3A_319 = arith.constant 0 : i32
      %dma_wait3A_320 = tpu.memref_slice %arg6[%add3A_286, %dma_wait3A_319] : memref<16384x128xf32, #tpu.memory_space<hbm>> -> memref<128x128xf32, #tpu.memory_space<hbm>>
      %dma_wait3A_321 = arith.constant 0 : i32
      %dma_wait3A_322 = arith.constant 0 : i32
      %dma_wait3A_323 = tpu.memref_slice %run_scoped3A_16[%dma_wait3A_312, %dma_wait3A_321, %dma_wait3A_322] : memref<4x128x128xf32, #tpu.memory_space<vmem>> -> memref<1x128x128xf32, #tpu.memory_space<vmem>>
      %dma_wait3A_324 = tpu.memref_squeeze %dma_wait3A_323 : memref<1x128x128xf32, #tpu.memory_space<vmem>> -> memref<128x128xf32, #tpu.memory_space<vmem>>
      tpu.wait_dma2 semaphore(%run_scoped3A_18 : memref<!tpu.dma_semaphore, #tpu.memory_space<semaphore_mem>>) src(%dma_wait3A_324 : memref<128x128xf32, #tpu.memory_space<vmem>>) dst(%dma_wait3A_320 : memref<128x128xf32, #tpu.memory_space<hbm>>)
      %add3A_325 = arith.constant 128 : i32
      %add3A_326 = arith.addi %mul3A_2, %add3A_325 : i32
      %dma_start3A_327 = arith.constant 1 : i32
      %dma_start3A_328 = arith.constant 0 : i32
      %dma_start3A_329 = arith.constant 0 : i32
      %dma_start3A_330 = tpu.memref_slice %run_scoped3A_16[%dma_start3A_327, %dma_start3A_328, %dma_start3A_329] : memref<4x128x128xf32, #tpu.memory_space<vmem>> -> memref<1x128x128xf32, #tpu.memory_space<vmem>>
      %dma_start3A_331 = tpu.memref_squeeze %dma_start3A_330 : memref<1x128x128xf32, #tpu.memory_space<vmem>> -> memref<128x128xf32, #tpu.memory_space<vmem>>
      %dma_start3A_332 = arith.constant 0 : i32
      %dma_start3A_333 = tpu.memref_slice %arg6[%add3A_326, %dma_start3A_332] : memref<16384x128xf32, #tpu.memory_space<hbm>> -> memref<128x128xf32, #tpu.memory_space<hbm>>
      %dma_start3A_334 = arith.constant 0 : i32
      %dma_start3A_335 = tpu.memref_slice %arg6[%add3A_326, %dma_start3A_334] : memref<16384x128xf32, #tpu.memory_space<hbm>> -> memref<128x128xf32, #tpu.memory_space<hbm>>
      %dma_start3A_336 = arith.constant 0 : i32
      %dma_start3A_337 = arith.constant 0 : i32
      %dma_start3A_338 = tpu.memref_slice %run_scoped3A_16[%dma_start3A_327, %dma_start3A_336, %dma_start3A_337] : memref<4x128x128xf32, #tpu.memory_space<vmem>> -> memref<1x128x128xf32, #tpu.memory_space<vmem>>
      %dma_start3A_339 = tpu.memref_squeeze %dma_start3A_338 : memref<1x128x128xf32, #tpu.memory_space<vmem>> -> memref<128x128xf32, #tpu.memory_space<vmem>>
      tpu.enqueue_dma source(%dma_start3A_339 : memref<128x128xf32, #tpu.memory_space<vmem>>) target(%dma_start3A_335 : memref<128x128xf32, #tpu.memory_space<hbm>>) target_semaphore(%run_scoped3A_18 : memref<!tpu.dma_semaphore, #tpu.memory_space<semaphore_mem>>)
      %dma_wait3A_340 = arith.constant 2 : i32
      %dma_wait3A_341 = arith.constant 2 : i32
      %dma_wait3A_342 = arith.constant 0 : i32
      %dma_wait3A_343 = arith.constant 0 : i32
      %dma_wait3A_344 = tpu.memref_slice %run_scoped3A_16[%dma_wait3A_341, %dma_wait3A_342, %dma_wait3A_343] : memref<4x128x128xf32, #tpu.memory_space<vmem>> -> memref<1x128x128xf32, #tpu.memory_space<vmem>>
      %dma_wait3A_345 = tpu.memref_squeeze %dma_wait3A_344 : memref<1x128x128xf32, #tpu.memory_space<vmem>> -> memref<128x128xf32, #tpu.memory_space<vmem>>
      %dma_wait3A_346 = arith.constant 0 : i32
      %dma_wait3A_347 = tpu.memref_slice %arg8[%dma_wait3A_340, %dma_wait3A_346] : memref<4x128xi32, #tpu.memory_space<vmem>> -> memref<1x128xi32, #tpu.memory_space<vmem>>
      %dma_wait3A_348 = tpu.memref_squeeze %dma_wait3A_347 : memref<1x128xi32, #tpu.memory_space<vmem>> -> memref<128xi32, #tpu.memory_space<vmem>>
      %dma_wait3A_349 = arith.constant 0 : i32
      %dma_wait3A_350 = arith.constant 0 : i32
      %dma_wait3A_351 = tpu.memref_slice %arg4[%dma_wait3A_349, %dma_wait3A_350] : memref<100000x128xf32, #tpu.memory_space<hbm>> -> memref<100000x128xf32, #tpu.memory_space<hbm>>
      tpu.wait_indirect_dma semaphore(%run_scoped3A_17 : memref<!tpu.dma_semaphore, #tpu.memory_space<semaphore_mem>>) src(%dma_wait3A_351 : memref<100000x128xf32, #tpu.memory_space<hbm>>) dst(%dma_wait3A_345 : memref<128x128xf32, #tpu.memory_space<vmem>>)
      %dma_wait3A_352 = arith.constant 1 : i32
      %dma_wait3A_353 = arith.constant 0 : i32
      %dma_wait3A_354 = arith.constant 0 : i32
      %dma_wait3A_355 = tpu.memref_slice %run_scoped3A_16[%dma_wait3A_352, %dma_wait3A_353, %dma_wait3A_354] : memref<4x128x128xf32, #tpu.memory_space<vmem>> -> memref<1x128x128xf32, #tpu.memory_space<vmem>>
      %dma_wait3A_356 = tpu.memref_squeeze %dma_wait3A_355 : memref<1x128x128xf32, #tpu.memory_space<vmem>> -> memref<128x128xf32, #tpu.memory_space<vmem>>
      %dma_wait3A_357 = arith.constant 0 : i32
      %dma_wait3A_358 = tpu.memref_slice %arg6[%add3A_326, %dma_wait3A_357] : memref<16384x128xf32, #tpu.memory_space<hbm>> -> memref<128x128xf32, #tpu.memory_space<hbm>>
      %dma_wait3A_359 = arith.constant 0 : i32
      %dma_wait3A_360 = tpu.memref_slice %arg6[%add3A_326, %dma_wait3A_359] : memref<16384x128xf32, #tpu.memory_space<hbm>> -> memref<128x128xf32, #tpu.memory_space<hbm>>
      %dma_wait3A_361 = arith.constant 0 : i32
      %dma_wait3A_362 = arith.constant 0 : i32
      %dma_wait3A_363 = tpu.memref_slice %run_scoped3A_16[%dma_wait3A_352, %dma_wait3A_361, %dma_wait3A_362] : memref<4x128x128xf32, #tpu.memory_space<vmem>> -> memref<1x128x128xf32, #tpu.memory_space<vmem>>
      %dma_wait3A_364 = tpu.memref_squeeze %dma_wait3A_363 : memref<1x128x128xf32, #tpu.memory_space<vmem>> -> memref<128x128xf32, #tpu.memory_space<vmem>>
      tpu.wait_dma2 semaphore(%run_scoped3A_18 : memref<!tpu.dma_semaphore, #tpu.memory_space<semaphore_mem>>) src(%dma_wait3A_364 : memref<128x128xf32, #tpu.memory_space<vmem>>) dst(%dma_wait3A_360 : memref<128x128xf32, #tpu.memory_space<hbm>>)
      %add3A_365 = arith.constant 256 : i32
      %add3A_366 = arith.addi %mul3A_2, %add3A_365 : i32
      %dma_start3A_367 = arith.constant 2 : i32
      %dma_start3A_368 = arith.constant 0 : i32
      %dma_start3A_369 = arith.constant 0 : i32
      %dma_start3A_370 = tpu.memref_slice %run_scoped3A_16[%dma_start3A_367, %dma_start3A_368, %dma_start3A_369] : memref<4x128x128xf32, #tpu.memory_space<vmem>> -> memref<1x128x128xf32, #tpu.memory_space<vmem>>
      %dma_start3A_371 = tpu.memref_squeeze %dma_start3A_370 : memref<1x128x128xf32, #tpu.memory_space<vmem>> -> memref<128x128xf32, #tpu.memory_space<vmem>>
      %dma_start3A_372 = arith.constant 0 : i32
      %dma_start3A_373 = tpu.memref_slice %arg6[%add3A_366, %dma_start3A_372] : memref<16384x128xf32, #tpu.memory_space<hbm>> -> memref<128x128xf32, #tpu.memory_space<hbm>>
      %dma_start3A_374 = arith.constant 0 : i32
      %dma_start3A_375 = tpu.memref_slice %arg6[%add3A_366, %dma_start3A_374] : memref<16384x128xf32, #tpu.memory_space<hbm>> -> memref<128x128xf32, #tpu.memory_space<hbm>>
      %dma_start3A_376 = arith.constant 0 : i32
      %dma_start3A_377 = arith.constant 0 : i32
      %dma_start3A_378 = tpu.memref_slice %run_scoped3A_16[%dma_start3A_367, %dma_start3A_376, %dma_start3A_377] : memref<4x128x128xf32, #tpu.memory_space<vmem>> -> memref<1x128x128xf32, #tpu.memory_space<vmem>>
      %dma_start3A_379 = tpu.memref_squeeze %dma_start3A_378 : memref<1x128x128xf32, #tpu.memory_space<vmem>> -> memref<128x128xf32, #tpu.memory_space<vmem>>
      tpu.enqueue_dma source(%dma_start3A_379 : memref<128x128xf32, #tpu.memory_space<vmem>>) target(%dma_start3A_375 : memref<128x128xf32, #tpu.memory_space<hbm>>) target_semaphore(%run_scoped3A_18 : memref<!tpu.dma_semaphore, #tpu.memory_space<semaphore_mem>>)
      %dma_wait3A_380 = arith.constant 3 : i32
      %dma_wait3A_381 = arith.constant 3 : i32
      %dma_wait3A_382 = arith.constant 0 : i32
      %dma_wait3A_383 = arith.constant 0 : i32
      %dma_wait3A_384 = tpu.memref_slice %run_scoped3A_16[%dma_wait3A_381, %dma_wait3A_382, %dma_wait3A_383] : memref<4x128x128xf32, #tpu.memory_space<vmem>> -> memref<1x128x128xf32, #tpu.memory_space<vmem>>
      %dma_wait3A_385 = tpu.memref_squeeze %dma_wait3A_384 : memref<1x128x128xf32, #tpu.memory_space<vmem>> -> memref<128x128xf32, #tpu.memory_space<vmem>>
      %dma_wait3A_386 = arith.constant 0 : i32
      %dma_wait3A_387 = tpu.memref_slice %arg8[%dma_wait3A_380, %dma_wait3A_386] : memref<4x128xi32, #tpu.memory_space<vmem>> -> memref<1x128xi32, #tpu.memory_space<vmem>>
      %dma_wait3A_388 = tpu.memref_squeeze %dma_wait3A_387 : memref<1x128xi32, #tpu.memory_space<vmem>> -> memref<128xi32, #tpu.memory_space<vmem>>
      %dma_wait3A_389 = arith.constant 0 : i32
      %dma_wait3A_390 = arith.constant 0 : i32
      %dma_wait3A_391 = tpu.memref_slice %arg4[%dma_wait3A_389, %dma_wait3A_390] : memref<100000x128xf32, #tpu.memory_space<hbm>> -> memref<100000x128xf32, #tpu.memory_space<hbm>>
      tpu.wait_indirect_dma semaphore(%run_scoped3A_17 : memref<!tpu.dma_semaphore, #tpu.memory_space<semaphore_mem>>) src(%dma_wait3A_391 : memref<100000x128xf32, #tpu.memory_space<hbm>>) dst(%dma_wait3A_385 : memref<128x128xf32, #tpu.memory_space<vmem>>)
      %dma_wait3A_392 = arith.constant 2 : i32
      %dma_wait3A_393 = arith.constant 0 : i32
      %dma_wait3A_394 = arith.constant 0 : i32
      %dma_wait3A_395 = tpu.memref_slice %run_scoped3A_16[%dma_wait3A_392, %dma_wait3A_393, %dma_wait3A_394] : memref<4x128x128xf32, #tpu.memory_space<vmem>> -> memref<1x128x128xf32, #tpu.memory_space<vmem>>
      %dma_wait3A_396 = tpu.memref_squeeze %dma_wait3A_395 : memref<1x128x128xf32, #tpu.memory_space<vmem>> -> memref<128x128xf32, #tpu.memory_space<vmem>>
      %dma_wait3A_397 = arith.constant 0 : i32
      %dma_wait3A_398 = tpu.memref_slice %arg6[%add3A_366, %dma_wait3A_397] : memref<16384x128xf32, #tpu.memory_space<hbm>> -> memref<128x128xf32, #tpu.memory_space<hbm>>
      %dma_wait3A_399 = arith.constant 0 : i32
      %dma_wait3A_400 = tpu.memref_slice %arg6[%add3A_366, %dma_wait3A_399] : memref<16384x128xf32, #tpu.memory_space<hbm>> -> memref<128x128xf32, #tpu.memory_space<hbm>>
      %dma_wait3A_401 = arith.constant 0 : i32
      %dma_wait3A_402 = arith.constant 0 : i32
      %dma_wait3A_403 = tpu.memref_slice %run_scoped3A_16[%dma_wait3A_392, %dma_wait3A_401, %dma_wait3A_402] : memref<4x128x128xf32, #tpu.memory_space<vmem>> -> memref<1x128x128xf32, #tpu.memory_space<vmem>>
      %dma_wait3A_404 = tpu.memref_squeeze %dma_wait3A_403 : memref<1x128x128xf32, #tpu.memory_space<vmem>> -> memref<128x128xf32, #tpu.memory_space<vmem>>
      tpu.wait_dma2 semaphore(%run_scoped3A_18 : memref<!tpu.dma_semaphore, #tpu.memory_space<semaphore_mem>>) src(%dma_wait3A_404 : memref<128x128xf32, #tpu.memory_space<vmem>>) dst(%dma_wait3A_400 : memref<128x128xf32, #tpu.memory_space<hbm>>)
      %add3A_405 = arith.constant 384 : i32
      %add3A_406 = arith.addi %mul3A_2, %add3A_405 : i32
      %dma_start3A_407 = arith.constant 3 : i32
      %dma_start3A_408 = arith.constant 0 : i32
      %dma_start3A_409 = arith.constant 0 : i32
      %dma_start3A_410 = tpu.memref_slice %run_scoped3A_16[%dma_start3A_407, %dma_start3A_408, %dma_start3A_409] : memref<4x128x128xf32, #tpu.memory_space<vmem>> -> memref<1x128x128xf32, #tpu.memory_space<vmem>>
      %dma_start3A_411 = tpu.memref_squeeze %dma_start3A_410 : memref<1x128x128xf32, #tpu.memory_space<vmem>> -> memref<128x128xf32, #tpu.memory_space<vmem>>
      %dma_start3A_412 = arith.constant 0 : i32
      %dma_start3A_413 = tpu.memref_slice %arg6[%add3A_406, %dma_start3A_412] : memref<16384x128xf32, #tpu.memory_space<hbm>> -> memref<128x128xf32, #tpu.memory_space<hbm>>
      %dma_start3A_414 = arith.constant 0 : i32
      %dma_start3A_415 = tpu.memref_slice %arg6[%add3A_406, %dma_start3A_414] : memref<16384x128xf32, #tpu.memory_space<hbm>> -> memref<128x128xf32, #tpu.memory_space<hbm>>
      %dma_start3A_416 = arith.constant 0 : i32
      %dma_start3A_417 = arith.constant 0 : i32
      %dma_start3A_418 = tpu.memref_slice %run_scoped3A_16[%dma_start3A_407, %dma_start3A_416, %dma_start3A_417] : memref<4x128x128xf32, #tpu.memory_space<vmem>> -> memref<1x128x128xf32, #tpu.memory_space<vmem>>
      %dma_start3A_419 = tpu.memref_squeeze %dma_start3A_418 : memref<1x128x128xf32, #tpu.memory_space<vmem>> -> memref<128x128xf32, #tpu.memory_space<vmem>>
      tpu.enqueue_dma source(%dma_start3A_419 : memref<128x128xf32, #tpu.memory_space<vmem>>) target(%dma_start3A_415 : memref<128x128xf32, #tpu.memory_space<hbm>>) target_semaphore(%run_scoped3A_18 : memref<!tpu.dma_semaphore, #tpu.memory_space<semaphore_mem>>)
      %dma_wait3A_420 = arith.constant 3 : i32
      %dma_wait3A_421 = arith.constant 0 : i32
      %dma_wait3A_422 = arith.constant 0 : i32
      %dma_wait3A_423 = tpu.memref_slice %run_scoped3A_16[%dma_wait3A_420, %dma_wait3A_421, %dma_wait3A_422] : memref<4x128x128xf32, #tpu.memory_space<vmem>> -> memref<1x128x128xf32, #tpu.memory_space<vmem>>
      %dma_wait3A_424 = tpu.memref_squeeze %dma_wait3A_423 : memref<1x128x128xf32, #tpu.memory_space<vmem>> -> memref<128x128xf32, #tpu.memory_space<vmem>>
      %dma_wait3A_425 = arith.constant 0 : i32
      %dma_wait3A_426 = tpu.memref_slice %arg6[%add3A_406, %dma_wait3A_425] : memref<16384x128xf32, #tpu.memory_space<hbm>> -> memref<128x128xf32, #tpu.memory_space<hbm>>
      %dma_wait3A_427 = arith.constant 0 : i32
      %dma_wait3A_428 = tpu.memref_slice %arg6[%add3A_406, %dma_wait3A_427] : memref<16384x128xf32, #tpu.memory_space<hbm>> -> memref<128x128xf32, #tpu.memory_space<hbm>>
      %dma_wait3A_429 = arith.constant 0 : i32
      %dma_wait3A_430 = arith.constant 0 : i32
      %dma_wait3A_431 = tpu.memref_slice %run_scoped3A_16[%dma_wait3A_420, %dma_wait3A_429, %dma_wait3A_430] : memref<4x128x128xf32, #tpu.memory_space<vmem>> -> memref<1x128x128xf32, #tpu.memory_space<vmem>>
      %dma_wait3A_432 = tpu.memref_squeeze %dma_wait3A_431 : memref<1x128x128xf32, #tpu.memory_space<vmem>> -> memref<128x128xf32, #tpu.memory_space<vmem>>
      tpu.wait_dma2 semaphore(%run_scoped3A_18 : memref<!tpu.dma_semaphore, #tpu.memory_space<semaphore_mem>>) src(%dma_wait3A_432 : memref<128x128xf32, #tpu.memory_space<vmem>>) dst(%dma_wait3A_428 : memref<128x128xf32, #tpu.memory_space<hbm>>)
      tpu.yield
    }) : () -> ()
    %eq3A = arith.constant 0 : i32
    %eq3A_14 = arith.cmpi eq, %add3A, %eq3A : i32
    %convert_element_type3A = arith.extui %eq3A_14 : i1 to i32
    %cond3A = arith.constant 0 : i32
    %cond3A_15 = arith.cmpi ne, %convert_element_type3A, %cond3A : i32
    scf.if %cond3A_15 {
      "tpu.region"() ({
        %run_scoped3A_16 = memref.alloca() : memref<100000xi32, #tpu.memory_space<vmem>>
        %run_scoped3A_17 = memref.alloca() : memref<16384xi32, #tpu.memory_space<vmem>>
        %iota3A = tpu.iota {dimensions = array<i32: 0>} : vector<16xi32>
        "tpu.region"() ({
          %run_scoped3A_29 = tpu.sem_alloc : memref<!tpu.dma_semaphore, #tpu.memory_space<semaphore_mem>>
          tpu.enqueue_dma source(%arg2 : memref<16384xi32, #tpu.memory_space<hbm>>) target(%run_scoped3A_17 : memref<16384xi32, #tpu.memory_space<vmem>>) target_semaphore(%run_scoped3A_29 : memref<!tpu.dma_semaphore, #tpu.memory_space<semaphore_mem>>)
          tpu.wait_dma2 semaphore(%run_scoped3A_29 : memref<!tpu.dma_semaphore, #tpu.memory_space<semaphore_mem>>) src(%arg2 : memref<16384xi32, #tpu.memory_space<hbm>>) dst(%run_scoped3A_17 : memref<16384xi32, #tpu.memory_space<vmem>>)
          tpu.yield
        }) : () -> ()
        %scan3A = arith.constant 0 : i32
        %scan3A_18 = arith.constant 0 : i32
        %scan3A_19 = arith.constant 128 : i32
        %scan3A_20 = arith.addi %scan3A_18, %scan3A_19 : i32
        %scan3A_21 = arith.constant 1 : i32
        scf.for %scan3A_29 = %scan3A_18 to %scan3A_20 step %scan3A_21  : i32 {
          %mul3A_30 = arith.constant 128 : i32
          %mul3A_31 = arith.muli %scan3A_29, %mul3A_30 : i32
          %add3A_32 = arith.constant 0 : i32
          %add3A_33 = arith.addi %mul3A_31, %add3A_32 : i32
          %get3A = arith.index_cast %add3A_33 : i32 to index
          %get3A_34 = tpu.vector_load %run_scoped3A_17[%get3A] {strides = array<i32>} : memref<16384xi32, #tpu.memory_space<vmem>>, vector<16xi32>,
          %add3A_35 = vector.broadcast %add3A_33 : i32 to vector<16xi32>
          %add3A_36 = arith.addi %add3A_35, %iota3A : vector<16xi32>
          tpu.vector_store_idx %run_scoped3A_16[%get3A_34], %add3A_36 : memref<100000xi32, #tpu.memory_space<vmem>>[vector<16xi32>], vector<16xi32>,
          %mul3A_37 = arith.constant 128 : i32
          %mul3A_38 = arith.muli %scan3A_29, %mul3A_37 : i32
          %add3A_39 = arith.constant 16 : i32
          %add3A_40 = arith.addi %mul3A_38, %add3A_39 : i32
          %get3A_41 = arith.index_cast %add3A_40 : i32 to index
          %get3A_42 = tpu.vector_load %run_scoped3A_17[%get3A_41] {strides = array<i32>} : memref<16384xi32, #tpu.memory_space<vmem>>, vector<16xi32>,
          %add3A_43 = vector.broadcast %add3A_40 : i32 to vector<16xi32>
          %add3A_44 = arith.addi %add3A_43, %iota3A : vector<16xi32>
          tpu.vector_store_idx %run_scoped3A_16[%get3A_42], %add3A_44 : memref<100000xi32, #tpu.memory_space<vmem>>[vector<16xi32>], vector<16xi32>,
          %mul3A_45 = arith.constant 128 : i32
          %mul3A_46 = arith.muli %scan3A_29, %mul3A_45 : i32
          %add3A_47 = arith.constant 32 : i32
          %add3A_48 = arith.addi %mul3A_46, %add3A_47 : i32
          %get3A_49 = arith.index_cast %add3A_48 : i32 to index
          %get3A_50 = tpu.vector_load %run_scoped3A_17[%get3A_49] {strides = array<i32>} : memref<16384xi32, #tpu.memory_space<vmem>>, vector<16xi32>,
          %add3A_51 = vector.broadcast %add3A_48 : i32 to vector<16xi32>
          %add3A_52 = arith.addi %add3A_51, %iota3A : vector<16xi32>
          tpu.vector_store_idx %run_scoped3A_16[%get3A_50], %add3A_52 : memref<100000xi32, #tpu.memory_space<vmem>>[vector<16xi32>], vector<16xi32>,
          %mul3A_53 = arith.constant 128 : i32
          %mul3A_54 = arith.muli %scan3A_29, %mul3A_53 : i32
          %add3A_55 = arith.constant 48 : i32
          %add3A_56 = arith.addi %mul3A_54, %add3A_55 : i32
          %get3A_57 = arith.index_cast %add3A_56 : i32 to index
          %get3A_58 = tpu.vector_load %run_scoped3A_17[%get3A_57] {strides = array<i32>} : memref<16384xi32, #tpu.memory_space<vmem>>, vector<16xi32>,
          %add3A_59 = vector.broadcast %add3A_56 : i32 to vector<16xi32>
          %add3A_60 = arith.addi %add3A_59, %iota3A : vector<16xi32>
          tpu.vector_store_idx %run_scoped3A_16[%get3A_58], %add3A_60 : memref<100000xi32, #tpu.memory_space<vmem>>[vector<16xi32>], vector<16xi32>,
          %mul3A_61 = arith.constant 128 : i32
          %mul3A_62 = arith.muli %scan3A_29, %mul3A_61 : i32
          %add3A_63 = arith.constant 64 : i32
          %add3A_64 = arith.addi %mul3A_62, %add3A_63 : i32
          %get3A_65 = arith.index_cast %add3A_64 : i32 to index
          %get3A_66 = tpu.vector_load %run_scoped3A_17[%get3A_65] {strides = array<i32>} : memref<16384xi32, #tpu.memory_space<vmem>>, vector<16xi32>,
          %add3A_67 = vector.broadcast %add3A_64 : i32 to vector<16xi32>
          %add3A_68 = arith.addi %add3A_67, %iota3A : vector<16xi32>
          tpu.vector_store_idx %run_scoped3A_16[%get3A_66], %add3A_68 : memref<100000xi32, #tpu.memory_space<vmem>>[vector<16xi32>], vector<16xi32>,
          %mul3A_69 = arith.constant 128 : i32
          %mul3A_70 = arith.muli %scan3A_29, %mul3A_69 : i32
          %add3A_71 = arith.constant 80 : i32
          %add3A_72 = arith.addi %mul3A_70, %add3A_71 : i32
          %get3A_73 = arith.index_cast %add3A_72 : i32 to index
          %get3A_74 = tpu.vector_load %run_scoped3A_17[%get3A_73] {strides = array<i32>} : memref<16384xi32, #tpu.memory_space<vmem>>, vector<16xi32>,
          %add3A_75 = vector.broadcast %add3A_72 : i32 to vector<16xi32>
          %add3A_76 = arith.addi %add3A_75, %iota3A : vector<16xi32>
          tpu.vector_store_idx %run_scoped3A_16[%get3A_74], %add3A_76 : memref<100000xi32, #tpu.memory_space<vmem>>[vector<16xi32>], vector<16xi32>,
          %mul3A_77 = arith.constant 128 : i32
          %mul3A_78 = arith.muli %scan3A_29, %mul3A_77 : i32
          %add3A_79 = arith.constant 96 : i32
          %add3A_80 = arith.addi %mul3A_78, %add3A_79 : i32
          %get3A_81 = arith.index_cast %add3A_80 : i32 to index
          %get3A_82 = tpu.vector_load %run_scoped3A_17[%get3A_81] {strides = array<i32>} : memref<16384xi32, #tpu.memory_space<vmem>>, vector<16xi32>,
          %add3A_83 = vector.broadcast %add3A_80 : i32 to vector<16xi32>
          %add3A_84 = arith.addi %add3A_83, %iota3A : vector<16xi32>
          tpu.vector_store_idx %run_scoped3A_16[%get3A_82], %add3A_84 : memref<100000xi32, #tpu.memory_space<vmem>>[vector<16xi32>], vector<16xi32>,
          %mul3A_85 = arith.constant 128 : i32
          %mul3A_86 = arith.muli %scan3A_29, %mul3A_85 : i32
          %add3A_87 = arith.constant 112 : i32
          %add3A_88 = arith.addi %mul3A_86, %add3A_87 : i32
          %get3A_89 = arith.index_cast %add3A_88 : i32 to index
          %get3A_90 = tpu.vector_load %run_scoped3A_17[%get3A_89] {strides = array<i32>} : memref<16384xi32, #tpu.memory_space<vmem>>, vector<16xi32>,
          %add3A_91 = vector.broadcast %add3A_88 : i32 to vector<16xi32>
          %add3A_92 = arith.addi %add3A_91, %iota3A : vector<16xi32>
          tpu.vector_store_idx %run_scoped3A_16[%get3A_90], %add3A_92 : memref<100000xi32, #tpu.memory_space<vmem>>[vector<16xi32>], vector<16xi32>,
        }
        %scan3A_22 = arith.constant 128 : i32
        %scan3A_23 = arith.constant 0 : i32
        %scan3A_24 = arith.constant 0 : i32
        %scan3A_25 = arith.constant 128 : i32
        %scan3A_26 = arith.addi %scan3A_24, %scan3A_25 : i32
        %scan3A_27 = arith.constant 1 : i32
        scf.for %scan3A_29 = %scan3A_24 to %scan3A_26 step %scan3A_27  : i32 {
          %mul3A_30 = arith.constant 128 : i32
          %mul3A_31 = arith.muli %scan3A_29, %mul3A_30 : i32
          %add3A_32 = arith.constant 0 : i32
          %add3A_33 = arith.addi %mul3A_31, %add3A_32 : i32
          %get3A = arith.index_cast %add3A_33 : i32 to index
          %get3A_34 = tpu.vector_load %run_scoped3A_17[%get3A] {strides = array<i32>} : memref<16384xi32, #tpu.memory_space<vmem>>, vector<16xi32>,
          %gather3A = tpu.vector_load_idx %run_scoped3A_16[%get3A_34] : memref<100000xi32, #tpu.memory_space<vmem>>[vector<16xi32>], vector<16xi32>,
          %swap3A = arith.index_cast %add3A_33 : i32 to index
          %swap3A_35 = tpu.vector_load %run_scoped3A_17[%swap3A] {strides = array<i32>} : memref<16384xi32, #tpu.memory_space<vmem>>, vector<16xi32>,
          tpu.vector_store %run_scoped3A_17[%swap3A], %gather3A {strides = array<i32>} : memref<16384xi32, #tpu.memory_space<vmem>>, vector<16xi32>,
          %mul3A_36 = arith.constant 128 : i32
          %mul3A_37 = arith.muli %scan3A_29, %mul3A_36 : i32
          %add3A_38 = arith.constant 16 : i32
          %add3A_39 = arith.addi %mul3A_37, %add3A_38 : i32
          %get3A_40 = arith.index_cast %add3A_39 : i32 to index
          %get3A_41 = tpu.vector_load %run_scoped3A_17[%get3A_40] {strides = array<i32>} : memref<16384xi32, #tpu.memory_space<vmem>>, vector<16xi32>,
          %gather3A_42 = tpu.vector_load_idx %run_scoped3A_16[%get3A_41] : memref<100000xi32, #tpu.memory_space<vmem>>[vector<16xi32>], vector<16xi32>,
          %swap3A_43 = arith.index_cast %add3A_39 : i32 to index
          %swap3A_44 = tpu.vector_load %run_scoped3A_17[%swap3A_43] {strides = array<i32>} : memref<16384xi32, #tpu.memory_space<vmem>>, vector<16xi32>,
          tpu.vector_store %run_scoped3A_17[%swap3A_43], %gather3A_42 {strides = array<i32>} : memref<16384xi32, #tpu.memory_space<vmem>>, vector<16xi32>,
          %mul3A_45 = arith.constant 128 : i32
          %mul3A_46 = arith.muli %scan3A_29, %mul3A_45 : i32
          %add3A_47 = arith.constant 32 : i32
          %add3A_48 = arith.addi %mul3A_46, %add3A_47 : i32
          %get3A_49 = arith.index_cast %add3A_48 : i32 to index
          %get3A_50 = tpu.vector_load %run_scoped3A_17[%get3A_49] {strides = array<i32>} : memref<16384xi32, #tpu.memory_space<vmem>>, vector<16xi32>,
          %gather3A_51 = tpu.vector_load_idx %run_scoped3A_16[%get3A_50] : memref<100000xi32, #tpu.memory_space<vmem>>[vector<16xi32>], vector<16xi32>,
          %swap3A_52 = arith.index_cast %add3A_48 : i32 to index
          %swap3A_53 = tpu.vector_load %run_scoped3A_17[%swap3A_52] {strides = array<i32>} : memref<16384xi32, #tpu.memory_space<vmem>>, vector<16xi32>,
          tpu.vector_store %run_scoped3A_17[%swap3A_52], %gather3A_51 {strides = array<i32>} : memref<16384xi32, #tpu.memory_space<vmem>>, vector<16xi32>,
          %mul3A_54 = arith.constant 128 : i32
          %mul3A_55 = arith.muli %scan3A_29, %mul3A_54 : i32
          %add3A_56 = arith.constant 48 : i32
          %add3A_57 = arith.addi %mul3A_55, %add3A_56 : i32
          %get3A_58 = arith.index_cast %add3A_57 : i32 to index
          %get3A_59 = tpu.vector_load %run_scoped3A_17[%get3A_58] {strides = array<i32>} : memref<16384xi32, #tpu.memory_space<vmem>>, vector<16xi32>,
          %gather3A_60 = tpu.vector_load_idx %run_scoped3A_16[%get3A_59] : memref<100000xi32, #tpu.memory_space<vmem>>[vector<16xi32>], vector<16xi32>,
          %swap3A_61 = arith.index_cast %add3A_57 : i32 to index
          %swap3A_62 = tpu.vector_load %run_scoped3A_17[%swap3A_61] {strides = array<i32>} : memref<16384xi32, #tpu.memory_space<vmem>>, vector<16xi32>,
          tpu.vector_store %run_scoped3A_17[%swap3A_61], %gather3A_60 {strides = array<i32>} : memref<16384xi32, #tpu.memory_space<vmem>>, vector<16xi32>,
          %mul3A_63 = arith.constant 128 : i32
          %mul3A_64 = arith.muli %scan3A_29, %mul3A_63 : i32
          %add3A_65 = arith.constant 64 : i32
          %add3A_66 = arith.addi %mul3A_64, %add3A_65 : i32
          %get3A_67 = arith.index_cast %add3A_66 : i32 to index
          %get3A_68 = tpu.vector_load %run_scoped3A_17[%get3A_67] {strides = array<i32>} : memref<16384xi32, #tpu.memory_space<vmem>>, vector<16xi32>,
          %gather3A_69 = tpu.vector_load_idx %run_scoped3A_16[%get3A_68] : memref<100000xi32, #tpu.memory_space<vmem>>[vector<16xi32>], vector<16xi32>,
          %swap3A_70 = arith.index_cast %add3A_66 : i32 to index
          %swap3A_71 = tpu.vector_load %run_scoped3A_17[%swap3A_70] {strides = array<i32>} : memref<16384xi32, #tpu.memory_space<vmem>>, vector<16xi32>,
          tpu.vector_store %run_scoped3A_17[%swap3A_70], %gather3A_69 {strides = array<i32>} : memref<16384xi32, #tpu.memory_space<vmem>>, vector<16xi32>,
          %mul3A_72 = arith.constant 128 : i32
          %mul3A_73 = arith.muli %scan3A_29, %mul3A_72 : i32
          %add3A_74 = arith.constant 80 : i32
          %add3A_75 = arith.addi %mul3A_73, %add3A_74 : i32
          %get3A_76 = arith.index_cast %add3A_75 : i32 to index
          %get3A_77 = tpu.vector_load %run_scoped3A_17[%get3A_76] {strides = array<i32>} : memref<16384xi32, #tpu.memory_space<vmem>>, vector<16xi32>,
          %gather3A_78 = tpu.vector_load_idx %run_scoped3A_16[%get3A_77] : memref<100000xi32, #tpu.memory_space<vmem>>[vector<16xi32>], vector<16xi32>,
          %swap3A_79 = arith.index_cast %add3A_75 : i32 to index
          %swap3A_80 = tpu.vector_load %run_scoped3A_17[%swap3A_79] {strides = array<i32>} : memref<16384xi32, #tpu.memory_space<vmem>>, vector<16xi32>,
          tpu.vector_store %run_scoped3A_17[%swap3A_79], %gather3A_78 {strides = array<i32>} : memref<16384xi32, #tpu.memory_space<vmem>>, vector<16xi32>,
          %mul3A_81 = arith.constant 128 : i32
          %mul3A_82 = arith.muli %scan3A_29, %mul3A_81 : i32
          %add3A_83 = arith.constant 96 : i32
          %add3A_84 = arith.addi %mul3A_82, %add3A_83 : i32
          %get3A_85 = arith.index_cast %add3A_84 : i32 to index
          %get3A_86 = tpu.vector_load %run_scoped3A_17[%get3A_85] {strides = array<i32>} : memref<16384xi32, #tpu.memory_space<vmem>>, vector<16xi32>,
          %gather3A_87 = tpu.vector_load_idx %run_scoped3A_16[%get3A_86] : memref<100000xi32, #tpu.memory_space<vmem>>[vector<16xi32>], vector<16xi32>,
          %swap3A_88 = arith.index_cast %add3A_84 : i32 to index
          %swap3A_89 = tpu.vector_load %run_scoped3A_17[%swap3A_88] {strides = array<i32>} : memref<16384xi32, #tpu.memory_space<vmem>>, vector<16xi32>,
          tpu.vector_store %run_scoped3A_17[%swap3A_88], %gather3A_87 {strides = array<i32>} : memref<16384xi32, #tpu.memory_space<vmem>>, vector<16xi32>,
          %mul3A_90 = arith.constant 128 : i32
          %mul3A_91 = arith.muli %scan3A_29, %mul3A_90 : i32
          %add3A_92 = arith.constant 112 : i32
          %add3A_93 = arith.addi %mul3A_91, %add3A_92 : i32
          %get3A_94 = arith.index_cast %add3A_93 : i32 to index
          %get3A_95 = tpu.vector_load %run_scoped3A_17[%get3A_94] {strides = array<i32>} : memref<16384xi32, #tpu.memory_space<vmem>>, vector<16xi32>,
          %gather3A_96 = tpu.vector_load_idx %run_scoped3A_16[%get3A_95] : memref<100000xi32, #tpu.memory_space<vmem>>[vector<16xi32>], vector<16xi32>,
          %swap3A_97 = arith.index_cast %add3A_93 : i32 to index
          %swap3A_98 = tpu.vector_load %run_scoped3A_17[%swap3A_97] {strides = array<i32>} : memref<16384xi32, #tpu.memory_space<vmem>>, vector<16xi32>,
          tpu.vector_store %run_scoped3A_17[%swap3A_97], %gather3A_96 {strides = array<i32>} : memref<16384xi32, #tpu.memory_space<vmem>>, vector<16xi32>,
        }
        %scan3A_28 = arith.constant 128 : i32
        "tpu.region"() ({
          %run_scoped3A_29 = tpu.sem_alloc : memref<!tpu.dma_semaphore, #tpu.memory_space<semaphore_mem>>
          tpu.enqueue_dma source(%run_scoped3A_17 : memref<16384xi32, #tpu.memory_space<vmem>>) target(%arg7 : memref<16384xi32, #tpu.memory_space<hbm>>) target_semaphore(%run_scoped3A_29 : memref<!tpu.dma_semaphore, #tpu.memory_space<semaphore_mem>>)
          tpu.wait_dma2 semaphore(%run_scoped3A_29 : memref<!tpu.dma_semaphore, #tpu.memory_space<semaphore_mem>>) src(%run_scoped3A_17 : memref<16384xi32, #tpu.memory_space<vmem>>) dst(%arg7 : memref<16384xi32, #tpu.memory_space<hbm>>)
          tpu.yield
        }) : () -> ()
        tpu.yield
      }) : () -> ()
    } else {
    }
    return
  }
}

module attributes {stable_mosaic.version = 14 : i64} {
  func.func @_head_copy_body(%arg0: i32, %arg1: memref<100000x128xf32, #tpu.memory_space<any>>, %arg2: memref<7264x128xf32, #tpu.memory_space<vmem>>, %arg3: memref<7264x128xf32, #tpu.memory_space<vmem>>) attributes {dimension_semantics = [#tpu.dimension_semantics<arbitrary>], iteration_bounds = array<i64: 7>, scalar_prefetch = 0 : i64, scratch_operands = 0 : i64, tpu.core_type = #tpu.core_type<tc>, window_params = [{}, {transform_indices = @transform_1, window_bounds = array<i64: 7264, 128>}, {transform_indices = @transform_2, window_bounds = array<i64: 7264, 128>}]} {
    %get3A = arith.constant 0 : index
    %get3A_0 = arith.constant 0 : index
    %get3A_1 = vector.load %arg2[%get3A, %get3A_0] : memref<7264x128xf32, #tpu.memory_space<vmem>>, vector<7264x128xf32>
    %swap3A = arith.constant 0 : index
    %swap3A_2 = arith.constant 0 : index
    %swap3A_3 = vector.load %arg3[%swap3A, %swap3A_2] : memref<7264x128xf32, #tpu.memory_space<vmem>>, vector<7264x128xf32>
    tpu.vector_store %arg3[%swap3A, %swap3A_2], %get3A_1 {strides = array<i32>} : memref<7264x128xf32, #tpu.memory_space<vmem>>, vector<7264x128xf32>,
    return
  }
  func.func @transform_1(%arg0: i32) -> (i32, i32) {
    %c0_i32 = arith.constant 0 : i32
    %c0_i32_0 = arith.constant 0 : i32
    return %arg0, %c0_i32 : i32, i32
  }
  func.func @transform_2(%arg0: i32) -> (i32, i32) {
    %c0_i32 = arith.constant 0 : i32
    %c0_i32_0 = arith.constant 0 : i32
    return %arg0, %c0_i32 : i32, i32
  }
}

module attributes {stable_mosaic.version = 14 : i64} {
  func.func @_copy_body(%arg0: i32, %arg1: memref<10000x128xf32, #tpu.memory_space<vmem>>, %arg2: memref<10000x128xf32, #tpu.memory_space<vmem>>) attributes {dimension_semantics = [#tpu.dimension_semantics<arbitrary>], iteration_bounds = array<i64: 10>, scalar_prefetch = 0 : i64, scratch_operands = 0 : i64, tpu.core_type = #tpu.core_type<tc>, window_params = [{transform_indices = @transform_0, window_bounds = array<i64: 10000, 128>}, {transform_indices = @transform_1, window_bounds = array<i64: 10000, 128>}]} {
    %get3A = arith.constant 0 : index
    %get3A_0 = arith.constant 0 : index
    %get3A_1 = vector.load %arg1[%get3A, %get3A_0] : memref<10000x128xf32, #tpu.memory_space<vmem>>, vector<10000x128xf32>
    %swap3A = arith.constant 0 : index
    %swap3A_2 = arith.constant 0 : index
    %swap3A_3 = vector.load %arg2[%swap3A, %swap3A_2] : memref<10000x128xf32, #tpu.memory_space<vmem>>, vector<10000x128xf32>
    tpu.vector_store %arg2[%swap3A, %swap3A_2], %get3A_1 {strides = array<i32>} : memref<10000x128xf32, #tpu.memory_space<vmem>>, vector<10000x128xf32>,
    return
  }
  func.func @transform_0(%arg0: i32) -> (i32, i32) {
    %c0_i32 = arith.constant 0 : i32
    %c0_i32_0 = arith.constant 0 : i32
    return %arg0, %c0_i32 : i32, i32
  }
  func.func @transform_1(%arg0: i32) -> (i32, i32) {
    %c0_i32 = arith.constant 0 : i32
    %c0_i32_0 = arith.constant 0 : i32
    return %arg0, %c0_i32 : i32, i32
  }
}

module attributes {stable_mosaic.version = 14 : i64} {
  func.func @_dense_body(%arg0: i32, %arg1: memref<3xf32, #tpu.memory_space<smem>>, %arg2: memref<4096x128xf32, #tpu.memory_space<vmem>>, %arg3: memref<4096x128xf32, #tpu.memory_space<vmem>>, %arg4: memref<4096x128xf32, #tpu.memory_space<vmem>>, %arg5: memref<4096x128xf32, #tpu.memory_space<vmem>>, %arg6: memref<4096x128xf32, #tpu.memory_space<vmem>>, %arg7: memref<4096x128xf32, #tpu.memory_space<vmem>>, %arg8: memref<4096x128xf32, #tpu.memory_space<vmem>>) attributes {dimension_semantics = [#tpu.dimension_semantics<arbitrary>], iteration_bounds = array<i64: 4>, scalar_prefetch = 0 : i64, scratch_operands = 0 : i64, tpu.core_type = #tpu.core_type<tc>, window_params = [{transform_indices = @transform_0, window_bounds = array<i64: 3>}, {transform_indices = @transform_1, window_bounds = array<i64: 4096, 128>}, {transform_indices = @transform_2, window_bounds = array<i64: 4096, 128>}, {transform_indices = @transform_3, window_bounds = array<i64: 4096, 128>}, {transform_indices = @transform_4, window_bounds = array<i64: 4096, 128>}, {transform_indices = @transform_5, window_bounds = array<i64: 4096, 128>}, {transform_indices = @transform_6, window_bounds = array<i64: 4096, 128>}, {transform_indices = @transform_7, window_bounds = array<i64: 4096, 128>}]} {
    %get3A = arith.constant 0 : index
    %get3A_0 = memref.load %arg1[%get3A] : memref<3xf32, #tpu.memory_space<smem>>
    %sqrt3A = math.sqrt %get3A_0 : f32
    %get3A_1 = arith.constant 1 : index
    %get3A_2 = memref.load %arg1[%get3A_1] : memref<3xf32, #tpu.memory_space<smem>>
    %max3A = arith.constant 9.99999997E-7 : f32
    %max3A_3 = arith.maximumf %get3A_2, %max3A : f32
    %get3A_4 = arith.constant 2 : index
    %get3A_5 = memref.load %arg1[%get3A_4] : memref<3xf32, #tpu.memory_space<smem>>
    %max3A_6 = arith.constant 1.000000e-01 : f32
    %max3A_7 = arith.maximumf %get3A_5, %max3A_6 : f32
    %get3A_8 = arith.constant 0 : index
    %get3A_9 = arith.constant 0 : index
    %get3A_10 = vector.load %arg2[%get3A_8, %get3A_9] : memref<4096x128xf32, #tpu.memory_space<vmem>>, vector<4096x128xf32>
    %get3A_11 = arith.constant 0 : index
    %get3A_12 = arith.constant 0 : index
    %get3A_13 = vector.load %arg4[%get3A_11, %get3A_12] : memref<4096x128xf32, #tpu.memory_space<vmem>>, vector<4096x128xf32>
    %mul3A = arith.mulf %get3A_10, %get3A_10 : vector<4096x128xf32>
    %reduce_sum3A = arith.constant dense<0.000000e+00> : vector<4096xf32>
    %reduce_sum3A_14 = vector.multi_reduction <add>, %mul3A, %reduce_sum3A [1] : vector<4096x128xf32> to vector<4096xf32>
    %broadcast_in_dim3A = vector.shape_cast %reduce_sum3A_14 : vector<4096xf32> to vector<4096x1xf32>
    %sqrt3A_15 = math.sqrt %broadcast_in_dim3A : vector<4096x1xf32>
    %max3A_16 = arith.constant 1.000000e-10 : f32
    %max3A_17 = vector.broadcast %max3A_16 : f32 to vector<4096x1xf32>
    %max3A_18 = arith.maximumf %sqrt3A_15, %max3A_17 : vector<4096x1xf32>
    %mul3A_19 = vector.broadcast %sqrt3A : f32 to vector<4096x1xf32>
    %mul3A_20 = arith.mulf %mul3A_19, %max3A_18 : vector<4096x1xf32>
    %jit3A = arith.constant -0.99999988 : f32
    %jit3A_21 = arith.constant 0.99999988 : f32
    %max3A_22 = vector.broadcast %jit3A : f32 to vector<4096x1xf32>
    %max3A_23 = arith.maximumf %max3A_22, %mul3A_20 : vector<4096x1xf32>
    %min3A = vector.broadcast %jit3A_21 : f32 to vector<4096x1xf32>
    %min3A_24 = arith.minimumf %min3A, %max3A_23 : vector<4096x1xf32>
    %add3A = arith.constant 1.000000e+00 : f32
    %add3A_25 = vector.broadcast %add3A : f32 to vector<4096x1xf32>
    %add3A_26 = arith.addf %add3A_25, %min3A_24 : vector<4096x1xf32>
    %sub3A = arith.constant 1.000000e+00 : f32
    %sub3A_27 = vector.broadcast %sub3A : f32 to vector<4096x1xf32>
    %sub3A_28 = arith.subf %sub3A_27, %min3A_24 : vector<4096x1xf32>
    %div3A = arith.divf %add3A_26, %sub3A_28 : vector<4096x1xf32>
    %log3A = math.log %div3A : vector<4096x1xf32>
    %mul3A_29 = arith.constant 5.000000e-01 : f32
    %mul3A_30 = vector.broadcast %mul3A_29 : f32 to vector<4096x1xf32>
    %mul3A_31 = arith.mulf %mul3A_30, %log3A : vector<4096x1xf32>
    %mul3A_32 = vector.broadcast %mul3A_31 : vector<4096x1xf32> to vector<4096x128xf32>
    %mul3A_33 = arith.mulf %mul3A_32, %get3A_10 : vector<4096x128xf32>
    %mul3A_34 = vector.broadcast %sqrt3A : f32 to vector<4096x1xf32>
    %mul3A_35 = arith.mulf %mul3A_34, %max3A_18 : vector<4096x1xf32>
    %div3A_36 = vector.broadcast %mul3A_35 : vector<4096x1xf32> to vector<4096x128xf32>
    %div3A_37 = arith.divf %mul3A_33, %div3A_36 : vector<4096x128xf32>
    %add3A_38 = arith.addf %div3A_37, %get3A_13 : vector<4096x128xf32>
    %jit3A_39 = arith.constant -1.000000e+01 : f32
    %jit3A_40 = arith.constant 1.000000e+01 : f32
    %max3A_41 = vector.broadcast %jit3A_39 : f32 to vector<4096x128xf32>
    %max3A_42 = arith.maximumf %max3A_41, %add3A_38 : vector<4096x128xf32>
    %min3A_43 = vector.broadcast %jit3A_40 : f32 to vector<4096x128xf32>
    %min3A_44 = arith.minimumf %min3A_43, %max3A_42 : vector<4096x128xf32>
    %mul3A_45 = arith.mulf %min3A_44, %min3A_44 : vector<4096x128xf32>
    %reduce_sum3A_46 = arith.constant dense<0.000000e+00> : vector<4096xf32>
    %reduce_sum3A_47 = vector.multi_reduction <add>, %mul3A_45, %reduce_sum3A_46 [1] : vector<4096x128xf32> to vector<4096xf32>
    %broadcast_in_dim3A_48 = vector.shape_cast %reduce_sum3A_47 : vector<4096xf32> to vector<4096x1xf32>
    %sqrt3A_49 = math.sqrt %broadcast_in_dim3A_48 : vector<4096x1xf32>
    %max3A_50 = arith.constant 1.000000e-10 : f32
    %max3A_51 = vector.broadcast %max3A_50 : f32 to vector<4096x1xf32>
    %max3A_52 = arith.maximumf %sqrt3A_49, %max3A_51 : vector<4096x1xf32>
    %mul3A_53 = vector.broadcast %sqrt3A : f32 to vector<4096x1xf32>
    %mul3A_54 = arith.mulf %mul3A_53, %max3A_52 : vector<4096x1xf32>
    %jit3A_55 = arith.constant -1.500000e+01 : f32
    %jit3A_56 = arith.constant 1.500000e+01 : f32
    %max3A_57 = vector.broadcast %jit3A_55 : f32 to vector<4096x1xf32>
    %max3A_58 = arith.maximumf %max3A_57, %mul3A_54 : vector<4096x1xf32>
    %min3A_59 = vector.broadcast %jit3A_56 : f32 to vector<4096x1xf32>
    %min3A_60 = arith.minimumf %min3A_59, %max3A_58 : vector<4096x1xf32>
    %tanh3A = math.tanh %min3A_60 : vector<4096x1xf32>
    %mul3A_61 = vector.broadcast %tanh3A : vector<4096x1xf32> to vector<4096x128xf32>
    %mul3A_62 = arith.mulf %mul3A_61, %min3A_44 : vector<4096x128xf32>
    %mul3A_63 = vector.broadcast %sqrt3A : f32 to vector<4096x1xf32>
    %mul3A_64 = arith.mulf %mul3A_63, %max3A_52 : vector<4096x1xf32>
    %div3A_65 = vector.broadcast %mul3A_64 : vector<4096x1xf32> to vector<4096x128xf32>
    %div3A_66 = arith.divf %mul3A_62, %div3A_65 : vector<4096x128xf32>
    %mul3A_67 = arith.mulf %div3A_66, %div3A_66 : vector<4096x128xf32>
    %reduce_sum3A_68 = arith.constant dense<0.000000e+00> : vector<4096xf32>
    %reduce_sum3A_69 = vector.multi_reduction <add>, %mul3A_67, %reduce_sum3A_68 [1] : vector<4096x128xf32> to vector<4096xf32>
    %broadcast_in_dim3A_70 = vector.shape_cast %reduce_sum3A_69 : vector<4096xf32> to vector<4096x1xf32>
    %sqrt3A_71 = math.sqrt %broadcast_in_dim3A_70 : vector<4096x1xf32>
    %max3A_72 = arith.constant 1.000000e-10 : f32
    %max3A_73 = vector.broadcast %max3A_72 : f32 to vector<4096x1xf32>
    %max3A_74 = arith.maximumf %sqrt3A_71, %max3A_73 : vector<4096x1xf32>
    %div3A_75 = arith.constant 0.999989986 : f32
    %div3A_76 = arith.divf %div3A_75, %sqrt3A : f32
    %div3A_77 = vector.broadcast %div3A_76 : f32 to vector<4096x1xf32>
    %div3A_78 = arith.divf %div3A_77, %max3A_74 : vector<4096x1xf32>
    %min3A_79 = arith.constant 1.000000e+00 : f32
    %min3A_80 = vector.broadcast %min3A_79 : f32 to vector<4096x1xf32>
    %min3A_81 = arith.minimumf %min3A_80, %div3A_78 : vector<4096x1xf32>
    %mul3A_82 = vector.broadcast %min3A_81 : vector<4096x1xf32> to vector<4096x128xf32>
    %mul3A_83 = arith.mulf %div3A_66, %mul3A_82 : vector<4096x128xf32>
    %swap3A = arith.constant 0 : index
    %swap3A_84 = arith.constant 0 : index
    %swap3A_85 = vector.load %arg6[%swap3A, %swap3A_84] : memref<4096x128xf32, #tpu.memory_space<vmem>>, vector<4096x128xf32>
    tpu.vector_store %arg6[%swap3A, %swap3A_84], %mul3A_83 {strides = array<i32>} : memref<4096x128xf32, #tpu.memory_space<vmem>>, vector<4096x128xf32>,
    %get3A_86 = arith.constant 0 : index
    %get3A_87 = arith.constant 0 : index
    %get3A_88 = vector.load %arg5[%get3A_86, %get3A_87] : memref<4096x128xf32, #tpu.memory_space<vmem>>, vector<4096x128xf32>
    %mul3A_89 = arith.constant 8.000000e-01 : f32
    %mul3A_90 = vector.broadcast %mul3A_89 : f32 to vector<4096x128xf32>
    %mul3A_91 = arith.mulf %mul3A_90, %get3A_88 : vector<4096x128xf32>
    %get3A_92 = arith.constant 0 : index
    %get3A_93 = arith.constant 0 : index
    %get3A_94 = vector.load %arg3[%get3A_92, %get3A_93] : memref<4096x128xf32, #tpu.memory_space<vmem>>, vector<4096x128xf32>
    %mul3A_95 = arith.constant 2.000000e-01 : f32
    %mul3A_96 = vector.broadcast %mul3A_95 : f32 to vector<4096x128xf32>
    %mul3A_97 = arith.mulf %mul3A_96, %get3A_94 : vector<4096x128xf32>
    %add3A_98 = arith.addf %mul3A_91, %mul3A_97 : vector<4096x128xf32>
    %swap3A_99 = arith.constant 0 : index
    %swap3A_100 = arith.constant 0 : index
    %swap3A_101 = vector.load %arg7[%swap3A_99, %swap3A_100] : memref<4096x128xf32, #tpu.memory_space<vmem>>, vector<4096x128xf32>
    tpu.vector_store %arg7[%swap3A_99, %swap3A_100], %add3A_98 {strides = array<i32>} : memref<4096x128xf32, #tpu.memory_space<vmem>>, vector<4096x128xf32>,
    %sub3A_102 = arith.subf %add3A_98, %get3A_13 : vector<4096x128xf32>
    %mul3A_103 = arith.mulf %sub3A_102, %sub3A_102 : vector<4096x128xf32>
    %reduce_sum3A_104 = arith.constant dense<0.000000e+00> : vector<4096xf32>
    %reduce_sum3A_105 = vector.multi_reduction <add>, %mul3A_103, %reduce_sum3A_104 [1] : vector<4096x128xf32> to vector<4096xf32>
    %broadcast_in_dim3A_106 = vector.shape_cast %reduce_sum3A_105 : vector<4096xf32> to vector<4096x1xf32>
    %sqrt3A_107 = math.sqrt %broadcast_in_dim3A_106 : vector<4096x1xf32>
    %sub3A_108 = vector.broadcast %max3A_3 : f32 to vector<4096x1xf32>
    %sub3A_109 = arith.subf %sqrt3A_107, %sub3A_108 : vector<4096x1xf32>
    %mul3A_110 = vector.broadcast %max3A_7 : f32 to vector<4096x1xf32>
    %mul3A_111 = arith.mulf %mul3A_110, %sub3A_109 : vector<4096x1xf32>
    %logistic3A = arith.negf %mul3A_111 : vector<4096x1xf32>
    %logistic3A_112 = math.exp %logistic3A : vector<4096x1xf32>
    %logistic3A_113 = arith.constant 1.000000e+00 : f32
    %logistic3A_114 = vector.broadcast %logistic3A_113 : f32 to vector<4096x1xf32>
    %logistic3A_115 = arith.addf %logistic3A_114, %logistic3A_112 : vector<4096x1xf32>
    %logistic3A_116 = arith.divf %logistic3A_114, %logistic3A_115 : vector<4096x1xf32>
    %mul3A_117 = vector.broadcast %logistic3A_116 : vector<4096x1xf32> to vector<4096x128xf32>
    %mul3A_118 = arith.mulf %mul3A_117, %sub3A_102 : vector<4096x128xf32>
    %add3A_119 = arith.addf %get3A_13, %mul3A_118 : vector<4096x128xf32>
    %swap3A_120 = arith.constant 0 : index
    %swap3A_121 = arith.constant 0 : index
    %swap3A_122 = vector.load %arg8[%swap3A_120, %swap3A_121] : memref<4096x128xf32, #tpu.memory_space<vmem>>, vector<4096x128xf32>
    tpu.vector_store %arg8[%swap3A_120, %swap3A_121], %add3A_119 {strides = array<i32>} : memref<4096x128xf32, #tpu.memory_space<vmem>>, vector<4096x128xf32>,
    return
  }
  func.func @transform_0(%arg0: i32) -> i32 {
    %c0_i32 = arith.constant 0 : i32
    %c0_i32_0 = arith.constant 0 : i32
    return %c0_i32 : i32
  }
  func.func @transform_1(%arg0: i32) -> (i32, i32) {
    %c0_i32 = arith.constant 0 : i32
    %c0_i32_0 = arith.constant 0 : i32
    return %arg0, %c0_i32 : i32, i32
  }
  func.func @transform_2(%arg0: i32) -> (i32, i32) {
    %c0_i32 = arith.constant 0 : i32
    %c0_i32_0 = arith.constant 0 : i32
    return %arg0, %c0_i32 : i32, i32
  }
  func.func @transform_3(%arg0: i32) -> (i32, i32) {
    %c0_i32 = arith.constant 0 : i32
    %c0_i32_0 = arith.constant 0 : i32
    return %arg0, %c0_i32 : i32, i32
  }
  func.func @transform_4(%arg0: i32) -> (i32, i32) {
    %c0_i32 = arith.constant 0 : i32
    %c0_i32_0 = arith.constant 0 : i32
    return %arg0, %c0_i32 : i32, i32
  }
  func.func @transform_5(%arg0: i32) -> (i32, i32) {
    %c0_i32 = arith.constant 0 : i32
    %c0_i32_0 = arith.constant 0 : i32
    return %arg0, %c0_i32 : i32, i32
  }
  func.func @transform_6(%arg0: i32) -> (i32, i32) {
    %c0_i32 = arith.constant 0 : i32
    %c0_i32_0 = arith.constant 0 : i32
    return %arg0, %c0_i32 : i32, i32
  }
  func.func @transform_7(%arg0: i32) -> (i32, i32) {
    %c0_i32 = arith.constant 0 : i32
    %c0_i32_0 = arith.constant 0 : i32
    return %arg0, %c0_i32 : i32, i32
  }
}

</mosaic_0001>

<sc_bundles>
// kernel: kernel.12.cloned.1.call-start
scs
__scs_entry_jumppad:
0x0: {  	(pc) =	sbr.rel $0x88, $3  }
0x1: {  	(tag) =	ssettag $0x0;
	lr =	simm.s32 $0x1  }
0x2: {  	[smem:$0x3F99] =	sst lr;
	_ =	strace $0xD0000000  }
0x3: {  	_ = 	snop  }
0x4: {  	_ = 	snop  }
0x5: {  	_ = 	snop  }
0x6: {  	_ = 	snop  }
0x7: {  	_ = 	snop  }
__scs_overlays_trampoline_lowered:
0x8: {  	[smem:$0x3FA8] =	sst s0  }
0x9: {  	[smem:$0x3FA9] =	sst s1  }
0xa: {  	[smem:$0x3FAA] =	sst s2  }
0xb: {  	[smem:$0x3FAB] =	sst s3  }
0xc: {  	[smem:$0x3FAC] =	sst s4  }
0xd: {  	[smem:$0x3FAD] =	sst s5  }
0xe: {  	[smem:$0x3FAE] =	sst s6  }
0xf: {  	[smem:$0x3FAF] =	sst s7  }
0x10: {  	[smem:$0x3FB0] =	sst s8  }
0x11: {  	[smem:$0x3FB1] =	sst s9;
	s0 =	simm.s32 @!p0 $0x0  }
0x12: {  	s1 =	sld [smem:$0x3F97];
	s0 =	simm.s32 @p0 $0x1  }
0x13: {  	[smem:$0x3FB2] =	sst s0;
	s0 =	simm.s32 @!p1 $0x0  }
0x14: {  	s2 =	sld [smem:$0x3F96];
	s0 =	simm.s32 @p1 $0x1  }
0x15: {  	[smem:$0x3FB3] =	sst s0;
	s0 =	simm.s32 @!p2 $0x0  }
0x16: {  	s3 =	sld [smem:$0x3FDB];
	s0 =	simm.s32 @p2 $0x1  }
0x17: {  	s4 =	simm.s32 $0x1BF5;
	[smem:$0x3FB5] =	sst s0  }
0x18: {  	s0 =	sld [smem:$0x3F98];
	_ =	swait.ge [sflag:s4], $0x0  }
0x19: {  	s7 =	sld [smem:$0x3F99]  }
0x1a: {  	s8 =	sadd.s32 $0xFFFFE003, lr  }
0x1b: {  	s9 =	sadd.s32 $0xFFFFFEF7, lr;
	s5 =	simm.s32 $0xFFFFFFFF;
	p2 =	slt.u32 s8, $0xFFFFF086  }
0x1c: {  	p1 =	slt.u32 s9, $0xF7A;
	s5 =	simm.s32 @!p2 $0x0  }
0x1d: {  	s5 =	simm.s32 @p1 $0x1;
	p0 =	seq.s32 s7, s2  }
0x1e: {  	s7 =	smul.u32 @!p0 $0xF7A, s2;
	p2 =	seq.s32 @!p0 s5, $0x0  }
0x1f: {  	s9 =	smul.u32 $0xF7A, s1;
	s8 =	simm.s32 @!p0 $0x1BF5;
	p2 =	por !p2, p0  }
0x20: {  	[sflag:s8] =	ssyncset.s32 @!p0 $0xFFFFF086;
	s6 =	sadd.s32 @!p0 s3, s7;
	s7 =	simm.s32 @!p0 $0x108  }
0x21: {  	s3 =	sadd.s32 s3, s9;
	s6 =	sadd.s32 @!p0 $0x88, s6;
	s7 =	simm.s32 @p2 $0x1082  }
0x22: {  	[simem:s7], [sflag:s8] =	dma.local @!p0 [hbm:s6], $0xF7A  }
0x23: {  	s9 =	sor.u32 $0xD0000000, s2;
	s6 =	simm.s32 $0x108;
	_ =	swait.ge @!p0 [sflag:s8], $0x0  }
0x24: {  	s3 =	sadd.s32 $0x88, s3;
	s6 =	simm.s32 @!p1 $0x1082;
	[sflag:s4] =	ssyncset.s32 $0xFFFFF086  }
0x25: {  	[simem:s6], [sflag:s4] =	dma.local [hbm:s3], $0xF7A  }
0x26: {  	[smem:$0x3F99] =	sst s1;
	(tag) =	ssettag s2;
	_ =	strace s9  }
0x27: {  	s1 =	sld [smem:$0x3FA9]  }
0x28: {  	s2 =	sld [smem:$0x3FAA]  }
0x29: {  	s4 =	sld [smem:$0x3FAC]  }
0x2a: {  	p0 =	seq.s32 s5, $0x0;
	s5 =	sld [smem:$0x3FAD]  }
0x2b: {  	s6 =	sld [smem:$0x3FAE]  }
0x2c: {  	s7 =	sld [smem:$0x3FAF]  }
0x2d: {  	s3 =	simm.s32 $0x108;
	s8 =	sld [smem:$0x3FB0]  }
0x2e: {  	s3 =	simm.s32 @!p0 $0x1082;
	s9 =	sld [smem:$0x3FB1]  }
0x2f: {  	lr =	sadd.s32 s0, s3;
	s0 =	sld [smem:$0x3FA8]  }
0x30: {  	s3 =	sld [smem:$0x3FAB]  }
0x31: {  	[smem:$0x3FB4] =	sst s10  }
0x32: {  	s10 =	sld [smem:$0x3FB2];
	_ =	sdelay $0x3  }
0x33: {  	p0 =	seq.s32 s10, $0x1;
	s10 =	sld [smem:$0x3FB4];
	_ =	sdelay $0x3  }
0x34: {  	[smem:$0x3FB4] =	sst s10  }
0x35: {  	s10 =	sld [smem:$0x3FB3];
	_ =	sdelay $0x3  }
0x36: {  	p1 =	seq.s32 s10, $0x1;
	s10 =	sld [smem:$0x3FB4];
	_ =	sdelay $0x3  }
0x37: {  	[smem:$0x3FB4] =	sst s10  }
0x38: {  	s10 =	sld [smem:$0x3FB5]  }
0x39: {  	_ = 	snop;
	(pc) =	sbr.ind lr, $3  }
0x3a: {  	_ = 	snop  }
0x3b: {  	_ = 	snop  }
0x3c: {  	p2 =	seq.s32 s10, $0x1;
	s10 =	sld [smem:$0x3FB4]  }
0x3d: {  	_ =	shalt  }
0x3e: {  	_ =	shalt  }
0x3f: {  	_ =	shalt  }
0x40: {  	_ =	shalt  }
0x41: {  	_ =	shalt  }
0x42: {  	_ =	shalt  }
0x43: {  	_ =	shalt  }
0x44: {  	_ =	shalt  }
0x45: {  	_ =	shalt  }
0x46: {  	_ =	shalt  }
0x47: {  	_ =	shalt  }
0x48: {  	_ =	shalt  }
0x49: {  	_ =	shalt  }
0x4a: {  	_ =	shalt  }
0x4b: {  	_ =	shalt  }
0x4c: {  	_ =	shalt  }
0x4d: {  	_ =	shalt  }
0x4e: {  	_ =	shalt  }
0x4f: {  	_ =	shalt  }
0x50: {  	_ =	shalt  }
0x51: {  	_ =	shalt  }
0x52: {  	_ =	shalt  }
0x53: {  	_ =	shalt  }
0x54: {  	_ =	shalt  }
0x55: {  	_ =	shalt  }
0x56: {  	_ =	shalt  }
0x57: {  	_ =	shalt  }
0x58: {  	_ =	shalt  }
0x59: {  	_ =	shalt  }
0x5a: {  	_ =	shalt  }
0x5b: {  	_ =	shalt  }
0x5c: {  	_ =	shalt  }
0x5d: {  	_ =	shalt  }
0x5e: {  	_ =	shalt  }
0x5f: {  	_ =	shalt  }
0x60: {  	_ =	shalt  }
0x61: {  	_ =	shalt  }
0x62: {  	_ =	shalt  }
0x63: {  	_ =	shalt  }
0x64: {  	_ =	shalt  }
0x65: {  	_ =	shalt  }
0x66: {  	_ =	shalt  }
0x67: {  	_ =	shalt  }
0x68: {  	_ =	shalt  }
0x69: {  	_ =	shalt  }
0x6a: {  	_ =	shalt  }
0x6b: {  	_ =	shalt  }
0x6c: {  	_ =	shalt  }
0x6d: {  	_ =	shalt  }
0x6e: {  	_ =	shalt  }
0x6f: {  	_ =	shalt  }
0x70: {  	_ =	shalt  }
0x71: {  	_ =	shalt  }
0x72: {  	_ =	shalt  }
0x73: {  	_ =	shalt  }
0x74: {  	_ =	shalt  }
0x75: {  	_ =	shalt  }
0x76: {  	_ =	shalt  }
0x77: {  	_ =	shalt  }
0x78: {  	_ =	shalt  }
0x79: {  	_ =	shalt  }
0x7a: {  	_ =	shalt  }
0x7b: {  	_ =	shalt  }
0x7c: {  	_ =	shalt  }
0x7d: {  	_ =	shalt  }
0x7e: {  	_ =	shalt  }
0x7f: {  	_ =	shalt  }
0x80: {  	_ =	shalt  }
0x81: {  	_ =	shalt  }
0x82: {  	_ =	shalt  }
0x83: {  	_ =	shalt  }
0x84: {  	_ =	shalt  }
0x85: {  	_ =	shalt  }
0x86: {  	_ =	shalt  }
0x87: {  	_ =	shalt  }
.Lfunc_end0:
.L_simem_size_0:
called_computation.1_lowered:
.L_overlay_start_0:
0x88: {  	s2 =	sld [smem:$0x3FD9]  }
0x89: {  	s3 =	sld [smem:$0x3FFE];
	_ =	sdelay $0x1  }
0x8a: {  	s1 =	srdreg.scid  }
0x8b: {  	s0 =	sand.u32 $0x1, s1  }
0x8c: {  	s16 =	sshll.u32 s0, $0xA;
	s2 =	sadd.s32 s3, s2  }
0x8d: {  	s2 =	sadd.s32 s2, s16  }
0x8e: {  	[smem:$0x3FC0] =	sst s2  }
0x8f: {  	_ = 	snop  }
0x90: {  	s17 =	sld [smem:$0x3FD0];
	_ =	sdelay $0x2  }
0x91: {  	s4 =	simm.s32 $0xB;
	s5 =	simm.s32 $0x10;
	s2 =	sld [smem:$0x3FC9]  }
0x92: {  	[smem:s5], [sflag:s4] =	dma.local [hbm:s17], $0x1  }
0x93: {  	_ =	swait.eq [sflag:s4], $0x1  }
0x94: {  	[sflag:s4] =	ssyncset.done $0x0  }
0x95: {  	[sflag:s4] =	ssyncadd.s32 $0xFFFFFFFF  }
0x96: {  	s18 =	sld [smem:$0x12];
	(tm) =	ssettm $0x1  }
0x97: {  	s19 =	sld [smem:$0x3FFB];
	_ =	sdelay $0x3  }
0x98: {  	_ =	strace s19  }
0x99: {  	s3 =	sld [smem:$0x3FFC];
	_ =	sdelay $0x3  }
0x9a: {  	_ =	strace s3  }
0x9b: {  	s3 =	sld [smem:$0x3FFD];
	_ =	sdelay $0x3  }
0x9c: {  	_ =	strace s3  }
0x9d: {  	_ =	strace $0x8FFFFFFF  }
0x9e: {  	s20 =	sld [smem:$0x3FDB];
	_ =	sdelay $0x1  }
0x9f: {  	s21 =	simm.s32 $_scs_section_size  }
0xa0: {  	s6 =	simm.s32 $_size__tile_overlayer_lowered;
	s7 =	simm.s32 $_tile_overlayer_lowered  }
0xa1: {  	s8 =	simm.s32 $0x1BFF;
	s22 =	sshll.u32 s7, $0x1;
	s5 =	sadd.s32 s21, s20  }
0xa2: {  	s23 =	simm.s32 $0x0;
	s6 =	sshll.u32 s6, $0x1;
	s7 =	sadd.s32 s22, s5  }
0xa3: {  	[timem:s23], [sflag:s8] =	dma.local [hbm:s7], s6  }
0xa4: {  	_ =	swait.ge [sflag:s8], s6  }
0xa5: {  	s6 =	ssub.s32 $0x0, s6;
	[sflag:s8] =	ssyncset.done $0x0  }
0xa6: {  	[sflag:s8] =	ssyncadd.s32 s6;
	_ =	sdelay $0x1  }
0xa7: {  	s24 =	simm.s32 $0x1B8B  }
0xa8: {  	_ =	swait.ge [sflag:s24], $0x1  }
0xa9: {  	[sflag:s24] =	ssyncset.done $0x0  }
0xaa: {  	[sflag:s24] =	ssyncadd.s32 $0xFFFFFFFF  }
0xab: {  	s6 =	sld [smem:$0x0]  }
0xac: {  	s7 =	sand.u32 $0xFFFFFFFE, s1  }
0xad: {  	p0 =	sne.s32 s1, s7  }
0xae: {  	s7 =	sshll.u32 @p0 s7, $0xE  }
0xaf: {  	s7 =	sadd.s32 @p0 $0x11B8D, s7;
	s8 =	sshll.u32 @p0 s6, $0x11  }
0xb0: {  	s7 =	sor.u32 @p0 s8, s7  }
0xb1: {  	[sflag:s7] =	ssyncadd.remote.s32 @p0 $0x1;
	_ =	sdelay $0x1  }
0xb2: {  	s7 =	simm.s32 @p0 $0x1B8D  }
0xb3: {  	_ =	swait.eq @p0 [sflag:s7], $0x1  }
0xb4: {  	[sflag:s7] =	ssyncadd.s32 @p0 $0xFFFFFFFF  }
0xb5: {  	s8 =	sshll.u32 @!p0 s1, $0xE  }
0xb6: {  	s8 =	sor.u32 @!p0 $0x4000, s8;
	s7 =	simm.s32 @!p0 $0x1B8D  }
0xb7: {  	s6 =	sshll.u32 @!p0 s6, $0x11;
	s8 =	sadd.s32 @!p0 $0x11B8D, s8;
	_ =	swait.eq @!p0 [sflag:s7], $0x1  }
0xb8: {  	s6 =	sor.u32 @!p0 s6, s8;
	[sflag:s7] =	ssyncadd.s32 @!p0 $0xFFFFFFFF  }
0xb9: {  	s25 =	simm.s32 $0x1B8E;
	[sflag:s6] =	ssyncadd.remote.s32 @!p0 $0x1  }
0xba: {  	s26 =	simm.s32 $execute0_lowered;
	[smem:$0x3FD2] =	sst s25  }
0xbb: {  	s6 =	sshll.u32 s26, $0x1;
	_ =	strace $0x80000049;
	[dreg:$0x1] =	wrdreg $0xFFFFFFFF  }
0xbc: {  	s28 =	simm.s32 $_size_execute0_lowered;
	s5 =	sadd.s32 s5, s6;
	[dreg:$0x0] =	wrdreg $0x0  }
0xbd: {  	s6 =	sshll.u32 s28, $0x1;
	[dreg:$0x2] =	wrdreg s5  }
0xbe: {  	[dreg:$0x3] =	wrdreg s6  }
0xbf: {  	[dreg:$0x4] =	wrdreg $0xC0  }
0xc0: {  	_ =	task [dreg:s23], $0x5FFFF  }
0xc1: {  	[dreg:$0x1] =	wrdreg $0xFFFFFFFF  }
0xc2: {  	[dreg:$0x0] =	wrdreg $0x60  }
0xc3: {  	[dreg:$0x2] =	wrdreg s2  }
0xc4: {  	[dreg:$0x3] =	wrdreg s18  }
0xc5: {  	[dreg:$0x4] =	wrdreg $0x9  }
0xc6: {  	_ =	task.clear_ibuf [dreg:s23], $0x5FFFF;
	_ =	strace $0x90000049  }
0xc7: {  	s29 =	simm.s32 $0x9;
	_ =	strace $0x8000004B  }
0xc8: {  	_ =	swait.ge [sflag:s29], $0x1  }
0xc9: {  	[sflag:s29] =	ssyncadd.s32 $0xFFFFFFFF  }
0xca: {  	_ =	strace $0x9000004B  }
0xcb: {  	_ =	sfence  }
0xcc: {  	s30 =	sld [smem:$0x0];
	_ =	sdelay $0x2  }
0xcd: {  	s31 =	sshll.u32 s1, $0xD;
	s1 =	sshrl.u32 s1, $0x2  }
0xce: {  	s4 =	sand.u32 $0x4000, s31;
	s1 =	sadd.s32 s1, s30  }
0xcf: {  	s0 =	sor.u32 s4, s0;
	s1 =	sshll.u32 s1, $0x11  }
0xd0: {  	s0 =	sor.u32 s1, s0  }
0xd1: {  	s0 =	sadd.s32 $0x8F2B, s0  }
0xd2: {  	[sflag:s0] =	ssyncadd.remote.s32 $0x1  }
0xd3: {  	_ =	sfence.sel $0xFFFF  }
0xd4: {  	[dreg:$0x0] =	wrdreg $0xFFFFFFFF;
	(pc) =	sbr.abs _section_cstart, $3  }
0xd5: {  	[dreg:$0x1] =	wrdreg $0xFFFFFFFF  }
0xd6: {  	_ =	task.clear_ibuf [dreg:s23], $0x2FFFF;
	_ =	strace $0x9FFFFFFF  }
0xd7: {  	(tm) =	ssettm $0x7FFFFFFF  }
tec
execute0_lowered:
.L_overlay_start_1:
0x0: {  	(tag) =	ssettag $0x1  }
0x1: {  	s1 =	srdreg.scid;
	s0 =	stileid.u32  }
0x2: {  	s3 =	rddreg [dreg:$0x0];
	s1 =	sand.u32 $0x1, s1;
	s2 =	sshll.u32 s0, $0x1  }
0x3: {  	s4 =	rddreg [dreg:$0x1];
	s2 =	sor.u32 s1, s2;
	s1 =	ssub.s32 $0x2, s1  }
0x4: {  	s5 =	smul.u32 $0x30000, s2;
	s2 =	simm.s32 $0x0;
	s6 =	sshrl.u32 s1, $0x1  }
0x5: {  	p0 =	por $0x0, $0x0;
	[smem:$0x7FF] =	sst s2;
	s1 =	ssub.s32 s1, s6  }
0x6: {  	s5 =	sshrl.u32 s5, $0x3;
	_ =	strace $0x8000004A;
	s1 =	smax.u32 s1, $0x1  }
0x7: {  	s26 =	sadd.s32 $0xC6A00, s5;
	s8 =	sadd.s32 $0xC7200, s5;
	s9 =	sadd.s32 $0xC7A00, s5  }
0x8: {  	s10 =	sadd.s32 $0xC8A00, s5;
	s11 =	sadd.s32 $0xC9200, s5;
	s12 =	sadd.s32 $0xC9A00, s5  }
0x9: {  	s13 =	sadd.s32 $0xCA200, s5;
	s14 =	sadd.s32 $0xCAA00, s5;
	s6 =	sadd.s32 $0xCBA00, s5  }
0xa: {  	p1 =	sne.s32 s1, $0x1;
	s31 =	sadd.s32 $0xFFFFFFFF, s1;
	s7 =	sadd.s32 s3, s26  }
0xb: {  	s30 =	sadd.s32 s3, s8;
	s28 =	sadd.s32 s3, s9;
	s29 =	sadd.s32 s4, s26  }
0xc: {  	s26 =	sadd.s32 s4, s8;
	s23 =	sadd.s32 s3, s10;
	s24 =	sadd.s32 s4, s9  }
0xd: {  	s21 =	sadd.s32 s3, s11;
	s19 =	sadd.s32 s3, s12;
	s20 =	sadd.s32 s4, s10  }
0xe: {  	s17 =	sadd.s32 s3, s13;
	s18 =	sadd.s32 s4, s11;
	s15 =	sadd.s32 s3, s14  }
0xf: {  	s16 =	sadd.s32 s4, s12;
	s9 =	sadd.s32 $0xCB200, s5;
	s13 =	sadd.s32 s4, s13  }
0x10: {  	s11 =	sadd.s32 s4, s14;
	s10 =	sadd.s32 $0xCC200, s5;
	s12 =	sadd.s32 s3, s6  }
.Ltmp0:
0x11: {  	[dreg:$0x3] =	wrdreg s7;
	s7 =	sadd.s32 $0xC8200, s5;
	(pc) =	sbr.rel @!p1 .LBB2_3-.Ltmp0, $4  }
0x12: {  	s14 =	sadd.s32 s3, s9;
	s8 =	sadd.s32 s3, s10;
	s9 =	sadd.s32 s4, s9  }
0x13: {  	s5 =	sadd.s32 s4, s6;
	s6 =	simm.s32 $0x8000;
	s25 =	sadd.s32 s3, s7  }
0x14: {  	s22 =	sadd.s32 s4, s7;
	s3 =	sadd.s32 s4, s10;
	s10 =	simm.s32 $0x4000  }
0x15: {  	s7 =	simm.s32 $0x1;
	s4 =	simm.s32 $0x2;
	s1 =	rddreg [dreg:$0x3]  }
0x16: {  	[tilespmem:s2], [sflag:$0x1] =	stream.linear.gather [hbm4b:s1+s2], $0x4000, $0x38;
	[tilespmem:$0xC000] =	vst v63  }
0x17: {  	_ = 	snop  }
0x18: {  	[tilespmem:s10], [sflag:$0x1] =	stream.linear.gather [hbm4b:s30+s2], $0x4000, $0x38;
	[tilespmem:$0xC000] =	vst v63  }
0x19: {  	_ =	swait.ge [sflag:s7], $0x4000  }
0x1a: {  	[sflag:s7] =	ssyncset.done $0x0  }
0x1b: {  	[sflag:s7] =	ssyncadd.s32 $0xFFFFC000  }
0x1c: {  	[tilespmem:s6], [sflag:$0x1] =	stream.linear.gather [hbm4b:s28+s2], $0x4000, $0x38;
	[tilespmem:$0xC000] =	vst v63  }
0x1d: {  	_ = 	snop  }
0x1e: {  	[hbm4b:s29+s2] =	stream.linear.scatter [tilespmem:s2], [sflag:$0x2], $0x4000, $0x38;
	[tilespmem:$0xC000] =	vst v63  }
0x1f: {  	_ =	swait.ge [sflag:s7], $0x4000  }
0x20: {  	[sflag:s7] =	ssyncset.done $0x0  }
0x21: {  	[sflag:s7] =	ssyncadd.s32 $0xFFFFC000  }
0x22: {  	_ =	swait.ge [sflag:s4], $0x4000  }
0x23: {  	[sflag:s4] =	ssyncset.done $0x0  }
0x24: {  	[sflag:s4] =	ssyncadd.s32 $0xFFFFC000  }
0x25: {  	[tilespmem:s2], [sflag:$0x1] =	stream.linear.gather [hbm4b:s25+s2], $0x4000, $0x38;
	[tilespmem:$0xC000] =	vst v63  }
0x26: {  	_ = 	snop  }
0x27: {  	[hbm4b:s26+s2] =	stream.linear.scatter [tilespmem:s10], [sflag:$0x2], $0x4000, $0x38;
	[tilespmem:$0xC000] =	vst v63  }
0x28: {  	_ =	swait.ge [sflag:s7], $0x4000  }
0x29: {  	[sflag:s7] =	ssyncset.done $0x0  }
0x2a: {  	[sflag:s7] =	ssyncadd.s32 $0xFFFFC000  }
0x2b: {  	_ =	swait.ge [sflag:s4], $0x4000  }
0x2c: {  	[sflag:s4] =	ssyncset.done $0x0  }
0x2d: {  	[sflag:s4] =	ssyncadd.s32 $0xFFFFC000  }
0x2e: {  	[tilespmem:s10], [sflag:$0x1] =	stream.linear.gather [hbm4b:s23+s2], $0x4000, $0x38;
	[tilespmem:$0xC000] =	vst v63  }
0x2f: {  	_ = 	snop  }
0x30: {  	[hbm4b:s24+s2] =	stream.linear.scatter [tilespmem:s6], [sflag:$0x2], $0x4000, $0x38;
	[tilespmem:$0xC000] =	vst v63  }
0x31: {  	_ =	swait.ge [sflag:s7], $0x4000  }
0x32: {  	[sflag:s7] =	ssyncset.done $0x0  }
0x33: {  	[sflag:s7] =	ssyncadd.s32 $0xFFFFC000  }
0x34: {  	_ =	swait.ge [sflag:s4], $0x4000  }
0x35: {  	[sflag:s4] =	ssyncset.done $0x0  }
0x36: {  	[sflag:s4] =	ssyncadd.s32 $0xFFFFC000  }
0x37: {  	[tilespmem:s6], [sflag:$0x1] =	stream.linear.gather [hbm4b:s21+s2], $0x4000, $0x38;
	[tilespmem:$0xC000] =	vst v63  }
0x38: {  	_ = 	snop  }
0x39: {  	[hbm4b:s22+s2] =	stream.linear.scatter [tilespmem:s2], [sflag:$0x2], $0x4000, $0x38;
	[tilespmem:$0xC000] =	vst v63  }
0x3a: {  	_ =	swait.ge [sflag:s7], $0x4000  }
0x3b: {  	[sflag:s7] =	ssyncset.done $0x0  }
0x3c: {  	[sflag:s7] =	ssyncadd.s32 $0xFFFFC000  }
0x3d: {  	_ =	swait.ge [sflag:s4], $0x4000  }
0x3e: {  	[sflag:s4] =	ssyncset.done $0x0  }
0x3f: {  	[sflag:s4] =	ssyncadd.s32 $0xFFFFC000  }
0x40: {  	[tilespmem:s2], [sflag:$0x1] =	stream.linear.gather [hbm4b:s19+s2], $0x4000, $0x38;
	[tilespmem:$0xC000] =	vst v63  }
0x41: {  	_ = 	snop  }
0x42: {  	[hbm4b:s20+s2] =	stream.linear.scatter [tilespmem:s10], [sflag:$0x2], $0x4000, $0x38;
	[tilespmem:$0xC000] =	vst v63  }
0x43: {  	_ =	swait.ge [sflag:s7], $0x4000  }
0x44: {  	[sflag:s7] =	ssyncset.done $0x0  }
0x45: {  	[sflag:s7] =	ssyncadd.s32 $0xFFFFC000  }
0x46: {  	_ =	swait.ge [sflag:s4], $0x4000  }
0x47: {  	[sflag:s4] =	ssyncset.done $0x0  }
0x48: {  	[sflag:s4] =	ssyncadd.s32 $0xFFFFC000  }
0x49: {  	[tilespmem:s10], [sflag:$0x1] =	stream.linear.gather [hbm4b:s17+s2], $0x4000, $0x38;
	[tilespmem:$0xC000] =	vst v63  }
0x4a: {  	_ = 	snop  }
0x4b: {  	[hbm4b:s18+s2] =	stream.linear.scatter [tilespmem:s6], [sflag:$0x2], $0x4000, $0x38;
	[tilespmem:$0xC000] =	vst v63  }
0x4c: {  	_ =	swait.ge [sflag:s7], $0x4000  }
0x4d: {  	[sflag:s7] =	ssyncset.done $0x0  }
0x4e: {  	[sflag:s7] =	ssyncadd.s32 $0xFFFFC000  }
0x4f: {  	_ =	swait.ge [sflag:s4], $0x4000  }
0x50: {  	[sflag:s4] =	ssyncset.done $0x0  }
0x51: {  	[sflag:s4] =	ssyncadd.s32 $0xFFFFC000  }
0x52: {  	[tilespmem:s6], [sflag:$0x1] =	stream.linear.gather [hbm4b:s15+s2], $0x4000, $0x38;
	[tilespmem:$0xC000] =	vst v63  }
0x53: {  	_ = 	snop  }
0x54: {  	[hbm4b:s16+s2] =	stream.linear.scatter [tilespmem:s2], [sflag:$0x2], $0x4000, $0x38;
	[tilespmem:$0xC000] =	vst v63  }
0x55: {  	_ =	swait.ge [sflag:s7], $0x4000  }
0x56: {  	[sflag:s7] =	ssyncset.done $0x0  }
0x57: {  	[sflag:s7] =	ssyncadd.s32 $0xFFFFC000  }
0x58: {  	_ =	swait.ge [sflag:s4], $0x4000  }
0x59: {  	[sflag:s4] =	ssyncset.done $0x0  }
0x5a: {  	[sflag:s4] =	ssyncadd.s32 $0xFFFFC000  }
0x5b: {  	[tilespmem:s2], [sflag:$0x1] =	stream.linear.gather [hbm4b:s14+s2], $0x4000, $0x38;
	[tilespmem:$0xC000] =	vst v63  }
0x5c: {  	_ = 	snop  }
0x5d: {  	[hbm4b:s13+s2] =	stream.linear.scatter [tilespmem:s10], [sflag:$0x2], $0x4000, $0x38;
	[tilespmem:$0xC000] =	vst v63  }
0x5e: {  	_ =	swait.ge [sflag:s7], $0x4000  }
0x5f: {  	[sflag:s7] =	ssyncset.done $0x0  }
0x60: {  	[sflag:s7] =	ssyncadd.s32 $0xFFFFC000  }
0x61: {  	_ =	swait.ge [sflag:s4], $0x4000  }
0x62: {  	[sflag:s4] =	ssyncset.done $0x0  }
0x63: {  	[sflag:s4] =	ssyncadd.s32 $0xFFFFC000  }
0x64: {  	[tilespmem:s10], [sflag:$0x1] =	stream.linear.gather [hbm4b:s12+s2], $0x4000, $0x38;
	[tilespmem:$0xC000] =	vst v63  }
0x65: {  	_ = 	snop  }
0x66: {  	[hbm4b:s11+s2] =	stream.linear.scatter [tilespmem:s6], [sflag:$0x2], $0x4000, $0x38;
	[tilespmem:$0xC000] =	vst v63  }
0x67: {  	_ =	swait.ge [sflag:s7], $0x4000  }
0x68: {  	[sflag:s7] =	ssyncset.done $0x0  }
0x69: {  	[sflag:s7] =	ssyncadd.s32 $0xFFFFC000  }
0x6a: {  	_ =	swait.ge [sflag:s4], $0x4000  }
0x6b: {  	[sflag:s4] =	ssyncset.done $0x0  }
0x6c: {  	[sflag:s4] =	ssyncadd.s32 $0xFFFFC000  }
0x6d: {  	[tilespmem:s6], [sflag:$0x1] =	stream.linear.gather [hbm4b:s8+s2], $0x4000, $0x38;
	[tilespmem:$0xC000] =	vst v63  }
0x6e: {  	_ = 	snop  }
0x6f: {  	[hbm4b:s9+s2] =	stream.linear.scatter [tilespmem:s2], [sflag:$0x2], $0x4000, $0x38;
	[tilespmem:$0xC000] =	vst v63  }
0x70: {  	_ =	swait.ge [sflag:s7], $0x4000  }
0x71: {  	[sflag:s7] =	ssyncset.done $0x0  }
0x72: {  	[sflag:s7] =	ssyncadd.s32 $0xFFFFC000  }
0x73: {  	_ =	swait.ge [sflag:s4], $0x4000  }
0x74: {  	[sflag:s4] =	ssyncset.done $0x0  }
0x75: {  	[sflag:s4] =	ssyncadd.s32 $0xFFFFC000  }
0x76: {  	[hbm4b:s5+s2] =	stream.linear.scatter [tilespmem:s10], [sflag:$0x2], $0x4000, $0x38;
	[tilespmem:$0xC000] =	vst v63  }
0x77: {  	_ =	swait.ge [sflag:s7], $0x4000  }
0x78: {  	[sflag:s7] =	ssyncset.done $0x0  }
0x79: {  	[sflag:s7] =	ssyncadd.s32 $0xFFFFC000  }
0x7a: {  	p1 =	sne.s32 s31, $0x1;
	_ =	swait.ge [sflag:s4], $0x4000  }
.Ltmp1:
0x7b: {  	[sflag:s4] =	ssyncset.done $0x0;
	(pc) =	sbr.rel @!p1 .LBB2_3-.Ltmp1, $4  }
0x7c: {  	[sflag:s4] =	ssyncadd.s32 $0xFFFFC000  }
0x7d: {  	[hbm4b:s3+s2] =	stream.linear.scatter [tilespmem:s6], [sflag:$0x2], $0x4000, $0x38;
	[tilespmem:$0xC000] =	vst v63  }
0x7e: {  	s31 =	sadd.s32 $0xFFFFFFFF, s31;
	_ =	swait.ge [sflag:s4], $0x4000  }
0x7f: {  	p0 =	por $0x1, $0x1;
	s1 =	rddreg [dreg:$0x3];
	[sflag:s4] =	ssyncset.done $0x0  }
.LBB2_2:
0x80: {  	[sflag:s4] =	ssyncadd.s32 $0xFFFFC000  }
0x81: {  	[tilespmem:s2], [sflag:$0x1] =	stream.linear.gather [hbm4b:s1+s2], $0x4000, $0x38;
	[tilespmem:$0xC000] =	vst v63  }
0x82: {  	_ = 	snop  }
0x83: {  	[tilespmem:s10], [sflag:$0x1] =	stream.linear.gather [hbm4b:s30+s2], $0x4000, $0x38;
	[tilespmem:$0xC000] =	vst v63  }
0x84: {  	_ =	swait.ge [sflag:s7], $0x4000  }
0x85: {  	[sflag:s7] =	ssyncset.done $0x0  }
0x86: {  	[sflag:s7] =	ssyncadd.s32 $0xFFFFC000  }
0x87: {  	[tilespmem:s6], [sflag:$0x1] =	stream.linear.gather [hbm4b:s28+s2], $0x4000, $0x38;
	[tilespmem:$0xC000] =	vst v63  }
0x88: {  	_ = 	snop  }
0x89: {  	[hbm4b:s29+s2] =	stream.linear.scatter [tilespmem:s2], [sflag:$0x2], $0x4000, $0x38;
	[tilespmem:$0xC000] =	vst v63  }
0x8a: {  	_ =	swait.ge [sflag:s7], $0x4000  }
0x8b: {  	[sflag:s7] =	ssyncset.done $0x0  }
0x8c: {  	[sflag:s7] =	ssyncadd.s32 $0xFFFFC000  }
0x8d: {  	_ =	swait.ge [sflag:s4], $0x4000  }
0x8e: {  	[sflag:s4] =	ssyncset.done $0x0  }
0x8f: {  	[sflag:s4] =	ssyncadd.s32 $0xFFFFC000  }
0x90: {  	[tilespmem:s2], [sflag:$0x1] =	stream.linear.gather [hbm4b:s25+s2], $0x4000, $0x38;
	[tilespmem:$0xC000] =	vst v63  }
0x91: {  	_ = 	snop  }
0x92: {  	[hbm4b:s26+s2] =	stream.linear.scatter [tilespmem:s10], [sflag:$0x2], $0x4000, $0x38;
	[tilespmem:$0xC000] =	vst v63  }
0x93: {  	_ =	swait.ge [sflag:s7], $0x4000  }
0x94: {  	[sflag:s7] =	ssyncset.done $0x0  }
0x95: {  	[sflag:s7] =	ssyncadd.s32 $0xFFFFC000  }
0x96: {  	_ =	swait.ge [sflag:s4], $0x4000  }
0x97: {  	[sflag:s4] =	ssyncset.done $0x0  }
0x98: {  	[sflag:s4] =	ssyncadd.s32 $0xFFFFC000  }
0x99: {  	[tilespmem:s10], [sflag:$0x1] =	stream.linear.gather [hbm4b:s23+s2], $0x4000, $0x38;
	[tilespmem:$0xC000] =	vst v63  }
0x9a: {  	_ = 	snop  }
0x9b: {  	[hbm4b:s24+s2] =	stream.linear.scatter [tilespmem:s6], [sflag:$0x2], $0x4000, $0x38;
	[tilespmem:$0xC000] =	vst v63  }
0x9c: {  	_ =	swait.ge [sflag:s7], $0x4000  }
0x9d: {  	[sflag:s7] =	ssyncset.done $0x0  }
0x9e: {  	[sflag:s7] =	ssyncadd.s32 $0xFFFFC000  }
0x9f: {  	_ =	swait.ge [sflag:s4], $0x4000  }
0xa0: {  	[sflag:s4] =	ssyncset.done $0x0  }
0xa1: {  	[sflag:s4] =	ssyncadd.s32 $0xFFFFC000  }
0xa2: {  	[tilespmem:s6], [sflag:$0x1] =	stream.linear.gather [hbm4b:s21+s2], $0x4000, $0x38;
	[tilespmem:$0xC000] =	vst v63  }
0xa3: {  	_ = 	snop  }
0xa4: {  	[hbm4b:s22+s2] =	stream.linear.scatter [tilespmem:s2], [sflag:$0x2], $0x4000, $0x38;
	[tilespmem:$0xC000] =	vst v63  }
0xa5: {  	_ =	swait.ge [sflag:s7], $0x4000  }
0xa6: {  	[sflag:s7] =	ssyncset.done $0x0  }
0xa7: {  	[sflag:s7] =	ssyncadd.s32 $0xFFFFC000  }
0xa8: {  	_ =	swait.ge [sflag:s4], $0x4000  }
0xa9: {  	[sflag:s4] =	ssyncset.done $0x0  }
0xaa: {  	[sflag:s4] =	ssyncadd.s32 $0xFFFFC000  }
0xab: {  	[tilespmem:s2], [sflag:$0x1] =	stream.linear.gather [hbm4b:s19+s2], $0x4000, $0x38;
	[tilespmem:$0xC000] =	vst v63  }
0xac: {  	_ = 	snop  }
0xad: {  	[hbm4b:s20+s2] =	stream.linear.scatter [tilespmem:s10], [sflag:$0x2], $0x4000, $0x38;
	[tilespmem:$0xC000] =	vst v63  }
0xae: {  	_ =	swait.ge [sflag:s7], $0x4000  }
0xaf: {  	[sflag:s7] =	ssyncset.done $0x0  }
0xb0: {  	[sflag:s7] =	ssyncadd.s32 $0xFFFFC000  }
0xb1: {  	_ =	swait.ge [sflag:s4], $0x4000  }
0xb2: {  	[sflag:s4] =	ssyncset.done $0x0  }
0xb3: {  	[sflag:s4] =	ssyncadd.s32 $0xFFFFC000  }
0xb4: {  	[tilespmem:s10], [sflag:$0x1] =	stream.linear.gather [hbm4b:s17+s2], $0x4000, $0x38;
	[tilespmem:$0xC000] =	vst v63  }
0xb5: {  	_ = 	snop  }
0xb6: {  	[hbm4b:s18+s2] =	stream.linear.scatter [tilespmem:s6], [sflag:$0x2], $0x4000, $0x38;
	[tilespmem:$0xC000] =	vst v63  }
0xb7: {  	_ =	swait.ge [sflag:s7], $0x4000  }
0xb8: {  	[sflag:s7] =	ssyncset.done $0x0  }
0xb9: {  	[sflag:s7] =	ssyncadd.s32 $0xFFFFC000  }
0xba: {  	_ =	swait.ge [sflag:s4], $0x4000  }
0xbb: {  	[sflag:s4] =	ssyncset.done $0x0  }
0xbc: {  	[sflag:s4] =	ssyncadd.s32 $0xFFFFC000  }
0xbd: {  	[tilespmem:s6], [sflag:$0x1] =	stream.linear.gather [hbm4b:s15+s2], $0x4000, $0x38;
	[tilespmem:$0xC000] =	vst v63  }
0xbe: {  	_ = 	snop  }
0xbf: {  	[hbm4b:s16+s2] =	stream.linear.scatter [tilespmem:s2], [sflag:$0x2], $0x4000, $0x38;
	[tilespmem:$0xC000] =	vst v63  }
0xc0: {  	_ =	swait.ge [sflag:s7], $0x4000  }
0xc1: {  	[sflag:s7] =	ssyncset.done $0x0  }
0xc2: {  	[sflag:s7] =	ssyncadd.s32 $0xFFFFC000  }
0xc3: {  	_ =	swait.ge [sflag:s4], $0x4000  }
0xc4: {  	[sflag:s4] =	ssyncset.done $0x0  }
0xc5: {  	[sflag:s4] =	ssyncadd.s32 $0xFFFFC000  }
0xc6: {  	[tilespmem:s2], [sflag:$0x1] =	stream.linear.gather [hbm4b:s14+s2], $0x4000, $0x38;
	[tilespmem:$0xC000] =	vst v63  }
0xc7: {  	_ = 	snop  }
0xc8: {  	[hbm4b:s13+s2] =	stream.linear.scatter [tilespmem:s10], [sflag:$0x2], $0x4000, $0x38;
	[tilespmem:$0xC000] =	vst v63  }
0xc9: {  	_ =	swait.ge [sflag:s7], $0x4000  }
0xca: {  	[sflag:s7] =	ssyncset.done $0x0  }
0xcb: {  	[sflag:s7] =	ssyncadd.s32 $0xFFFFC000  }
0xcc: {  	_ =	swait.ge [sflag:s4], $0x4000  }
0xcd: {  	[sflag:s4] =	ssyncset.done $0x0  }
0xce: {  	[sflag:s4] =	ssyncadd.s32 $0xFFFFC000  }
0xcf: {  	[tilespmem:s10], [sflag:$0x1] =	stream.linear.gather [hbm4b:s12+s2], $0x4000, $0x38;
	[tilespmem:$0xC000] =	vst v63  }
0xd0: {  	_ = 	snop  }
0xd1: {  	[hbm4b:s11+s2] =	stream.linear.scatter [tilespmem:s6], [sflag:$0x2], $0x4000, $0x38;
	[tilespmem:$0xC000] =	vst v63  }
0xd2: {  	_ =	swait.ge [sflag:s7], $0x4000  }
0xd3: {  	[sflag:s7] =	ssyncset.done $0x0  }
0xd4: {  	[sflag:s7] =	ssyncadd.s32 $0xFFFFC000  }
0xd5: {  	_ =	swait.ge [sflag:s4], $0x4000  }
0xd6: {  	[sflag:s4] =	ssyncset.done $0x0  }
0xd7: {  	[sflag:s4] =	ssyncadd.s32 $0xFFFFC000  }
0xd8: {  	[tilespmem:s6], [sflag:$0x1] =	stream.linear.gather [hbm4b:s8+s2], $0x4000, $0x38;
	[tilespmem:$0xC000] =	vst v63  }
0xd9: {  	_ = 	snop  }
0xda: {  	[hbm4b:s9+s2] =	stream.linear.scatter [tilespmem:s2], [sflag:$0x2], $0x4000, $0x38;
	[tilespmem:$0xC000] =	vst v63  }
0xdb: {  	_ =	swait.ge [sflag:s7], $0x4000  }
0xdc: {  	[sflag:s7] =	ssyncset.done $0x0  }
0xdd: {  	[sflag:s7] =	ssyncadd.s32 $0xFFFFC000  }
0xde: {  	_ =	swait.ge [sflag:s4], $0x4000  }
0xdf: {  	[sflag:s4] =	ssyncset.done $0x0  }
0xe0: {  	[sflag:s4] =	ssyncadd.s32 $0xFFFFC000  }
0xe1: {  	[hbm4b:s5+s2] =	stream.linear.scatter [tilespmem:s10], [sflag:$0x2], $0x4000, $0x38;
	[tilespmem:$0xC000] =	vst v63  }
0xe2: {  	_ =	swait.ge [sflag:s7], $0x4000  }
0xe3: {  	[sflag:s7] =	ssyncset.done $0x0  }
0xe4: {  	[sflag:s7] =	ssyncadd.s32 $0xFFFFC000  }
0xe5: {  	p1 =	sne.s32 s31, $0x1;
	_ =	swait.ge [sflag:s4], $0x4000  }
.Ltmp2:
0xe6: {  	[sflag:s4] =	ssyncset.done $0x0;
	(pc) =	sbr.rel @p1 .LBB2_2-.Ltmp2, $4  }
0xe7: {  	[sflag:s4] =	ssyncadd.s32 $0xFFFFC000  }
0xe8: {  	[hbm4b:s3+s2] =	stream.linear.scatter [tilespmem:s6], [sflag:$0x2], $0x4000, $0x38;
	[tilespmem:$0xC000] =	vst v63  }
0xe9: {  	_ =	swait.ge [sflag:s4], $0x4000  }
0xea: {  	s31 =	sadd.s32 $0xFFFFFFFF, s31;
	s1 =	rddreg [dreg:$0x3];
	[sflag:s4] =	ssyncset.done $0x0  }
.LBB2_3:
0xeb: {  	[sflag:s4] =	ssyncadd.s32 @p0 $0xFFFFC000  }
0xec: {  	[tilespmem:s2], [sflag:$0x1] =	stream.linear.gather [hbm4b:s1+s2], $0x4000, $0x38;
	[tilespmem:$0xC000] =	vst v63  }
0xed: {  	_ = 	snop  }
0xee: {  	[tilespmem:s10], [sflag:$0x1] =	stream.linear.gather [hbm4b:s30+s2], $0x4000, $0x38;
	[tilespmem:$0xC000] =	vst v63  }
0xef: {  	_ =	swait.ge [sflag:s7], $0x4000  }
0xf0: {  	[sflag:s7] =	ssyncset.done $0x0  }
0xf1: {  	[sflag:s7] =	ssyncadd.s32 $0xFFFFC000  }
0xf2: {  	[tilespmem:s6], [sflag:$0x1] =	stream.linear.gather [hbm4b:s28+s2], $0x4000, $0x38;
	[tilespmem:$0xC000] =	vst v63  }
0xf3: {  	_ = 	snop  }
0xf4: {  	[hbm4b:s29+s2] =	stream.linear.scatter [tilespmem:s2], [sflag:$0x2], $0x4000, $0x38;
	[tilespmem:$0xC000] =	vst v63  }
0xf5: {  	_ =	swait.ge [sflag:s7], $0x4000  }
0xf6: {  	[sflag:s7] =	ssyncset.done $0x0  }
0xf7: {  	[sflag:s7] =	ssyncadd.s32 $0xFFFFC000  }
0xf8: {  	_ =	swait.ge [sflag:s4], $0x4000  }
0xf9: {  	[sflag:s4] =	ssyncset.done $0x0  }
0xfa: {  	[sflag:s4] =	ssyncadd.s32 $0xFFFFC000  }
0xfb: {  	[tilespmem:s2], [sflag:$0x1] =	stream.linear.gather [hbm4b:s25+s2], $0x4000, $0x38;
	[tilespmem:$0xC000] =	vst v63  }
0xfc: {  	_ = 	snop  }
0xfd: {  	[hbm4b:s26+s2] =	stream.linear.scatter [tilespmem:s10], [sflag:$0x2], $0x4000, $0x38;
	[tilespmem:$0xC000] =	vst v63  }
0xfe: {  	_ =	swait.ge [sflag:s7], $0x4000  }
0xff: {  	[sflag:s7] =	ssyncset.done $0x0  }
0x100: {  	[sflag:s7] =	ssyncadd.s32 $0xFFFFC000  }
0x101: {  	_ =	swait.ge [sflag:s4], $0x4000  }
0x102: {  	[sflag:s4] =	ssyncset.done $0x0  }
0x103: {  	[sflag:s4] =	ssyncadd.s32 $0xFFFFC000  }
0x104: {  	[tilespmem:s10], [sflag:$0x1] =	stream.linear.gather [hbm4b:s23+s2], $0x4000, $0x38;
	[tilespmem:$0xC000] =	vst v63  }
0x105: {  	_ = 	snop  }
0x106: {  	[hbm4b:s24+s2] =	stream.linear.scatter [tilespmem:s6], [sflag:$0x2], $0x4000, $0x38;
	[tilespmem:$0xC000] =	vst v63  }
0x107: {  	_ =	swait.ge [sflag:s7], $0x4000  }
0x108: {  	[sflag:s7] =	ssyncset.done $0x0  }
0x109: {  	[sflag:s7] =	ssyncadd.s32 $0xFFFFC000  }
0x10a: {  	_ =	swait.ge [sflag:s4], $0x4000  }
0x10b: {  	[sflag:s4] =	ssyncset.done $0x0  }
0x10c: {  	[sflag:s4] =	ssyncadd.s32 $0xFFFFC000  }
0x10d: {  	[tilespmem:s6], [sflag:$0x1] =	stream.linear.gather [hbm4b:s21+s2], $0x4000, $0x38;
	[tilespmem:$0xC000] =	vst v63  }
0x10e: {  	_ = 	snop  }
0x10f: {  	[hbm4b:s22+s2] =	stream.linear.scatter [tilespmem:s2], [sflag:$0x2], $0x4000, $0x38;
	[tilespmem:$0xC000] =	vst v63  }
0x110: {  	_ =	swait.ge [sflag:s7], $0x4000  }
0x111: {  	[sflag:s7] =	ssyncset.done $0x0  }
0x112: {  	[sflag:s7] =	ssyncadd.s32 $0xFFFFC000  }
0x113: {  	_ =	swait.ge [sflag:s4], $0x4000  }
0x114: {  	[sflag:s4] =	ssyncset.done $0x0  }
0x115: {  	[sflag:s4] =	ssyncadd.s32 $0xFFFFC000  }
0x116: {  	[tilespmem:s2], [sflag:$0x1] =	stream.linear.gather [hbm4b:s19+s2], $0x4000, $0x38;
	[tilespmem:$0xC000] =	vst v63  }
0x117: {  	_ = 	snop  }
0x118: {  	[hbm4b:s20+s2] =	stream.linear.scatter [tilespmem:s10], [sflag:$0x2], $0x4000, $0x38;
	[tilespmem:$0xC000] =	vst v63  }
0x119: {  	_ =	swait.ge [sflag:s7], $0x4000  }
0x11a: {  	[sflag:s7] =	ssyncset.done $0x0  }
0x11b: {  	[sflag:s7] =	ssyncadd.s32 $0xFFFFC000  }
0x11c: {  	_ =	swait.ge [sflag:s4], $0x4000  }
0x11d: {  	[sflag:s4] =	ssyncset.done $0x0  }
0x11e: {  	[sflag:s4] =	ssyncadd.s32 $0xFFFFC000  }
0x11f: {  	[tilespmem:s10], [sflag:$0x1] =	stream.linear.gather [hbm4b:s17+s2], $0x4000, $0x38;
	[tilespmem:$0xC000] =	vst v63  }
0x120: {  	_ = 	snop  }
0x121: {  	[hbm4b:s18+s2] =	stream.linear.scatter [tilespmem:s6], [sflag:$0x2], $0x4000, $0x38;
	[tilespmem:$0xC000] =	vst v63  }
0x122: {  	_ =	swait.ge [sflag:s7], $0x4000  }
0x123: {  	[sflag:s7] =	ssyncset.done $0x0  }
0x124: {  	[sflag:s7] =	ssyncadd.s32 $0xFFFFC000  }
0x125: {  	_ =	swait.ge [sflag:s4], $0x4000  }
0x126: {  	[sflag:s4] =	ssyncset.done $0x0  }
0x127: {  	[sflag:s4] =	ssyncadd.s32 $0xFFFFC000  }
0x128: {  	[tilespmem:s6], [sflag:$0x1] =	stream.linear.gather [hbm4b:s15+s2], $0x4000, $0x38;
	[tilespmem:$0xC000] =	vst v63  }
0x129: {  	_ = 	snop  }
0x12a: {  	[hbm4b:s16+s2] =	stream.linear.scatter [tilespmem:s2], [sflag:$0x2], $0x4000, $0x38;
	[tilespmem:$0xC000] =	vst v63  }
0x12b: {  	_ =	swait.ge [sflag:s7], $0x4000  }
0x12c: {  	[sflag:s7] =	ssyncset.done $0x0  }
0x12d: {  	[sflag:s7] =	ssyncadd.s32 $0xFFFFC000  }
0x12e: {  	_ =	swait.ge [sflag:s4], $0x4000  }
0x12f: {  	[sflag:s4] =	ssyncset.done $0x0  }
0x130: {  	[sflag:s4] =	ssyncadd.s32 $0xFFFFC000  }
0x131: {  	[tilespmem:s2], [sflag:$0x1] =	stream.linear.gather [hbm4b:s14+s2], $0x4000, $0x38;
	[tilespmem:$0xC000] =	vst v63  }
0x132: {  	_ = 	snop  }
0x133: {  	[hbm4b:s13+s2] =	stream.linear.scatter [tilespmem:s10], [sflag:$0x2], $0x4000, $0x38;
	[tilespmem:$0xC000] =	vst v63  }
0x134: {  	_ =	swait.ge [sflag:s7], $0x4000  }
0x135: {  	[sflag:s7] =	ssyncset.done $0x0  }
0x136: {  	[sflag:s7] =	ssyncadd.s32 $0xFFFFC000  }
0x137: {  	_ =	swait.ge [sflag:s4], $0x4000  }
0x138: {  	[sflag:s4] =	ssyncset.done $0x0  }
0x139: {  	[sflag:s4] =	ssyncadd.s32 $0xFFFFC000  }
0x13a: {  	[tilespmem:s10], [sflag:$0x1] =	stream.linear.gather [hbm4b:s12+s2], $0x4000, $0x38;
	[tilespmem:$0xC000] =	vst v63  }
0x13b: {  	_ = 	snop  }
0x13c: {  	[hbm4b:s11+s2] =	stream.linear.scatter [tilespmem:s6], [sflag:$0x2], $0x4000, $0x38;
	[tilespmem:$0xC000] =	vst v63  }
0x13d: {  	_ =	swait.ge [sflag:s7], $0x4000  }
0x13e: {  	[sflag:s7] =	ssyncset.done $0x0  }
0x13f: {  	[sflag:s7] =	ssyncadd.s32 $0xFFFFC000  }
0x140: {  	_ =	swait.ge [sflag:s4], $0x4000  }
0x141: {  	[sflag:s4] =	ssyncset.done $0x0  }
0x142: {  	[sflag:s4] =	ssyncadd.s32 $0xFFFFC000  }
0x143: {  	[tilespmem:s6], [sflag:$0x1] =	stream.linear.gather [hbm4b:s8+s2], $0x4000, $0x38;
	[tilespmem:$0xC000] =	vst v63  }
0x144: {  	_ = 	snop  }
0x145: {  	[hbm4b:s9+s2] =	stream.linear.scatter [tilespmem:s2], [sflag:$0x2], $0x4000, $0x38;
	[tilespmem:$0xC000] =	vst v63  }
0x146: {  	_ =	swait.ge [sflag:s7], $0x4000  }
0x147: {  	[sflag:s7] =	ssyncset.done $0x0  }
0x148: {  	[sflag:s7] =	ssyncadd.s32 $0xFFFFC000  }
0x149: {  	_ =	swait.ge [sflag:s4], $0x4000  }
0x14a: {  	[sflag:s4] =	ssyncset.done $0x0  }
0x14b: {  	[sflag:s4] =	ssyncadd.s32 $0xFFFFC000  }
0x14c: {  	[hbm4b:s5+s2] =	stream.linear.scatter [tilespmem:s10], [sflag:$0x2], $0x4000, $0x38;
	[tilespmem:$0xC000] =	vst v63  }
0x14d: {  	_ =	swait.ge [sflag:s7], $0x4000  }
0x14e: {  	[sflag:s7] =	ssyncset.done $0x0  }
0x14f: {  	[sflag:s7] =	ssyncadd.s32 $0xFFFFC000  }
0x150: {  	_ =	swait.ge [sflag:s4], $0x4000  }
0x151: {  	[sflag:s4] =	ssyncset.done $0x0  }
0x152: {  	[sflag:s4] =	ssyncadd.s32 $0xFFFFC000  }
0x153: {  	[hbm4b:s3+s2] =	stream.linear.scatter [tilespmem:s6], [sflag:$0x2], $0x4000, $0x38;
	[tilespmem:$0xC000] =	vst v63  }
0x154: {  	_ =	swait.ge [sflag:s4], $0x4000  }
0x155: {  	[sflag:s4] =	ssyncset.done $0x0  }
0x156: {  	[sflag:s4] =	ssyncadd.s32 $0xFFFFC000  }
0x157: {  	_ =	sfence.sel $0x180000  }
0x158: {  	[bflag:$0x0] =	sbarrier.arrive $0xFFFF  }
0x159: {  	_ =	strace $0x9000004A  }
0x15a: {  	[bflag:$0x2] =	sbarrier.arrive $0xFFFF  }
0x15b: {  	p0 =	sne.s32 s0, $0x0;
	s0 =	rddreg [dreg:$0x2]  }
0x15c: {  	s0 =	sadd.s32 @!p0 $0x100000, s0  }
0x15d: {  	[sflag:s0] =	ssyncadd.tile.s32 @!p0 $0x1;
	_ =	shalt  }
.Lfunc_end2:
_tile_overlayer_lowered:
.L_overlay_start_2:
0x15e: {  	(tag) =	ssettag $0x2  }
0x15f: {  	s0 =	rddreg [dreg:$0x0];
	s2 =	stileid.u32  }
0x160: {  	s1 =	rddreg [dreg:$0x1];
	p0 =	sne.s32 s2, $0x0  }
0x161: {  	s3 =	rddreg [dreg:$0x2];
	[bflag:$0x3] =	sbarrier.arrive $0xFFFF;
	s2 =	simm.s32 @!p0 $0x1C03  }
0x162: {  	[timem:s3], [sflag:s2] =	dma.local @!p0 [hbm:s0], s1  }
0x163: {  	s0 =	simm.s32 @!p0 $0x3  }
0x164: {  	_ =	swait.ge @!p0 [sflag:s0], s1  }
0x165: {  	s1 =	ssub.s32 @!p0 $0x0, s1;
	[sflag:s0] =	ssyncset.done @!p0 $0x0  }
0x166: {  	[sflag:s0] =	ssyncadd.s32 @!p0 s1  }
0x167: {  	[bflag:$0x3] =	sbarrier.arrive $0xFFFF  }
0x168: {  	_ =	shalt  }

// kernel: kernel.15.cloned.1.call-start
scs
__scs_entry_jumppad:
0x0: {  	(pc) =	sbr.rel $0x88, $3  }
0x1: {  	(tag) =	ssettag $0x0;
	lr =	simm.s32 $0x1  }
0x2: {  	[smem:$0x3F99] =	sst lr;
	_ =	strace $0xD0000000  }
0x3: {  	_ = 	snop  }
0x4: {  	_ = 	snop  }
0x5: {  	_ = 	snop  }
0x6: {  	_ = 	snop  }
0x7: {  	_ = 	snop  }
__scs_overlays_trampoline_lowered:
0x8: {  	[smem:$0x3FA8] =	sst s0  }
0x9: {  	[smem:$0x3FA9] =	sst s1  }
0xa: {  	[smem:$0x3FAA] =	sst s2  }
0xb: {  	[smem:$0x3FAB] =	sst s3  }
0xc: {  	[smem:$0x3FAC] =	sst s4  }
0xd: {  	[smem:$0x3FAD] =	sst s5  }
0xe: {  	[smem:$0x3FAE] =	sst s6  }
0xf: {  	[smem:$0x3FAF] =	sst s7  }
0x10: {  	[smem:$0x3FB0] =	sst s8  }
0x11: {  	[smem:$0x3FB1] =	sst s9;
	s0 =	simm.s32 @!p0 $0x0  }
0x12: {  	s1 =	sld [smem:$0x3F97];
	s0 =	simm.s32 @p0 $0x1  }
0x13: {  	[smem:$0x3FB2] =	sst s0;
	s0 =	simm.s32 @!p1 $0x0  }
0x14: {  	s2 =	sld [smem:$0x3F96];
	s0 =	simm.s32 @p1 $0x1  }
0x15: {  	[smem:$0x3FB3] =	sst s0;
	s0 =	simm.s32 @!p2 $0x0  }
0x16: {  	s3 =	sld [smem:$0x3FDB];
	s0 =	simm.s32 @p2 $0x1  }
0x17: {  	s4 =	simm.s32 $0x1BF5;
	[smem:$0x3FB5] =	sst s0  }
0x18: {  	s0 =	sld [smem:$0x3F98];
	_ =	swait.ge [sflag:s4], $0x0  }
0x19: {  	s7 =	sld [smem:$0x3F99]  }
0x1a: {  	s8 =	sadd.s32 $0xFFFFE003, lr  }
0x1b: {  	s9 =	sadd.s32 $0xFFFFFEF7, lr;
	s5 =	simm.s32 $0xFFFFFFFF;
	p2 =	slt.u32 s8, $0xFFFFF086  }
0x1c: {  	p1 =	slt.u32 s9, $0xF7A;
	s5 =	simm.s32 @!p2 $0x0  }
0x1d: {  	s5 =	simm.s32 @p1 $0x1;
	p0 =	seq.s32 s7, s2  }
0x1e: {  	s7 =	smul.u32 @!p0 $0xF7A, s2;
	p2 =	seq.s32 @!p0 s5, $0x0  }
0x1f: {  	s9 =	smul.u32 $0xF7A, s1;
	s8 =	simm.s32 @!p0 $0x1BF5;
	p2 =	por !p2, p0  }
0x20: {  	[sflag:s8] =	ssyncset.s32 @!p0 $0xFFFFF086;
	s6 =	sadd.s32 @!p0 s3, s7;
	s7 =	simm.s32 @!p0 $0x108  }
0x21: {  	s3 =	sadd.s32 s3, s9;
	s6 =	sadd.s32 @!p0 $0x88, s6;
	s7 =	simm.s32 @p2 $0x1082  }
0x22: {  	[simem:s7], [sflag:s8] =	dma.local @!p0 [hbm:s6], $0xF7A  }
0x23: {  	s9 =	sor.u32 $0xD0000000, s2;
	s6 =	simm.s32 $0x108;
	_ =	swait.ge @!p0 [sflag:s8], $0x0  }
0x24: {  	s3 =	sadd.s32 $0x88, s3;
	s6 =	simm.s32 @!p1 $0x1082;
	[sflag:s4] =	ssyncset.s32 $0xFFFFF086  }
0x25: {  	[simem:s6], [sflag:s4] =	dma.local [hbm:s3], $0xF7A  }
0x26: {  	[smem:$0x3F99] =	sst s1;
	(tag) =	ssettag s2;
	_ =	strace s9  }
0x27: {  	s1 =	sld [smem:$0x3FA9]  }
0x28: {  	s2 =	sld [smem:$0x3FAA]  }
0x29: {  	s4 =	sld [smem:$0x3FAC]  }
0x2a: {  	p0 =	seq.s32 s5, $0x0;
	s5 =	sld [smem:$0x3FAD]  }
0x2b: {  	s6 =	sld [smem:$0x3FAE]  }
0x2c: {  	s7 =	sld [smem:$0x3FAF]  }
0x2d: {  	s3 =	simm.s32 $0x108;
	s8 =	sld [smem:$0x3FB0]  }
0x2e: {  	s3 =	simm.s32 @!p0 $0x1082;
	s9 =	sld [smem:$0x3FB1]  }
0x2f: {  	lr =	sadd.s32 s0, s3;
	s0 =	sld [smem:$0x3FA8]  }
0x30: {  	s3 =	sld [smem:$0x3FAB]  }
0x31: {  	[smem:$0x3FB4] =	sst s10  }
0x32: {  	s10 =	sld [smem:$0x3FB2];
	_ =	sdelay $0x3  }
0x33: {  	p0 =	seq.s32 s10, $0x1;
	s10 =	sld [smem:$0x3FB4];
	_ =	sdelay $0x3  }
0x34: {  	[smem:$0x3FB4] =	sst s10  }
0x35: {  	s10 =	sld [smem:$0x3FB3];
	_ =	sdelay $0x3  }
0x36: {  	p1 =	seq.s32 s10, $0x1;
	s10 =	sld [smem:$0x3FB4];
	_ =	sdelay $0x3  }
0x37: {  	[smem:$0x3FB4] =	sst s10  }
0x38: {  	s10 =	sld [smem:$0x3FB5]  }
0x39: {  	_ = 	snop;
	(pc) =	sbr.ind lr, $3  }
0x3a: {  	_ = 	snop  }
0x3b: {  	_ = 	snop  }
0x3c: {  	p2 =	seq.s32 s10, $0x1;
	s10 =	sld [smem:$0x3FB4]  }
0x3d: {  	_ =	shalt  }
0x3e: {  	_ =	shalt  }
0x3f: {  	_ =	shalt  }
0x40: {  	_ =	shalt  }
0x41: {  	_ =	shalt  }
0x42: {  	_ =	shalt  }
0x43: {  	_ =	shalt  }
0x44: {  	_ =	shalt  }
0x45: {  	_ =	shalt  }
0x46: {  	_ =	shalt  }
0x47: {  	_ =	shalt  }
0x48: {  	_ =	shalt  }
0x49: {  	_ =	shalt  }
0x4a: {  	_ =	shalt  }
0x4b: {  	_ =	shalt  }
0x4c: {  	_ =	shalt  }
0x4d: {  	_ =	shalt  }
0x4e: {  	_ =	shalt  }
0x4f: {  	_ =	shalt  }
0x50: {  	_ =	shalt  }
0x51: {  	_ =	shalt  }
0x52: {  	_ =	shalt  }
0x53: {  	_ =	shalt  }
0x54: {  	_ =	shalt  }
0x55: {  	_ =	shalt  }
0x56: {  	_ =	shalt  }
0x57: {  	_ =	shalt  }
0x58: {  	_ =	shalt  }
0x59: {  	_ =	shalt  }
0x5a: {  	_ =	shalt  }
0x5b: {  	_ =	shalt  }
0x5c: {  	_ =	shalt  }
0x5d: {  	_ =	shalt  }
0x5e: {  	_ =	shalt  }
0x5f: {  	_ =	shalt  }
0x60: {  	_ =	shalt  }
0x61: {  	_ =	shalt  }
0x62: {  	_ =	shalt  }
0x63: {  	_ =	shalt  }
0x64: {  	_ =	shalt  }
0x65: {  	_ =	shalt  }
0x66: {  	_ =	shalt  }
0x67: {  	_ =	shalt  }
0x68: {  	_ =	shalt  }
0x69: {  	_ =	shalt  }
0x6a: {  	_ =	shalt  }
0x6b: {  	_ =	shalt  }
0x6c: {  	_ =	shalt  }
0x6d: {  	_ =	shalt  }
0x6e: {  	_ =	shalt  }
0x6f: {  	_ =	shalt  }
0x70: {  	_ =	shalt  }
0x71: {  	_ =	shalt  }
0x72: {  	_ =	shalt  }
0x73: {  	_ =	shalt  }
0x74: {  	_ =	shalt  }
0x75: {  	_ =	shalt  }
0x76: {  	_ =	shalt  }
0x77: {  	_ =	shalt  }
0x78: {  	_ =	shalt  }
0x79: {  	_ =	shalt  }
0x7a: {  	_ =	shalt  }
0x7b: {  	_ =	shalt  }
0x7c: {  	_ =	shalt  }
0x7d: {  	_ =	shalt  }
0x7e: {  	_ =	shalt  }
0x7f: {  	_ =	shalt  }
0x80: {  	_ =	shalt  }
0x81: {  	_ =	shalt  }
0x82: {  	_ =	shalt  }
0x83: {  	_ =	shalt  }
0x84: {  	_ =	shalt  }
0x85: {  	_ =	shalt  }
0x86: {  	_ =	shalt  }
0x87: {  	_ =	shalt  }
.Lfunc_end0:
.L_simem_size_0:
called_computation.2_lowered:
.L_overlay_start_0:
0x88: {  	s2 =	sld [smem:$0x3FD9]  }
0x89: {  	s3 =	sld [smem:$0x3FFE];
	_ =	sdelay $0x1  }
0x8a: {  	s1 =	srdreg.scid  }
0x8b: {  	s0 =	sand.u32 $0x1, s1  }
0x8c: {  	s15 =	sshll.u32 s0, $0xA;
	s2 =	sadd.s32 s3, s2  }
0x8d: {  	s2 =	sadd.s32 s2, s15  }
0x8e: {  	[smem:$0x3FC0] =	sst s2  }
0x8f: {  	_ = 	snop  }
0x90: {  	s16 =	sld [smem:$0x3FD0];
	_ =	sdelay $0x2  }
0x91: {  	s4 =	simm.s32 $0xB;
	s5 =	simm.s32 $0x10;
	s2 =	sld [smem:$0x3FC2]  }
0x92: {  	[smem:s5], [sflag:s4] =	dma.local [hbm:s16], $0x1  }
0x93: {  	_ =	swait.eq [sflag:s4], $0x1  }
0x94: {  	[sflag:s4] =	ssyncset.done $0x0  }
0x95: {  	[sflag:s4] =	ssyncadd.s32 $0xFFFFFFFF  }
0x96: {  	s17 =	sld [smem:$0x11];
	(tm) =	ssettm $0x1  }
0x97: {  	s18 =	sld [smem:$0x3FFB];
	_ =	sdelay $0x3  }
0x98: {  	_ =	strace s18  }
0x99: {  	s3 =	sld [smem:$0x3FFC];
	_ =	sdelay $0x3  }
0x9a: {  	_ =	strace s3  }
0x9b: {  	s3 =	sld [smem:$0x3FFD];
	_ =	sdelay $0x3  }
0x9c: {  	_ =	strace s3  }
0x9d: {  	_ =	strace $0x8FFFFFFF  }
0x9e: {  	s19 =	sld [smem:$0x3FDB];
	_ =	sdelay $0x1  }
0x9f: {  	s20 =	simm.s32 $_scs_section_size  }
0xa0: {  	s6 =	simm.s32 $_size__tile_overlayer_lowered;
	s7 =	simm.s32 $_tile_overlayer_lowered  }
0xa1: {  	s8 =	simm.s32 $0x1BFF;
	s21 =	sshll.u32 s7, $0x1;
	s5 =	sadd.s32 s20, s19  }
0xa2: {  	s22 =	simm.s32 $0x0;
	s6 =	sshll.u32 s6, $0x1;
	s7 =	sadd.s32 s21, s5  }
0xa3: {  	[timem:s22], [sflag:s8] =	dma.local [hbm:s7], s6  }
0xa4: {  	_ =	swait.ge [sflag:s8], s6  }
0xa5: {  	s6 =	ssub.s32 $0x0, s6;
	[sflag:s8] =	ssyncset.done $0x0  }
0xa6: {  	[sflag:s8] =	ssyncadd.s32 s6;
	_ =	sdelay $0x1  }
0xa7: {  	s23 =	simm.s32 $0x1B8B  }
0xa8: {  	_ =	swait.ge [sflag:s23], $0x1  }
0xa9: {  	[sflag:s23] =	ssyncset.done $0x0  }
0xaa: {  	[sflag:s23] =	ssyncadd.s32 $0xFFFFFFFF  }
0xab: {  	s6 =	sld [smem:$0x0]  }
0xac: {  	s7 =	sand.u32 $0xFFFFFFFE, s1  }
0xad: {  	p0 =	sne.s32 s1, s7  }
0xae: {  	s7 =	sshll.u32 @p0 s7, $0xE  }
0xaf: {  	s7 =	sadd.s32 @p0 $0x11B8D, s7;
	s8 =	sshll.u32 @p0 s6, $0x11  }
0xb0: {  	s7 =	sor.u32 @p0 s8, s7  }
0xb1: {  	[sflag:s7] =	ssyncadd.remote.s32 @p0 $0x1;
	_ =	sdelay $0x1  }
0xb2: {  	s7 =	simm.s32 @p0 $0x1B8D  }
0xb3: {  	_ =	swait.eq @p0 [sflag:s7], $0x1  }
0xb4: {  	[sflag:s7] =	ssyncadd.s32 @p0 $0xFFFFFFFF  }
0xb5: {  	s8 =	sshll.u32 @!p0 s1, $0xE  }
0xb6: {  	s8 =	sor.u32 @!p0 $0x4000, s8;
	s7 =	simm.s32 @!p0 $0x1B8D  }
0xb7: {  	s6 =	sshll.u32 @!p0 s6, $0x11;
	s8 =	sadd.s32 @!p0 $0x11B8D, s8;
	_ =	swait.eq @!p0 [sflag:s7], $0x1  }
0xb8: {  	s6 =	sor.u32 @!p0 s6, s8;
	[sflag:s7] =	ssyncadd.s32 @!p0 $0xFFFFFFFF  }
0xb9: {  	s25 =	simm.s32 $0x1B8E;
	s24 =	sld [smem:$0x3FFE];
	[sflag:s6] =	ssyncadd.remote.s32 @!p0 $0x1  }
0xba: {  	s26 =	simm.s32 $execute0_lowered;
	[smem:$0x3FD2] =	sst s25  }
0xbb: {  	s7 =	sshll.u32 s26, $0x1;
	_ =	strace $0x8000004C;
	[dreg:$0x1] =	wrdreg $0xFFFFFFFF  }
0xbc: {  	s28 =	simm.s32 $_size_execute0_lowered;
	s5 =	sadd.s32 s5, s7;
	[dreg:$0x0] =	wrdreg $0x0  }
0xbd: {  	s7 =	sshll.u32 s28, $0x1;
	[dreg:$0x2] =	wrdreg s5  }
0xbe: {  	[dreg:$0x3] =	wrdreg s7  }
0xbf: {  	[dreg:$0x4] =	wrdreg $0xC0  }
0xc0: {  	_ =	task [dreg:s22], $0x5FFFF  }
0xc1: {  	[dreg:$0x1] =	wrdreg $0xFFFFFFFF  }
0xc2: {  	[dreg:$0x0] =	wrdreg $0x60  }
0xc3: {  	[dreg:$0x2] =	wrdreg s2  }
0xc4: {  	[dreg:$0x3] =	wrdreg s24  }
0xc5: {  	[dreg:$0x4] =	wrdreg s17  }
0xc6: {  	[dreg:$0x5] =	wrdreg $0xA  }
0xc7: {  	_ =	task.clear_ibuf [dreg:s22], $0x6FFFF;
	_ =	strace $0x9000004C  }
0xc8: {  	s29 =	simm.s32 $0xA;
	_ =	strace $0x8000004E  }
0xc9: {  	_ =	swait.ge [sflag:s29], $0x1  }
0xca: {  	[sflag:s29] =	ssyncadd.s32 $0xFFFFFFFF  }
0xcb: {  	_ =	strace $0x9000004E  }
0xcc: {  	_ =	sfence  }
0xcd: {  	s30 =	sld [smem:$0x0];
	_ =	sdelay $0x2  }
0xce: {  	s31 =	sshll.u32 s1, $0xD;
	s1 =	sshrl.u32 s1, $0x2  }
0xcf: {  	s4 =	sand.u32 $0x4000, s31;
	s1 =	sadd.s32 s1, s30  }
0xd0: {  	s0 =	sor.u32 s4, s0;
	s1 =	sshll.u32 s1, $0x11  }
0xd1: {  	s0 =	sor.u32 s1, s0  }
0xd2: {  	s0 =	sadd.s32 $0x8F2B, s0  }
0xd3: {  	[sflag:s0] =	ssyncadd.remote.s32 $0x1  }
0xd4: {  	_ =	sfence.sel $0xFFFF  }
0xd5: {  	[dreg:$0x0] =	wrdreg $0xFFFFFFFF;
	(pc) =	sbr.abs _section_cstart, $3  }
0xd6: {  	[dreg:$0x1] =	wrdreg $0xFFFFFFFF  }
0xd7: {  	_ =	task.clear_ibuf [dreg:s22], $0x2FFFF;
	_ =	strace $0x9FFFFFFF  }
0xd8: {  	(tm) =	ssettm $0x7FFFFFFF  }
0xd9: {  	_ =	shalt  }
tec
execute0_lowered:
.L_overlay_start_1:
0x0: {  	(tag) =	ssettag $0x1  }
0x1: {  	s16 =	rddreg [dreg:$0x0]  }
0x2: {  	s20 =	rddreg [dreg:$0x1]  }
0x3: {  	s2 =	rddreg [dreg:$0x2];
	s3 =	srdreg.scid  }
0x4: {  	s0 =	rddreg [dreg:$0x3];
	s1 =	stileid.u32;
	s28 =	sand.u32 $0x1, s3  }
0x5: {  	s3 =	simm.s32 $0x0;
	s4 =	sshll.u32 s1, $0x7;
	s5 =	sshll.u32 s28, $0x6  }
0x6: {  	[smem:$0x7FF] =	sst s3;
	s17 =	sor.u32 s5, s4  }
0x7: {  	_ =	strace $0x8000004D;
	s5 =	simm.s32 $0x3;
	s4 =	sadd.s32 s16, s17  }
0x8: {  	[tilespmem:s3], [sflag:$0x3] =	stream.linear.gather [hbm4b:s4+s3], $0x80, $0x38;
	[tilespmem:$0x10400] =	vst v63  }
0x9: {  	_ =	swait.ge [sflag:s5], $0x80  }
0xa: {  	s18 =	sadd.s32 $0x81A00, s20;
	[sflag:s5] =	ssyncset.done $0x0  }
0xb: {  	s7 =	simm.s32 $0x200;
	s6 =	sadd.s32 s18, s17;
	[sflag:s5] =	ssyncadd.s32 $0xFFFFFF80  }
0xc: {  	[tilespmem:s7], [sflag:$0x3] =	stream.linear.gather [hbm4b:s6+s3], $0x80, $0x38;
	[tilespmem:$0x10400] =	vst v63  }
0xd: {  	_ =	swait.ge [sflag:s5], $0x80  }
0xe: {  	s10 =	sor.u32 $0x10, s17;
	[sflag:s5] =	ssyncset.done $0x0  }
0xf: {  	s9 =	simm.s32 $0x80;
	s8 =	sadd.s32 s16, s10;
	[sflag:s5] =	ssyncadd.s32 $0xFFFFFF80  }
0x10: {  	[tilespmem:s9], [sflag:$0x3] =	stream.linear.gather [hbm4b:s8+s3], $0x80, $0x38;
	[tilespmem:$0x10400] =	vst v63  }
0x11: {  	_ =	swait.ge [sflag:s5], $0x80  }
0x12: {  	[sflag:s5] =	ssyncset.done $0x0  }
0x13: {  	s11 =	simm.s32 $0x280;
	s10 =	sadd.s32 s18, s10;
	[sflag:s5] =	ssyncadd.s32 $0xFFFFFF80  }
0x14: {  	[tilespmem:s11], [sflag:$0x3] =	stream.linear.gather [hbm4b:s10+s3], $0x80, $0x38;
	[tilespmem:$0x10400] =	vst v63  }
0x15: {  	_ =	swait.ge [sflag:s5], $0x80  }
0x16: {  	s14 =	sor.u32 $0x20, s17;
	[sflag:s5] =	ssyncset.done $0x0  }
0x17: {  	s13 =	simm.s32 $0x100;
	s12 =	sadd.s32 s16, s14;
	[sflag:s5] =	ssyncadd.s32 $0xFFFFFF80  }
0x18: {  	[tilespmem:s13], [sflag:$0x3] =	stream.linear.gather [hbm4b:s12+s3], $0x80, $0x38;
	[tilespmem:$0x10400] =	vst v63  }
0x19: {  	_ =	swait.ge [sflag:s5], $0x80  }
0x1a: {  	[sflag:s5] =	ssyncset.done $0x0  }
0x1b: {  	s15 =	simm.s32 $0x300;
	s14 =	sadd.s32 s18, s14;
	[sflag:s5] =	ssyncadd.s32 $0xFFFFFF80  }
0x1c: {  	[tilespmem:s15], [sflag:$0x3] =	stream.linear.gather [hbm4b:s14+s3], $0x80, $0x38;
	[tilespmem:$0x10400] =	vst v63  }
0x1d: {  	_ =	swait.ge [sflag:s5], $0x80  }
0x1e: {  	s19 =	sor.u32 $0x30, s17;
	[sflag:s5] =	ssyncset.done $0x0  }
0x1f: {  	s17 =	simm.s32 $0x180;
	s16 =	sadd.s32 s16, s19;
	[sflag:s5] =	ssyncadd.s32 $0xFFFFFF80  }
0x20: {  	[tilespmem:s17], [sflag:$0x3] =	stream.linear.gather [hbm4b:s16+s3], $0x80, $0x38;
	[tilespmem:$0x10400] =	vst v63  }
0x21: {  	_ =	swait.ge [sflag:s5], $0x80  }
0x22: {  	[sflag:s5] =	ssyncset.done $0x0  }
0x23: {  	s18 =	sadd.s32 s18, s19;
	s19 =	simm.s32 $0x380;
	[sflag:s5] =	ssyncadd.s32 $0xFFFFFF80  }
0x24: {  	[tilespmem:s19], [sflag:$0x3] =	stream.linear.gather [hbm4b:s18+s3], $0x80, $0x38;
	[tilespmem:$0x10400] =	vst v63  }
0x25: {  	_ =	swait.ge [sflag:s5], $0x80  }
0x26: {  	[sflag:s5] =	ssyncset.done $0x0  }
0x27: {  	s21 =	simm.s32 $0x400;
	s20 =	sadd.s32 $0x1A00, s20;
	[sflag:s5] =	ssyncadd.s32 $0xFFFFFF80  }
0x28: {  	[tilespmem:s21], [sflag:$0x1] =	stream.indirect.gather [hbm4b:s20+s9], $0x80, s7, s9, $0xb8;
	[tilespmem:$0x10400] =	vst v63  }
0x29: {  	s22 =	simm.s32 $0x4400  }
0x2a: {  	[tilespmem:s22], [sflag:$0x1] =	stream.indirect.gather [hbm4b:s20+s9], $0x80, s11, s9, $0xb8;
	[tilespmem:$0x10400] =	vst v63  }
0x2b: {  	s23 =	simm.s32 $0x8400  }
0x2c: {  	[tilespmem:s23], [sflag:$0x1] =	stream.indirect.gather [hbm4b:s20+s9], $0x80, s15, s9, $0xb8;
	[tilespmem:$0x10400] =	vst v63  }
0x2d: {  	s24 =	simm.s32 $0xC400;
	s25 =	simm.s32 $0x1  }
0x2e: {  	[tilespmem:s24], [sflag:$0x1] =	stream.indirect.gather [hbm4b:s20+s9], $0x80, s19, s9, $0xb8;
	[tilespmem:$0x10400] =	vst v63  }
0x2f: {  	_ =	swait.ge [sflag:s25], $0x4000  }
0x30: {  	[sflag:s25] =	ssyncset.done $0x0  }
0x31: {  	[sflag:s25] =	ssyncadd.s32 $0xFFFFC000  }
0x32: {  	[hbm4b:s2+s9] =	stream.indirect.scatter [tilespmem:s21], [sflag:$0x2], $0x80, s3, s9, $0xb8;
	[tilespmem:$0x10400] =	vst v63  }
0x33: {  	_ =	swait.ge [sflag:s25], $0x4000  }
0x34: {  	[sflag:s25] =	ssyncset.done $0x0  }
0x35: {  	[sflag:s25] =	ssyncadd.s32 $0xFFFFC000  }
0x36: {  	[hbm4b:s2+s9] =	stream.indirect.scatter [tilespmem:s22], [sflag:$0x2], $0x80, s9, s9, $0xb8;
	[tilespmem:$0x10400] =	vst v63  }
0x37: {  	_ =	swait.ge [sflag:s25], $0x4000  }
0x38: {  	[sflag:s25] =	ssyncset.done $0x0  }
0x39: {  	[sflag:s25] =	ssyncadd.s32 $0xFFFFC000  }
0x3a: {  	[hbm4b:s2+s9] =	stream.indirect.scatter [tilespmem:s23], [sflag:$0x2], $0x80, s13, s9, $0xb8;
	[tilespmem:$0x10400] =	vst v63  }
0x3b: {  	_ =	swait.ge [sflag:s25], $0x4000  }
0x3c: {  	[sflag:s25] =	ssyncset.done $0x0  }
0x3d: {  	s26 =	simm.s32 $0x2;
	[sflag:s25] =	ssyncadd.s32 $0xFFFFC000  }
0x3e: {  	[hbm4b:s2+s9] =	stream.indirect.scatter [tilespmem:s24], [sflag:$0x2], $0x80, s17, s9, $0xb8;
	[tilespmem:$0x10400] =	vst v63  }
0x3f: {  	_ =	swait.ge [sflag:s26], $0x4000  }
0x40: {  	s28 =	ssub.s32 $0x2, s28;
	[sflag:s26] =	ssyncset.done $0x0  }
0x41: {  	s29 =	sshrl.u32 s28, $0x1;
	[sflag:s26] =	ssyncadd.s32 $0xFFFFC000  }
0x42: {  	s28 =	ssub.s32 s28, s29;
	_ =	swait.ge [sflag:s26], $0x4000  }
0x43: {  	s28 =	smax.u32 s28, $0x1;
	[sflag:s26] =	ssyncset.done $0x0  }
0x44: {  	p0 =	sne.s32 s28, $0x1;
	[sflag:s26] =	ssyncadd.s32 $0xFFFFC000  }
.Ltmp0:
0x45: {  	_ =	swait.ge [sflag:s26], $0x4000;
	(pc) =	sbr.rel @!p0 .LBB2_2-.Ltmp0, $4  }
0x46: {  	[sflag:s26] =	ssyncset.done $0x0  }
0x47: {  	[sflag:s26] =	ssyncadd.s32 $0xFFFFC000  }
0x48: {  	_ =	swait.ge [sflag:s26], $0x4000  }
0x49: {  	s28 =	sadd.s32 $0xFFFFFFFF, s28;
	[sflag:s26] =	ssyncset.done $0x0  }
.LBB2_1:
0x4a: {  	p0 =	sne.s32 s28, $0x1;
	s28 =	sadd.s32 $0xFFFFFFFF, s28;
	[sflag:s26] =	ssyncadd.s32 $0xFFFFC000  }
0x4b: {  	[tilespmem:s3], [sflag:$0x3] =	stream.linear.gather [hbm4b:s4+s3], $0x80, $0x38;
	[tilespmem:$0x10400] =	vst v63  }
0x4c: {  	_ =	swait.ge [sflag:s5], $0x80  }
0x4d: {  	[sflag:s5] =	ssyncset.done $0x0  }
0x4e: {  	[sflag:s5] =	ssyncadd.s32 $0xFFFFFF80  }
0x4f: {  	[tilespmem:s7], [sflag:$0x3] =	stream.linear.gather [hbm4b:s6+s3], $0x80, $0x38;
	[tilespmem:$0x10400] =	vst v63  }
0x50: {  	_ =	swait.ge [sflag:s5], $0x80  }
0x51: {  	[sflag:s5] =	ssyncset.done $0x0  }
0x52: {  	[sflag:s5] =	ssyncadd.s32 $0xFFFFFF80  }
0x53: {  	[tilespmem:s9], [sflag:$0x3] =	stream.linear.gather [hbm4b:s8+s3], $0x80, $0x38;
	[tilespmem:$0x10400] =	vst v63  }
0x54: {  	_ =	swait.ge [sflag:s5], $0x80  }
0x55: {  	[sflag:s5] =	ssyncset.done $0x0  }
0x56: {  	[sflag:s5] =	ssyncadd.s32 $0xFFFFFF80  }
0x57: {  	[tilespmem:s11], [sflag:$0x3] =	stream.linear.gather [hbm4b:s10+s3], $0x80, $0x38;
	[tilespmem:$0x10400] =	vst v63  }
0x58: {  	_ =	swait.ge [sflag:s5], $0x80  }
0x59: {  	[sflag:s5] =	ssyncset.done $0x0  }
0x5a: {  	[sflag:s5] =	ssyncadd.s32 $0xFFFFFF80  }
0x5b: {  	[tilespmem:s13], [sflag:$0x3] =	stream.linear.gather [hbm4b:s12+s3], $0x80, $0x38;
	[tilespmem:$0x10400] =	vst v63  }
0x5c: {  	_ =	swait.ge [sflag:s5], $0x80  }
0x5d: {  	[sflag:s5] =	ssyncset.done $0x0  }
0x5e: {  	[sflag:s5] =	ssyncadd.s32 $0xFFFFFF80  }
0x5f: {  	[tilespmem:s15], [sflag:$0x3] =	stream.linear.gather [hbm4b:s14+s3], $0x80, $0x38;
	[tilespmem:$0x10400] =	vst v63  }
0x60: {  	_ =	swait.ge [sflag:s5], $0x80  }
0x61: {  	[sflag:s5] =	ssyncset.done $0x0  }
0x62: {  	[sflag:s5] =	ssyncadd.s32 $0xFFFFFF80  }
0x63: {  	[tilespmem:s17], [sflag:$0x3] =	stream.linear.gather [hbm4b:s16+s3], $0x80, $0x38;
	[tilespmem:$0x10400] =	vst v63  }
0x64: {  	_ =	swait.ge [sflag:s5], $0x80  }
0x65: {  	[sflag:s5] =	ssyncset.done $0x0  }
0x66: {  	[sflag:s5] =	ssyncadd.s32 $0xFFFFFF80  }
0x67: {  	[tilespmem:s19], [sflag:$0x3] =	stream.linear.gather [hbm4b:s18+s3], $0x80, $0x38;
	[tilespmem:$0x10400] =	vst v63  }
0x68: {  	_ =	swait.ge [sflag:s5], $0x80  }
0x69: {  	[sflag:s5] =	ssyncset.done $0x0  }
0x6a: {  	[sflag:s5] =	ssyncadd.s32 $0xFFFFFF80  }
0x6b: {  	[tilespmem:s21], [sflag:$0x1] =	stream.indirect.gather [hbm4b:s20+s9], $0x80, s7, s9, $0xb8;
	[tilespmem:$0x10400] =	vst v63  }
0x6c: {  	_ = 	snop  }
0x6d: {  	[tilespmem:s22], [sflag:$0x1] =	stream.indirect.gather [hbm4b:s20+s9], $0x80, s11, s9, $0xb8;
	[tilespmem:$0x10400] =	vst v63  }
0x6e: {  	_ = 	snop  }
0x6f: {  	[tilespmem:s23], [sflag:$0x1] =	stream.indirect.gather [hbm4b:s20+s9], $0x80, s15, s9, $0xb8;
	[tilespmem:$0x10400] =	vst v63  }
0x70: {  	_ = 	snop  }
0x71: {  	[tilespmem:s24], [sflag:$0x1] =	stream.indirect.gather [hbm4b:s20+s9], $0x80, s19, s9, $0xb8;
	[tilespmem:$0x10400] =	vst v63  }
0x72: {  	_ =	swait.ge [sflag:s25], $0x4000  }
0x73: {  	[sflag:s25] =	ssyncset.done $0x0  }
0x74: {  	[sflag:s25] =	ssyncadd.s32 $0xFFFFC000  }
0x75: {  	[hbm4b:s2+s9] =	stream.indirect.scatter [tilespmem:s21], [sflag:$0x2], $0x80, s3, s9, $0xb8;
	[tilespmem:$0x10400] =	vst v63  }
0x76: {  	_ =	swait.ge [sflag:s25], $0x4000  }
0x77: {  	[sflag:s25] =	ssyncset.done $0x0  }
0x78: {  	[sflag:s25] =	ssyncadd.s32 $0xFFFFC000  }
0x79: {  	[hbm4b:s2+s9] =	stream.indirect.scatter [tilespmem:s22], [sflag:$0x2], $0x80, s9, s9, $0xb8;
	[tilespmem:$0x10400] =	vst v63  }
0x7a: {  	_ =	swait.ge [sflag:s25], $0x4000  }
0x7b: {  	[sflag:s25] =	ssyncset.done $0x0  }
0x7c: {  	[sflag:s25] =	ssyncadd.s32 $0xFFFFC000  }
0x7d: {  	[hbm4b:s2+s9] =	stream.indirect.scatter [tilespmem:s23], [sflag:$0x2], $0x80, s13, s9, $0xb8;
	[tilespmem:$0x10400] =	vst v63  }
0x7e: {  	_ =	swait.ge [sflag:s25], $0x4000  }
0x7f: {  	[sflag:s25] =	ssyncset.done $0x0  }
0x80: {  	[sflag:s25] =	ssyncadd.s32 $0xFFFFC000  }
0x81: {  	[hbm4b:s2+s9] =	stream.indirect.scatter [tilespmem:s24], [sflag:$0x2], $0x80, s17, s9, $0xb8;
	[tilespmem:$0x10400] =	vst v63  }
0x82: {  	_ =	swait.ge [sflag:s26], $0x4000  }
0x83: {  	[sflag:s26] =	ssyncset.done $0x0  }
0x84: {  	[sflag:s26] =	ssyncadd.s32 $0xFFFFC000  }
0x85: {  	_ =	swait.ge [sflag:s26], $0x4000  }
0x86: {  	[sflag:s26] =	ssyncset.done $0x0  }
0x87: {  	[sflag:s26] =	ssyncadd.s32 $0xFFFFC000  }
.Ltmp1:
0x88: {  	_ =	swait.ge [sflag:s26], $0x4000;
	(pc) =	sbr.rel @p0 .LBB2_1-.Ltmp1, $4  }
0x89: {  	[sflag:s26] =	ssyncset.done $0x0  }
0x8a: {  	[sflag:s26] =	ssyncadd.s32 $0xFFFFC000  }
0x8b: {  	_ =	swait.ge [sflag:s26], $0x4000  }
0x8c: {  	[sflag:s26] =	ssyncset.done $0x0  }
.LBB2_2:
0x8d: {  	[sflag:s26] =	ssyncadd.s32 $0xFFFFC000  }
0x8e: {  	_ =	sfence.sel $0x180000  }
0x8f: {  	[bflag:$0x0] =	sbarrier.arrive $0xFFFF  }
0x90: {  	p0 =	sne.s32 s1, $0x0;
	_ =	strace $0x9000004D  }
0x91: {  	s0 =	sadd.s32 @!p0 $0x100000, s0;
	[bflag:$0x2] =	sbarrier.arrive $0xFFFF  }
0x92: {  	[sflag:s0] =	ssyncadd.tile.s32 @!p0 $0x1;
	_ =	shalt  }
.Lfunc_end2:
_tile_overlayer_lowered:
.L_overlay_start_2:
0x93: {  	(tag) =	ssettag $0x2  }
0x94: {  	s0 =	rddreg [dreg:$0x0];
	s2 =	stileid.u32  }
0x95: {  	s1 =	rddreg [dreg:$0x1];
	p0 =	sne.s32 s2, $0x0  }
0x96: {  	s3 =	rddreg [dreg:$0x2];
	[bflag:$0x3] =	sbarrier.arrive $0xFFFF;
	s2 =	simm.s32 @!p0 $0x1C03  }
0x97: {  	[timem:s3], [sflag:s2] =	dma.local @!p0 [hbm:s0], s1  }
0x98: {  	s0 =	simm.s32 @!p0 $0x3  }
0x99: {  	_ =	swait.ge @!p0 [sflag:s0], s1  }
0x9a: {  	s1 =	ssub.s32 @!p0 $0x0, s1;
	[sflag:s0] =	ssyncset.done @!p0 $0x0  }
0x9b: {  	[sflag:s0] =	ssyncadd.s32 @!p0 s1  }
0x9c: {  	[bflag:$0x3] =	sbarrier.arrive $0xFFFF  }
0x9d: {  	_ =	shalt  }

// kernel: kernel.18.cloned.1.call-start
scs
__scs_entry_jumppad:
0x0: {  	(pc) =	sbr.rel $0x88, $3  }
0x1: {  	(tag) =	ssettag $0x0;
	lr =	simm.s32 $0x1  }
0x2: {  	[smem:$0x3F99] =	sst lr;
	_ =	strace $0xD0000000  }
0x3: {  	_ = 	snop  }
0x4: {  	_ = 	snop  }
0x5: {  	_ = 	snop  }
0x6: {  	_ = 	snop  }
0x7: {  	_ = 	snop  }
__scs_overlays_trampoline_lowered:
0x8: {  	[smem:$0x3FA8] =	sst s0  }
0x9: {  	[smem:$0x3FA9] =	sst s1  }
0xa: {  	[smem:$0x3FAA] =	sst s2  }
0xb: {  	[smem:$0x3FAB] =	sst s3  }
0xc: {  	[smem:$0x3FAC] =	sst s4  }
0xd: {  	[smem:$0x3FAD] =	sst s5  }
0xe: {  	[smem:$0x3FAE] =	sst s6  }
0xf: {  	[smem:$0x3FAF] =	sst s7  }
0x10: {  	[smem:$0x3FB0] =	sst s8  }
0x11: {  	[smem:$0x3FB1] =	sst s9;
	s0 =	simm.s32 @!p0 $0x0  }
0x12: {  	s1 =	sld [smem:$0x3F97];
	s0 =	simm.s32 @p0 $0x1  }
0x13: {  	[smem:$0x3FB2] =	sst s0;
	s0 =	simm.s32 @!p1 $0x0  }
0x14: {  	s2 =	sld [smem:$0x3F96];
	s0 =	simm.s32 @p1 $0x1  }
0x15: {  	[smem:$0x3FB3] =	sst s0;
	s0 =	simm.s32 @!p2 $0x0  }
0x16: {  	s3 =	sld [smem:$0x3FDB];
	s0 =	simm.s32 @p2 $0x1  }
0x17: {  	s4 =	simm.s32 $0x1BF5;
	[smem:$0x3FB5] =	sst s0  }
0x18: {  	s0 =	sld [smem:$0x3F98];
	_ =	swait.ge [sflag:s4], $0x0  }
0x19: {  	s7 =	sld [smem:$0x3F99]  }
0x1a: {  	s8 =	sadd.s32 $0xFFFFE003, lr  }
0x1b: {  	s9 =	sadd.s32 $0xFFFFFEF7, lr;
	s5 =	simm.s32 $0xFFFFFFFF;
	p2 =	slt.u32 s8, $0xFFFFF086  }
0x1c: {  	p1 =	slt.u32 s9, $0xF7A;
	s5 =	simm.s32 @!p2 $0x0  }
0x1d: {  	s5 =	simm.s32 @p1 $0x1;
	p0 =	seq.s32 s7, s2  }
0x1e: {  	s7 =	smul.u32 @!p0 $0xF7A, s2;
	p2 =	seq.s32 @!p0 s5, $0x0  }
0x1f: {  	s9 =	smul.u32 $0xF7A, s1;
	s8 =	simm.s32 @!p0 $0x1BF5;
	p2 =	por !p2, p0  }
0x20: {  	[sflag:s8] =	ssyncset.s32 @!p0 $0xFFFFF086;
	s6 =	sadd.s32 @!p0 s3, s7;
	s7 =	simm.s32 @!p0 $0x108  }
0x21: {  	s3 =	sadd.s32 s3, s9;
	s6 =	sadd.s32 @!p0 $0x88, s6;
	s7 =	simm.s32 @p2 $0x1082  }
0x22: {  	[simem:s7], [sflag:s8] =	dma.local @!p0 [hbm:s6], $0xF7A  }
0x23: {  	s9 =	sor.u32 $0xD0000000, s2;
	s6 =	simm.s32 $0x108;
	_ =	swait.ge @!p0 [sflag:s8], $0x0  }
0x24: {  	s3 =	sadd.s32 $0x88, s3;
	s6 =	simm.s32 @!p1 $0x1082;
	[sflag:s4] =	ssyncset.s32 $0xFFFFF086  }
0x25: {  	[simem:s6], [sflag:s4] =	dma.local [hbm:s3], $0xF7A  }
0x26: {  	[smem:$0x3F99] =	sst s1;
	(tag) =	ssettag s2;
	_ =	strace s9  }
0x27: {  	s1 =	sld [smem:$0x3FA9]  }
0x28: {  	s2 =	sld [smem:$0x3FAA]  }
0x29: {  	s4 =	sld [smem:$0x3FAC]  }
0x2a: {  	p0 =	seq.s32 s5, $0x0;
	s5 =	sld [smem:$0x3FAD]  }
0x2b: {  	s6 =	sld [smem:$0x3FAE]  }
0x2c: {  	s7 =	sld [smem:$0x3FAF]  }
0x2d: {  	s3 =	simm.s32 $0x108;
	s8 =	sld [smem:$0x3FB0]  }
0x2e: {  	s3 =	simm.s32 @!p0 $0x1082;
	s9 =	sld [smem:$0x3FB1]  }
0x2f: {  	lr =	sadd.s32 s0, s3;
	s0 =	sld [smem:$0x3FA8]  }
0x30: {  	s3 =	sld [smem:$0x3FAB]  }
0x31: {  	[smem:$0x3FB4] =	sst s10  }
0x32: {  	s10 =	sld [smem:$0x3FB2];
	_ =	sdelay $0x3  }
0x33: {  	p0 =	seq.s32 s10, $0x1;
	s10 =	sld [smem:$0x3FB4];
	_ =	sdelay $0x3  }
0x34: {  	[smem:$0x3FB4] =	sst s10  }
0x35: {  	s10 =	sld [smem:$0x3FB3];
	_ =	sdelay $0x3  }
0x36: {  	p1 =	seq.s32 s10, $0x1;
	s10 =	sld [smem:$0x3FB4];
	_ =	sdelay $0x3  }
0x37: {  	[smem:$0x3FB4] =	sst s10  }
0x38: {  	s10 =	sld [smem:$0x3FB5]  }
0x39: {  	_ = 	snop;
	(pc) =	sbr.ind lr, $3  }
0x3a: {  	_ = 	snop  }
0x3b: {  	_ = 	snop  }
0x3c: {  	p2 =	seq.s32 s10, $0x1;
	s10 =	sld [smem:$0x3FB4]  }
0x3d: {  	_ =	shalt  }
0x3e: {  	_ =	shalt  }
0x3f: {  	_ =	shalt  }
0x40: {  	_ =	shalt  }
0x41: {  	_ =	shalt  }
0x42: {  	_ =	shalt  }
0x43: {  	_ =	shalt  }
0x44: {  	_ =	shalt  }
0x45: {  	_ =	shalt  }
0x46: {  	_ =	shalt  }
0x47: {  	_ =	shalt  }
0x48: {  	_ =	shalt  }
0x49: {  	_ =	shalt  }
0x4a: {  	_ =	shalt  }
0x4b: {  	_ =	shalt  }
0x4c: {  	_ =	shalt  }
0x4d: {  	_ =	shalt  }
0x4e: {  	_ =	shalt  }
0x4f: {  	_ =	shalt  }
0x50: {  	_ =	shalt  }
0x51: {  	_ =	shalt  }
0x52: {  	_ =	shalt  }
0x53: {  	_ =	shalt  }
0x54: {  	_ =	shalt  }
0x55: {  	_ =	shalt  }
0x56: {  	_ =	shalt  }
0x57: {  	_ =	shalt  }
0x58: {  	_ =	shalt  }
0x59: {  	_ =	shalt  }
0x5a: {  	_ =	shalt  }
0x5b: {  	_ =	shalt  }
0x5c: {  	_ =	shalt  }
0x5d: {  	_ =	shalt  }
0x5e: {  	_ =	shalt  }
0x5f: {  	_ =	shalt  }
0x60: {  	_ =	shalt  }
0x61: {  	_ =	shalt  }
0x62: {  	_ =	shalt  }
0x63: {  	_ =	shalt  }
0x64: {  	_ =	shalt  }
0x65: {  	_ =	shalt  }
0x66: {  	_ =	shalt  }
0x67: {  	_ =	shalt  }
0x68: {  	_ =	shalt  }
0x69: {  	_ =	shalt  }
0x6a: {  	_ =	shalt  }
0x6b: {  	_ =	shalt  }
0x6c: {  	_ =	shalt  }
0x6d: {  	_ =	shalt  }
0x6e: {  	_ =	shalt  }
0x6f: {  	_ =	shalt  }
0x70: {  	_ =	shalt  }
0x71: {  	_ =	shalt  }
0x72: {  	_ =	shalt  }
0x73: {  	_ =	shalt  }
0x74: {  	_ =	shalt  }
0x75: {  	_ =	shalt  }
0x76: {  	_ =	shalt  }
0x77: {  	_ =	shalt  }
0x78: {  	_ =	shalt  }
0x79: {  	_ =	shalt  }
0x7a: {  	_ =	shalt  }
0x7b: {  	_ =	shalt  }
0x7c: {  	_ =	shalt  }
0x7d: {  	_ =	shalt  }
0x7e: {  	_ =	shalt  }
0x7f: {  	_ =	shalt  }
0x80: {  	_ =	shalt  }
0x81: {  	_ =	shalt  }
0x82: {  	_ =	shalt  }
0x83: {  	_ =	shalt  }
0x84: {  	_ =	shalt  }
0x85: {  	_ =	shalt  }
0x86: {  	_ =	shalt  }
0x87: {  	_ =	shalt  }
.Lfunc_end0:
.L_simem_size_0:
called_computation.3_lowered:
.L_overlay_start_0:
0x88: {  	s2 =	sld [smem:$0x3FD9]  }
0x89: {  	s3 =	sld [smem:$0x3FFE];
	_ =	sdelay $0x1  }
0x8a: {  	s1 =	srdreg.scid  }
0x8b: {  	s0 =	sand.u32 $0x1, s1  }
0x8c: {  	s15 =	sshll.u32 s0, $0xA;
	s2 =	sadd.s32 s3, s2  }
0x8d: {  	s2 =	sadd.s32 s2, s15  }
0x8e: {  	[smem:$0x3FC0] =	sst s2  }
0x8f: {  	_ = 	snop  }
0x90: {  	s16 =	sld [smem:$0x3FD0];
	_ =	sdelay $0x2  }
0x91: {  	s4 =	simm.s32 $0xB;
	s5 =	simm.s32 $0x10;
	s2 =	sld [smem:$0x3FC2]  }
0x92: {  	[smem:s5], [sflag:s4] =	dma.local [hbm:s16], $0x1  }
0x93: {  	_ =	swait.eq [sflag:s4], $0x1  }
0x94: {  	[sflag:s4] =	ssyncset.done $0x0  }
0x95: {  	[sflag:s4] =	ssyncadd.s32 $0xFFFFFFFF  }
0x96: {  	s17 =	sld [smem:$0x12];
	(tm) =	ssettm $0x1  }
0x97: {  	s18 =	sld [smem:$0x3FFB];
	_ =	sdelay $0x3  }
0x98: {  	_ =	strace s18  }
0x99: {  	s3 =	sld [smem:$0x3FFC];
	_ =	sdelay $0x3  }
0x9a: {  	_ =	strace s3  }
0x9b: {  	s3 =	sld [smem:$0x3FFD];
	_ =	sdelay $0x3  }
0x9c: {  	_ =	strace s3  }
0x9d: {  	_ =	strace $0x8FFFFFFF  }
0x9e: {  	s19 =	sld [smem:$0x3FDB];
	_ =	sdelay $0x1  }
0x9f: {  	s20 =	simm.s32 $_scs_section_size  }
0xa0: {  	s6 =	simm.s32 $_size__tile_overlayer_lowered;
	s7 =	simm.s32 $_tile_overlayer_lowered  }
0xa1: {  	s8 =	simm.s32 $0x1BFF;
	s21 =	sshll.u32 s7, $0x1;
	s5 =	sadd.s32 s20, s19  }
0xa2: {  	s22 =	simm.s32 $0x0;
	s6 =	sshll.u32 s6, $0x1;
	s7 =	sadd.s32 s21, s5  }
0xa3: {  	[timem:s22], [sflag:s8] =	dma.local [hbm:s7], s6  }
0xa4: {  	_ =	swait.ge [sflag:s8], s6  }
0xa5: {  	s6 =	ssub.s32 $0x0, s6;
	[sflag:s8] =	ssyncset.done $0x0  }
0xa6: {  	[sflag:s8] =	ssyncadd.s32 s6;
	_ =	sdelay $0x1  }
0xa7: {  	s23 =	simm.s32 $0x1B8B  }
0xa8: {  	_ =	swait.ge [sflag:s23], $0x1  }
0xa9: {  	[sflag:s23] =	ssyncset.done $0x0  }
0xaa: {  	[sflag:s23] =	ssyncadd.s32 $0xFFFFFFFF  }
0xab: {  	s6 =	sld [smem:$0x0]  }
0xac: {  	s7 =	sand.u32 $0xFFFFFFFE, s1  }
0xad: {  	p0 =	sne.s32 s1, s7  }
0xae: {  	s7 =	sshll.u32 @p0 s7, $0xE  }
0xaf: {  	s7 =	sadd.s32 @p0 $0x11B8D, s7;
	s8 =	sshll.u32 @p0 s6, $0x11  }
0xb0: {  	s7 =	sor.u32 @p0 s8, s7  }
0xb1: {  	[sflag:s7] =	ssyncadd.remote.s32 @p0 $0x1;
	_ =	sdelay $0x1  }
0xb2: {  	s7 =	simm.s32 @p0 $0x1B8D  }
0xb3: {  	_ =	swait.eq @p0 [sflag:s7], $0x1  }
0xb4: {  	[sflag:s7] =	ssyncadd.s32 @p0 $0xFFFFFFFF  }
0xb5: {  	s8 =	sshll.u32 @!p0 s1, $0xE  }
0xb6: {  	s8 =	sor.u32 @!p0 $0x4000, s8;
	s7 =	simm.s32 @!p0 $0x1B8D  }
0xb7: {  	s6 =	sshll.u32 @!p0 s6, $0x11;
	s8 =	sadd.s32 @!p0 $0x11B8D, s8;
	_ =	swait.eq @!p0 [sflag:s7], $0x1  }
0xb8: {  	s6 =	sor.u32 @!p0 s6, s8;
	[sflag:s7] =	ssyncadd.s32 @!p0 $0xFFFFFFFF  }
0xb9: {  	s25 =	simm.s32 $0x1B8E;
	s24 =	sld [smem:$0x3FFE];
	[sflag:s6] =	ssyncadd.remote.s32 @!p0 $0x1  }
0xba: {  	s26 =	simm.s32 $execute0_lowered;
	[smem:$0x3FD2] =	sst s25  }
0xbb: {  	s7 =	sshll.u32 s26, $0x1;
	_ =	strace $0x8000004F;
	[dreg:$0x1] =	wrdreg $0xFFFFFFFF  }
0xbc: {  	s28 =	simm.s32 $_size_execute0_lowered;
	s5 =	sadd.s32 s5, s7;
	[dreg:$0x0] =	wrdreg $0x0  }
0xbd: {  	s7 =	sshll.u32 s28, $0x1;
	[dreg:$0x2] =	wrdreg s5  }
0xbe: {  	[dreg:$0x3] =	wrdreg s7  }
0xbf: {  	[dreg:$0x4] =	wrdreg $0xC0  }
0xc0: {  	_ =	task [dreg:s22], $0x5FFFF  }
0xc1: {  	[dreg:$0x1] =	wrdreg $0xFFFFFFFF  }
0xc2: {  	[dreg:$0x0] =	wrdreg $0x60  }
0xc3: {  	[dreg:$0x2] =	wrdreg s2  }
0xc4: {  	[dreg:$0x3] =	wrdreg s24  }
0xc5: {  	[dreg:$0x4] =	wrdreg s17  }
0xc6: {  	[dreg:$0x5] =	wrdreg $0x9  }
0xc7: {  	_ =	task.clear_ibuf [dreg:s22], $0x6FFFF;
	_ =	strace $0x9000004F  }
0xc8: {  	s29 =	simm.s32 $0x9;
	_ =	strace $0x80000051  }
0xc9: {  	_ =	swait.ge [sflag:s29], $0x1  }
0xca: {  	[sflag:s29] =	ssyncadd.s32 $0xFFFFFFFF  }
0xcb: {  	_ =	strace $0x90000051  }
0xcc: {  	_ =	sfence  }
0xcd: {  	s30 =	sld [smem:$0x0];
	_ =	sdelay $0x2  }
0xce: {  	s31 =	sshll.u32 s1, $0xD;
	s1 =	sshrl.u32 s1, $0x2  }
0xcf: {  	s4 =	sand.u32 $0x4000, s31;
	s1 =	sadd.s32 s1, s30  }
0xd0: {  	s0 =	sor.u32 s4, s0;
	s1 =	sshll.u32 s1, $0x11  }
0xd1: {  	s0 =	sor.u32 s1, s0  }
0xd2: {  	s0 =	sadd.s32 $0x8F2B, s0  }
0xd3: {  	[sflag:s0] =	ssyncadd.remote.s32 $0x1  }
0xd4: {  	_ =	sfence.sel $0xFFFF  }
0xd5: {  	[dreg:$0x0] =	wrdreg $0xFFFFFFFF;
	(pc) =	sbr.abs _section_cstart, $3  }
0xd6: {  	[dreg:$0x1] =	wrdreg $0xFFFFFFFF  }
0xd7: {  	_ =	task.clear_ibuf [dreg:s22], $0x2FFFF;
	_ =	strace $0x9FFFFFFF  }
0xd8: {  	(tm) =	ssettm $0x7FFFFFFF  }
0xd9: {  	_ =	shalt  }
tec
execute0_lowered:
.L_overlay_start_1:
0x0: {  	(tag) =	ssettag $0x1  }
0x1: {  	s16 =	rddreg [dreg:$0x0]  }
0x2: {  	s20 =	rddreg [dreg:$0x1]  }
0x3: {  	s2 =	rddreg [dreg:$0x2];
	s3 =	srdreg.scid  }
0x4: {  	s0 =	rddreg [dreg:$0x3];
	s1 =	stileid.u32;
	s28 =	sand.u32 $0x1, s3  }
0x5: {  	s3 =	simm.s32 $0x0;
	s4 =	sshll.u32 s1, $0x7;
	s5 =	sshll.u32 s28, $0x6  }
0x6: {  	[smem:$0x7FF] =	sst s3;
	s17 =	sor.u32 s5, s4  }
0x7: {  	_ =	strace $0x80000050;
	s5 =	simm.s32 $0x3;
	s4 =	sadd.s32 s16, s17  }
0x8: {  	[tilespmem:s3], [sflag:$0x3] =	stream.linear.gather [hbm4b:s4+s3], $0x80, $0x38;
	[tilespmem:$0x10400] =	vst v63  }
0x9: {  	_ =	swait.ge [sflag:s5], $0x80  }
0xa: {  	s18 =	sadd.s32 $0x81A00, s20;
	[sflag:s5] =	ssyncset.done $0x0  }
0xb: {  	s7 =	simm.s32 $0x200;
	s6 =	sadd.s32 s18, s17;
	[sflag:s5] =	ssyncadd.s32 $0xFFFFFF80  }
0xc: {  	[tilespmem:s7], [sflag:$0x3] =	stream.linear.gather [hbm4b:s6+s3], $0x80, $0x38;
	[tilespmem:$0x10400] =	vst v63  }
0xd: {  	_ =	swait.ge [sflag:s5], $0x80  }
0xe: {  	s10 =	sor.u32 $0x10, s17;
	[sflag:s5] =	ssyncset.done $0x0  }
0xf: {  	s9 =	simm.s32 $0x80;
	s8 =	sadd.s32 s16, s10;
	[sflag:s5] =	ssyncadd.s32 $0xFFFFFF80  }
0x10: {  	[tilespmem:s9], [sflag:$0x3] =	stream.linear.gather [hbm4b:s8+s3], $0x80, $0x38;
	[tilespmem:$0x10400] =	vst v63  }
0x11: {  	_ =	swait.ge [sflag:s5], $0x80  }
0x12: {  	[sflag:s5] =	ssyncset.done $0x0  }
0x13: {  	s11 =	simm.s32 $0x280;
	s10 =	sadd.s32 s18, s10;
	[sflag:s5] =	ssyncadd.s32 $0xFFFFFF80  }
0x14: {  	[tilespmem:s11], [sflag:$0x3] =	stream.linear.gather [hbm4b:s10+s3], $0x80, $0x38;
	[tilespmem:$0x10400] =	vst v63  }
0x15: {  	_ =	swait.ge [sflag:s5], $0x80  }
0x16: {  	s14 =	sor.u32 $0x20, s17;
	[sflag:s5] =	ssyncset.done $0x0  }
0x17: {  	s13 =	simm.s32 $0x100;
	s12 =	sadd.s32 s16, s14;
	[sflag:s5] =	ssyncadd.s32 $0xFFFFFF80  }
0x18: {  	[tilespmem:s13], [sflag:$0x3] =	stream.linear.gather [hbm4b:s12+s3], $0x80, $0x38;
	[tilespmem:$0x10400] =	vst v63  }
0x19: {  	_ =	swait.ge [sflag:s5], $0x80  }
0x1a: {  	[sflag:s5] =	ssyncset.done $0x0  }
0x1b: {  	s15 =	simm.s32 $0x300;
	s14 =	sadd.s32 s18, s14;
	[sflag:s5] =	ssyncadd.s32 $0xFFFFFF80  }
0x1c: {  	[tilespmem:s15], [sflag:$0x3] =	stream.linear.gather [hbm4b:s14+s3], $0x80, $0x38;
	[tilespmem:$0x10400] =	vst v63  }
0x1d: {  	_ =	swait.ge [sflag:s5], $0x80  }
0x1e: {  	s19 =	sor.u32 $0x30, s17;
	[sflag:s5] =	ssyncset.done $0x0  }
0x1f: {  	s17 =	simm.s32 $0x180;
	s16 =	sadd.s32 s16, s19;
	[sflag:s5] =	ssyncadd.s32 $0xFFFFFF80  }
0x20: {  	[tilespmem:s17], [sflag:$0x3] =	stream.linear.gather [hbm4b:s16+s3], $0x80, $0x38;
	[tilespmem:$0x10400] =	vst v63  }
0x21: {  	_ =	swait.ge [sflag:s5], $0x80  }
0x22: {  	[sflag:s5] =	ssyncset.done $0x0  }
0x23: {  	s18 =	sadd.s32 s18, s19;
	s19 =	simm.s32 $0x380;
	[sflag:s5] =	ssyncadd.s32 $0xFFFFFF80  }
0x24: {  	[tilespmem:s19], [sflag:$0x3] =	stream.linear.gather [hbm4b:s18+s3], $0x80, $0x38;
	[tilespmem:$0x10400] =	vst v63  }
0x25: {  	_ =	swait.ge [sflag:s5], $0x80  }
0x26: {  	[sflag:s5] =	ssyncset.done $0x0  }
0x27: {  	s21 =	simm.s32 $0x400;
	s20 =	sadd.s32 $0x41A00, s20;
	[sflag:s5] =	ssyncadd.s32 $0xFFFFFF80  }
0x28: {  	[tilespmem:s21], [sflag:$0x1] =	stream.indirect.gather [hbm4b:s20+s9], $0x80, s7, s9, $0xb8;
	[tilespmem:$0x10400] =	vst v63  }
0x29: {  	s22 =	simm.s32 $0x4400  }
0x2a: {  	[tilespmem:s22], [sflag:$0x1] =	stream.indirect.gather [hbm4b:s20+s9], $0x80, s11, s9, $0xb8;
	[tilespmem:$0x10400] =	vst v63  }
0x2b: {  	s23 =	simm.s32 $0x8400  }
0x2c: {  	[tilespmem:s23], [sflag:$0x1] =	stream.indirect.gather [hbm4b:s20+s9], $0x80, s15, s9, $0xb8;
	[tilespmem:$0x10400] =	vst v63  }
0x2d: {  	s24 =	simm.s32 $0xC400;
	s25 =	simm.s32 $0x1  }
0x2e: {  	[tilespmem:s24], [sflag:$0x1] =	stream.indirect.gather [hbm4b:s20+s9], $0x80, s19, s9, $0xb8;
	[tilespmem:$0x10400] =	vst v63  }
0x2f: {  	_ =	swait.ge [sflag:s25], $0x4000  }
0x30: {  	[sflag:s25] =	ssyncset.done $0x0  }
0x31: {  	[sflag:s25] =	ssyncadd.s32 $0xFFFFC000  }
0x32: {  	[hbm4b:s2+s9] =	stream.indirect.scatter [tilespmem:s21], [sflag:$0x2], $0x80, s3, s9, $0xb8;
	[tilespmem:$0x10400] =	vst v63  }
0x33: {  	_ =	swait.ge [sflag:s25], $0x4000  }
0x34: {  	[sflag:s25] =	ssyncset.done $0x0  }
0x35: {  	[sflag:s25] =	ssyncadd.s32 $0xFFFFC000  }
0x36: {  	[hbm4b:s2+s9] =	stream.indirect.scatter [tilespmem:s22], [sflag:$0x2], $0x80, s9, s9, $0xb8;
	[tilespmem:$0x10400] =	vst v63  }
0x37: {  	_ =	swait.ge [sflag:s25], $0x4000  }
0x38: {  	[sflag:s25] =	ssyncset.done $0x0  }
0x39: {  	[sflag:s25] =	ssyncadd.s32 $0xFFFFC000  }
0x3a: {  	[hbm4b:s2+s9] =	stream.indirect.scatter [tilespmem:s23], [sflag:$0x2], $0x80, s13, s9, $0xb8;
	[tilespmem:$0x10400] =	vst v63  }
0x3b: {  	_ =	swait.ge [sflag:s25], $0x4000  }
0x3c: {  	[sflag:s25] =	ssyncset.done $0x0  }
0x3d: {  	s26 =	simm.s32 $0x2;
	[sflag:s25] =	ssyncadd.s32 $0xFFFFC000  }
0x3e: {  	[hbm4b:s2+s9] =	stream.indirect.scatter [tilespmem:s24], [sflag:$0x2], $0x80, s17, s9, $0xb8;
	[tilespmem:$0x10400] =	vst v63  }
0x3f: {  	_ =	swait.ge [sflag:s26], $0x4000  }
0x40: {  	s28 =	ssub.s32 $0x2, s28;
	[sflag:s26] =	ssyncset.done $0x0  }
0x41: {  	s29 =	sshrl.u32 s28, $0x1;
	[sflag:s26] =	ssyncadd.s32 $0xFFFFC000  }
0x42: {  	s28 =	ssub.s32 s28, s29;
	_ =	swait.ge [sflag:s26], $0x4000  }
0x43: {  	s28 =	smax.u32 s28, $0x1;
	[sflag:s26] =	ssyncset.done $0x0  }
0x44: {  	p0 =	sne.s32 s28, $0x1;
	[sflag:s26] =	ssyncadd.s32 $0xFFFFC000  }
.Ltmp0:
0x45: {  	_ =	swait.ge [sflag:s26], $0x4000;
	(pc) =	sbr.rel @!p0 .LBB2_2-.Ltmp0, $4  }
0x46: {  	[sflag:s26] =	ssyncset.done $0x0  }
0x47: {  	[sflag:s26] =	ssyncadd.s32 $0xFFFFC000  }
0x48: {  	_ =	swait.ge [sflag:s26], $0x4000  }
0x49: {  	s28 =	sadd.s32 $0xFFFFFFFF, s28;
	[sflag:s26] =	ssyncset.done $0x0  }
.LBB2_1:
0x4a: {  	p0 =	sne.s32 s28, $0x1;
	s28 =	sadd.s32 $0xFFFFFFFF, s28;
	[sflag:s26] =	ssyncadd.s32 $0xFFFFC000  }
0x4b: {  	[tilespmem:s3], [sflag:$0x3] =	stream.linear.gather [hbm4b:s4+s3], $0x80, $0x38;
	[tilespmem:$0x10400] =	vst v63  }
0x4c: {  	_ =	swait.ge [sflag:s5], $0x80  }
0x4d: {  	[sflag:s5] =	ssyncset.done $0x0  }
0x4e: {  	[sflag:s5] =	ssyncadd.s32 $0xFFFFFF80  }
0x4f: {  	[tilespmem:s7], [sflag:$0x3] =	stream.linear.gather [hbm4b:s6+s3], $0x80, $0x38;
	[tilespmem:$0x10400] =	vst v63  }
0x50: {  	_ =	swait.ge [sflag:s5], $0x80  }
0x51: {  	[sflag:s5] =	ssyncset.done $0x0  }
0x52: {  	[sflag:s5] =	ssyncadd.s32 $0xFFFFFF80  }
0x53: {  	[tilespmem:s9], [sflag:$0x3] =	stream.linear.gather [hbm4b:s8+s3], $0x80, $0x38;
	[tilespmem:$0x10400] =	vst v63  }
0x54: {  	_ =	swait.ge [sflag:s5], $0x80  }
0x55: {  	[sflag:s5] =	ssyncset.done $0x0  }
0x56: {  	[sflag:s5] =	ssyncadd.s32 $0xFFFFFF80  }
0x57: {  	[tilespmem:s11], [sflag:$0x3] =	stream.linear.gather [hbm4b:s10+s3], $0x80, $0x38;
	[tilespmem:$0x10400] =	vst v63  }
0x58: {  	_ =	swait.ge [sflag:s5], $0x80  }
0x59: {  	[sflag:s5] =	ssyncset.done $0x0  }
0x5a: {  	[sflag:s5] =	ssyncadd.s32 $0xFFFFFF80  }
0x5b: {  	[tilespmem:s13], [sflag:$0x3] =	stream.linear.gather [hbm4b:s12+s3], $0x80, $0x38;
	[tilespmem:$0x10400] =	vst v63  }
0x5c: {  	_ =	swait.ge [sflag:s5], $0x80  }
0x5d: {  	[sflag:s5] =	ssyncset.done $0x0  }
0x5e: {  	[sflag:s5] =	ssyncadd.s32 $0xFFFFFF80  }
0x5f: {  	[tilespmem:s15], [sflag:$0x3] =	stream.linear.gather [hbm4b:s14+s3], $0x80, $0x38;
	[tilespmem:$0x10400] =	vst v63  }
0x60: {  	_ =	swait.ge [sflag:s5], $0x80  }
0x61: {  	[sflag:s5] =	ssyncset.done $0x0  }
0x62: {  	[sflag:s5] =	ssyncadd.s32 $0xFFFFFF80  }
0x63: {  	[tilespmem:s17], [sflag:$0x3] =	stream.linear.gather [hbm4b:s16+s3], $0x80, $0x38;
	[tilespmem:$0x10400] =	vst v63  }
0x64: {  	_ =	swait.ge [sflag:s5], $0x80  }
0x65: {  	[sflag:s5] =	ssyncset.done $0x0  }
0x66: {  	[sflag:s5] =	ssyncadd.s32 $0xFFFFFF80  }
0x67: {  	[tilespmem:s19], [sflag:$0x3] =	stream.linear.gather [hbm4b:s18+s3], $0x80, $0x38;
	[tilespmem:$0x10400] =	vst v63  }
0x68: {  	_ =	swait.ge [sflag:s5], $0x80  }
0x69: {  	[sflag:s5] =	ssyncset.done $0x0  }
0x6a: {  	[sflag:s5] =	ssyncadd.s32 $0xFFFFFF80  }
0x6b: {  	[tilespmem:s21], [sflag:$0x1] =	stream.indirect.gather [hbm4b:s20+s9], $0x80, s7, s9, $0xb8;
	[tilespmem:$0x10400] =	vst v63  }
0x6c: {  	_ = 	snop  }
0x6d: {  	[tilespmem:s22], [sflag:$0x1] =	stream.indirect.gather [hbm4b:s20+s9], $0x80, s11, s9, $0xb8;
	[tilespmem:$0x10400] =	vst v63  }
0x6e: {  	_ = 	snop  }
0x6f: {  	[tilespmem:s23], [sflag:$0x1] =	stream.indirect.gather [hbm4b:s20+s9], $0x80, s15, s9, $0xb8;
	[tilespmem:$0x10400] =	vst v63  }
0x70: {  	_ = 	snop  }
0x71: {  	[tilespmem:s24], [sflag:$0x1] =	stream.indirect.gather [hbm4b:s20+s9], $0x80, s19, s9, $0xb8;
	[tilespmem:$0x10400] =	vst v63  }
0x72: {  	_ =	swait.ge [sflag:s25], $0x4000  }
0x73: {  	[sflag:s25] =	ssyncset.done $0x0  }
0x74: {  	[sflag:s25] =	ssyncadd.s32 $0xFFFFC000  }
0x75: {  	[hbm4b:s2+s9] =	stream.indirect.scatter [tilespmem:s21], [sflag:$0x2], $0x80, s3, s9, $0xb8;
	[tilespmem:$0x10400] =	vst v63  }
0x76: {  	_ =	swait.ge [sflag:s25], $0x4000  }
0x77: {  	[sflag:s25] =	ssyncset.done $0x0  }
0x78: {  	[sflag:s25] =	ssyncadd.s32 $0xFFFFC000  }
0x79: {  	[hbm4b:s2+s9] =	stream.indirect.scatter [tilespmem:s22], [sflag:$0x2], $0x80, s9, s9, $0xb8;
	[tilespmem:$0x10400] =	vst v63  }
0x7a: {  	_ =	swait.ge [sflag:s25], $0x4000  }
0x7b: {  	[sflag:s25] =	ssyncset.done $0x0  }
0x7c: {  	[sflag:s25] =	ssyncadd.s32 $0xFFFFC000  }
0x7d: {  	[hbm4b:s2+s9] =	stream.indirect.scatter [tilespmem:s23], [sflag:$0x2], $0x80, s13, s9, $0xb8;
	[tilespmem:$0x10400] =	vst v63  }
0x7e: {  	_ =	swait.ge [sflag:s25], $0x4000  }
0x7f: {  	[sflag:s25] =	ssyncset.done $0x0  }
0x80: {  	[sflag:s25] =	ssyncadd.s32 $0xFFFFC000  }
0x81: {  	[hbm4b:s2+s9] =	stream.indirect.scatter [tilespmem:s24], [sflag:$0x2], $0x80, s17, s9, $0xb8;
	[tilespmem:$0x10400] =	vst v63  }
0x82: {  	_ =	swait.ge [sflag:s26], $0x4000  }
0x83: {  	[sflag:s26] =	ssyncset.done $0x0  }
0x84: {  	[sflag:s26] =	ssyncadd.s32 $0xFFFFC000  }
0x85: {  	_ =	swait.ge [sflag:s26], $0x4000  }
0x86: {  	[sflag:s26] =	ssyncset.done $0x0  }
0x87: {  	[sflag:s26] =	ssyncadd.s32 $0xFFFFC000  }
.Ltmp1:
0x88: {  	_ =	swait.ge [sflag:s26], $0x4000;
	(pc) =	sbr.rel @p0 .LBB2_1-.Ltmp1, $4  }
0x89: {  	[sflag:s26] =	ssyncset.done $0x0  }
0x8a: {  	[sflag:s26] =	ssyncadd.s32 $0xFFFFC000  }
0x8b: {  	_ =	swait.ge [sflag:s26], $0x4000  }
0x8c: {  	[sflag:s26] =	ssyncset.done $0x0  }
.LBB2_2:
0x8d: {  	[sflag:s26] =	ssyncadd.s32 $0xFFFFC000  }
0x8e: {  	_ =	sfence.sel $0x180000  }
0x8f: {  	[bflag:$0x0] =	sbarrier.arrive $0xFFFF  }
0x90: {  	p0 =	sne.s32 s1, $0x0;
	_ =	strace $0x90000050  }
0x91: {  	s0 =	sadd.s32 @!p0 $0x100000, s0;
	[bflag:$0x2] =	sbarrier.arrive $0xFFFF  }
0x92: {  	[sflag:s0] =	ssyncadd.tile.s32 @!p0 $0x1;
	_ =	shalt  }
.Lfunc_end2:
_tile_overlayer_lowered:
.L_overlay_start_2:
0x93: {  	(tag) =	ssettag $0x2  }
0x94: {  	s0 =	rddreg [dreg:$0x0];
	s2 =	stileid.u32  }
0x95: {  	s1 =	rddreg [dreg:$0x1];
	p0 =	sne.s32 s2, $0x0  }
0x96: {  	s3 =	rddreg [dreg:$0x2];
	[bflag:$0x3] =	sbarrier.arrive $0xFFFF;
	s2 =	simm.s32 @!p0 $0x1C03  }
0x97: {  	[timem:s3], [sflag:s2] =	dma.local @!p0 [hbm:s0], s1  }
0x98: {  	s0 =	simm.s32 @!p0 $0x3  }
0x99: {  	_ =	swait.ge @!p0 [sflag:s0], s1  }
0x9a: {  	s1 =	ssub.s32 @!p0 $0x0, s1;
	[sflag:s0] =	ssyncset.done @!p0 $0x0  }
0x9b: {  	[sflag:s0] =	ssyncadd.s32 @!p0 s1  }
0x9c: {  	[bflag:$0x3] =	sbarrier.arrive $0xFFFF  }
0x9d: {  	_ =	shalt  }

// kernel: kernel.9.cloned.1.call-start
scs
__scs_entry_jumppad:
0x0: {  	(pc) =	sbr.rel $0x88, $3  }
0x1: {  	(tag) =	ssettag $0x0;
	lr =	simm.s32 $0x1  }
0x2: {  	[smem:$0x3F99] =	sst lr;
	_ =	strace $0xD0000000  }
0x3: {  	_ = 	snop  }
0x4: {  	_ = 	snop  }
0x5: {  	_ = 	snop  }
0x6: {  	_ = 	snop  }
0x7: {  	_ = 	snop  }
__scs_overlays_trampoline_lowered:
0x8: {  	[smem:$0x3FA8] =	sst s0  }
0x9: {  	[smem:$0x3FA9] =	sst s1  }
0xa: {  	[smem:$0x3FAA] =	sst s2  }
0xb: {  	[smem:$0x3FAB] =	sst s3  }
0xc: {  	[smem:$0x3FAC] =	sst s4  }
0xd: {  	[smem:$0x3FAD] =	sst s5  }
0xe: {  	[smem:$0x3FAE] =	sst s6  }
0xf: {  	[smem:$0x3FAF] =	sst s7  }
0x10: {  	[smem:$0x3FB0] =	sst s8  }
0x11: {  	[smem:$0x3FB1] =	sst s9;
	s0 =	simm.s32 @!p0 $0x0  }
0x12: {  	s1 =	sld [smem:$0x3F97];
	s0 =	simm.s32 @p0 $0x1  }
0x13: {  	[smem:$0x3FB2] =	sst s0;
	s0 =	simm.s32 @!p1 $0x0  }
0x14: {  	s2 =	sld [smem:$0x3F96];
	s0 =	simm.s32 @p1 $0x1  }
0x15: {  	[smem:$0x3FB3] =	sst s0;
	s0 =	simm.s32 @!p2 $0x0  }
0x16: {  	s3 =	sld [smem:$0x3FDB];
	s0 =	simm.s32 @p2 $0x1  }
0x17: {  	s4 =	simm.s32 $0x1BF5;
	[smem:$0x3FB5] =	sst s0  }
0x18: {  	s0 =	sld [smem:$0x3F98];
	_ =	swait.ge [sflag:s4], $0x0  }
0x19: {  	s7 =	sld [smem:$0x3F99]  }
0x1a: {  	s8 =	sadd.s32 $0xFFFFE003, lr  }
0x1b: {  	s9 =	sadd.s32 $0xFFFFFEF7, lr;
	s5 =	simm.s32 $0xFFFFFFFF;
	p2 =	slt.u32 s8, $0xFFFFF086  }
0x1c: {  	p1 =	slt.u32 s9, $0xF7A;
	s5 =	simm.s32 @!p2 $0x0  }
0x1d: {  	s5 =	simm.s32 @p1 $0x1;
	p0 =	seq.s32 s7, s2  }
0x1e: {  	s7 =	smul.u32 @!p0 $0xF7A, s2;
	p2 =	seq.s32 @!p0 s5, $0x0  }
0x1f: {  	s9 =	smul.u32 $0xF7A, s1;
	s8 =	simm.s32 @!p0 $0x1BF5;
	p2 =	por !p2, p0  }
0x20: {  	[sflag:s8] =	ssyncset.s32 @!p0 $0xFFFFF086;
	s6 =	sadd.s32 @!p0 s3, s7;
	s7 =	simm.s32 @!p0 $0x108  }
0x21: {  	s3 =	sadd.s32 s3, s9;
	s6 =	sadd.s32 @!p0 $0x88, s6;
	s7 =	simm.s32 @p2 $0x1082  }
0x22: {  	[simem:s7], [sflag:s8] =	dma.local @!p0 [hbm:s6], $0xF7A  }
0x23: {  	s9 =	sor.u32 $0xD0000000, s2;
	s6 =	simm.s32 $0x108;
	_ =	swait.ge @!p0 [sflag:s8], $0x0  }
0x24: {  	s3 =	sadd.s32 $0x88, s3;
	s6 =	simm.s32 @!p1 $0x1082;
	[sflag:s4] =	ssyncset.s32 $0xFFFFF086  }
0x25: {  	[simem:s6], [sflag:s4] =	dma.local [hbm:s3], $0xF7A  }
0x26: {  	[smem:$0x3F99] =	sst s1;
	(tag) =	ssettag s2;
	_ =	strace s9  }
0x27: {  	s1 =	sld [smem:$0x3FA9]  }
0x28: {  	s2 =	sld [smem:$0x3FAA]  }
0x29: {  	s4 =	sld [smem:$0x3FAC]  }
0x2a: {  	p0 =	seq.s32 s5, $0x0;
	s5 =	sld [smem:$0x3FAD]  }
0x2b: {  	s6 =	sld [smem:$0x3FAE]  }
0x2c: {  	s7 =	sld [smem:$0x3FAF]  }
0x2d: {  	s3 =	simm.s32 $0x108;
	s8 =	sld [smem:$0x3FB0]  }
0x2e: {  	s3 =	simm.s32 @!p0 $0x1082;
	s9 =	sld [smem:$0x3FB1]  }
0x2f: {  	lr =	sadd.s32 s0, s3;
	s0 =	sld [smem:$0x3FA8]  }
0x30: {  	s3 =	sld [smem:$0x3FAB]  }
0x31: {  	[smem:$0x3FB4] =	sst s10  }
0x32: {  	s10 =	sld [smem:$0x3FB2];
	_ =	sdelay $0x3  }
0x33: {  	p0 =	seq.s32 s10, $0x1;
	s10 =	sld [smem:$0x3FB4];
	_ =	sdelay $0x3  }
0x34: {  	[smem:$0x3FB4] =	sst s10  }
0x35: {  	s10 =	sld [smem:$0x3FB3];
	_ =	sdelay $0x3  }
0x36: {  	p1 =	seq.s32 s10, $0x1;
	s10 =	sld [smem:$0x3FB4];
	_ =	sdelay $0x3  }
0x37: {  	[smem:$0x3FB4] =	sst s10  }
0x38: {  	s10 =	sld [smem:$0x3FB5]  }
0x39: {  	_ = 	snop;
	(pc) =	sbr.ind lr, $3  }
0x3a: {  	_ = 	snop  }
0x3b: {  	_ = 	snop  }
0x3c: {  	p2 =	seq.s32 s10, $0x1;
	s10 =	sld [smem:$0x3FB4]  }
0x3d: {  	_ =	shalt  }
0x3e: {  	_ =	shalt  }
0x3f: {  	_ =	shalt  }
0x40: {  	_ =	shalt  }
0x41: {  	_ =	shalt  }
0x42: {  	_ =	shalt  }
0x43: {  	_ =	shalt  }
0x44: {  	_ =	shalt  }
0x45: {  	_ =	shalt  }
0x46: {  	_ =	shalt  }
0x47: {  	_ =	shalt  }
0x48: {  	_ =	shalt  }
0x49: {  	_ =	shalt  }
0x4a: {  	_ =	shalt  }
0x4b: {  	_ =	shalt  }
0x4c: {  	_ =	shalt  }
0x4d: {  	_ =	shalt  }
0x4e: {  	_ =	shalt  }
0x4f: {  	_ =	shalt  }
0x50: {  	_ =	shalt  }
0x51: {  	_ =	shalt  }
0x52: {  	_ =	shalt  }
0x53: {  	_ =	shalt  }
0x54: {  	_ =	shalt  }
0x55: {  	_ =	shalt  }
0x56: {  	_ =	shalt  }
0x57: {  	_ =	shalt  }
0x58: {  	_ =	shalt  }
0x59: {  	_ =	shalt  }
0x5a: {  	_ =	shalt  }
0x5b: {  	_ =	shalt  }
0x5c: {  	_ =	shalt  }
0x5d: {  	_ =	shalt  }
0x5e: {  	_ =	shalt  }
0x5f: {  	_ =	shalt  }
0x60: {  	_ =	shalt  }
0x61: {  	_ =	shalt  }
0x62: {  	_ =	shalt  }
0x63: {  	_ =	shalt  }
0x64: {  	_ =	shalt  }
0x65: {  	_ =	shalt  }
0x66: {  	_ =	shalt  }
0x67: {  	_ =	shalt  }
0x68: {  	_ =	shalt  }
0x69: {  	_ =	shalt  }
0x6a: {  	_ =	shalt  }
0x6b: {  	_ =	shalt  }
0x6c: {  	_ =	shalt  }
0x6d: {  	_ =	shalt  }
0x6e: {  	_ =	shalt  }
0x6f: {  	_ =	shalt  }
0x70: {  	_ =	shalt  }
0x71: {  	_ =	shalt  }
0x72: {  	_ =	shalt  }
0x73: {  	_ =	shalt  }
0x74: {  	_ =	shalt  }
0x75: {  	_ =	shalt  }
0x76: {  	_ =	shalt  }
0x77: {  	_ =	shalt  }
0x78: {  	_ =	shalt  }
0x79: {  	_ =	shalt  }
0x7a: {  	_ =	shalt  }
0x7b: {  	_ =	shalt  }
0x7c: {  	_ =	shalt  }
0x7d: {  	_ =	shalt  }
0x7e: {  	_ =	shalt  }
0x7f: {  	_ =	shalt  }
0x80: {  	_ =	shalt  }
0x81: {  	_ =	shalt  }
0x82: {  	_ =	shalt  }
0x83: {  	_ =	shalt  }
0x84: {  	_ =	shalt  }
0x85: {  	_ =	shalt  }
0x86: {  	_ =	shalt  }
0x87: {  	_ =	shalt  }
.Lfunc_end0:
.L_simem_size_0:
called_computation_lowered:
.L_overlay_start_0:
0x88: {  	s2 =	sld [smem:$0x3FD9]  }
0x89: {  	s3 =	sld [smem:$0x3FFE];
	_ =	sdelay $0x1  }
0x8a: {  	s1 =	srdreg.scid  }
0x8b: {  	s0 =	sand.u32 $0x1, s1  }
0x8c: {  	s17 =	sshll.u32 s0, $0xA;
	s2 =	sadd.s32 s3, s2  }
0x8d: {  	s2 =	sadd.s32 s2, s17  }
0x8e: {  	[smem:$0x3FC0] =	sst s2  }
0x8f: {  	_ = 	snop  }
0x90: {  	s2 =	sld [smem:$0x3FC9]  }
0x91: {  	s18 =	sld [smem:$0x3FC8]  }
0x92: {  	s4 =	sld [smem:$0x3FC2];
	(tm) =	ssettm $0x1  }
0x93: {  	s5 =	sld [smem:$0x3FFB];
	_ =	sdelay $0x3  }
0x94: {  	_ =	strace s5  }
0x95: {  	s5 =	sld [smem:$0x3FFC];
	_ =	sdelay $0x3  }
0x96: {  	_ =	strace s5  }
0x97: {  	s5 =	sld [smem:$0x3FFD];
	_ =	sdelay $0x3  }
0x98: {  	_ =	strace s5  }
0x99: {  	_ =	strace $0x8FFFFFFF  }
0x9a: {  	s19 =	sld [smem:$0x3FDB];
	_ =	sdelay $0x1  }
0x9b: {  	s6 =	simm.s32 $_scs_section_size  }
0x9c: {  	s7 =	simm.s32 $_size__tile_overlayer_lowered;
	s8 =	simm.s32 $_tile_overlayer_lowered  }
0x9d: {  	s22 =	simm.s32 $0x1BFF;
	s21 =	sshll.u32 s8, $0x1;
	s5 =	sadd.s32 s6, s19  }
0x9e: {  	s9 =	simm.s32 $0x0;
	s20 =	sshll.u32 s7, $0x1;
	s7 =	sadd.s32 s21, s5  }
0x9f: {  	[timem:s9], [sflag:s22] =	dma.local [hbm:s7], s20  }
0xa0: {  	_ =	swait.ge [sflag:s22], s20  }
0xa1: {  	s6 =	ssub.s32 $0x0, s20;
	[sflag:s22] =	ssyncset.done $0x0  }
0xa2: {  	[sflag:s22] =	ssyncadd.s32 s6;
	_ =	sdelay $0x1  }
0xa3: {  	s23 =	simm.s32 $0x1B8B  }
0xa4: {  	_ =	swait.ge [sflag:s23], $0x1  }
0xa5: {  	[sflag:s23] =	ssyncset.done $0x0  }
0xa6: {  	s25 =	simm.s32 $0x1B8E;
	s24 =	sld [smem:$0x3FFE];
	[sflag:s23] =	ssyncadd.s32 $0xFFFFFFFF  }
0xa7: {  	s26 =	simm.s32 $execute0_lowered;
	[smem:$0x3FD2] =	sst s25  }
0xa8: {  	s7 =	sshll.u32 s26, $0x1;
	_ =	strace $0x80000046;
	[dreg:$0x1] =	wrdreg $0xFFFFFFFF  }
0xa9: {  	s28 =	simm.s32 $_size_execute0_lowered;
	s5 =	sadd.s32 s5, s7;
	[dreg:$0x0] =	wrdreg $0x0  }
0xaa: {  	s7 =	sshll.u32 s28, $0x1;
	[dreg:$0x2] =	wrdreg s5  }
0xab: {  	[dreg:$0x3] =	wrdreg s7  }
0xac: {  	[dreg:$0x4] =	wrdreg $0xC0  }
0xad: {  	_ =	task [dreg:s9], $0x5FFFF  }
0xae: {  	[dreg:$0x1] =	wrdreg $0xFFFFFFFF  }
0xaf: {  	[dreg:$0x0] =	wrdreg $0x60  }
0xb0: {  	[dreg:$0x2] =	wrdreg s4  }
0xb1: {  	[dreg:$0x3] =	wrdreg s2  }
0xb2: {  	[dreg:$0x4] =	wrdreg s18  }
0xb3: {  	[dreg:$0x5] =	wrdreg s24  }
0xb4: {  	[dreg:$0x6] =	wrdreg $0xA  }
0xb5: {  	_ =	task.clear_ibuf [dreg:s9], $0x7FFFF;
	_ =	strace $0x90000046  }
0xb6: {  	s29 =	simm.s32 $0xA;
	_ =	strace $0x80000048  }
0xb7: {  	_ =	swait.ge [sflag:s29], $0x1  }
0xb8: {  	[sflag:s29] =	ssyncadd.s32 $0xFFFFFFFF  }
0xb9: {  	_ =	strace $0x90000048  }
0xba: {  	_ =	sfence  }
0xbb: {  	s30 =	sld [smem:$0x0];
	_ =	sdelay $0x2  }
0xbc: {  	s31 =	sshll.u32 s1, $0xD;
	s1 =	sshrl.u32 s1, $0x2  }
0xbd: {  	s3 =	sand.u32 $0x4000, s31;
	s1 =	sadd.s32 s1, s30  }
0xbe: {  	s0 =	sor.u32 s3, s0;
	s1 =	sshll.u32 s1, $0x11  }
0xbf: {  	s0 =	sor.u32 s1, s0  }
0xc0: {  	s0 =	sadd.s32 $0x8F2B, s0  }
0xc1: {  	[sflag:s0] =	ssyncadd.remote.s32 $0x1  }
0xc2: {  	_ =	sfence.sel $0xFFFF  }
0xc3: {  	[dreg:$0x0] =	wrdreg $0xFFFFFFFF;
	(pc) =	sbr.abs _section_cstart, $3  }
0xc4: {  	[dreg:$0x1] =	wrdreg $0xFFFFFFFF  }
0xc5: {  	_ =	task.clear_ibuf [dreg:s9], $0x2FFFF;
	_ =	strace $0x9FFFFFFF  }
0xc6: {  	(tm) =	ssettm $0x7FFFFFFF  }
0xc7: {  	_ =	shalt  }
tec
execute0_lowered:
.L_overlay_start_1:
0x0: {  	(tag) =	ssettag $0x1  }
0x1: {  	s11 =	rddreg [dreg:$0x0]  }
0x2: {  	s2 =	rddreg [dreg:$0x1]  }
0x3: {  	s3 =	rddreg [dreg:$0x2]  }
0x4: {  	s0 =	rddreg [dreg:$0x3];
	s4 =	simm.s32 $0x0  }
0x5: {  	s5 =	srdreg.scid;
	s7 =	stileid.u32;
	s20 =	simm.s32 $0x1  }
0x6: {  	s21 =	simm.s32 $0x80;
	s22 =	simm.s32 $0x100;
	s28 =	simm.s32 $0xC200  }
0x7: {  	s29 =	simm.s32 $0x2;
	s31 =	simm.s32 $0x0;
	s30 =	simm.s32 $0x189C0  }
0x8: {  	[smem:$0x7FF] =	sst s4;
	s1 =	sadd.s32 $0x1A00, s0;
	s6 =	sadd.s32 $0x41A00, s0  }
0x9: {  	s5 =	sand.u32 $0x1, s5;
	s7 =	sshll.u32 s7, $0x1;
	s0 =	sadd.s32 $0x81A00, s0  }
0xa: {  	_ =	strace $0x80000047;
	s23 =	ssub.s32 $0x2, s5;
	s5 =	sor.u32 s5, s7  }
0xb: {  	[dreg:$0x5] =	wrdreg s0;
	s24 =	sshrl.u32 s23, $0x1;
	s8 =	sshll.u32 s5, $0x9  }
0xc: {  	s9 =	sshll.u32 s5, $0x6;
	s15 =	sshll.u32 s5, $0xD;
	p0 =	sne.s32 s5, $0x0  }
0xd: {  	s5 =	simm.s32 $0x18900;
	s0 =	ssub.s32 s23, s24;
	s7 =	sadd.s32 s11, s9  }
0xe: {  	s12 =	sor.u32 $0x80, s8;
	s13 =	sor.u32 $0x100, s8;
	s14 =	sor.u32 $0x180, s8  }
0xf: {  	s23 =	simm.s32 $0x180;
	s24 =	simm.s32 $0x200;
	s25 =	sshrl.u32 s12, $0x3  }
0x10: {  	s26 =	sshrl.u32 s13, $0x3;
	s10 =	sshrl.u32 s14, $0x3;
	s16 =	sshll.u32 s12, $0x4  }
0x11: {  	s17 =	sshll.u32 s13, $0x4;
	s18 =	sshll.u32 s14, $0x4;
	s14 =	sadd.s32 s6, s15  }
.Ltmp0:
0x12: {  	s0 =	smax.u32 s0, $0x1;
	s8 =	sadd.s32 s11, s25;
	(pc) =	sbr.rel .LBB2_1-.Ltmp0, $4  }
0x13: {  	s9 =	sadd.s32 s11, s26;
	s11 =	sadd.s32 s11, s10;
	s10 =	sadd.s32 s1, s15  }
0x14: {  	s13 =	sadd.s32 s1, s16;
	s12 =	sadd.s32 s1, s17;
	s1 =	sadd.s32 s1, s18  }
0x15: {  	s15 =	sadd.s32 s6, s16;
	s16 =	sadd.s32 s6, s17;
	s19 =	sadd.s32 s6, s18  }
0x16: {  	v0 =	vlaneseq.u32;
	s25 =	simm.s32 $0x4200;
	s26 =	simm.s32 $0x8200;
	[dreg:$0x6] =	wrdreg s0  }
.LBB2_7:
0x17: {  	s31 =	sadd.s32 $0x1, s31  }
0x18: {  	p1 =	sne.s32 s31, s0  }
.Ltmp1:
0x19: {  	_ = 	snop;
	(pc) =	sbr.rel @!p1 .LBB2_8-.Ltmp1, $1  }
0x1a: {  	_ =	sdelay $0x3  }
.LBB2_1:
0x1b: {  	[tilespmem:s4], [sflag:$0x1] =	stream.linear.gather [hbm4b:s7+s4], $0x80, $0x38;
	[tilespmem:$0x1C900] =	vst v63  }
0x1c: {  	_ =	swait.ge [sflag:s20], $0x80  }
0x1d: {  	[sflag:s20] =	ssyncset.done $0x0  }
0x1e: {  	[sflag:s20] =	ssyncadd.s32 $0xFFFFFF80  }
0x1f: {  	[tilespmem:s21], [sflag:$0x1] =	stream.linear.gather [hbm4b:s8+s4], $0x80, $0x38;
	[tilespmem:$0x1C900] =	vst v63  }
0x20: {  	_ =	swait.ge [sflag:s20], $0x80  }
0x21: {  	[sflag:s20] =	ssyncset.done $0x0  }
0x22: {  	[sflag:s20] =	ssyncadd.s32 $0xFFFFFF80  }
0x23: {  	[tilespmem:s22], [sflag:$0x1] =	stream.linear.gather [hbm4b:s9+s4], $0x80, $0x38;
	[tilespmem:$0x1C900] =	vst v63  }
0x24: {  	_ =	swait.ge [sflag:s20], $0x80  }
0x25: {  	[sflag:s20] =	ssyncset.done $0x0  }
0x26: {  	[sflag:s20] =	ssyncadd.s32 $0xFFFFFF80  }
0x27: {  	[tilespmem:s23], [sflag:$0x1] =	stream.linear.gather [hbm4b:s11+s4], $0x80, $0x38;
	[tilespmem:$0x1C900] =	vst v63  }
0x28: {  	_ =	swait.ge [sflag:s20], $0x80  }
0x29: {  	[sflag:s20] =	ssyncset.done $0x0  }
0x2a: {  	[sflag:s20] =	ssyncadd.s32 $0xFFFFFF80  }
0x2b: {  	[tilespmem:s24], [sflag:$0x1] =	stream.indirect.gather [hbm4b:s2+s21], $0x80, s4, s21, $0xb8;
	[tilespmem:$0x1C900] =	vst v63  }
0x2c: {  	_ = 	snop  }
0x2d: {  	[tilespmem:s25], [sflag:$0x1] =	stream.indirect.gather [hbm4b:s2+s21], $0x80, s21, s21, $0xb8;
	[tilespmem:$0x1C900] =	vst v63  }
0x2e: {  	_ = 	snop  }
0x2f: {  	[tilespmem:s26], [sflag:$0x1] =	stream.indirect.gather [hbm4b:s2+s21], $0x80, s22, s21, $0xb8;
	[tilespmem:$0x1C900] =	vst v63  }
0x30: {  	_ =	swait.ge [sflag:s20], $0x4000  }
0x31: {  	[sflag:s20] =	ssyncset.done $0x0  }
0x32: {  	[sflag:s20] =	ssyncadd.s32 $0xFFFFC000  }
0x33: {  	[tilespmem:s28], [sflag:$0x1] =	stream.indirect.gather [hbm4b:s2+s21], $0x80, s23, s21, $0xb8;
	[tilespmem:$0x1C900] =	vst v63  }
0x34: {  	_ = 	snop  }
0x35: {  	[hbm4b:s10+s4] =	stream.linear.scatter [tilespmem:s24], [sflag:$0x2], $0x4000, $0x38;
	[tilespmem:$0x1C900] =	vst v63  }
0x36: {  	_ =	swait.ge [sflag:s20], $0x4000  }
0x37: {  	[sflag:s20] =	ssyncset.done $0x0  }
0x38: {  	[sflag:s20] =	ssyncadd.s32 $0xFFFFC000  }
0x39: {  	_ =	swait.ge [sflag:s29], $0x4000  }
0x3a: {  	[sflag:s29] =	ssyncset.done $0x0  }
0x3b: {  	[sflag:s29] =	ssyncadd.s32 $0xFFFFC000  }
0x3c: {  	[tilespmem:s24], [sflag:$0x1] =	stream.indirect.gather [hbm4b:s3+s21], $0x80, s4, s21, $0xb8;
	[tilespmem:$0x1C900] =	vst v63  }
0x3d: {  	_ = 	snop  }
0x3e: {  	[hbm4b:s13+s4] =	stream.linear.scatter [tilespmem:s25], [sflag:$0x2], $0x4000, $0x38;
	[tilespmem:$0x1C900] =	vst v63  }
0x3f: {  	_ =	swait.ge [sflag:s20], $0x4000  }
0x40: {  	[sflag:s20] =	ssyncset.done $0x0  }
0x41: {  	[sflag:s20] =	ssyncadd.s32 $0xFFFFC000  }
0x42: {  	_ =	swait.ge [sflag:s29], $0x4000  }
0x43: {  	[sflag:s29] =	ssyncset.done $0x0  }
0x44: {  	[sflag:s29] =	ssyncadd.s32 $0xFFFFC000  }
0x45: {  	[tilespmem:s25], [sflag:$0x1] =	stream.indirect.gather [hbm4b:s3+s21], $0x80, s21, s21, $0xb8;
	[tilespmem:$0x1C900] =	vst v63  }
0x46: {  	_ = 	snop  }
0x47: {  	[hbm4b:s12+s4] =	stream.linear.scatter [tilespmem:s26], [sflag:$0x2], $0x4000, $0x38;
	[tilespmem:$0x1C900] =	vst v63  }
0x48: {  	_ =	swait.ge [sflag:s20], $0x4000  }
0x49: {  	[sflag:s20] =	ssyncset.done $0x0  }
0x4a: {  	[sflag:s20] =	ssyncadd.s32 $0xFFFFC000  }
0x4b: {  	_ =	swait.ge [sflag:s29], $0x4000  }
0x4c: {  	[sflag:s29] =	ssyncset.done $0x0  }
0x4d: {  	[sflag:s29] =	ssyncadd.s32 $0xFFFFC000  }
0x4e: {  	[tilespmem:s26], [sflag:$0x1] =	stream.indirect.gather [hbm4b:s3+s21], $0x80, s22, s21, $0xb8;
	[tilespmem:$0x1C900] =	vst v63  }
0x4f: {  	_ = 	snop  }
0x50: {  	[hbm4b:s1+s4] =	stream.linear.scatter [tilespmem:s28], [sflag:$0x2], $0x4000, $0x38;
	[tilespmem:$0x1C900] =	vst v63  }
0x51: {  	_ =	swait.ge [sflag:s20], $0x4000  }
0x52: {  	[sflag:s20] =	ssyncset.done $0x0  }
0x53: {  	[sflag:s20] =	ssyncadd.s32 $0xFFFFC000  }
0x54: {  	_ =	swait.ge [sflag:s29], $0x4000  }
0x55: {  	[sflag:s29] =	ssyncset.done $0x0  }
0x56: {  	[sflag:s29] =	ssyncadd.s32 $0xFFFFC000  }
0x57: {  	[tilespmem:s28], [sflag:$0x1] =	stream.indirect.gather [hbm4b:s3+s21], $0x80, s23, s21, $0xb8;
	[tilespmem:$0x1C900] =	vst v63  }
0x58: {  	_ = 	snop  }
0x59: {  	[hbm4b:s14+s4] =	stream.linear.scatter [tilespmem:s24], [sflag:$0x2], $0x4000, $0x38;
	[tilespmem:$0x1C900] =	vst v63  }
0x5a: {  	_ =	swait.ge [sflag:s20], $0x4000  }
0x5b: {  	[sflag:s20] =	ssyncset.done $0x0  }
0x5c: {  	[sflag:s20] =	ssyncadd.s32 $0xFFFFC000  }
0x5d: {  	_ =	swait.ge [sflag:s29], $0x4000  }
0x5e: {  	[sflag:s29] =	ssyncset.done $0x0  }
0x5f: {  	[sflag:s29] =	ssyncadd.s32 $0xFFFFC000  }
0x60: {  	[hbm4b:s15+s4] =	stream.linear.scatter [tilespmem:s25], [sflag:$0x2], $0x4000, $0x38;
	[tilespmem:$0x1C900] =	vst v63  }
0x61: {  	_ =	swait.ge [sflag:s20], $0x4000  }
0x62: {  	[sflag:s20] =	ssyncset.done $0x0  }
0x63: {  	[sflag:s20] =	ssyncadd.s32 $0xFFFFC000  }
0x64: {  	_ =	swait.ge [sflag:s29], $0x4000  }
0x65: {  	[sflag:s29] =	ssyncset.done $0x0  }
0x66: {  	[sflag:s29] =	ssyncadd.s32 $0xFFFFC000  }
0x67: {  	[hbm4b:s16+s4] =	stream.linear.scatter [tilespmem:s26], [sflag:$0x2], $0x4000, $0x38;
	[tilespmem:$0x1C900] =	vst v63  }
0x68: {  	_ =	swait.ge [sflag:s20], $0x4000  }
0x69: {  	[sflag:s20] =	ssyncset.done $0x0  }
0x6a: {  	[sflag:s20] =	ssyncadd.s32 $0xFFFFC000  }
0x6b: {  	_ =	swait.ge [sflag:s29], $0x4000  }
0x6c: {  	[sflag:s29] =	ssyncset.done $0x0  }
.Ltmp2:
0x6d: {  	[sflag:s29] =	ssyncadd.s32 $0xFFFFC000;
	(pc) =	sbr.rel @p0 .LBB2_7-.Ltmp2, $4  }
0x6e: {  	[hbm4b:s19+s4] =	stream.linear.scatter [tilespmem:s28], [sflag:$0x2], $0x4000, $0x38;
	[tilespmem:$0x1C900] =	vst v63  }
0x6f: {  	_ =	swait.ge [sflag:s29], $0x4000  }
0x70: {  	[sflag:s29] =	ssyncset.done $0x0  }
0x71: {  	[sflag:s29] =	ssyncadd.s32 $0xFFFFC000  }
0x72: {  	s0 =	rddreg [dreg:$0x0]  }
0x73: {  	[tilespmem:s5], [sflag:$0x1] =	stream.linear.gather [hbm4b:s0+s4], $0x4000, $0x38;
	[tilespmem:$0x1C900] =	vst v63  }
0x74: {  	_ =	swait.ge [sflag:s20], $0x4000  }
0x75: {  	[sflag:s20] =	ssyncset.done $0x0  }
0x76: {  	s6 =	simm.s32 $0x18940;
	[sflag:s20] =	ssyncadd.s32 $0xFFFFC000  }
0x77: {  	v2 =	vld [tilespmem:s6+$0x30]  }
0x78: {  	v4 =	vld [tilespmem:s6+$0xFFFFFFC0]  }
0x79: {  	v5 =	vld [tilespmem:s6+$0xFFFFFFD0]  }
0x7a: {  	v6 =	vld [tilespmem:s6+$0xFFFFFFE0]  }
0x7b: {  	v7 =	vld [tilespmem:s6+$0xFFFFFFF0]  }
0x7c: {  	s18 =	smov.u32 s16;
	s16 =	smov.u32 s14;
	v8 =	vld [tilespmem:s6+$0x0]  }
0x7d: {  	s14 =	smov.u32 s12;
	s12 =	smov.u32 s10;
	s10 =	smov.u32 s9;
	v9 =	vld [tilespmem:s6+$0x10]  }
0x7e: {  	s9 =	smov.u32 s8;
	s8 =	smov.u32 s7;
	s7 =	simm.s32 $0x0;
	v10 =	vld [tilespmem:s6+$0x20]  }
0x7f: {  	v11 =	vor.u32 s7, v0;
	s5 =	simm.s32 $0x10;
	v1 =	vld [tilespmem:s30+$0x30]  }
0x80: {  	v3 =	vld [tilespmem:s30+$0xFFFFFFC0];
	s6 =	simm.s32 $0x20;
	[tilespmem:v4+s24+$0x0] =	vst.idx.msk $0xffff, v11;
	v11 =	vor.u32 s5, v0  }
0x81: {  	s7 =	simm.s32 $0x30;
	v4 =	vld [tilespmem:s30+$0xFFFFFFD0];
	[tilespmem:v5+s24+$0x0] =	vst.idx.msk $0xffff, v11;
	v11 =	vor.u32 s6, v0  }
0x82: {  	s17 =	smov.u32 s15;
	s15 =	smov.u32 s1;
	s1 =	simm.s32 $0x40;
	v5 =	vld [tilespmem:s30+$0xFFFFFFE0];
	[tilespmem:v6+s24+$0x0] =	vst.idx.msk $0xffff, v11;
	v11 =	vor.u32 s7, v0  }
0x83: {  	s5 =	simm.s32 $0x50;
	v6 =	vld [tilespmem:s30+$0xFFFFFFF0];
	[tilespmem:v7+s24+$0x0] =	vst.idx.msk $0xffff, v11;
	v11 =	vor.u32 s1, v0  }
0x84: {  	s6 =	simm.s32 $0x60;
	v7 =	vld [tilespmem:s30+$0x0];
	[tilespmem:v8+s24+$0x0] =	vst.idx.msk $0xffff, v11;
	v11 =	vor.u32 s5, v0  }
0x85: {  	s0 =	simm.s32 $0x170;
	s7 =	simm.s32 $0x70;
	v8 =	vld [tilespmem:s30+$0x10];
	[tilespmem:v9+s24+$0x0] =	vst.idx.msk $0xffff, v11;
	v11 =	vor.u32 s6, v0  }
0x86: {  	s1 =	simm.s32 $0x18A40;
	s5 =	simm.s32 $0xF0;
	s6 =	simm.s32 $0x80;
	v9 =	vld [tilespmem:s30+$0x20];
	[tilespmem:v10+s24+$0x0] =	vst.idx.msk $0xffff, v11;
	v10 =	vor.u32 s7, v0  }
.LBB2_3:
0x87: {  	p1 =	sne.s32 s0, $0x3FF0  }
0x88: {  	v11 =	vor.u32 s6, v0;
	s6 =	sadd.s32 $0xFFFFFFA0, s5;
	[tilespmem:v2+s24+$0x0] =	vst.idx.msk $0xffff, v10;
	v2 =	vmov v1;
	v1 =	vld [tilespmem:s1+$0x30];
	s7 =	smov.u32 s0;
	s0 =	sadd.s32 $0x80, s0  }
0x89: {  	[tilespmem:v3+s24+$0x0] =	vst.idx.msk $0xffff, v11;
	v3 =	vld [tilespmem:s1+$0xFFFFFFC0];
	v10 =	vor.u32 s6, v0;
	s6 =	sadd.s32 $0xFFFFFFB0, s5  }
0x8a: {  	[tilespmem:v4+s24+$0x0] =	vst.idx.msk $0xffff, v10;
	v4 =	vld [tilespmem:s1+$0xFFFFFFD0];
	v10 =	vor.u32 s6, v0;
	s6 =	sadd.s32 $0xFFFFFFC0, s5  }
.Ltmp3:
0x8b: {  	[tilespmem:v5+s24+$0x0] =	vst.idx.msk $0xffff, v10;
	v5 =	vld [tilespmem:s1+$0xFFFFFFE0];
	v10 =	vor.u32 s6, v0;
	s6 =	sadd.s32 $0xFFFFFFD0, s5;
	(pc) =	sbr.rel @p1 .LBB2_3-.Ltmp3, $4  }
0x8c: {  	[tilespmem:v6+s24+$0x0] =	vst.idx.msk $0xffff, v10;
	v6 =	vld [tilespmem:s1+$0xFFFFFFF0];
	v10 =	vor.u32 s6, v0;
	s6 =	sadd.s32 $0xFFFFFFE0, s5  }
0x8d: {  	[tilespmem:v7+s24+$0x0] =	vst.idx.msk $0xffff, v10;
	v7 =	vld [tilespmem:s1+$0x0];
	v10 =	vor.u32 s6, v0;
	s6 =	sadd.s32 $0xFFFFFFF0, s5  }
0x8e: {  	[tilespmem:v8+s24+$0x0] =	vst.idx.msk $0xffff, v10;
	v8 =	vld [tilespmem:s1+$0x10];
	v10 =	vor.u32 s6, v0  }
0x8f: {  	s6 =	sadd.s32 $0xFFFFFF90, s7;
	[tilespmem:v9+s24+$0x0] =	vst.idx.msk $0xffff, v10;
	v9 =	vld [tilespmem:s1+$0x20];
	s1 =	sadd.s32 $0x80, s1;
	v10 =	vor.u32 s5, v0;
	s5 =	smov.u32 s7  }
0x90: {  	_ =	sdelay $0x3  }
0x91: {  	v11 =	vor.u32 s6, v0;
	s0 =	sadd.s32 $0xFFFFFFA0, s5;
	[tilespmem:v2+s24+$0x0] =	vst.idx.msk $0xffff, v10  }
0x92: {  	s1 =	sadd.s32 $0xFFFFFFB0, s5;
	[tilespmem:v3+s24+$0x0] =	vst.idx.msk $0xffff, v11;
	v2 =	vor.u32 s0, v0;
	s0 =	simm.s32 $0x0  }
0x93: {  	s6 =	sadd.s32 $0xFFFFFFC0, s5;
	v3 =	vor.u32 s1, v0;
	[tilespmem:v4+s24+$0x0] =	vst.idx.msk $0xffff, v2;
	v2 =	vld [tilespmem:s0+$0x18900]  }
0x94: {  	s7 =	sadd.s32 $0xFFFFFFD0, s5;
	v4 =	vor.u32 s6, v0;
	[tilespmem:v5+s24+$0x0] =	vst.idx.msk $0xffff, v3;
	v3 =	vld [tilespmem:s0+$0x18910]  }
0x95: {  	s6 =	sadd.s32 $0xFFFFFFE0, s5;
	v5 =	vor.u32 s7, v0;
	[tilespmem:v6+s24+$0x0] =	vst.idx.msk $0xffff, v4;
	v4 =	vld [tilespmem:s0+$0x18920]  }
0x96: {  	s7 =	sadd.s32 $0xFFFFFFF0, s5;
	v6 =	vor.u32 s6, v0;
	[tilespmem:v7+s24+$0x0] =	vst.idx.msk $0xffff, v5;
	v5 =	vld [tilespmem:s0+$0x18930]  }
0x97: {  	v7 =	vor.u32 s7, v0;
	[tilespmem:v8+s24+$0x0] =	vst.idx.msk $0xffff, v6;
	v6 =	vld [tilespmem:s0+$0x18940]  }
0x98: {  	v8 =	vor.u32 s5, v0;
	[tilespmem:v9+s24+$0x0] =	vst.idx.msk $0xffff, v7;
	v7 =	vld [tilespmem:s0+$0x18950]  }
0x99: {  	s1 =	simm.s32 $0x200;
	[tilespmem:v1+s24+$0x0] =	vst.idx.msk $0xffff, v8;
	v1 =	vld [tilespmem:s0+$0x18960]  }
.LBB2_5:
0x9a: {  	p1 =	sne.s32 s1, $0xFE00;
	v8 =	vld [tilespmem:s0+$0x18970]  }
0x9b: {  	v2 =	vld.idx.msk [tilespmem:v2+s24+$0x0], $0xffff  }
0x9c: {  	v3 =	vld.idx.msk [tilespmem:v3+s24+$0x0], $0xffff  }
0x9d: {  	v4 =	vld.idx.msk [tilespmem:v4+s24+$0x0], $0xffff  }
0x9e: {  	v5 =	vld.idx.msk [tilespmem:v5+s24+$0x0], $0xffff  }
0x9f: {  	v6 =	vld.idx.msk [tilespmem:v6+s24+$0x0], $0xffff  }
0xa0: {  	v7 =	vld.idx.msk [tilespmem:v7+s24+$0x0], $0xffff  }
0xa1: {  	[tilespmem:s0+$0x18900] =	vst v2;
	v1 =	vld.idx.msk [tilespmem:v1+s24+$0x0], $0xffff  }
0xa2: {  	s5 =	sshra.s32 s1, $0x2;
	[tilespmem:s0+$0x18910] =	vst v3;
	v8 =	vld.idx.msk [tilespmem:v8+s24+$0x0], $0xffff  }
0xa3: {  	v2 =	vld [tilespmem:s5+$0x18900];
	[tilespmem:s0+$0x18920] =	vst v4  }
0xa4: {  	v3 =	vld [tilespmem:s5+$0x18910];
	[tilespmem:s0+$0x18930] =	vst v5  }
.Ltmp4:
0xa5: {  	v4 =	vld [tilespmem:s5+$0x18920];
	[tilespmem:s0+$0x18940] =	vst v6;
	(pc) =	sbr.rel @p1 .LBB2_5-.Ltmp4, $4  }
0xa6: {  	v5 =	vld [tilespmem:s5+$0x18930];
	[tilespmem:s0+$0x18950] =	vst v7  }
0xa7: {  	v6 =	vld [tilespmem:s5+$0x18940];
	[tilespmem:s0+$0x18960] =	vst v1  }
0xa8: {  	v7 =	vld [tilespmem:s5+$0x18950];
	[tilespmem:s0+$0x18970] =	vst v8;
	s0 =	smov.u32 s5  }
0xa9: {  	s1 =	sadd.s32 $0x200, s1;
	v1 =	vld [tilespmem:s0+$0x18960]  }
0xaa: {  	_ =	sdelay $0x2  }
0xab: {  	v8 =	vld [tilespmem:s0+$0x18970]  }
0xac: {  	v2 =	vld.idx.msk [tilespmem:v2+s24+$0x0], $0xffff  }
0xad: {  	v3 =	vld.idx.msk [tilespmem:v3+s24+$0x0], $0xffff  }
0xae: {  	v4 =	vld.idx.msk [tilespmem:v4+s24+$0x0], $0xffff  }
0xaf: {  	v5 =	vld.idx.msk [tilespmem:v5+s24+$0x0], $0xffff  }
0xb0: {  	v6 =	vld.idx.msk [tilespmem:v6+s24+$0x0], $0xffff  }
0xb1: {  	v7 =	vld.idx.msk [tilespmem:v7+s24+$0x0], $0xffff;
	[tilespmem:s0+$0x18900] =	vst v2  }
0xb2: {  	v1 =	vld.idx.msk [tilespmem:v1+s24+$0x0], $0xffff;
	[tilespmem:s0+$0x18910] =	vst v3  }
0xb3: {  	[tilespmem:s0+$0x18920] =	vst v4;
	v2 =	vld.idx.msk [tilespmem:v8+s24+$0x0], $0xffff  }
0xb4: {  	[tilespmem:s0+$0x18930] =	vst v5  }
0xb5: {  	[tilespmem:s0+$0x18940] =	vst v6  }
0xb6: {  	[tilespmem:s0+$0x18950] =	vst v7  }
0xb7: {  	[tilespmem:s0+$0x18960] =	vst v1  }
0xb8: {  	s7 =	rddreg [dreg:$0x5];
	s5 =	simm.s32 $0x18900;
	[tilespmem:s0+$0x18970] =	vst v2  }
0xb9: {  	[hbm4b:s7+s4] =	stream.linear.scatter [tilespmem:s5], [sflag:$0x1], $0x4000, $0x38;
	[tilespmem:$0x1C900] =	vst v63  }
.Ltmp5:
0xba: {  	s1 =	smov.u32 s15;
	(pc) =	sbr.rel .LBB2_7-.Ltmp5, $4  }
0xbb: {  	s15 =	smov.u32 s17;
	s7 =	smov.u32 s8;
	s8 =	smov.u32 s9  }
0xbc: {  	s9 =	smov.u32 s10;
	s10 =	smov.u32 s12;
	_ =	swait.ge [sflag:s20], $0x4000  }
0xbd: {  	s12 =	smov.u32 s14;
	s14 =	smov.u32 s16;
	[sflag:s20] =	ssyncset.done $0x0  }
0xbe: {  	s16 =	smov.u32 s18;
	s0 =	rddreg [dreg:$0x6];
	[sflag:s20] =	ssyncadd.s32 $0xFFFFC000  }
.LBB2_8:
0xbf: {  	_ =	sfence.sel $0x180000  }
0xc0: {  	[bflag:$0x0] =	sbarrier.arrive $0xFFFF  }
0xc1: {  	_ =	strace $0x90000047  }
0xc2: {  	s0 =	stileid.u32;
	[bflag:$0x2] =	sbarrier.arrive $0xFFFF  }
0xc3: {  	p0 =	sne.s32 s0, $0x0;
	s0 =	rddreg [dreg:$0x4]  }
0xc4: {  	s0 =	sadd.s32 @!p0 $0x100000, s0  }
0xc5: {  	[sflag:s0] =	ssyncadd.tile.s32 @!p0 $0x1;
	_ =	shalt  }
.Lfunc_end2:
_tile_overlayer_lowered:
.L_overlay_start_2:
0xc6: {  	(tag) =	ssettag $0x2  }
0xc7: {  	s0 =	rddreg [dreg:$0x0];
	s2 =	stileid.u32  }
0xc8: {  	s1 =	rddreg [dreg:$0x1];
	p0 =	sne.s32 s2, $0x0  }
0xc9: {  	s3 =	rddreg [dreg:$0x2];
	[bflag:$0x3] =	sbarrier.arrive $0xFFFF;
	s2 =	simm.s32 @!p0 $0x1C01  }
0xca: {  	[timem:s3], [sflag:s2] =	dma.local @!p0 [hbm:s0], s1  }
0xcb: {  	s0 =	simm.s32 @!p0 $0x1  }
0xcc: {  	_ =	swait.ge @!p0 [sflag:s0], s1  }
0xcd: {  	s1 =	ssub.s32 @!p0 $0x0, s1;
	[sflag:s0] =	ssyncset.done @!p0 $0x0  }
0xce: {  	[sflag:s0] =	ssyncadd.s32 @!p0 s1  }
0xcf: {  	[bflag:$0x3] =	sbarrier.arrive $0xFFFF  }
0xd0: {  	_ =	shalt  }

</sc_bundles>
